<compile_context>
chip_gen: v7x
topology: tpu7x:2x2x1
jax: 0.10.2.dev20260603
libtpu: 0.0.44.dev20260713+nightly
codegen_flags: <defaults>
</compile_context>

<pallas_src>
import jax
import jax.numpy as jnp
from jax import lax
from jax.experimental import pallas as pl
from jax.experimental.pallas import tpu as pltpu
from jax.experimental.pallas import tpu_sc as plsc

RC2 = 6.25
BOX = 40.0
HALF_BOX = 20.0
MAGIC = 12582912.0
N_ATOMS = 100000
N_EDGES = 3200000

NC, NS, L = 2, 16, 16
NW = NC * NS
WIN = 1024
BIG_WORKERS = 21
WINS_HI = 98
WINS_LO = 97
NWIN = 100
GROUPS = WIN // L
BLK = 128
NBLK = WIN // BLK
BGROUPS = BLK // L
ACC_ROWS = 100352
ROWS_PER_S = ACC_ROWS // NS


def _body(px_hbm, py_hbm, pz_hbm, ii_hbm, jj_hbm, eps_hbm, sig_hbm, zeros_hbm,
          fpart_hbm, partials_hbm,
          idx0, idx1, idx2, idx3,
          eps0, eps1, eps2, eps3, sig0, sig1, sig2, sig3,
          pcx0, pcx1, pcy0, pcy1, pcz0, pcz1,
          fcx0, fcx1, fcy0, fcy1, fcz0, fcz1,
          resb, px, py, pz, ax, ay, az,
          sl0, sl1, sl2, sl3, sg0, sg1, ss0, ss1):
    c = lax.axis_index("c")
    s = lax.axis_index("s")
    wid = s * NC + c

    idxs = [idx0, idx1, idx2, idx3]
    epss = [eps0, eps1, eps2, eps3]
    sigs = [sig0, sig1, sig2, sig3]
    pcx = [pcx0, pcx1]
    pcy = [pcy0, pcy1]
    pcz = [pcz0, pcz1]
    fcx = [fcx0, fcx1]
    fcy = [fcy0, fcy1]
    fcz = [fcz0, fcz1]
    slin = [sl0, sl1, sl2, sl3]
    sgat = [sg0, sg1]
    ssca = [ss0, ss1]

    def s_descs(k, m, bi):
        bsl = pl.ds(bi * BLK, BLK)
        bslj = pl.ds(WIN + bi * BLK, BLK)
        return [
            pltpu.make_async_copy(fcx[k].at[bsl],
                                  ax.at[idxs[m].at[bsl]], ssca[k]),
            pltpu.make_async_copy(fcy[k].at[bsl],
                                  ay.at[idxs[m].at[bsl]], ssca[k]),
            pltpu.make_async_copy(fcz[k].at[bsl],
                                  az.at[idxs[m].at[bsl]], ssca[k]),
            pltpu.make_async_copy(fcx[k].at[bslj],
                                  ax.at[idxs[m].at[bslj]], ssca[k]),
            pltpu.make_async_copy(fcy[k].at[bslj],
                                  ay.at[idxs[m].at[bslj]], ssca[k]),
            pltpu.make_async_copy(fcz[k].at[bslj],
                                  az.at[idxs[m].at[bslj]], ssca[k]),
        ]

    def drain_scatters(k, m, nb):
        def dwait(_, c):
            for d in s_descs(k, m, 0):
                d.wait()
            return c
        lax.fori_loop(0, nb, dwait, 0)

    rng = pl.ds(s * ROWS_PER_S, ROWS_PER_S)
    pltpu.sync_copy(px_hbm.at[rng], px.at[rng])
    pltpu.sync_copy(py_hbm.at[rng], py.at[rng])
    pltpu.sync_copy(pz_hbm.at[rng], pz.at[rng])
    pltpu.sync_copy(zeros_hbm.at[rng], ax.at[rng])
    pltpu.sync_copy(zeros_hbm.at[rng], ay.at[rng])
    pltpu.sync_copy(zeros_hbm.at[rng], az.at[rng])
    plsc.subcore_barrier()

    iota = lax.iota(jnp.int32, L)
    zf = jnp.zeros((L,), jnp.float32)
    nwin_real = jnp.where(wid < BIG_WORKERS, WINS_HI, WINS_LO)
    base_e = (wid * WINS_LO + jnp.minimum(wid, BIG_WORKERS)) * WIN

    def eoff(w):
        return jnp.minimum(base_e + w * WIN, N_EDGES - WIN)

    def l_descs(m, w):
        e = eoff(w)
        return [
            pltpu.make_async_copy(ii_hbm.at[pl.ds(e, WIN)],
                                  idxs[m].at[pl.ds(0, WIN)], slin[m]),
            pltpu.make_async_copy(jj_hbm.at[pl.ds(e, WIN)],
                                  idxs[m].at[pl.ds(WIN, WIN)], slin[m]),
            pltpu.make_async_copy(eps_hbm.at[pl.ds(e, WIN)], epss[m], slin[m]),
            pltpu.make_async_copy(sig_hbm.at[pl.ds(e, WIN)], sigs[m], slin[m]),
        ]

    def g_descs(k, m):
        return [
            pltpu.make_async_copy(px.at[idxs[m]], pcx[k], sgat[k]),
            pltpu.make_async_copy(py.at[idxs[m]], pcy[k], sgat[k]),
            pltpu.make_async_copy(pz.at[idxs[m]], pcz[k], sgat[k]),
        ]

    def win_body(w, k, m, accs, nb_prev):
        kn = 1 - k
        mn = (m + 1) % 4
        m2 = (m + 2) % 4

        for d in l_descs(mn, w + 1):
            d.wait()
        for d in g_descs(kn, mn):
            d.start()

        @pl.when(w >= 2)
        def _():
            drain_scatters(k, m2, nb_prev)

        for d in l_descs(m2, w + 2):
            d.start()

        for d in g_descs(k, m):
            d.wait()

        wf = zf + jnp.where(w < nwin_real, 1.0, 0.0)

        def mimage(d):
            n = (d * (1.0 / BOX) + MAGIC) - MAGIC
            return d - BOX * n

        def blockfn(bi, bstate):
            baccs, nb = bstate[:8], bstate[8]

            def group(gg, a):
                en, vi, xx, xy, xz, yy, yz, zz, bh = a
                g = bi * BGROUPS + gg
                sli = pl.ds(g * L, L)
                slj = pl.ds(WIN + g * L, L)
                dx = mimage(pcx[k][sli] - pcx[k][slj])
                dy = mimage(pcy[k][sli] - pcy[k][slj])
                dz = mimage(pcz[k][sli] - pcz[k][slj])
                r2 = jnp.maximum(dx * dx + dy * dy + dz * dz, 1e-24)
                inv = 1.0 / r2
                ev = epss[m][sli] * wf
                sv = sigs[m][sli] * wf
                s2 = sv * sv * inv
                s6 = s2 * s2 * s2
                s12 = s6 * s6
                t = s12 + s12 - s6
                e24 = 24.0 * ev
                gco = e24 * t * inv
                within = r2 < RC2
                en = en + jnp.where(within, 4.0 * ev * (s12 - s6), zf)
                vi = vi + jnp.where(within, e24 * t, zf)
                fx = gco * dx
                fy = gco * dy
                fz = gco * dz
                xx = xx + fx * dx
                xy = xy + fx * dy
                xz = xz + fx * dz
                yy = yy + fy * dy
                yz = yz + fy * dz
                zz = zz + fz * dz
                fxm = jnp.where(within, fx, zf)
                fym = jnp.where(within, fy, zf)
                fzm = jnp.where(within, fz, zf)
                bh = bh + jnp.where(within, 1.0, zf)
                fcx[k][sli] = fxm
                fcy[k][sli] = fym
                fcz[k][sli] = fzm
                fcx[k][slj] = -fxm
                fcy[k][slj] = -fym
                fcz[k][slj] = -fzm
                return (en, vi, xx, xy, xz, yy, yz, zz, bh)

            out = lax.fori_loop(0, BGROUPS, group,
                                tuple(baccs) + (jnp.zeros((L,), jnp.float32),))
            baccs, bh = out[:8], out[8]

            h = bh[0]
            for q in range(1, L):
                h = h + bh[q]

            @pl.when(h > 0.0)
            def _():
                for d in s_descs(k, m, bi):
                    d.start(add=True)

            nb = nb + jnp.where(h > 0.0, 1, 0)
            return tuple(baccs) + (nb,)

        out = lax.fori_loop(0, NBLK, blockfn, accs + (jnp.int32(0),))
        return out[:8], out[8]

    for d in l_descs(0, 0):
        d.start()
    for d in l_descs(1, 1):
        d.start()
    for d in l_descs(0, 0):
        d.wait()
    for d in g_descs(0, 0):
        d.start()

    init = tuple(jnp.zeros((L,), jnp.float32) for _ in range(8))

    def quad(q, state):
        w = q * 4
        accs, nb0, nb1 = state[:8], state[8], state[9]
        accs, nb0 = win_body(w, 0, 0, accs, nb0)
        accs, nb1 = win_body(w + 1, 1, 1, accs, nb1)
        accs, nb0 = win_body(w + 2, 0, 2, accs, nb0)
        accs, nb1 = win_body(w + 3, 1, 3, accs, nb1)
        return tuple(accs) + (nb0, nb1)

    state = lax.fori_loop(0, NWIN // 4, quad,
                          init + (jnp.int32(0), jnp.int32(0)))
    accs, nb0, nb1 = state[:8], state[8], state[9]

    for d in g_descs(0, 0):
        d.wait()
    for d in l_descs(1, NWIN + 1):
        d.wait()
    drain_scatters(0, 2, nb0)
    drain_scatters(1, 3, nb1)

    plsc.subcore_barrier()
    off = (c * 3) * ACC_ROWS + s * ROWS_PER_S
    pltpu.sync_copy(ax.at[rng], fpart_hbm.at[pl.ds(off, ROWS_PER_S)])
    pltpu.sync_copy(ay.at[rng], fpart_hbm.at[pl.ds(off + ACC_ROWS, ROWS_PER_S)])
    pltpu.sync_copy(az.at[rng],
                    fpart_hbm.at[pl.ds(off + 2 * ACC_ROWS, ROWS_PER_S)])

    for k, v in enumerate(accs):
        resb[pl.ds(k * L, L)] = v
    pltpu.sync_copy(resb, partials_hbm.at[pl.ds(wid * 128, 128)])


@jax.jit
def kernel(pos, edge_index, epsilon, sigma):
    pad = jnp.zeros((ACC_ROWS - N_ATOMS,), jnp.float32)
    pxh = jnp.concatenate([pos[:, 0], pad])
    pyh = jnp.concatenate([pos[:, 1], pad])
    pzh = jnp.concatenate([pos[:, 2], pad])
    zeros = jnp.zeros((ACC_ROWS,), jnp.float32)

    mesh = plsc.VectorSubcoreMesh(
        core_axis_name="c", subcore_axis_name="s",
        num_cores=NC, num_subcores=NS)
    run = pl.kernel(
        _body,
        out_type=(
            jax.ShapeDtypeStruct((NC * 3 * ACC_ROWS,), jnp.float32),
            jax.ShapeDtypeStruct((NW * 128,), jnp.float32),
        ),
        mesh=mesh,
        scratch_types=(
            [pltpu.VMEM((2 * WIN,), jnp.int32)] * 4
            + [pltpu.VMEM((WIN,), jnp.float32)] * 8
            + [pltpu.VMEM((2 * WIN,), jnp.float32)] * 12
            + [pltpu.VMEM((128,), jnp.float32)]
            + [pltpu.VMEM_SHARED((ACC_ROWS,), jnp.float32)] * 6
            + [pltpu.SemaphoreType.DMA] * 8
        ),
    )
    fpart, partials = run(pxh, pyh, pzh, edge_index[0], edge_index[1],
                          epsilon, sigma, zeros)

    fpart = fpart.reshape(NC, 3, ACC_ROWS)
    fsum = fpart[0] + fpart[1]
    forces = fsum[:, :N_ATOMS].T
    cs = partials.reshape(NW, 8, L).sum(axis=(0, 2))
    energy = cs[0]
    virial = cs[1]
    virial_tensor = jnp.array(
        [[cs[2], cs[3], cs[4]],
         [cs[3], cs[5], cs[6]],
         [cs[4], cs[6], cs[7]]], dtype=jnp.float32)
    return (energy, forces, virial, virial_tensor)

# --- scband reference (transcript-rebuilt; emitter-appended) ---
"""Pipeline reference for scband-lennard-jones-force-7687991460464 (READ-ONLY COPY).

The authoritative reference and input builder live on the scoring server;
editing this copy changes nothing except your own understanding.
"""

import jax, jax.numpy as jnp
import numpy as np

# Constants mirroring the molecular config (init_kwargs): mode=0 (plain truncated LJ,
# is_switch=False, is_fs=False), orthogonal cubic box.
RC = 2.5          # cutoff
BOX = 40.0        # box_length
N_ATOMS = 100000
N_EDGES = 3200000


def setup_inputs(seed: int = 0) -> dict:
    key = jax.random.key(seed)
    k1, k2, k3, k4 = jax.random.split(key, 4)
    # positions uniformly distributed inside the orthogonal box
    pos = jax.random.uniform(k1, (N_ATOMS, 3), dtype=jnp.float32) * BOX
    # pair (neighbor) list: directed edges i -> j
    edge_index = jax.random.randint(k2, (2, N_EDGES), 0, N_ATOMS)
    # per-pair LJ parameters (realistic reduced-unit ranges)
    epsilon = jax.random.uniform(k3, (N_EDGES,), dtype=jnp.float32) * 0.5 + 0.1
    sigma = jax.random.uniform(k4, (N_EDGES,), dtype=jnp.float32) * 0.4 + 0.8
    return {"pos": pos, "edge_index": edge_index, "epsilon": epsilon, "sigma": sigma}


def reference(pos, edge_index, epsilon, sigma):
    # Faithful JAX translation of LennardJonesForce.forward with mode=0
    # (no switch, no force-shift). The lj_cuda kernel is replaced by the explicit
    # truncated-LJ energy/force evaluation it implements.
    i = edge_index[0]
    j = edge_index[1]
    # gather positions and apply orthorhombic minimum-image convention
    rij = pos[i] - pos[j]
    rij = rij - BOX * jnp.round(rij / BOX)
    r2 = jnp.clip((rij * rij).sum(axis=1), 1e-24, None)
    r = jnp.sqrt(r2)
    inv_r = 1.0 / r
    sr = sigma * inv_r
    sr6 = sr ** 6
    sr12 = sr6 ** 2
    u_raw = 4.0 * epsilon * (sr12 - sr6)
    fmag_raw = 24.0 * epsilon * inv_r * (2.0 * sr12 - sr6)
    within = (r < RC).astype(pos.dtype)
    # mode == 0: fmag = fmag_raw (no switching / force-shift correction)
    fmag = fmag_raw
    # total energy: truncated at rc (what lj_cuda returns for mode=0)
    energy = (u_raw * within).sum()
    # per-atom forces via scatter-add (lj_cuda pair_force accumulation)
    unit = rij * inv_r[:, None]
    fij_cut = (fmag * within)[:, None] * unit
    forces = jnp.zeros_like(pos).at[i].add(fij_cut).at[j].add(-fij_cut)
    # scalar virial: fmag * r masked by (r < rc), as in the torch code
    virial = (fmag * r * within).sum()
    # virial tensor: einsum over unmasked fij (matches the python path exactly)
    fij = fmag[:, None] * unit
    virial_tensor = jnp.einsum('ei,ej->ij', fij, rij)
    return (energy, forces, virial, virial_tensor)

if __name__ == "__main__":
    import jax
    _d = setup_inputs()
    print(jax.jit(kernel)(*tuple(_d.values())))

</pallas_src>

<mosaic_0001>
#map = affine_map<(d0, d1) -> (0)>
module attributes {stable_mosaic.version = 14 : i64} {
  func.func @_body(%arg0: i32, %arg1: i32, %arg2: memref<100352xf32, #tpu.memory_space<hbm>>, %arg3: memref<100352xf32, #tpu.memory_space<hbm>>, %arg4: memref<100352xf32, #tpu.memory_space<hbm>>, %arg5: memref<3200000xi32, #tpu.memory_space<hbm>>, %arg6: memref<3200000xi32, #tpu.memory_space<hbm>>, %arg7: memref<3200000xf32, #tpu.memory_space<hbm>>, %arg8: memref<3200000xf32, #tpu.memory_space<hbm>>, %arg9: memref<100352xf32, #tpu.memory_space<hbm>>, %arg10: memref<602112xf32, #tpu.memory_space<hbm>>, %arg11: memref<4096xf32, #tpu.memory_space<hbm>>, %arg12: memref<2048xi32, #tpu.memory_space<vmem>>, %arg13: memref<2048xi32, #tpu.memory_space<vmem>>, %arg14: memref<2048xi32, #tpu.memory_space<vmem>>, %arg15: memref<2048xi32, #tpu.memory_space<vmem>>, %arg16: memref<1024xf32, #tpu.memory_space<vmem>>, %arg17: memref<1024xf32, #tpu.memory_space<vmem>>, %arg18: memref<1024xf32, #tpu.memory_space<vmem>>, %arg19: memref<1024xf32, #tpu.memory_space<vmem>>, %arg20: memref<1024xf32, #tpu.memory_space<vmem>>, %arg21: memref<1024xf32, #tpu.memory_space<vmem>>, %arg22: memref<1024xf32, #tpu.memory_space<vmem>>, %arg23: memref<1024xf32, #tpu.memory_space<vmem>>, %arg24: memref<2048xf32, #tpu.memory_space<vmem>>, %arg25: memref<2048xf32, #tpu.memory_space<vmem>>, %arg26: memref<2048xf32, #tpu.memory_space<vmem>>, %arg27: memref<2048xf32, #tpu.memory_space<vmem>>, %arg28: memref<2048xf32, #tpu.memory_space<vmem>>, %arg29: memref<2048xf32, #tpu.memory_space<vmem>>, %arg30: memref<2048xf32, #tpu.memory_space<vmem>>, %arg31: memref<2048xf32, #tpu.memory_space<vmem>>, %arg32: memref<2048xf32, #tpu.memory_space<vmem>>, %arg33: memref<2048xf32, #tpu.memory_space<vmem>>, %arg34: memref<2048xf32, #tpu.memory_space<vmem>>, %arg35: memref<2048xf32, #tpu.memory_space<vmem>>, %arg36: memref<128xf32, #tpu.memory_space<vmem>>, %arg37: memref<100352xf32, #tpu.memory_space<vmem_shared>>, %arg38: memref<100352xf32, #tpu.memory_space<vmem_shared>>, %arg39: memref<100352xf32, #tpu.memory_space<vmem_shared>>, %arg40: memref<100352xf32, #tpu.memory_space<vmem_shared>>, %arg41: memref<100352xf32, #tpu.memory_space<vmem_shared>>, %arg42: memref<100352xf32, #tpu.memory_space<vmem_shared>>, %arg43: memref<!tpu.dma_semaphore, #tpu.memory_space<semaphore_mem>>, %arg44: memref<!tpu.dma_semaphore, #tpu.memory_space<semaphore_mem>>, %arg45: memref<!tpu.dma_semaphore, #tpu.memory_space<semaphore_mem>>, %arg46: memref<!tpu.dma_semaphore, #tpu.memory_space<semaphore_mem>>, %arg47: memref<!tpu.dma_semaphore, #tpu.memory_space<semaphore_mem>>, %arg48: memref<!tpu.dma_semaphore, #tpu.memory_space<semaphore_mem>>, %arg49: memref<!tpu.dma_semaphore, #tpu.memory_space<semaphore_mem>>, %arg50: memref<!tpu.dma_semaphore, #tpu.memory_space<semaphore_mem>>) attributes {dimension_semantics = [#tpu.dimension_semantics<core_parallel>, #tpu.dimension_semantics<subcore_parallel>], iteration_bounds = array<i64: 2, 16>, scalar_prefetch = 0 : i64, scratch_operands = 39 : i64, tpu.core_type = #tpu.core_type<sc_vector_subcore>, window_params = [{transform_indices = #map}, {transform_indices = #map}, {transform_indices = #map}, {transform_indices = #map}, {transform_indices = #map}, {transform_indices = #map}, {transform_indices = #map}, {transform_indices = #map}, {transform_indices = #map}, {transform_indices = #map}]} {
    %mul3A = arith.constant 2 : i32
    %mul3A_0 = arith.muli %arg1, %mul3A : i32
    %add3A = arith.addi %mul3A_0, %arg0 : i32
    %mul3A_1 = arith.constant 6272 : i32
    %mul3A_2 = arith.muli %arg1, %mul3A_1 : i32
    "tpu.region"() ({
      %run_scoped3A = tpu.sem_alloc : memref<!tpu.dma_semaphore, #tpu.memory_space<semaphore_mem>>
      %dma_start3A_189 = tpu.memref_slice %arg37[%mul3A_2] : memref<100352xf32, #tpu.memory_space<vmem_shared>> -> memref<6272xf32, #tpu.memory_space<vmem_shared>>
      %dma_start3A_190 = tpu.memref_slice %arg2[%mul3A_2] : memref<100352xf32, #tpu.memory_space<hbm>> -> memref<6272xf32, #tpu.memory_space<hbm>>
      tpu.enqueue_dma source(%dma_start3A_190 : memref<6272xf32, #tpu.memory_space<hbm>>) target(%dma_start3A_189 : memref<6272xf32, #tpu.memory_space<vmem_shared>>) target_semaphore(%run_scoped3A : memref<!tpu.dma_semaphore, #tpu.memory_space<semaphore_mem>>)
      %dma_wait3A_191 = tpu.memref_slice %arg37[%mul3A_2] : memref<100352xf32, #tpu.memory_space<vmem_shared>> -> memref<6272xf32, #tpu.memory_space<vmem_shared>>
      %dma_wait3A_192 = tpu.memref_slice %arg2[%mul3A_2] : memref<100352xf32, #tpu.memory_space<hbm>> -> memref<6272xf32, #tpu.memory_space<hbm>>
      tpu.wait_dma2 semaphore(%run_scoped3A : memref<!tpu.dma_semaphore, #tpu.memory_space<semaphore_mem>>) src(%dma_wait3A_192 : memref<6272xf32, #tpu.memory_space<hbm>>) dst(%dma_wait3A_191 : memref<6272xf32, #tpu.memory_space<vmem_shared>>)
      tpu.yield
    }) : () -> ()
    "tpu.region"() ({
      %run_scoped3A = tpu.sem_alloc : memref<!tpu.dma_semaphore, #tpu.memory_space<semaphore_mem>>
      %dma_start3A_189 = tpu.memref_slice %arg38[%mul3A_2] : memref<100352xf32, #tpu.memory_space<vmem_shared>> -> memref<6272xf32, #tpu.memory_space<vmem_shared>>
      %dma_start3A_190 = tpu.memref_slice %arg3[%mul3A_2] : memref<100352xf32, #tpu.memory_space<hbm>> -> memref<6272xf32, #tpu.memory_space<hbm>>
      tpu.enqueue_dma source(%dma_start3A_190 : memref<6272xf32, #tpu.memory_space<hbm>>) target(%dma_start3A_189 : memref<6272xf32, #tpu.memory_space<vmem_shared>>) target_semaphore(%run_scoped3A : memref<!tpu.dma_semaphore, #tpu.memory_space<semaphore_mem>>)
      %dma_wait3A_191 = tpu.memref_slice %arg38[%mul3A_2] : memref<100352xf32, #tpu.memory_space<vmem_shared>> -> memref<6272xf32, #tpu.memory_space<vmem_shared>>
      %dma_wait3A_192 = tpu.memref_slice %arg3[%mul3A_2] : memref<100352xf32, #tpu.memory_space<hbm>> -> memref<6272xf32, #tpu.memory_space<hbm>>
      tpu.wait_dma2 semaphore(%run_scoped3A : memref<!tpu.dma_semaphore, #tpu.memory_space<semaphore_mem>>) src(%dma_wait3A_192 : memref<6272xf32, #tpu.memory_space<hbm>>) dst(%dma_wait3A_191 : memref<6272xf32, #tpu.memory_space<vmem_shared>>)
      tpu.yield
    }) : () -> ()
    "tpu.region"() ({
      %run_scoped3A = tpu.sem_alloc : memref<!tpu.dma_semaphore, #tpu.memory_space<semaphore_mem>>
      %dma_start3A_189 = tpu.memref_slice %arg39[%mul3A_2] : memref<100352xf32, #tpu.memory_space<vmem_shared>> -> memref<6272xf32, #tpu.memory_space<vmem_shared>>
      %dma_start3A_190 = tpu.memref_slice %arg4[%mul3A_2] : memref<100352xf32, #tpu.memory_space<hbm>> -> memref<6272xf32, #tpu.memory_space<hbm>>
      tpu.enqueue_dma source(%dma_start3A_190 : memref<6272xf32, #tpu.memory_space<hbm>>) target(%dma_start3A_189 : memref<6272xf32, #tpu.memory_space<vmem_shared>>) target_semaphore(%run_scoped3A : memref<!tpu.dma_semaphore, #tpu.memory_space<semaphore_mem>>)
      %dma_wait3A_191 = tpu.memref_slice %arg39[%mul3A_2] : memref<100352xf32, #tpu.memory_space<vmem_shared>> -> memref<6272xf32, #tpu.memory_space<vmem_shared>>
      %dma_wait3A_192 = tpu.memref_slice %arg4[%mul3A_2] : memref<100352xf32, #tpu.memory_space<hbm>> -> memref<6272xf32, #tpu.memory_space<hbm>>
      tpu.wait_dma2 semaphore(%run_scoped3A : memref<!tpu.dma_semaphore, #tpu.memory_space<semaphore_mem>>) src(%dma_wait3A_192 : memref<6272xf32, #tpu.memory_space<hbm>>) dst(%dma_wait3A_191 : memref<6272xf32, #tpu.memory_space<vmem_shared>>)
      tpu.yield
    }) : () -> ()
    "tpu.region"() ({
      %run_scoped3A = tpu.sem_alloc : memref<!tpu.dma_semaphore, #tpu.memory_space<semaphore_mem>>
      %dma_start3A_189 = tpu.memref_slice %arg40[%mul3A_2] : memref<100352xf32, #tpu.memory_space<vmem_shared>> -> memref<6272xf32, #tpu.memory_space<vmem_shared>>
      %dma_start3A_190 = tpu.memref_slice %arg9[%mul3A_2] : memref<100352xf32, #tpu.memory_space<hbm>> -> memref<6272xf32, #tpu.memory_space<hbm>>
      tpu.enqueue_dma source(%dma_start3A_190 : memref<6272xf32, #tpu.memory_space<hbm>>) target(%dma_start3A_189 : memref<6272xf32, #tpu.memory_space<vmem_shared>>) target_semaphore(%run_scoped3A : memref<!tpu.dma_semaphore, #tpu.memory_space<semaphore_mem>>)
      %dma_wait3A_191 = tpu.memref_slice %arg40[%mul3A_2] : memref<100352xf32, #tpu.memory_space<vmem_shared>> -> memref<6272xf32, #tpu.memory_space<vmem_shared>>
      %dma_wait3A_192 = tpu.memref_slice %arg9[%mul3A_2] : memref<100352xf32, #tpu.memory_space<hbm>> -> memref<6272xf32, #tpu.memory_space<hbm>>
      tpu.wait_dma2 semaphore(%run_scoped3A : memref<!tpu.dma_semaphore, #tpu.memory_space<semaphore_mem>>) src(%dma_wait3A_192 : memref<6272xf32, #tpu.memory_space<hbm>>) dst(%dma_wait3A_191 : memref<6272xf32, #tpu.memory_space<vmem_shared>>)
      tpu.yield
    }) : () -> ()
    "tpu.region"() ({
      %run_scoped3A = tpu.sem_alloc : memref<!tpu.dma_semaphore, #tpu.memory_space<semaphore_mem>>
      %dma_start3A_189 = tpu.memref_slice %arg41[%mul3A_2] : memref<100352xf32, #tpu.memory_space<vmem_shared>> -> memref<6272xf32, #tpu.memory_space<vmem_shared>>
      %dma_start3A_190 = tpu.memref_slice %arg9[%mul3A_2] : memref<100352xf32, #tpu.memory_space<hbm>> -> memref<6272xf32, #tpu.memory_space<hbm>>
      tpu.enqueue_dma source(%dma_start3A_190 : memref<6272xf32, #tpu.memory_space<hbm>>) target(%dma_start3A_189 : memref<6272xf32, #tpu.memory_space<vmem_shared>>) target_semaphore(%run_scoped3A : memref<!tpu.dma_semaphore, #tpu.memory_space<semaphore_mem>>)
      %dma_wait3A_191 = tpu.memref_slice %arg41[%mul3A_2] : memref<100352xf32, #tpu.memory_space<vmem_shared>> -> memref<6272xf32, #tpu.memory_space<vmem_shared>>
      %dma_wait3A_192 = tpu.memref_slice %arg9[%mul3A_2] : memref<100352xf32, #tpu.memory_space<hbm>> -> memref<6272xf32, #tpu.memory_space<hbm>>
      tpu.wait_dma2 semaphore(%run_scoped3A : memref<!tpu.dma_semaphore, #tpu.memory_space<semaphore_mem>>) src(%dma_wait3A_192 : memref<6272xf32, #tpu.memory_space<hbm>>) dst(%dma_wait3A_191 : memref<6272xf32, #tpu.memory_space<vmem_shared>>)
      tpu.yield
    }) : () -> ()
    "tpu.region"() ({
      %run_scoped3A = tpu.sem_alloc : memref<!tpu.dma_semaphore, #tpu.memory_space<semaphore_mem>>
      %dma_start3A_189 = tpu.memref_slice %arg42[%mul3A_2] : memref<100352xf32, #tpu.memory_space<vmem_shared>> -> memref<6272xf32, #tpu.memory_space<vmem_shared>>
      %dma_start3A_190 = tpu.memref_slice %arg9[%mul3A_2] : memref<100352xf32, #tpu.memory_space<hbm>> -> memref<6272xf32, #tpu.memory_space<hbm>>
      tpu.enqueue_dma source(%dma_start3A_190 : memref<6272xf32, #tpu.memory_space<hbm>>) target(%dma_start3A_189 : memref<6272xf32, #tpu.memory_space<vmem_shared>>) target_semaphore(%run_scoped3A : memref<!tpu.dma_semaphore, #tpu.memory_space<semaphore_mem>>)
      %dma_wait3A_191 = tpu.memref_slice %arg42[%mul3A_2] : memref<100352xf32, #tpu.memory_space<vmem_shared>> -> memref<6272xf32, #tpu.memory_space<vmem_shared>>
      %dma_wait3A_192 = tpu.memref_slice %arg9[%mul3A_2] : memref<100352xf32, #tpu.memory_space<hbm>> -> memref<6272xf32, #tpu.memory_space<hbm>>
      tpu.wait_dma2 semaphore(%run_scoped3A : memref<!tpu.dma_semaphore, #tpu.memory_space<semaphore_mem>>) src(%dma_wait3A_192 : memref<6272xf32, #tpu.memory_space<hbm>>) dst(%dma_wait3A_191 : memref<6272xf32, #tpu.memory_space<vmem_shared>>)
      tpu.yield
    }) : () -> ()
    %barrier3A = arith.constant 0 : index
    tpu.barrier barrier_id(%barrier3A)
    %iota3A = tpu.iota {dimensions = array<i32: 0>} : vector<16xi32>
    %broadcast_in_dim3A = arith.constant 0.000000e+00 : f32
    %broadcast_in_dim3A_3 = vector.broadcast %broadcast_in_dim3A : f32 to vector<16xf32>
    %lt3A = arith.constant 21 : i32
    %lt3A_4 = arith.cmpi slt, %add3A, %lt3A : i32
    %jit3A = arith.constant 98 : i32
    %jit3A_5 = arith.constant 97 : i32
    %select_n3A = arith.select %lt3A_4, %jit3A, %jit3A_5 : i32
    %mul3A_6 = arith.constant 97 : i32
    %mul3A_7 = arith.muli %add3A, %mul3A_6 : i32
    %min3A = arith.constant 21 : i32
    %min3A_8 = arith.minsi %add3A, %min3A : i32
    %add3A_9 = arith.addi %mul3A_7, %min3A_8 : i32
    %mul3A_10 = arith.constant 1024 : i32
    %mul3A_11 = arith.muli %add3A_9, %mul3A_10 : i32
    %add3A_12 = arith.constant 0 : i32
    %add3A_13 = arith.addi %mul3A_11, %add3A_12 : i32
    %min3A_14 = arith.constant 3198976 : i32
    %min3A_15 = arith.minsi %add3A_13, %min3A_14 : i32
    %dma_start3A = arith.constant 0 : i32
    %dma_start3A_16 = tpu.memref_slice %arg12[%dma_start3A] : memref<2048xi32, #tpu.memory_space<vmem>> -> memref<1024xi32, #tpu.memory_space<vmem>>
    %dma_start3A_17 = tpu.memref_slice %arg5[%min3A_15] : memref<3200000xi32, #tpu.memory_space<hbm>> -> memref<1024xi32, #tpu.memory_space<hbm>>
    %dma_start3A_18 = arith.constant 0 : i32
    %dma_start3A_19 = tpu.memref_slice %arg12[%dma_start3A_18] : memref<2048xi32, #tpu.memory_space<vmem>> -> memref<1024xi32, #tpu.memory_space<vmem>>
    %dma_start3A_20 = tpu.memref_slice %arg5[%min3A_15] : memref<3200000xi32, #tpu.memory_space<hbm>> -> memref<1024xi32, #tpu.memory_space<hbm>>
    tpu.enqueue_dma source(%dma_start3A_20 : memref<1024xi32, #tpu.memory_space<hbm>>) target(%dma_start3A_19 : memref<1024xi32, #tpu.memory_space<vmem>>) target_semaphore(%arg43 : memref<!tpu.dma_semaphore, #tpu.memory_space<semaphore_mem>>)
    %dma_start3A_21 = arith.constant 1024 : i32
    %dma_start3A_22 = tpu.memref_slice %arg12[%dma_start3A_21] : memref<2048xi32, #tpu.memory_space<vmem>> -> memref<1024xi32, #tpu.memory_space<vmem>>
    %dma_start3A_23 = tpu.memref_slice %arg6[%min3A_15] : memref<3200000xi32, #tpu.memory_space<hbm>> -> memref<1024xi32, #tpu.memory_space<hbm>>
    %dma_start3A_24 = arith.constant 1024 : i32
    %dma_start3A_25 = tpu.memref_slice %arg12[%dma_start3A_24] : memref<2048xi32, #tpu.memory_space<vmem>> -> memref<1024xi32, #tpu.memory_space<vmem>>
    %dma_start3A_26 = tpu.memref_slice %arg6[%min3A_15] : memref<3200000xi32, #tpu.memory_space<hbm>> -> memref<1024xi32, #tpu.memory_space<hbm>>
    tpu.enqueue_dma source(%dma_start3A_26 : memref<1024xi32, #tpu.memory_space<hbm>>) target(%dma_start3A_25 : memref<1024xi32, #tpu.memory_space<vmem>>) target_semaphore(%arg43 : memref<!tpu.dma_semaphore, #tpu.memory_space<semaphore_mem>>)
    %dma_start3A_27 = tpu.memref_slice %arg7[%min3A_15] : memref<3200000xf32, #tpu.memory_space<hbm>> -> memref<1024xf32, #tpu.memory_space<hbm>>
    %dma_start3A_28 = tpu.memref_slice %arg7[%min3A_15] : memref<3200000xf32, #tpu.memory_space<hbm>> -> memref<1024xf32, #tpu.memory_space<hbm>>
    tpu.enqueue_dma source(%dma_start3A_28 : memref<1024xf32, #tpu.memory_space<hbm>>) target(%arg16 : memref<1024xf32, #tpu.memory_space<vmem>>) target_semaphore(%arg43 : memref<!tpu.dma_semaphore, #tpu.memory_space<semaphore_mem>>)
    %dma_start3A_29 = tpu.memref_slice %arg8[%min3A_15] : memref<3200000xf32, #tpu.memory_space<hbm>> -> memref<1024xf32, #tpu.memory_space<hbm>>
    %dma_start3A_30 = tpu.memref_slice %arg8[%min3A_15] : memref<3200000xf32, #tpu.memory_space<hbm>> -> memref<1024xf32, #tpu.memory_space<hbm>>
    tpu.enqueue_dma source(%dma_start3A_30 : memref<1024xf32, #tpu.memory_space<hbm>>) target(%arg20 : memref<1024xf32, #tpu.memory_space<vmem>>) target_semaphore(%arg43 : memref<!tpu.dma_semaphore, #tpu.memory_space<semaphore_mem>>)
    %add3A_31 = arith.constant 1024 : i32
    %add3A_32 = arith.addi %mul3A_11, %add3A_31 : i32
    %min3A_33 = arith.constant 3198976 : i32
    %min3A_34 = arith.minsi %add3A_32, %min3A_33 : i32
    %dma_start3A_35 = arith.constant 0 : i32
    %dma_start3A_36 = tpu.memref_slice %arg13[%dma_start3A_35] : memref<2048xi32, #tpu.memory_space<vmem>> -> memref<1024xi32, #tpu.memory_space<vmem>>
    %dma_start3A_37 = tpu.memref_slice %arg5[%min3A_34] : memref<3200000xi32, #tpu.memory_space<hbm>> -> memref<1024xi32, #tpu.memory_space<hbm>>
    %dma_start3A_38 = arith.constant 0 : i32
    %dma_start3A_39 = tpu.memref_slice %arg13[%dma_start3A_38] : memref<2048xi32, #tpu.memory_space<vmem>> -> memref<1024xi32, #tpu.memory_space<vmem>>
    %dma_start3A_40 = tpu.memref_slice %arg5[%min3A_34] : memref<3200000xi32, #tpu.memory_space<hbm>> -> memref<1024xi32, #tpu.memory_space<hbm>>
    tpu.enqueue_dma source(%dma_start3A_40 : memref<1024xi32, #tpu.memory_space<hbm>>) target(%dma_start3A_39 : memref<1024xi32, #tpu.memory_space<vmem>>) target_semaphore(%arg44 : memref<!tpu.dma_semaphore, #tpu.memory_space<semaphore_mem>>)
    %dma_start3A_41 = arith.constant 1024 : i32
    %dma_start3A_42 = tpu.memref_slice %arg13[%dma_start3A_41] : memref<2048xi32, #tpu.memory_space<vmem>> -> memref<1024xi32, #tpu.memory_space<vmem>>
    %dma_start3A_43 = tpu.memref_slice %arg6[%min3A_34] : memref<3200000xi32, #tpu.memory_space<hbm>> -> memref<1024xi32, #tpu.memory_space<hbm>>
    %dma_start3A_44 = arith.constant 1024 : i32
    %dma_start3A_45 = tpu.memref_slice %arg13[%dma_start3A_44] : memref<2048xi32, #tpu.memory_space<vmem>> -> memref<1024xi32, #tpu.memory_space<vmem>>
    %dma_start3A_46 = tpu.memref_slice %arg6[%min3A_34] : memref<3200000xi32, #tpu.memory_space<hbm>> -> memref<1024xi32, #tpu.memory_space<hbm>>
    tpu.enqueue_dma source(%dma_start3A_46 : memref<1024xi32, #tpu.memory_space<hbm>>) target(%dma_start3A_45 : memref<1024xi32, #tpu.memory_space<vmem>>) target_semaphore(%arg44 : memref<!tpu.dma_semaphore, #tpu.memory_space<semaphore_mem>>)
    %dma_start3A_47 = tpu.memref_slice %arg7[%min3A_34] : memref<3200000xf32, #tpu.memory_space<hbm>> -> memref<1024xf32, #tpu.memory_space<hbm>>
    %dma_start3A_48 = tpu.memref_slice %arg7[%min3A_34] : memref<3200000xf32, #tpu.memory_space<hbm>> -> memref<1024xf32, #tpu.memory_space<hbm>>
    tpu.enqueue_dma source(%dma_start3A_48 : memref<1024xf32, #tpu.memory_space<hbm>>) target(%arg17 : memref<1024xf32, #tpu.memory_space<vmem>>) target_semaphore(%arg44 : memref<!tpu.dma_semaphore, #tpu.memory_space<semaphore_mem>>)
    %dma_start3A_49 = tpu.memref_slice %arg8[%min3A_34] : memref<3200000xf32, #tpu.memory_space<hbm>> -> memref<1024xf32, #tpu.memory_space<hbm>>
    %dma_start3A_50 = tpu.memref_slice %arg8[%min3A_34] : memref<3200000xf32, #tpu.memory_space<hbm>> -> memref<1024xf32, #tpu.memory_space<hbm>>
    tpu.enqueue_dma source(%dma_start3A_50 : memref<1024xf32, #tpu.memory_space<hbm>>) target(%arg21 : memref<1024xf32, #tpu.memory_space<vmem>>) target_semaphore(%arg44 : memref<!tpu.dma_semaphore, #tpu.memory_space<semaphore_mem>>)
    %add3A_51 = arith.constant 0 : i32
    %add3A_52 = arith.addi %mul3A_11, %add3A_51 : i32
    %min3A_53 = arith.constant 3198976 : i32
    %min3A_54 = arith.minsi %add3A_52, %min3A_53 : i32
    %dma_wait3A = arith.constant 0 : i32
    %dma_wait3A_55 = tpu.memref_slice %arg12[%dma_wait3A] : memref<2048xi32, #tpu.memory_space<vmem>> -> memref<1024xi32, #tpu.memory_space<vmem>>
    %dma_wait3A_56 = tpu.memref_slice %arg5[%min3A_54] : memref<3200000xi32, #tpu.memory_space<hbm>> -> memref<1024xi32, #tpu.memory_space<hbm>>
    %dma_wait3A_57 = arith.constant 0 : i32
    %dma_wait3A_58 = tpu.memref_slice %arg12[%dma_wait3A_57] : memref<2048xi32, #tpu.memory_space<vmem>> -> memref<1024xi32, #tpu.memory_space<vmem>>
    %dma_wait3A_59 = tpu.memref_slice %arg5[%min3A_54] : memref<3200000xi32, #tpu.memory_space<hbm>> -> memref<1024xi32, #tpu.memory_space<hbm>>
    tpu.wait_dma2 semaphore(%arg43 : memref<!tpu.dma_semaphore, #tpu.memory_space<semaphore_mem>>) src(%dma_wait3A_59 : memref<1024xi32, #tpu.memory_space<hbm>>) dst(%dma_wait3A_58 : memref<1024xi32, #tpu.memory_space<vmem>>)
    %dma_wait3A_60 = arith.constant 1024 : i32
    %dma_wait3A_61 = tpu.memref_slice %arg12[%dma_wait3A_60] : memref<2048xi32, #tpu.memory_space<vmem>> -> memref<1024xi32, #tpu.memory_space<vmem>>
    %dma_wait3A_62 = tpu.memref_slice %arg6[%min3A_54] : memref<3200000xi32, #tpu.memory_space<hbm>> -> memref<1024xi32, #tpu.memory_space<hbm>>
    %dma_wait3A_63 = arith.constant 1024 : i32
    %dma_wait3A_64 = tpu.memref_slice %arg12[%dma_wait3A_63] : memref<2048xi32, #tpu.memory_space<vmem>> -> memref<1024xi32, #tpu.memory_space<vmem>>
    %dma_wait3A_65 = tpu.memref_slice %arg6[%min3A_54] : memref<3200000xi32, #tpu.memory_space<hbm>> -> memref<1024xi32, #tpu.memory_space<hbm>>
    tpu.wait_dma2 semaphore(%arg43 : memref<!tpu.dma_semaphore, #tpu.memory_space<semaphore_mem>>) src(%dma_wait3A_65 : memref<1024xi32, #tpu.memory_space<hbm>>) dst(%dma_wait3A_64 : memref<1024xi32, #tpu.memory_space<vmem>>)
    %dma_wait3A_66 = tpu.memref_slice %arg7[%min3A_54] : memref<3200000xf32, #tpu.memory_space<hbm>> -> memref<1024xf32, #tpu.memory_space<hbm>>
    %dma_wait3A_67 = tpu.memref_slice %arg7[%min3A_54] : memref<3200000xf32, #tpu.memory_space<hbm>> -> memref<1024xf32, #tpu.memory_space<hbm>>
    tpu.wait_dma2 semaphore(%arg43 : memref<!tpu.dma_semaphore, #tpu.memory_space<semaphore_mem>>) src(%dma_wait3A_67 : memref<1024xf32, #tpu.memory_space<hbm>>) dst(%arg16 : memref<1024xf32, #tpu.memory_space<vmem>>)
    %dma_wait3A_68 = tpu.memref_slice %arg8[%min3A_54] : memref<3200000xf32, #tpu.memory_space<hbm>> -> memref<1024xf32, #tpu.memory_space<hbm>>
    %dma_wait3A_69 = tpu.memref_slice %arg8[%min3A_54] : memref<3200000xf32, #tpu.memory_space<hbm>> -> memref<1024xf32, #tpu.memory_space<hbm>>
    tpu.wait_dma2 semaphore(%arg43 : memref<!tpu.dma_semaphore, #tpu.memory_space<semaphore_mem>>) src(%dma_wait3A_69 : memref<1024xf32, #tpu.memory_space<hbm>>) dst(%arg20 : memref<1024xf32, #tpu.memory_space<vmem>>)
    %dma_start3A_70 = arith.constant 0 : i32
    %dma_start3A_71 = tpu.memref_slice %arg37[%dma_start3A_70] : memref<100352xf32, #tpu.memory_space<vmem_shared>> -> memref<100352xf32, #tpu.memory_space<vmem_shared>>
    tpu.enqueue_indirect_dma source(%dma_start3A_71 : memref<100352xf32, #tpu.memory_space<vmem_shared>>) target(%arg24 : memref<2048xf32, #tpu.memory_space<vmem>>) offsets(%arg12 : memref<2048xi32, #tpu.memory_space<vmem>>) semaphore(%arg47 : memref<!tpu.dma_semaphore, #tpu.memory_space<semaphore_mem>>)
    %dma_start3A_72 = arith.constant 0 : i32
    %dma_start3A_73 = tpu.memref_slice %arg38[%dma_start3A_72] : memref<100352xf32, #tpu.memory_space<vmem_shared>> -> memref<100352xf32, #tpu.memory_space<vmem_shared>>
    tpu.enqueue_indirect_dma source(%dma_start3A_73 : memref<100352xf32, #tpu.memory_space<vmem_shared>>) target(%arg26 : memref<2048xf32, #tpu.memory_space<vmem>>) offsets(%arg12 : memref<2048xi32, #tpu.memory_space<vmem>>) semaphore(%arg47 : memref<!tpu.dma_semaphore, #tpu.memory_space<semaphore_mem>>)
    %dma_start3A_74 = arith.constant 0 : i32
    %dma_start3A_75 = tpu.memref_slice %arg39[%dma_start3A_74] : memref<100352xf32, #tpu.memory_space<vmem_shared>> -> memref<100352xf32, #tpu.memory_space<vmem_shared>>
    tpu.enqueue_indirect_dma source(%dma_start3A_75 : memref<100352xf32, #tpu.memory_space<vmem_shared>>) target(%arg28 : memref<2048xf32, #tpu.memory_space<vmem>>) offsets(%arg12 : memref<2048xi32, #tpu.memory_space<vmem>>) semaphore(%arg47 : memref<!tpu.dma_semaphore, #tpu.memory_space<semaphore_mem>>)
    %broadcast_in_dim3A_76 = arith.constant 0.000000e+00 : f32
    %broadcast_in_dim3A_77 = vector.broadcast %broadcast_in_dim3A_76 : f32 to vector<16xf32>
    %broadcast_in_dim3A_78 = arith.constant 0.000000e+00 : f32
    %broadcast_in_dim3A_79 = vector.broadcast %broadcast_in_dim3A_78 : f32 to vector<16xf32>
    %broadcast_in_dim3A_80 = arith.constant 0.000000e+00 : f32
    %broadcast_in_dim3A_81 = vector.broadcast %broadcast_in_dim3A_80 : f32 to vector<16xf32>
    %broadcast_in_dim3A_82 = arith.constant 0.000000e+00 : f32
    %broadcast_in_dim3A_83 = vector.broadcast %broadcast_in_dim3A_82 : f32 to vector<16xf32>
    %broadcast_in_dim3A_84 = arith.constant 0.000000e+00 : f32
    %broadcast_in_dim3A_85 = vector.broadcast %broadcast_in_dim3A_84 : f32 to vector<16xf32>
    %broadcast_in_dim3A_86 = arith.constant 0.000000e+00 : f32
    %broadcast_in_dim3A_87 = vector.broadcast %broadcast_in_dim3A_86 : f32 to vector<16xf32>
    %broadcast_in_dim3A_88 = arith.constant 0.000000e+00 : f32
    %broadcast_in_dim3A_89 = vector.broadcast %broadcast_in_dim3A_88 : f32 to vector<16xf32>
    %broadcast_in_dim3A_90 = arith.constant 0.000000e+00 : f32
    %broadcast_in_dim3A_91 = vector.broadcast %broadcast_in_dim3A_90 : f32 to vector<16xf32>
    %scan3A = arith.constant 0 : i32
    %scan3A_92 = arith.constant 0 : i32
    %scan3A_93 = arith.constant 0 : i32
    %scan3A_94 = arith.constant 25 : i32
    %scan3A_95 = arith.addi %scan3A_93, %scan3A_94 : i32
    %scan3A_96 = arith.constant 1 : i32
    %scan3A_97:10 = scf.for %scan3A_189 = %scan3A_93 to %scan3A_95 step %scan3A_96 iter_args(%scan3A_190 = %broadcast_in_dim3A_77, %scan3A_191 = %broadcast_in_dim3A_79, %scan3A_192 = %broadcast_in_dim3A_81, %scan3A_193 = %broadcast_in_dim3A_83, %scan3A_194 = %broadcast_in_dim3A_85, %scan3A_195 = %broadcast_in_dim3A_87, %scan3A_196 = %broadcast_in_dim3A_89, %scan3A_197 = %broadcast_in_dim3A_91, %scan3A_198 = %scan3A, %scan3A_199 = %scan3A_92) -> (vector<16xf32>, vector<16xf32>, vector<16xf32>, vector<16xf32>, vector<16xf32>, vector<16xf32>, vector<16xf32>, vector<16xf32>, i32, i32)  : i32 {
      %mul3A_200 = arith.constant 4 : i32
      %mul3A_201 = arith.muli %scan3A_189, %mul3A_200 : i32
      %add3A_202 = arith.constant 1 : i32
      %add3A_203 = arith.addi %mul3A_201, %add3A_202 : i32
      %mul3A_204 = arith.constant 1024 : i32
      %mul3A_205 = arith.muli %add3A_203, %mul3A_204 : i32
      %add3A_206 = arith.addi %mul3A_11, %mul3A_205 : i32
      %min3A_207 = arith.constant 3198976 : i32
      %min3A_208 = arith.minsi %add3A_206, %min3A_207 : i32
      %dma_wait3A_209 = arith.constant 0 : i32
      %dma_wait3A_210 = tpu.memref_slice %arg13[%dma_wait3A_209] : memref<2048xi32, #tpu.memory_space<vmem>> -> memref<1024xi32, #tpu.memory_space<vmem>>
      %dma_wait3A_211 = tpu.memref_slice %arg5[%min3A_208] : memref<3200000xi32, #tpu.memory_space<hbm>> -> memref<1024xi32, #tpu.memory_space<hbm>>
      %dma_wait3A_212 = arith.constant 0 : i32
      %dma_wait3A_213 = tpu.memref_slice %arg13[%dma_wait3A_212] : memref<2048xi32, #tpu.memory_space<vmem>> -> memref<1024xi32, #tpu.memory_space<vmem>>
      %dma_wait3A_214 = tpu.memref_slice %arg5[%min3A_208] : memref<3200000xi32, #tpu.memory_space<hbm>> -> memref<1024xi32, #tpu.memory_space<hbm>>
      tpu.wait_dma2 semaphore(%arg44 : memref<!tpu.dma_semaphore, #tpu.memory_space<semaphore_mem>>) src(%dma_wait3A_214 : memref<1024xi32, #tpu.memory_space<hbm>>) dst(%dma_wait3A_213 : memref<1024xi32, #tpu.memory_space<vmem>>)
      %dma_wait3A_215 = arith.constant 1024 : i32
      %dma_wait3A_216 = tpu.memref_slice %arg13[%dma_wait3A_215] : memref<2048xi32, #tpu.memory_space<vmem>> -> memref<1024xi32, #tpu.memory_space<vmem>>
      %dma_wait3A_217 = tpu.memref_slice %arg6[%min3A_208] : memref<3200000xi32, #tpu.memory_space<hbm>> -> memref<1024xi32, #tpu.memory_space<hbm>>
      %dma_wait3A_218 = arith.constant 1024 : i32
      %dma_wait3A_219 = tpu.memref_slice %arg13[%dma_wait3A_218] : memref<2048xi32, #tpu.memory_space<vmem>> -> memref<1024xi32, #tpu.memory_space<vmem>>
      %dma_wait3A_220 = tpu.memref_slice %arg6[%min3A_208] : memref<3200000xi32, #tpu.memory_space<hbm>> -> memref<1024xi32, #tpu.memory_space<hbm>>
      tpu.wait_dma2 semaphore(%arg44 : memref<!tpu.dma_semaphore, #tpu.memory_space<semaphore_mem>>) src(%dma_wait3A_220 : memref<1024xi32, #tpu.memory_space<hbm>>) dst(%dma_wait3A_219 : memref<1024xi32, #tpu.memory_space<vmem>>)
      %dma_wait3A_221 = tpu.memref_slice %arg7[%min3A_208] : memref<3200000xf32, #tpu.memory_space<hbm>> -> memref<1024xf32, #tpu.memory_space<hbm>>
      %dma_wait3A_222 = tpu.memref_slice %arg7[%min3A_208] : memref<3200000xf32, #tpu.memory_space<hbm>> -> memref<1024xf32, #tpu.memory_space<hbm>>
      tpu.wait_dma2 semaphore(%arg44 : memref<!tpu.dma_semaphore, #tpu.memory_space<semaphore_mem>>) src(%dma_wait3A_222 : memref<1024xf32, #tpu.memory_space<hbm>>) dst(%arg17 : memref<1024xf32, #tpu.memory_space<vmem>>)
      %dma_wait3A_223 = tpu.memref_slice %arg8[%min3A_208] : memref<3200000xf32, #tpu.memory_space<hbm>> -> memref<1024xf32, #tpu.memory_space<hbm>>
      %dma_wait3A_224 = tpu.memref_slice %arg8[%min3A_208] : memref<3200000xf32, #tpu.memory_space<hbm>> -> memref<1024xf32, #tpu.memory_space<hbm>>
      tpu.wait_dma2 semaphore(%arg44 : memref<!tpu.dma_semaphore, #tpu.memory_space<semaphore_mem>>) src(%dma_wait3A_224 : memref<1024xf32, #tpu.memory_space<hbm>>) dst(%arg21 : memref<1024xf32, #tpu.memory_space<vmem>>)
      %dma_start3A_225 = arith.constant 0 : i32
      %dma_start3A_226 = tpu.memref_slice %arg37[%dma_start3A_225] : memref<100352xf32, #tpu.memory_space<vmem_shared>> -> memref<100352xf32, #tpu.memory_space<vmem_shared>>
      tpu.enqueue_indirect_dma source(%dma_start3A_226 : memref<100352xf32, #tpu.memory_space<vmem_shared>>) target(%arg25 : memref<2048xf32, #tpu.memory_space<vmem>>) offsets(%arg13 : memref<2048xi32, #tpu.memory_space<vmem>>) semaphore(%arg48 : memref<!tpu.dma_semaphore, #tpu.memory_space<semaphore_mem>>)
      %dma_start3A_227 = arith.constant 0 : i32
      %dma_start3A_228 = tpu.memref_slice %arg38[%dma_start3A_227] : memref<100352xf32, #tpu.memory_space<vmem_shared>> -> memref<100352xf32, #tpu.memory_space<vmem_shared>>
      tpu.enqueue_indirect_dma source(%dma_start3A_228 : memref<100352xf32, #tpu.memory_space<vmem_shared>>) target(%arg27 : memref<2048xf32, #tpu.memory_space<vmem>>) offsets(%arg13 : memref<2048xi32, #tpu.memory_space<vmem>>) semaphore(%arg48 : memref<!tpu.dma_semaphore, #tpu.memory_space<semaphore_mem>>)
      %dma_start3A_229 = arith.constant 0 : i32
      %dma_start3A_230 = tpu.memref_slice %arg39[%dma_start3A_229] : memref<100352xf32, #tpu.memory_space<vmem_shared>> -> memref<100352xf32, #tpu.memory_space<vmem_shared>>
      tpu.enqueue_indirect_dma source(%dma_start3A_230 : memref<100352xf32, #tpu.memory_space<vmem_shared>>) target(%arg29 : memref<2048xf32, #tpu.memory_space<vmem>>) offsets(%arg13 : memref<2048xi32, #tpu.memory_space<vmem>>) semaphore(%arg48 : memref<!tpu.dma_semaphore, #tpu.memory_space<semaphore_mem>>)
      %ge3A = arith.constant 2 : i32
      %ge3A_231 = arith.cmpi sge, %mul3A_201, %ge3A : i32
      %convert_element_type3A = arith.extui %ge3A_231 : i1 to i32
      %cond3A = arith.constant 0 : i32
      %cond3A_232 = arith.cmpi ne, %convert_element_type3A, %cond3A : i32
      scf.if %cond3A_232 {
        %while3A_509 = arith.constant 0 : i32
        %while3A_510 = arith.constant 0 : i32
        %while3A_511 = arith.subi %scan3A_198, %while3A_510 : i32
        %while3A_512 = arith.addi %while3A_510, %while3A_511 : i32
        %while3A_513 = arith.constant 1 : i32
        %while3A_514 = arith.divsi %while3A_511, %while3A_513 : i32
        %while3A_515 = arith.muli %while3A_514, %while3A_513 : i32
        %while3A_516 = arith.addi %while3A_510, %while3A_515 : i32
        %while3A_517 = arith.constant 1 : i32
        scf.for %while3A_519 = %while3A_510 to %while3A_516 step %while3A_517  : i32 {
          %dma_wait3A_520 = arith.constant 0 : i32
          %dma_wait3A_521 = tpu.memref_slice %arg30[%dma_wait3A_520] : memref<2048xf32, #tpu.memory_space<vmem>> -> memref<128xf32, #tpu.memory_space<vmem>>
          %dma_wait3A_522 = arith.constant 0 : i32
          %dma_wait3A_523 = tpu.memref_slice %arg14[%dma_wait3A_522] : memref<2048xi32, #tpu.memory_space<vmem>> -> memref<128xi32, #tpu.memory_space<vmem>>
          %dma_wait3A_524 = arith.constant 0 : i32
          %dma_wait3A_525 = tpu.memref_slice %arg40[%dma_wait3A_524] : memref<100352xf32, #tpu.memory_space<vmem_shared>> -> memref<100352xf32, #tpu.memory_space<vmem_shared>>
          tpu.wait_indirect_dma semaphore(%arg49 : memref<!tpu.dma_semaphore, #tpu.memory_space<semaphore_mem>>) src(%dma_wait3A_521 : memref<128xf32, #tpu.memory_space<vmem>>) dst(%dma_wait3A_525 : memref<100352xf32, #tpu.memory_space<vmem_shared>>)
          %dma_wait3A_526 = arith.constant 0 : i32
          %dma_wait3A_527 = tpu.memref_slice %arg32[%dma_wait3A_526] : memref<2048xf32, #tpu.memory_space<vmem>> -> memref<128xf32, #tpu.memory_space<vmem>>
          %dma_wait3A_528 = arith.constant 0 : i32
          %dma_wait3A_529 = tpu.memref_slice %arg14[%dma_wait3A_528] : memref<2048xi32, #tpu.memory_space<vmem>> -> memref<128xi32, #tpu.memory_space<vmem>>
          %dma_wait3A_530 = arith.constant 0 : i32
          %dma_wait3A_531 = tpu.memref_slice %arg41[%dma_wait3A_530] : memref<100352xf32, #tpu.memory_space<vmem_shared>> -> memref<100352xf32, #tpu.memory_space<vmem_shared>>
          tpu.wait_indirect_dma semaphore(%arg49 : memref<!tpu.dma_semaphore, #tpu.memory_space<semaphore_mem>>) src(%dma_wait3A_527 : memref<128xf32, #tpu.memory_space<vmem>>) dst(%dma_wait3A_531 : memref<100352xf32, #tpu.memory_space<vmem_shared>>)
          %dma_wait3A_532 = arith.constant 0 : i32
          %dma_wait3A_533 = tpu.memref_slice %arg34[%dma_wait3A_532] : memref<2048xf32, #tpu.memory_space<vmem>> -> memref<128xf32, #tpu.memory_space<vmem>>
          %dma_wait3A_534 = arith.constant 0 : i32
          %dma_wait3A_535 = tpu.memref_slice %arg14[%dma_wait3A_534] : memref<2048xi32, #tpu.memory_space<vmem>> -> memref<128xi32, #tpu.memory_space<vmem>>
          %dma_wait3A_536 = arith.constant 0 : i32
          %dma_wait3A_537 = tpu.memref_slice %arg42[%dma_wait3A_536] : memref<100352xf32, #tpu.memory_space<vmem_shared>> -> memref<100352xf32, #tpu.memory_space<vmem_shared>>
          tpu.wait_indirect_dma semaphore(%arg49 : memref<!tpu.dma_semaphore, #tpu.memory_space<semaphore_mem>>) src(%dma_wait3A_533 : memref<128xf32, #tpu.memory_space<vmem>>) dst(%dma_wait3A_537 : memref<100352xf32, #tpu.memory_space<vmem_shared>>)
          %dma_wait3A_538 = arith.constant 1024 : i32
          %dma_wait3A_539 = tpu.memref_slice %arg30[%dma_wait3A_538] : memref<2048xf32, #tpu.memory_space<vmem>> -> memref<128xf32, #tpu.memory_space<vmem>>
          %dma_wait3A_540 = arith.constant 1024 : i32
          %dma_wait3A_541 = tpu.memref_slice %arg14[%dma_wait3A_540] : memref<2048xi32, #tpu.memory_space<vmem>> -> memref<128xi32, #tpu.memory_space<vmem>>
          %dma_wait3A_542 = arith.constant 0 : i32
          %dma_wait3A_543 = tpu.memref_slice %arg40[%dma_wait3A_542] : memref<100352xf32, #tpu.memory_space<vmem_shared>> -> memref<100352xf32, #tpu.memory_space<vmem_shared>>
          tpu.wait_indirect_dma semaphore(%arg49 : memref<!tpu.dma_semaphore, #tpu.memory_space<semaphore_mem>>) src(%dma_wait3A_539 : memref<128xf32, #tpu.memory_space<vmem>>) dst(%dma_wait3A_543 : memref<100352xf32, #tpu.memory_space<vmem_shared>>)
          %dma_wait3A_544 = arith.constant 1024 : i32
          %dma_wait3A_545 = tpu.memref_slice %arg32[%dma_wait3A_544] : memref<2048xf32, #tpu.memory_space<vmem>> -> memref<128xf32, #tpu.memory_space<vmem>>
          %dma_wait3A_546 = arith.constant 1024 : i32
          %dma_wait3A_547 = tpu.memref_slice %arg14[%dma_wait3A_546] : memref<2048xi32, #tpu.memory_space<vmem>> -> memref<128xi32, #tpu.memory_space<vmem>>
          %dma_wait3A_548 = arith.constant 0 : i32
          %dma_wait3A_549 = tpu.memref_slice %arg41[%dma_wait3A_548] : memref<100352xf32, #tpu.memory_space<vmem_shared>> -> memref<100352xf32, #tpu.memory_space<vmem_shared>>
          tpu.wait_indirect_dma semaphore(%arg49 : memref<!tpu.dma_semaphore, #tpu.memory_space<semaphore_mem>>) src(%dma_wait3A_545 : memref<128xf32, #tpu.memory_space<vmem>>) dst(%dma_wait3A_549 : memref<100352xf32, #tpu.memory_space<vmem_shared>>)
          %dma_wait3A_550 = arith.constant 1024 : i32
          %dma_wait3A_551 = tpu.memref_slice %arg34[%dma_wait3A_550] : memref<2048xf32, #tpu.memory_space<vmem>> -> memref<128xf32, #tpu.memory_space<vmem>>
          %dma_wait3A_552 = arith.constant 1024 : i32
          %dma_wait3A_553 = tpu.memref_slice %arg14[%dma_wait3A_552] : memref<2048xi32, #tpu.memory_space<vmem>> -> memref<128xi32, #tpu.memory_space<vmem>>
          %dma_wait3A_554 = arith.constant 0 : i32
          %dma_wait3A_555 = tpu.memref_slice %arg42[%dma_wait3A_554] : memref<100352xf32, #tpu.memory_space<vmem_shared>> -> memref<100352xf32, #tpu.memory_space<vmem_shared>>
          tpu.wait_indirect_dma semaphore(%arg49 : memref<!tpu.dma_semaphore, #tpu.memory_space<semaphore_mem>>) src(%dma_wait3A_551 : memref<128xf32, #tpu.memory_space<vmem>>) dst(%dma_wait3A_555 : memref<100352xf32, #tpu.memory_space<vmem_shared>>)
        }
        %while3A_518 = arith.constant 1 : i32
        scf.for %while3A_519 = %while3A_516 to %while3A_512 step %while3A_518  : i32 {
          %dma_wait3A_520 = arith.constant 0 : i32
          %dma_wait3A_521 = tpu.memref_slice %arg30[%dma_wait3A_520] : memref<2048xf32, #tpu.memory_space<vmem>> -> memref<128xf32, #tpu.memory_space<vmem>>
          %dma_wait3A_522 = arith.constant 0 : i32
          %dma_wait3A_523 = tpu.memref_slice %arg14[%dma_wait3A_522] : memref<2048xi32, #tpu.memory_space<vmem>> -> memref<128xi32, #tpu.memory_space<vmem>>
          %dma_wait3A_524 = arith.constant 0 : i32
          %dma_wait3A_525 = tpu.memref_slice %arg40[%dma_wait3A_524] : memref<100352xf32, #tpu.memory_space<vmem_shared>> -> memref<100352xf32, #tpu.memory_space<vmem_shared>>
          tpu.wait_indirect_dma semaphore(%arg49 : memref<!tpu.dma_semaphore, #tpu.memory_space<semaphore_mem>>) src(%dma_wait3A_521 : memref<128xf32, #tpu.memory_space<vmem>>) dst(%dma_wait3A_525 : memref<100352xf32, #tpu.memory_space<vmem_shared>>)
          %dma_wait3A_526 = arith.constant 0 : i32
          %dma_wait3A_527 = tpu.memref_slice %arg32[%dma_wait3A_526] : memref<2048xf32, #tpu.memory_space<vmem>> -> memref<128xf32, #tpu.memory_space<vmem>>
          %dma_wait3A_528 = arith.constant 0 : i32
          %dma_wait3A_529 = tpu.memref_slice %arg14[%dma_wait3A_528] : memref<2048xi32, #tpu.memory_space<vmem>> -> memref<128xi32, #tpu.memory_space<vmem>>
          %dma_wait3A_530 = arith.constant 0 : i32
          %dma_wait3A_531 = tpu.memref_slice %arg41[%dma_wait3A_530] : memref<100352xf32, #tpu.memory_space<vmem_shared>> -> memref<100352xf32, #tpu.memory_space<vmem_shared>>
          tpu.wait_indirect_dma semaphore(%arg49 : memref<!tpu.dma_semaphore, #tpu.memory_space<semaphore_mem>>) src(%dma_wait3A_527 : memref<128xf32, #tpu.memory_space<vmem>>) dst(%dma_wait3A_531 : memref<100352xf32, #tpu.memory_space<vmem_shared>>)
          %dma_wait3A_532 = arith.constant 0 : i32
          %dma_wait3A_533 = tpu.memref_slice %arg34[%dma_wait3A_532] : memref<2048xf32, #tpu.memory_space<vmem>> -> memref<128xf32, #tpu.memory_space<vmem>>
          %dma_wait3A_534 = arith.constant 0 : i32
          %dma_wait3A_535 = tpu.memref_slice %arg14[%dma_wait3A_534] : memref<2048xi32, #tpu.memory_space<vmem>> -> memref<128xi32, #tpu.memory_space<vmem>>
          %dma_wait3A_536 = arith.constant 0 : i32
          %dma_wait3A_537 = tpu.memref_slice %arg42[%dma_wait3A_536] : memref<100352xf32, #tpu.memory_space<vmem_shared>> -> memref<100352xf32, #tpu.memory_space<vmem_shared>>
          tpu.wait_indirect_dma semaphore(%arg49 : memref<!tpu.dma_semaphore, #tpu.memory_space<semaphore_mem>>) src(%dma_wait3A_533 : memref<128xf32, #tpu.memory_space<vmem>>) dst(%dma_wait3A_537 : memref<100352xf32, #tpu.memory_space<vmem_shared>>)
          %dma_wait3A_538 = arith.constant 1024 : i32
          %dma_wait3A_539 = tpu.memref_slice %arg30[%dma_wait3A_538] : memref<2048xf32, #tpu.memory_space<vmem>> -> memref<128xf32, #tpu.memory_space<vmem>>
          %dma_wait3A_540 = arith.constant 1024 : i32
          %dma_wait3A_541 = tpu.memref_slice %arg14[%dma_wait3A_540] : memref<2048xi32, #tpu.memory_space<vmem>> -> memref<128xi32, #tpu.memory_space<vmem>>
          %dma_wait3A_542 = arith.constant 0 : i32
          %dma_wait3A_543 = tpu.memref_slice %arg40[%dma_wait3A_542] : memref<100352xf32, #tpu.memory_space<vmem_shared>> -> memref<100352xf32, #tpu.memory_space<vmem_shared>>
          tpu.wait_indirect_dma semaphore(%arg49 : memref<!tpu.dma_semaphore, #tpu.memory_space<semaphore_mem>>) src(%dma_wait3A_539 : memref<128xf32, #tpu.memory_space<vmem>>) dst(%dma_wait3A_543 : memref<100352xf32, #tpu.memory_space<vmem_shared>>)
          %dma_wait3A_544 = arith.constant 1024 : i32
          %dma_wait3A_545 = tpu.memref_slice %arg32[%dma_wait3A_544] : memref<2048xf32, #tpu.memory_space<vmem>> -> memref<128xf32, #tpu.memory_space<vmem>>
          %dma_wait3A_546 = arith.constant 1024 : i32
          %dma_wait3A_547 = tpu.memref_slice %arg14[%dma_wait3A_546] : memref<2048xi32, #tpu.memory_space<vmem>> -> memref<128xi32, #tpu.memory_space<vmem>>
          %dma_wait3A_548 = arith.constant 0 : i32
          %dma_wait3A_549 = tpu.memref_slice %arg41[%dma_wait3A_548] : memref<100352xf32, #tpu.memory_space<vmem_shared>> -> memref<100352xf32, #tpu.memory_space<vmem_shared>>
          tpu.wait_indirect_dma semaphore(%arg49 : memref<!tpu.dma_semaphore, #tpu.memory_space<semaphore_mem>>) src(%dma_wait3A_545 : memref<128xf32, #tpu.memory_space<vmem>>) dst(%dma_wait3A_549 : memref<100352xf32, #tpu.memory_space<vmem_shared>>)
          %dma_wait3A_550 = arith.constant 1024 : i32
          %dma_wait3A_551 = tpu.memref_slice %arg34[%dma_wait3A_550] : memref<2048xf32, #tpu.memory_space<vmem>> -> memref<128xf32, #tpu.memory_space<vmem>>
          %dma_wait3A_552 = arith.constant 1024 : i32
          %dma_wait3A_553 = tpu.memref_slice %arg14[%dma_wait3A_552] : memref<2048xi32, #tpu.memory_space<vmem>> -> memref<128xi32, #tpu.memory_space<vmem>>
          %dma_wait3A_554 = arith.constant 0 : i32
          %dma_wait3A_555 = tpu.memref_slice %arg42[%dma_wait3A_554] : memref<100352xf32, #tpu.memory_space<vmem_shared>> -> memref<100352xf32, #tpu.memory_space<vmem_shared>>
          tpu.wait_indirect_dma semaphore(%arg49 : memref<!tpu.dma_semaphore, #tpu.memory_space<semaphore_mem>>) src(%dma_wait3A_551 : memref<128xf32, #tpu.memory_space<vmem>>) dst(%dma_wait3A_555 : memref<100352xf32, #tpu.memory_space<vmem_shared>>)
        }
      } else {
      }
      %add3A_233 = arith.constant 2 : i32
      %add3A_234 = arith.addi %mul3A_201, %add3A_233 : i32
      %mul3A_235 = arith.constant 1024 : i32
      %mul3A_236 = arith.muli %add3A_234, %mul3A_235 : i32
      %add3A_237 = arith.addi %mul3A_11, %mul3A_236 : i32
      %min3A_238 = arith.constant 3198976 : i32
      %min3A_239 = arith.minsi %add3A_237, %min3A_238 : i32
      %dma_start3A_240 = arith.constant 0 : i32
      %dma_start3A_241 = tpu.memref_slice %arg14[%dma_start3A_240] : memref<2048xi32, #tpu.memory_space<vmem>> -> memref<1024xi32, #tpu.memory_space<vmem>>
      %dma_start3A_242 = tpu.memref_slice %arg5[%min3A_239] : memref<3200000xi32, #tpu.memory_space<hbm>> -> memref<1024xi32, #tpu.memory_space<hbm>>
      %dma_start3A_243 = arith.constant 0 : i32
      %dma_start3A_244 = tpu.memref_slice %arg14[%dma_start3A_243] : memref<2048xi32, #tpu.memory_space<vmem>> -> memref<1024xi32, #tpu.memory_space<vmem>>
      %dma_start3A_245 = tpu.memref_slice %arg5[%min3A_239] : memref<3200000xi32, #tpu.memory_space<hbm>> -> memref<1024xi32, #tpu.memory_space<hbm>>
      tpu.enqueue_dma source(%dma_start3A_245 : memref<1024xi32, #tpu.memory_space<hbm>>) target(%dma_start3A_244 : memref<1024xi32, #tpu.memory_space<vmem>>) target_semaphore(%arg45 : memref<!tpu.dma_semaphore, #tpu.memory_space<semaphore_mem>>)
      %dma_start3A_246 = arith.constant 1024 : i32
      %dma_start3A_247 = tpu.memref_slice %arg14[%dma_start3A_246] : memref<2048xi32, #tpu.memory_space<vmem>> -> memref<1024xi32, #tpu.memory_space<vmem>>
      %dma_start3A_248 = tpu.memref_slice %arg6[%min3A_239] : memref<3200000xi32, #tpu.memory_space<hbm>> -> memref<1024xi32, #tpu.memory_space<hbm>>
      %dma_start3A_249 = arith.constant 1024 : i32
      %dma_start3A_250 = tpu.memref_slice %arg14[%dma_start3A_249] : memref<2048xi32, #tpu.memory_space<vmem>> -> memref<1024xi32, #tpu.memory_space<vmem>>
      %dma_start3A_251 = tpu.memref_slice %arg6[%min3A_239] : memref<3200000xi32, #tpu.memory_space<hbm>> -> memref<1024xi32, #tpu.memory_space<hbm>>
      tpu.enqueue_dma source(%dma_start3A_251 : memref<1024xi32, #tpu.memory_space<hbm>>) target(%dma_start3A_250 : memref<1024xi32, #tpu.memory_space<vmem>>) target_semaphore(%arg45 : memref<!tpu.dma_semaphore, #tpu.memory_space<semaphore_mem>>)
      %dma_start3A_252 = tpu.memref_slice %arg7[%min3A_239] : memref<3200000xf32, #tpu.memory_space<hbm>> -> memref<1024xf32, #tpu.memory_space<hbm>>
      %dma_start3A_253 = tpu.memref_slice %arg7[%min3A_239] : memref<3200000xf32, #tpu.memory_space<hbm>> -> memref<1024xf32, #tpu.memory_space<hbm>>
      tpu.enqueue_dma source(%dma_start3A_253 : memref<1024xf32, #tpu.memory_space<hbm>>) target(%arg18 : memref<1024xf32, #tpu.memory_space<vmem>>) target_semaphore(%arg45 : memref<!tpu.dma_semaphore, #tpu.memory_space<semaphore_mem>>)
      %dma_start3A_254 = tpu.memref_slice %arg8[%min3A_239] : memref<3200000xf32, #tpu.memory_space<hbm>> -> memref<1024xf32, #tpu.memory_space<hbm>>
      %dma_start3A_255 = tpu.memref_slice %arg8[%min3A_239] : memref<3200000xf32, #tpu.memory_space<hbm>> -> memref<1024xf32, #tpu.memory_space<hbm>>
      tpu.enqueue_dma source(%dma_start3A_255 : memref<1024xf32, #tpu.memory_space<hbm>>) target(%arg22 : memref<1024xf32, #tpu.memory_space<vmem>>) target_semaphore(%arg45 : memref<!tpu.dma_semaphore, #tpu.memory_space<semaphore_mem>>)
      %dma_wait3A_256 = arith.constant 0 : i32
      %dma_wait3A_257 = tpu.memref_slice %arg37[%dma_wait3A_256] : memref<100352xf32, #tpu.memory_space<vmem_shared>> -> memref<100352xf32, #tpu.memory_space<vmem_shared>>
      tpu.wait_indirect_dma semaphore(%arg47 : memref<!tpu.dma_semaphore, #tpu.memory_space<semaphore_mem>>) src(%dma_wait3A_257 : memref<100352xf32, #tpu.memory_space<vmem_shared>>) dst(%arg24 : memref<2048xf32, #tpu.memory_space<vmem>>)
      %dma_wait3A_258 = arith.constant 0 : i32
      %dma_wait3A_259 = tpu.memref_slice %arg38[%dma_wait3A_258] : memref<100352xf32, #tpu.memory_space<vmem_shared>> -> memref<100352xf32, #tpu.memory_space<vmem_shared>>
      tpu.wait_indirect_dma semaphore(%arg47 : memref<!tpu.dma_semaphore, #tpu.memory_space<semaphore_mem>>) src(%dma_wait3A_259 : memref<100352xf32, #tpu.memory_space<vmem_shared>>) dst(%arg26 : memref<2048xf32, #tpu.memory_space<vmem>>)
      %dma_wait3A_260 = arith.constant 0 : i32
      %dma_wait3A_261 = tpu.memref_slice %arg39[%dma_wait3A_260] : memref<100352xf32, #tpu.memory_space<vmem_shared>> -> memref<100352xf32, #tpu.memory_space<vmem_shared>>
      tpu.wait_indirect_dma semaphore(%arg47 : memref<!tpu.dma_semaphore, #tpu.memory_space<semaphore_mem>>) src(%dma_wait3A_261 : memref<100352xf32, #tpu.memory_space<vmem_shared>>) dst(%arg28 : memref<2048xf32, #tpu.memory_space<vmem>>)
      %lt3A_262 = arith.cmpi slt, %mul3A_201, %select_n3A : i32
      %jit3A_263 = arith.constant 1.000000e+00 : f32
      %jit3A_264 = arith.constant 0.000000e+00 : f32
      %select_n3A_265 = arith.select %lt3A_262, %jit3A_263, %jit3A_264 : f32
      %add3A_266 = vector.broadcast %select_n3A_265 : f32 to vector<16xf32>
      %add3A_267 = arith.addf %broadcast_in_dim3A_3, %add3A_266 : vector<16xf32>
      %scan3A_268 = arith.constant 0 : i32
      %scan3A_269 = arith.constant 0 : i32
      %scan3A_270 = arith.constant 8 : i32
      %scan3A_271 = arith.addi %scan3A_269, %scan3A_270 : i32
      %scan3A_272 = arith.constant 1 : i32
      %scan3A_273:9 = scf.for %scan3A_509 = %scan3A_269 to %scan3A_271 step %scan3A_272 iter_args(%scan3A_510 = %scan3A_190, %scan3A_511 = %scan3A_191, %scan3A_512 = %scan3A_192, %scan3A_513 = %scan3A_193, %scan3A_514 = %scan3A_194, %scan3A_515 = %scan3A_195, %scan3A_516 = %scan3A_196, %scan3A_517 = %scan3A_197, %scan3A_518 = %scan3A_268) -> (vector<16xf32>, vector<16xf32>, vector<16xf32>, vector<16xf32>, vector<16xf32>, vector<16xf32>, vector<16xf32>, vector<16xf32>, i32)  : i32 {
        %broadcast_in_dim3A_519 = arith.constant 0.000000e+00 : f32
        %broadcast_in_dim3A_520 = vector.broadcast %broadcast_in_dim3A_519 : f32 to vector<16xf32>
        %scan3A_521 = arith.constant 0 : i32
        %scan3A_522 = arith.constant 8 : i32
        %scan3A_523 = arith.addi %scan3A_521, %scan3A_522 : i32
        %scan3A_524 = arith.constant 1 : i32
        %scan3A_525:9 = scf.for %scan3A_582 = %scan3A_521 to %scan3A_523 step %scan3A_524 iter_args(%scan3A_583 = %scan3A_510, %scan3A_584 = %scan3A_511, %scan3A_585 = %scan3A_512, %scan3A_586 = %scan3A_513, %scan3A_587 = %scan3A_514, %scan3A_588 = %scan3A_515, %scan3A_589 = %scan3A_516, %scan3A_590 = %scan3A_517, %scan3A_591 = %broadcast_in_dim3A_520) -> (vector<16xf32>, vector<16xf32>, vector<16xf32>, vector<16xf32>, vector<16xf32>, vector<16xf32>, vector<16xf32>, vector<16xf32>, vector<16xf32>)  : i32 {
          %mul3A_592 = arith.constant 8 : i32
          %mul3A_593 = arith.muli %scan3A_509, %mul3A_592 : i32
          %add3A_594 = arith.addi %mul3A_593, %scan3A_582 : i32
          %mul3A_595 = arith.constant 16 : i32
          %mul3A_596 = arith.muli %add3A_594, %mul3A_595 : i32
          %mul3A_597 = arith.constant 16 : i32
          %mul3A_598 = arith.muli %add3A_594, %mul3A_597 : i32
          %add3A_599 = arith.constant 1024 : i32
          %add3A_600 = arith.addi %add3A_599, %mul3A_598 : i32
          %get3A = arith.index_cast %mul3A_596 : i32 to index
          %get3A_601 = tpu.vector_load %arg24[%get3A] {strides = array<i32>} : memref<2048xf32, #tpu.memory_space<vmem>>, vector<16xf32>,
          %get3A_602 = vector.shape_cast %get3A_601 : vector<16xf32> to vector<16xf32>
          %get3A_603 = arith.index_cast %add3A_600 : i32 to index
          %get3A_604 = tpu.vector_load %arg24[%get3A_603] {strides = array<i32>} : memref<2048xf32, #tpu.memory_space<vmem>>, vector<16xf32>,
          %get3A_605 = vector.shape_cast %get3A_604 : vector<16xf32> to vector<16xf32>
          %sub3A = arith.subf %get3A_602, %get3A_605 : vector<16xf32>
          %mul3A_606 = arith.constant 2.500000e-02 : f32
          %mul3A_607 = vector.broadcast %mul3A_606 : f32 to vector<16xf32>
          %mul3A_608 = arith.mulf %sub3A, %mul3A_607 : vector<16xf32>
          %add3A_609 = arith.constant 0x4B400000 : f32
          %add3A_610 = vector.broadcast %add3A_609 : f32 to vector<16xf32>
          %add3A_611 = arith.addf %mul3A_608, %add3A_610 : vector<16xf32>
          %sub3A_612 = arith.constant 0x4B400000 : f32
          %sub3A_613 = vector.broadcast %sub3A_612 : f32 to vector<16xf32>
          %sub3A_614 = arith.subf %add3A_611, %sub3A_613 : vector<16xf32>
          %mul3A_615 = arith.constant 4.000000e+01 : f32
          %mul3A_616 = vector.broadcast %mul3A_615 : f32 to vector<16xf32>
          %mul3A_617 = arith.mulf %mul3A_616, %sub3A_614 : vector<16xf32>
          %sub3A_618 = arith.subf %sub3A, %mul3A_617 : vector<16xf32>
          %get3A_619 = arith.index_cast %mul3A_596 : i32 to index
          %get3A_620 = tpu.vector_load %arg26[%get3A_619] {strides = array<i32>} : memref<2048xf32, #tpu.memory_space<vmem>>, vector<16xf32>,
          %get3A_621 = vector.shape_cast %get3A_620 : vector<16xf32> to vector<16xf32>
          %get3A_622 = arith.index_cast %add3A_600 : i32 to index
          %get3A_623 = tpu.vector_load %arg26[%get3A_622] {strides = array<i32>} : memref<2048xf32, #tpu.memory_space<vmem>>, vector<16xf32>,
          %get3A_624 = vector.shape_cast %get3A_623 : vector<16xf32> to vector<16xf32>
          %sub3A_625 = arith.subf %get3A_621, %get3A_624 : vector<16xf32>
          %mul3A_626 = arith.constant 2.500000e-02 : f32
          %mul3A_627 = vector.broadcast %mul3A_626 : f32 to vector<16xf32>
          %mul3A_628 = arith.mulf %sub3A_625, %mul3A_627 : vector<16xf32>
          %add3A_629 = arith.constant 0x4B400000 : f32
          %add3A_630 = vector.broadcast %add3A_629 : f32 to vector<16xf32>
          %add3A_631 = arith.addf %mul3A_628, %add3A_630 : vector<16xf32>
          %sub3A_632 = arith.constant 0x4B400000 : f32
          %sub3A_633 = vector.broadcast %sub3A_632 : f32 to vector<16xf32>
          %sub3A_634 = arith.subf %add3A_631, %sub3A_633 : vector<16xf32>
          %mul3A_635 = arith.constant 4.000000e+01 : f32
          %mul3A_636 = vector.broadcast %mul3A_635 : f32 to vector<16xf32>
          %mul3A_637 = arith.mulf %mul3A_636, %sub3A_634 : vector<16xf32>
          %sub3A_638 = arith.subf %sub3A_625, %mul3A_637 : vector<16xf32>
          %get3A_639 = arith.index_cast %mul3A_596 : i32 to index
          %get3A_640 = tpu.vector_load %arg28[%get3A_639] {strides = array<i32>} : memref<2048xf32, #tpu.memory_space<vmem>>, vector<16xf32>,
          %get3A_641 = vector.shape_cast %get3A_640 : vector<16xf32> to vector<16xf32>
          %get3A_642 = arith.index_cast %add3A_600 : i32 to index
          %get3A_643 = tpu.vector_load %arg28[%get3A_642] {strides = array<i32>} : memref<2048xf32, #tpu.memory_space<vmem>>, vector<16xf32>,
          %get3A_644 = vector.shape_cast %get3A_643 : vector<16xf32> to vector<16xf32>
          %sub3A_645 = arith.subf %get3A_641, %get3A_644 : vector<16xf32>
          %mul3A_646 = arith.constant 2.500000e-02 : f32
          %mul3A_647 = vector.broadcast %mul3A_646 : f32 to vector<16xf32>
          %mul3A_648 = arith.mulf %sub3A_645, %mul3A_647 : vector<16xf32>
          %add3A_649 = arith.constant 0x4B400000 : f32
          %add3A_650 = vector.broadcast %add3A_649 : f32 to vector<16xf32>
          %add3A_651 = arith.addf %mul3A_648, %add3A_650 : vector<16xf32>
          %sub3A_652 = arith.constant 0x4B400000 : f32
          %sub3A_653 = vector.broadcast %sub3A_652 : f32 to vector<16xf32>
          %sub3A_654 = arith.subf %add3A_651, %sub3A_653 : vector<16xf32>
          %mul3A_655 = arith.constant 4.000000e+01 : f32
          %mul3A_656 = vector.broadcast %mul3A_655 : f32 to vector<16xf32>
          %mul3A_657 = arith.mulf %mul3A_656, %sub3A_654 : vector<16xf32>
          %sub3A_658 = arith.subf %sub3A_645, %mul3A_657 : vector<16xf32>
          %mul3A_659 = arith.mulf %sub3A_618, %sub3A_618 : vector<16xf32>
          %mul3A_660 = arith.mulf %sub3A_638, %sub3A_638 : vector<16xf32>
          %add3A_661 = arith.addf %mul3A_659, %mul3A_660 : vector<16xf32>
          %mul3A_662 = arith.mulf %sub3A_658, %sub3A_658 : vector<16xf32>
          %add3A_663 = arith.addf %add3A_661, %mul3A_662 : vector<16xf32>
          %max3A = arith.constant 1.000000e-24 : f32
          %max3A_664 = vector.broadcast %max3A : f32 to vector<16xf32>
          %max3A_665 = arith.maximumf %add3A_663, %max3A_664 : vector<16xf32>
          %div3A = arith.constant 1.000000e+00 : f32
          %div3A_666 = vector.broadcast %div3A : f32 to vector<16xf32>
          %div3A_667 = arith.divf %div3A_666, %max3A_665 : vector<16xf32>
          %get3A_668 = arith.index_cast %mul3A_596 : i32 to index
          %get3A_669 = tpu.vector_load %arg16[%get3A_668] {strides = array<i32>} : memref<1024xf32, #tpu.memory_space<vmem>>, vector<16xf32>,
          %get3A_670 = vector.shape_cast %get3A_669 : vector<16xf32> to vector<16xf32>
          %mul3A_671 = arith.mulf %get3A_670, %add3A_267 : vector<16xf32>
          %get3A_672 = arith.index_cast %mul3A_596 : i32 to index
          %get3A_673 = tpu.vector_load %arg20[%get3A_672] {strides = array<i32>} : memref<1024xf32, #tpu.memory_space<vmem>>, vector<16xf32>,
          %get3A_674 = vector.shape_cast %get3A_673 : vector<16xf32> to vector<16xf32>
          %mul3A_675 = arith.mulf %get3A_674, %add3A_267 : vector<16xf32>
          %mul3A_676 = arith.mulf %mul3A_675, %mul3A_675 : vector<16xf32>
          %mul3A_677 = arith.mulf %mul3A_676, %div3A_667 : vector<16xf32>
          %mul3A_678 = arith.mulf %mul3A_677, %mul3A_677 : vector<16xf32>
          %mul3A_679 = arith.mulf %mul3A_678, %mul3A_677 : vector<16xf32>
          %mul3A_680 = arith.mulf %mul3A_679, %mul3A_679 : vector<16xf32>
          %add3A_681 = arith.addf %mul3A_680, %mul3A_680 : vector<16xf32>
          %sub3A_682 = arith.subf %add3A_681, %mul3A_679 : vector<16xf32>
          %mul3A_683 = arith.constant 2.400000e+01 : f32
          %mul3A_684 = vector.broadcast %mul3A_683 : f32 to vector<16xf32>
          %mul3A_685 = arith.mulf %mul3A_684, %mul3A_671 : vector<16xf32>
          %mul3A_686 = arith.mulf %mul3A_685, %sub3A_682 : vector<16xf32>
          %mul3A_687 = arith.mulf %mul3A_686, %div3A_667 : vector<16xf32>
          %lt3A_688 = arith.constant 6.250000e+00 : f32
          %lt3A_689 = vector.broadcast %lt3A_688 : f32 to vector<16xf32>
          %lt3A_690 = arith.cmpf olt, %max3A_665, %lt3A_689 : vector<16xf32>
          %mul3A_691 = arith.constant 4.000000e+00 : f32
          %mul3A_692 = vector.broadcast %mul3A_691 : f32 to vector<16xf32>
          %mul3A_693 = arith.mulf %mul3A_692, %mul3A_671 : vector<16xf32>
          %sub3A_694 = arith.subf %mul3A_680, %mul3A_679 : vector<16xf32>
          %mul3A_695 = arith.mulf %mul3A_693, %sub3A_694 : vector<16xf32>
          %select_n3A_696 = arith.select %lt3A_690, %mul3A_695, %broadcast_in_dim3A_3 : vector<16xi1>, vector<16xf32>
          %add3A_697 = arith.addf %scan3A_583, %select_n3A_696 : vector<16xf32>
          %mul3A_698 = arith.mulf %mul3A_685, %sub3A_682 : vector<16xf32>
          %select_n3A_699 = arith.select %lt3A_690, %mul3A_698, %broadcast_in_dim3A_3 : vector<16xi1>, vector<16xf32>
          %add3A_700 = arith.addf %scan3A_584, %select_n3A_699 : vector<16xf32>
          %mul3A_701 = arith.mulf %mul3A_687, %sub3A_618 : vector<16xf32>
          %mul3A_702 = arith.mulf %mul3A_687, %sub3A_638 : vector<16xf32>
          %mul3A_703 = arith.mulf %mul3A_687, %sub3A_658 : vector<16xf32>
          %mul3A_704 = arith.mulf %mul3A_701, %sub3A_618 : vector<16xf32>
          %add3A_705 = arith.addf %scan3A_585, %mul3A_704 : vector<16xf32>
          %mul3A_706 = arith.mulf %mul3A_701, %sub3A_638 : vector<16xf32>
          %add3A_707 = arith.addf %scan3A_586, %mul3A_706 : vector<16xf32>
          %mul3A_708 = arith.mulf %mul3A_701, %sub3A_658 : vector<16xf32>
          %add3A_709 = arith.addf %scan3A_587, %mul3A_708 : vector<16xf32>
          %mul3A_710 = arith.mulf %mul3A_702, %sub3A_638 : vector<16xf32>
          %add3A_711 = arith.addf %scan3A_588, %mul3A_710 : vector<16xf32>
          %mul3A_712 = arith.mulf %mul3A_702, %sub3A_658 : vector<16xf32>
          %add3A_713 = arith.addf %scan3A_589, %mul3A_712 : vector<16xf32>
          %mul3A_714 = arith.mulf %mul3A_703, %sub3A_658 : vector<16xf32>
          %add3A_715 = arith.addf %scan3A_590, %mul3A_714 : vector<16xf32>
          %select_n3A_716 = arith.select %lt3A_690, %mul3A_701, %broadcast_in_dim3A_3 : vector<16xi1>, vector<16xf32>
          %select_n3A_717 = arith.select %lt3A_690, %mul3A_702, %broadcast_in_dim3A_3 : vector<16xi1>, vector<16xf32>
          %select_n3A_718 = arith.select %lt3A_690, %mul3A_703, %broadcast_in_dim3A_3 : vector<16xi1>, vector<16xf32>
          %jit3A_719 = arith.constant 1.000000e+00 : f32
          %broadcast_in_dim3A_720 = vector.broadcast %jit3A_719 : f32 to vector<16xf32>
          %select_n3A_721 = arith.select %lt3A_690, %broadcast_in_dim3A_720, %broadcast_in_dim3A_3 : vector<16xi1>, vector<16xf32>
          %add3A_722 = arith.addf %scan3A_591, %select_n3A_721 : vector<16xf32>
          %swap3A_723 = arith.index_cast %mul3A_596 : i32 to index
          %swap3A_724 = tpu.vector_load %arg30[%swap3A_723] {strides = array<i32>} : memref<2048xf32, #tpu.memory_space<vmem>>, vector<16xf32>,
          %swap3A_725 = vector.shape_cast %swap3A_724 : vector<16xf32> to vector<16xf32>
          %swap3A_726 = vector.shape_cast %select_n3A_716 : vector<16xf32> to vector<16xf32>
          tpu.vector_store %arg30[%swap3A_723], %swap3A_726 {strides = array<i32>} : memref<2048xf32, #tpu.memory_space<vmem>>, vector<16xf32>,
          %swap3A_727 = arith.index_cast %mul3A_596 : i32 to index
          %swap3A_728 = tpu.vector_load %arg32[%swap3A_727] {strides = array<i32>} : memref<2048xf32, #tpu.memory_space<vmem>>, vector<16xf32>,
          %swap3A_729 = vector.shape_cast %swap3A_728 : vector<16xf32> to vector<16xf32>
          %swap3A_730 = vector.shape_cast %select_n3A_717 : vector<16xf32> to vector<16xf32>
          tpu.vector_store %arg32[%swap3A_727], %swap3A_730 {strides = array<i32>} : memref<2048xf32, #tpu.memory_space<vmem>>, vector<16xf32>,
          %swap3A_731 = arith.index_cast %mul3A_596 : i32 to index
          %swap3A_732 = tpu.vector_load %arg34[%swap3A_731] {strides = array<i32>} : memref<2048xf32, #tpu.memory_space<vmem>>, vector<16xf32>,
          %swap3A_733 = vector.shape_cast %swap3A_732 : vector<16xf32> to vector<16xf32>
          %swap3A_734 = vector.shape_cast %select_n3A_718 : vector<16xf32> to vector<16xf32>
          tpu.vector_store %arg34[%swap3A_731], %swap3A_734 {strides = array<i32>} : memref<2048xf32, #tpu.memory_space<vmem>>, vector<16xf32>,
          %neg3A = arith.constant 0.000000e+00 : f32
          %neg3A_735 = vector.broadcast %neg3A : f32 to vector<16xf32>
          %neg3A_736 = arith.subf %neg3A_735, %select_n3A_716 : vector<16xf32>
          %swap3A_737 = arith.index_cast %add3A_600 : i32 to index
          %swap3A_738 = tpu.vector_load %arg30[%swap3A_737] {strides = array<i32>} : memref<2048xf32, #tpu.memory_space<vmem>>, vector<16xf32>,
          %swap3A_739 = vector.shape_cast %swap3A_738 : vector<16xf32> to vector<16xf32>
          %swap3A_740 = vector.shape_cast %neg3A_736 : vector<16xf32> to vector<16xf32>
          tpu.vector_store %arg30[%swap3A_737], %swap3A_740 {strides = array<i32>} : memref<2048xf32, #tpu.memory_space<vmem>>, vector<16xf32>,
          %neg3A_741 = arith.constant 0.000000e+00 : f32
          %neg3A_742 = vector.broadcast %neg3A_741 : f32 to vector<16xf32>
          %neg3A_743 = arith.subf %neg3A_742, %select_n3A_717 : vector<16xf32>
          %swap3A_744 = arith.index_cast %add3A_600 : i32 to index
          %swap3A_745 = tpu.vector_load %arg32[%swap3A_744] {strides = array<i32>} : memref<2048xf32, #tpu.memory_space<vmem>>, vector<16xf32>,
          %swap3A_746 = vector.shape_cast %swap3A_745 : vector<16xf32> to vector<16xf32>
          %swap3A_747 = vector.shape_cast %neg3A_743 : vector<16xf32> to vector<16xf32>
          tpu.vector_store %arg32[%swap3A_744], %swap3A_747 {strides = array<i32>} : memref<2048xf32, #tpu.memory_space<vmem>>, vector<16xf32>,
          %neg3A_748 = arith.constant 0.000000e+00 : f32
          %neg3A_749 = vector.broadcast %neg3A_748 : f32 to vector<16xf32>
          %neg3A_750 = arith.subf %neg3A_749, %select_n3A_718 : vector<16xf32>
          %swap3A_751 = arith.index_cast %add3A_600 : i32 to index
          %swap3A_752 = tpu.vector_load %arg34[%swap3A_751] {strides = array<i32>} : memref<2048xf32, #tpu.memory_space<vmem>>, vector<16xf32>,
          %swap3A_753 = vector.shape_cast %swap3A_752 : vector<16xf32> to vector<16xf32>
          %swap3A_754 = vector.shape_cast %neg3A_750 : vector<16xf32> to vector<16xf32>
          tpu.vector_store %arg34[%swap3A_751], %swap3A_754 {strides = array<i32>} : memref<2048xf32, #tpu.memory_space<vmem>>, vector<16xf32>,
          scf.yield %add3A_697, %add3A_700, %add3A_705, %add3A_707, %add3A_709, %add3A_711, %add3A_713, %add3A_715, %add3A_722 : vector<16xf32>, vector<16xf32>, vector<16xf32>, vector<16xf32>, vector<16xf32>, vector<16xf32>, vector<16xf32>, vector<16xf32>, vector<16xf32>
        }
        %scan3A_526 = arith.constant 8 : i32
        %slice3A = vector.extract_strided_slice %scan3A_525#8 {offsets = [0], sizes = [1], strides = [1]} : vector<16xf32> to vector<1xf32>
        %squeeze3A = vector.extract %slice3A[0] : f32 from vector<1xf32>
        %slice3A_527 = vector.extract_strided_slice %scan3A_525#8 {offsets = [1], sizes = [1], strides = [1]} : vector<16xf32> to vector<1xf32>
        %squeeze3A_528 = vector.extract %slice3A_527[0] : f32 from vector<1xf32>
        %add3A_529 = arith.addf %squeeze3A, %squeeze3A_528 : f32
        %slice3A_530 = vector.extract_strided_slice %scan3A_525#8 {offsets = [2], sizes = [1], strides = [1]} : vector<16xf32> to vector<1xf32>
        %squeeze3A_531 = vector.extract %slice3A_530[0] : f32 from vector<1xf32>
        %add3A_532 = arith.addf %add3A_529, %squeeze3A_531 : f32
        %slice3A_533 = vector.extract_strided_slice %scan3A_525#8 {offsets = [3], sizes = [1], strides = [1]} : vector<16xf32> to vector<1xf32>
        %squeeze3A_534 = vector.extract %slice3A_533[0] : f32 from vector<1xf32>
        %add3A_535 = arith.addf %add3A_532, %squeeze3A_534 : f32
        %slice3A_536 = vector.extract_strided_slice %scan3A_525#8 {offsets = [4], sizes = [1], strides = [1]} : vector<16xf32> to vector<1xf32>
        %squeeze3A_537 = vector.extract %slice3A_536[0] : f32 from vector<1xf32>
        %add3A_538 = arith.addf %add3A_535, %squeeze3A_537 : f32
        %slice3A_539 = vector.extract_strided_slice %scan3A_525#8 {offsets = [5], sizes = [1], strides = [1]} : vector<16xf32> to vector<1xf32>
        %squeeze3A_540 = vector.extract %slice3A_539[0] : f32 from vector<1xf32>
        %add3A_541 = arith.addf %add3A_538, %squeeze3A_540 : f32
        %slice3A_542 = vector.extract_strided_slice %scan3A_525#8 {offsets = [6], sizes = [1], strides = [1]} : vector<16xf32> to vector<1xf32>
        %squeeze3A_543 = vector.extract %slice3A_542[0] : f32 from vector<1xf32>
        %add3A_544 = arith.addf %add3A_541, %squeeze3A_543 : f32
        %slice3A_545 = vector.extract_strided_slice %scan3A_525#8 {offsets = [7], sizes = [1], strides = [1]} : vector<16xf32> to vector<1xf32>
        %squeeze3A_546 = vector.extract %slice3A_545[0] : f32 from vector<1xf32>
        %add3A_547 = arith.addf %add3A_544, %squeeze3A_546 : f32
        %slice3A_548 = vector.extract_strided_slice %scan3A_525#8 {offsets = [8], sizes = [1], strides = [1]} : vector<16xf32> to vector<1xf32>
        %squeeze3A_549 = vector.extract %slice3A_548[0] : f32 from vector<1xf32>
        %add3A_550 = arith.addf %add3A_547, %squeeze3A_549 : f32
        %slice3A_551 = vector.extract_strided_slice %scan3A_525#8 {offsets = [9], sizes = [1], strides = [1]} : vector<16xf32> to vector<1xf32>
        %squeeze3A_552 = vector.extract %slice3A_551[0] : f32 from vector<1xf32>
        %add3A_553 = arith.addf %add3A_550, %squeeze3A_552 : f32
        %slice3A_554 = vector.extract_strided_slice %scan3A_525#8 {offsets = [10], sizes = [1], strides = [1]} : vector<16xf32> to vector<1xf32>
        %squeeze3A_555 = vector.extract %slice3A_554[0] : f32 from vector<1xf32>
        %add3A_556 = arith.addf %add3A_553, %squeeze3A_555 : f32
        %slice3A_557 = vector.extract_strided_slice %scan3A_525#8 {offsets = [11], sizes = [1], strides = [1]} : vector<16xf32> to vector<1xf32>
        %squeeze3A_558 = vector.extract %slice3A_557[0] : f32 from vector<1xf32>
        %add3A_559 = arith.addf %add3A_556, %squeeze3A_558 : f32
        %slice3A_560 = vector.extract_strided_slice %scan3A_525#8 {offsets = [12], sizes = [1], strides = [1]} : vector<16xf32> to vector<1xf32>
        %squeeze3A_561 = vector.extract %slice3A_560[0] : f32 from vector<1xf32>
        %add3A_562 = arith.addf %add3A_559, %squeeze3A_561 : f32
        %slice3A_563 = vector.extract_strided_slice %scan3A_525#8 {offsets = [13], sizes = [1], strides = [1]} : vector<16xf32> to vector<1xf32>
        %squeeze3A_564 = vector.extract %slice3A_563[0] : f32 from vector<1xf32>
        %add3A_565 = arith.addf %add3A_562, %squeeze3A_564 : f32
        %slice3A_566 = vector.extract_strided_slice %scan3A_525#8 {offsets = [14], sizes = [1], strides = [1]} : vector<16xf32> to vector<1xf32>
        %squeeze3A_567 = vector.extract %slice3A_566[0] : f32 from vector<1xf32>
        %add3A_568 = arith.addf %add3A_565, %squeeze3A_567 : f32
        %slice3A_569 = vector.extract_strided_slice %scan3A_525#8 {offsets = [15], sizes = [1], strides = [1]} : vector<16xf32> to vector<1xf32>
        %squeeze3A_570 = vector.extract %slice3A_569[0] : f32 from vector<1xf32>
        %add3A_571 = arith.addf %add3A_568, %squeeze3A_570 : f32
        %gt3A = arith.constant 0.000000e+00 : f32
        %gt3A_572 = arith.cmpf ogt, %add3A_571, %gt3A : f32
        %convert_element_type3A_573 = arith.extui %gt3A_572 : i1 to i32
        %cond3A_574 = arith.constant 0 : i32
        %cond3A_575 = arith.cmpi ne, %convert_element_type3A_573, %cond3A_574 : i32
        scf.if %cond3A_575 {
          %mul3A_582 = arith.constant 128 : i32
          %mul3A_583 = arith.muli %scan3A_509, %mul3A_582 : i32
          %mul3A_584 = arith.constant 128 : i32
          %mul3A_585 = arith.muli %scan3A_509, %mul3A_584 : i32
          %add3A_586 = arith.constant 1024 : i32
          %add3A_587 = arith.addi %add3A_586, %mul3A_585 : i32
          %dma_start3A_588 = tpu.memref_slice %arg30[%mul3A_583] : memref<2048xf32, #tpu.memory_space<vmem>> -> memref<128xf32, #tpu.memory_space<vmem>>
          %dma_start3A_589 = tpu.memref_slice %arg12[%mul3A_583] : memref<2048xi32, #tpu.memory_space<vmem>> -> memref<128xi32, #tpu.memory_space<vmem>>
          %dma_start3A_590 = arith.constant 0 : i32
          %dma_start3A_591 = tpu.memref_slice %arg40[%dma_start3A_590] : memref<100352xf32, #tpu.memory_space<vmem_shared>> -> memref<100352xf32, #tpu.memory_space<vmem_shared>>
          tpu.enqueue_indirect_dma source(%dma_start3A_588 : memref<128xf32, #tpu.memory_space<vmem>>) target(%dma_start3A_591 : memref<100352xf32, #tpu.memory_space<vmem_shared>>) offsets(%dma_start3A_589 : memref<128xi32, #tpu.memory_space<vmem>>) semaphore(%arg49 : memref<!tpu.dma_semaphore, #tpu.memory_space<semaphore_mem>>) {add = true}
          %dma_start3A_592 = tpu.memref_slice %arg32[%mul3A_583] : memref<2048xf32, #tpu.memory_space<vmem>> -> memref<128xf32, #tpu.memory_space<vmem>>
          %dma_start3A_593 = tpu.memref_slice %arg12[%mul3A_583] : memref<2048xi32, #tpu.memory_space<vmem>> -> memref<128xi32, #tpu.memory_space<vmem>>
          %dma_start3A_594 = arith.constant 0 : i32
          %dma_start3A_595 = tpu.memref_slice %arg41[%dma_start3A_594] : memref<100352xf32, #tpu.memory_space<vmem_shared>> -> memref<100352xf32, #tpu.memory_space<vmem_shared>>
          tpu.enqueue_indirect_dma source(%dma_start3A_592 : memref<128xf32, #tpu.memory_space<vmem>>) target(%dma_start3A_595 : memref<100352xf32, #tpu.memory_space<vmem_shared>>) offsets(%dma_start3A_593 : memref<128xi32, #tpu.memory_space<vmem>>) semaphore(%arg49 : memref<!tpu.dma_semaphore, #tpu.memory_space<semaphore_mem>>) {add = true}
          %dma_start3A_596 = tpu.memref_slice %arg34[%mul3A_583] : memref<2048xf32, #tpu.memory_space<vmem>> -> memref<128xf32, #tpu.memory_space<vmem>>
          %dma_start3A_597 = tpu.memref_slice %arg12[%mul3A_583] : memref<2048xi32, #tpu.memory_space<vmem>> -> memref<128xi32, #tpu.memory_space<vmem>>
          %dma_start3A_598 = arith.constant 0 : i32
          %dma_start3A_599 = tpu.memref_slice %arg42[%dma_start3A_598] : memref<100352xf32, #tpu.memory_space<vmem_shared>> -> memref<100352xf32, #tpu.memory_space<vmem_shared>>
          tpu.enqueue_indirect_dma source(%dma_start3A_596 : memref<128xf32, #tpu.memory_space<vmem>>) target(%dma_start3A_599 : memref<100352xf32, #tpu.memory_space<vmem_shared>>) offsets(%dma_start3A_597 : memref<128xi32, #tpu.memory_space<vmem>>) semaphore(%arg49 : memref<!tpu.dma_semaphore, #tpu.memory_space<semaphore_mem>>) {add = true}
          %dma_start3A_600 = tpu.memref_slice %arg30[%add3A_587] : memref<2048xf32, #tpu.memory_space<vmem>> -> memref<128xf32, #tpu.memory_space<vmem>>
          %dma_start3A_601 = tpu.memref_slice %arg12[%add3A_587] : memref<2048xi32, #tpu.memory_space<vmem>> -> memref<128xi32, #tpu.memory_space<vmem>>
          %dma_start3A_602 = arith.constant 0 : i32
          %dma_start3A_603 = tpu.memref_slice %arg40[%dma_start3A_602] : memref<100352xf32, #tpu.memory_space<vmem_shared>> -> memref<100352xf32, #tpu.memory_space<vmem_shared>>
          tpu.enqueue_indirect_dma source(%dma_start3A_600 : memref<128xf32, #tpu.memory_space<vmem>>) target(%dma_start3A_603 : memref<100352xf32, #tpu.memory_space<vmem_shared>>) offsets(%dma_start3A_601 : memref<128xi32, #tpu.memory_space<vmem>>) semaphore(%arg49 : memref<!tpu.dma_semaphore, #tpu.memory_space<semaphore_mem>>) {add = true}
          %dma_start3A_604 = tpu.memref_slice %arg32[%add3A_587] : memref<2048xf32, #tpu.memory_space<vmem>> -> memref<128xf32, #tpu.memory_space<vmem>>
          %dma_start3A_605 = tpu.memref_slice %arg12[%add3A_587] : memref<2048xi32, #tpu.memory_space<vmem>> -> memref<128xi32, #tpu.memory_space<vmem>>
          %dma_start3A_606 = arith.constant 0 : i32
          %dma_start3A_607 = tpu.memref_slice %arg41[%dma_start3A_606] : memref<100352xf32, #tpu.memory_space<vmem_shared>> -> memref<100352xf32, #tpu.memory_space<vmem_shared>>
          tpu.enqueue_indirect_dma source(%dma_start3A_604 : memref<128xf32, #tpu.memory_space<vmem>>) target(%dma_start3A_607 : memref<100352xf32, #tpu.memory_space<vmem_shared>>) offsets(%dma_start3A_605 : memref<128xi32, #tpu.memory_space<vmem>>) semaphore(%arg49 : memref<!tpu.dma_semaphore, #tpu.memory_space<semaphore_mem>>) {add = true}
          %dma_start3A_608 = tpu.memref_slice %arg34[%add3A_587] : memref<2048xf32, #tpu.memory_space<vmem>> -> memref<128xf32, #tpu.memory_space<vmem>>
          %dma_start3A_609 = tpu.memref_slice %arg12[%add3A_587] : memref<2048xi32, #tpu.memory_space<vmem>> -> memref<128xi32, #tpu.memory_space<vmem>>
          %dma_start3A_610 = arith.constant 0 : i32
          %dma_start3A_611 = tpu.memref_slice %arg42[%dma_start3A_610] : memref<100352xf32, #tpu.memory_space<vmem_shared>> -> memref<100352xf32, #tpu.memory_space<vmem_shared>>
          tpu.enqueue_indirect_dma source(%dma_start3A_608 : memref<128xf32, #tpu.memory_space<vmem>>) target(%dma_start3A_611 : memref<100352xf32, #tpu.memory_space<vmem_shared>>) offsets(%dma_start3A_609 : memref<128xi32, #tpu.memory_space<vmem>>) semaphore(%arg49 : memref<!tpu.dma_semaphore, #tpu.memory_space<semaphore_mem>>) {add = true}
        } else {
        }
        %gt3A_576 = arith.constant 0.000000e+00 : f32
        %gt3A_577 = arith.cmpf ogt, %add3A_571, %gt3A_576 : f32
        %jit3A_578 = arith.constant 1 : i32
        %jit3A_579 = arith.constant 0 : i32
        %select_n3A_580 = arith.select %gt3A_577, %jit3A_578, %jit3A_579 : i32
        %add3A_581 = arith.addi %scan3A_518, %select_n3A_580 : i32
        scf.yield %scan3A_525#0, %scan3A_525#1, %scan3A_525#2, %scan3A_525#3, %scan3A_525#4, %scan3A_525#5, %scan3A_525#6, %scan3A_525#7, %add3A_581 : vector<16xf32>, vector<16xf32>, vector<16xf32>, vector<16xf32>, vector<16xf32>, vector<16xf32>, vector<16xf32>, vector<16xf32>, i32
      }
      %scan3A_274 = arith.constant 8 : i32
      %add3A_275 = arith.constant 1 : i32
      %add3A_276 = arith.addi %mul3A_201, %add3A_275 : i32
      %add3A_277 = arith.constant 1 : i32
      %add3A_278 = arith.addi %add3A_276, %add3A_277 : i32
      %mul3A_279 = arith.constant 1024 : i32
      %mul3A_280 = arith.muli %add3A_278, %mul3A_279 : i32
      %add3A_281 = arith.addi %mul3A_11, %mul3A_280 : i32
      %min3A_282 = arith.constant 3198976 : i32
      %min3A_283 = arith.minsi %add3A_281, %min3A_282 : i32
      %dma_wait3A_284 = arith.constant 0 : i32
      %dma_wait3A_285 = tpu.memref_slice %arg14[%dma_wait3A_284] : memref<2048xi32, #tpu.memory_space<vmem>> -> memref<1024xi32, #tpu.memory_space<vmem>>
      %dma_wait3A_286 = tpu.memref_slice %arg5[%min3A_283] : memref<3200000xi32, #tpu.memory_space<hbm>> -> memref<1024xi32, #tpu.memory_space<hbm>>
      %dma_wait3A_287 = arith.constant 0 : i32
      %dma_wait3A_288 = tpu.memref_slice %arg14[%dma_wait3A_287] : memref<2048xi32, #tpu.memory_space<vmem>> -> memref<1024xi32, #tpu.memory_space<vmem>>
      %dma_wait3A_289 = tpu.memref_slice %arg5[%min3A_283] : memref<3200000xi32, #tpu.memory_space<hbm>> -> memref<1024xi32, #tpu.memory_space<hbm>>
      tpu.wait_dma2 semaphore(%arg45 : memref<!tpu.dma_semaphore, #tpu.memory_space<semaphore_mem>>) src(%dma_wait3A_289 : memref<1024xi32, #tpu.memory_space<hbm>>) dst(%dma_wait3A_288 : memref<1024xi32, #tpu.memory_space<vmem>>)
      %dma_wait3A_290 = arith.constant 1024 : i32
      %dma_wait3A_291 = tpu.memref_slice %arg14[%dma_wait3A_290] : memref<2048xi32, #tpu.memory_space<vmem>> -> memref<1024xi32, #tpu.memory_space<vmem>>
      %dma_wait3A_292 = tpu.memref_slice %arg6[%min3A_283] : memref<3200000xi32, #tpu.memory_space<hbm>> -> memref<1024xi32, #tpu.memory_space<hbm>>
      %dma_wait3A_293 = arith.constant 1024 : i32
      %dma_wait3A_294 = tpu.memref_slice %arg14[%dma_wait3A_293] : memref<2048xi32, #tpu.memory_space<vmem>> -> memref<1024xi32, #tpu.memory_space<vmem>>
      %dma_wait3A_295 = tpu.memref_slice %arg6[%min3A_283] : memref<3200000xi32, #tpu.memory_space<hbm>> -> memref<1024xi32, #tpu.memory_space<hbm>>
      tpu.wait_dma2 semaphore(%arg45 : memref<!tpu.dma_semaphore, #tpu.memory_space<semaphore_mem>>) src(%dma_wait3A_295 : memref<1024xi32, #tpu.memory_space<hbm>>) dst(%dma_wait3A_294 : memref<1024xi32, #tpu.memory_space<vmem>>)
      %dma_wait3A_296 = tpu.memref_slice %arg7[%min3A_283] : memref<3200000xf32, #tpu.memory_space<hbm>> -> memref<1024xf32, #tpu.memory_space<hbm>>
      %dma_wait3A_297 = tpu.memref_slice %arg7[%min3A_283] : memref<3200000xf32, #tpu.memory_space<hbm>> -> memref<1024xf32, #tpu.memory_space<hbm>>
      tpu.wait_dma2 semaphore(%arg45 : memref<!tpu.dma_semaphore, #tpu.memory_space<semaphore_mem>>) src(%dma_wait3A_297 : memref<1024xf32, #tpu.memory_space<hbm>>) dst(%arg18 : memref<1024xf32, #tpu.memory_space<vmem>>)
      %dma_wait3A_298 = tpu.memref_slice %arg8[%min3A_283] : memref<3200000xf32, #tpu.memory_space<hbm>> -> memref<1024xf32, #tpu.memory_space<hbm>>
      %dma_wait3A_299 = tpu.memref_slice %arg8[%min3A_283] : memref<3200000xf32, #tpu.memory_space<hbm>> -> memref<1024xf32, #tpu.memory_space<hbm>>
      tpu.wait_dma2 semaphore(%arg45 : memref<!tpu.dma_semaphore, #tpu.memory_space<semaphore_mem>>) src(%dma_wait3A_299 : memref<1024xf32, #tpu.memory_space<hbm>>) dst(%arg22 : memref<1024xf32, #tpu.memory_space<vmem>>)
      %dma_start3A_300 = arith.constant 0 : i32
      %dma_start3A_301 = tpu.memref_slice %arg37[%dma_start3A_300] : memref<100352xf32, #tpu.memory_space<vmem_shared>> -> memref<100352xf32, #tpu.memory_space<vmem_shared>>
      tpu.enqueue_indirect_dma source(%dma_start3A_301 : memref<100352xf32, #tpu.memory_space<vmem_shared>>) target(%arg24 : memref<2048xf32, #tpu.memory_space<vmem>>) offsets(%arg14 : memref<2048xi32, #tpu.memory_space<vmem>>) semaphore(%arg47 : memref<!tpu.dma_semaphore, #tpu.memory_space<semaphore_mem>>)
      %dma_start3A_302 = arith.constant 0 : i32
      %dma_start3A_303 = tpu.memref_slice %arg38[%dma_start3A_302] : memref<100352xf32, #tpu.memory_space<vmem_shared>> -> memref<100352xf32, #tpu.memory_space<vmem_shared>>
      tpu.enqueue_indirect_dma source(%dma_start3A_303 : memref<100352xf32, #tpu.memory_space<vmem_shared>>) target(%arg26 : memref<2048xf32, #tpu.memory_space<vmem>>) offsets(%arg14 : memref<2048xi32, #tpu.memory_space<vmem>>) semaphore(%arg47 : memref<!tpu.dma_semaphore, #tpu.memory_space<semaphore_mem>>)
      %dma_start3A_304 = arith.constant 0 : i32
      %dma_start3A_305 = tpu.memref_slice %arg39[%dma_start3A_304] : memref<100352xf32, #tpu.memory_space<vmem_shared>> -> memref<100352xf32, #tpu.memory_space<vmem_shared>>
      tpu.enqueue_indirect_dma source(%dma_start3A_305 : memref<100352xf32, #tpu.memory_space<vmem_shared>>) target(%arg28 : memref<2048xf32, #tpu.memory_space<vmem>>) offsets(%arg14 : memref<2048xi32, #tpu.memory_space<vmem>>) semaphore(%arg47 : memref<!tpu.dma_semaphore, #tpu.memory_space<semaphore_mem>>)
      %ge3A_306 = arith.constant 2 : i32
      %ge3A_307 = arith.cmpi sge, %add3A_276, %ge3A_306 : i32
      %convert_element_type3A_308 = arith.extui %ge3A_307 : i1 to i32
      %cond3A_309 = arith.constant 0 : i32
      %cond3A_310 = arith.cmpi ne, %convert_element_type3A_308, %cond3A_309 : i32
      scf.if %cond3A_310 {
        %while3A_509 = arith.constant 0 : i32
        %while3A_510 = arith.constant 0 : i32
        %while3A_511 = arith.subi %scan3A_199, %while3A_510 : i32
        %while3A_512 = arith.addi %while3A_510, %while3A_511 : i32
        %while3A_513 = arith.constant 1 : i32
        %while3A_514 = arith.divsi %while3A_511, %while3A_513 : i32
        %while3A_515 = arith.muli %while3A_514, %while3A_513 : i32
        %while3A_516 = arith.addi %while3A_510, %while3A_515 : i32
        %while3A_517 = arith.constant 1 : i32
        scf.for %while3A_519 = %while3A_510 to %while3A_516 step %while3A_517  : i32 {
          %dma_wait3A_520 = arith.constant 0 : i32
          %dma_wait3A_521 = tpu.memref_slice %arg31[%dma_wait3A_520] : memref<2048xf32, #tpu.memory_space<vmem>> -> memref<128xf32, #tpu.memory_space<vmem>>
          %dma_wait3A_522 = arith.constant 0 : i32
          %dma_wait3A_523 = tpu.memref_slice %arg15[%dma_wait3A_522] : memref<2048xi32, #tpu.memory_space<vmem>> -> memref<128xi32, #tpu.memory_space<vmem>>
          %dma_wait3A_524 = arith.constant 0 : i32
          %dma_wait3A_525 = tpu.memref_slice %arg40[%dma_wait3A_524] : memref<100352xf32, #tpu.memory_space<vmem_shared>> -> memref<100352xf32, #tpu.memory_space<vmem_shared>>
          tpu.wait_indirect_dma semaphore(%arg50 : memref<!tpu.dma_semaphore, #tpu.memory_space<semaphore_mem>>) src(%dma_wait3A_521 : memref<128xf32, #tpu.memory_space<vmem>>) dst(%dma_wait3A_525 : memref<100352xf32, #tpu.memory_space<vmem_shared>>)
          %dma_wait3A_526 = arith.constant 0 : i32
          %dma_wait3A_527 = tpu.memref_slice %arg33[%dma_wait3A_526] : memref<2048xf32, #tpu.memory_space<vmem>> -> memref<128xf32, #tpu.memory_space<vmem>>
          %dma_wait3A_528 = arith.constant 0 : i32
          %dma_wait3A_529 = tpu.memref_slice %arg15[%dma_wait3A_528] : memref<2048xi32, #tpu.memory_space<vmem>> -> memref<128xi32, #tpu.memory_space<vmem>>
          %dma_wait3A_530 = arith.constant 0 : i32
          %dma_wait3A_531 = tpu.memref_slice %arg41[%dma_wait3A_530] : memref<100352xf32, #tpu.memory_space<vmem_shared>> -> memref<100352xf32, #tpu.memory_space<vmem_shared>>
          tpu.wait_indirect_dma semaphore(%arg50 : memref<!tpu.dma_semaphore, #tpu.memory_space<semaphore_mem>>) src(%dma_wait3A_527 : memref<128xf32, #tpu.memory_space<vmem>>) dst(%dma_wait3A_531 : memref<100352xf32, #tpu.memory_space<vmem_shared>>)
          %dma_wait3A_532 = arith.constant 0 : i32
          %dma_wait3A_533 = tpu.memref_slice %arg35[%dma_wait3A_532] : memref<2048xf32, #tpu.memory_space<vmem>> -> memref<128xf32, #tpu.memory_space<vmem>>
          %dma_wait3A_534 = arith.constant 0 : i32
          %dma_wait3A_535 = tpu.memref_slice %arg15[%dma_wait3A_534] : memref<2048xi32, #tpu.memory_space<vmem>> -> memref<128xi32, #tpu.memory_space<vmem>>
          %dma_wait3A_536 = arith.constant 0 : i32
          %dma_wait3A_537 = tpu.memref_slice %arg42[%dma_wait3A_536] : memref<100352xf32, #tpu.memory_space<vmem_shared>> -> memref<100352xf32, #tpu.memory_space<vmem_shared>>
          tpu.wait_indirect_dma semaphore(%arg50 : memref<!tpu.dma_semaphore, #tpu.memory_space<semaphore_mem>>) src(%dma_wait3A_533 : memref<128xf32, #tpu.memory_space<vmem>>) dst(%dma_wait3A_537 : memref<100352xf32, #tpu.memory_space<vmem_shared>>)
          %dma_wait3A_538 = arith.constant 1024 : i32
          %dma_wait3A_539 = tpu.memref_slice %arg31[%dma_wait3A_538] : memref<2048xf32, #tpu.memory_space<vmem>> -> memref<128xf32, #tpu.memory_space<vmem>>
          %dma_wait3A_540 = arith.constant 1024 : i32
          %dma_wait3A_541 = tpu.memref_slice %arg15[%dma_wait3A_540] : memref<2048xi32, #tpu.memory_space<vmem>> -> memref<128xi32, #tpu.memory_space<vmem>>
          %dma_wait3A_542 = arith.constant 0 : i32
          %dma_wait3A_543 = tpu.memref_slice %arg40[%dma_wait3A_542] : memref<100352xf32, #tpu.memory_space<vmem_shared>> -> memref<100352xf32, #tpu.memory_space<vmem_shared>>
          tpu.wait_indirect_dma semaphore(%arg50 : memref<!tpu.dma_semaphore, #tpu.memory_space<semaphore_mem>>) src(%dma_wait3A_539 : memref<128xf32, #tpu.memory_space<vmem>>) dst(%dma_wait3A_543 : memref<100352xf32, #tpu.memory_space<vmem_shared>>)
          %dma_wait3A_544 = arith.constant 1024 : i32
          %dma_wait3A_545 = tpu.memref_slice %arg33[%dma_wait3A_544] : memref<2048xf32, #tpu.memory_space<vmem>> -> memref<128xf32, #tpu.memory_space<vmem>>
          %dma_wait3A_546 = arith.constant 1024 : i32
          %dma_wait3A_547 = tpu.memref_slice %arg15[%dma_wait3A_546] : memref<2048xi32, #tpu.memory_space<vmem>> -> memref<128xi32, #tpu.memory_space<vmem>>
          %dma_wait3A_548 = arith.constant 0 : i32
          %dma_wait3A_549 = tpu.memref_slice %arg41[%dma_wait3A_548] : memref<100352xf32, #tpu.memory_space<vmem_shared>> -> memref<100352xf32, #tpu.memory_space<vmem_shared>>
          tpu.wait_indirect_dma semaphore(%arg50 : memref<!tpu.dma_semaphore, #tpu.memory_space<semaphore_mem>>) src(%dma_wait3A_545 : memref<128xf32, #tpu.memory_space<vmem>>) dst(%dma_wait3A_549 : memref<100352xf32, #tpu.memory_space<vmem_shared>>)
          %dma_wait3A_550 = arith.constant 1024 : i32
          %dma_wait3A_551 = tpu.memref_slice %arg35[%dma_wait3A_550] : memref<2048xf32, #tpu.memory_space<vmem>> -> memref<128xf32, #tpu.memory_space<vmem>>
          %dma_wait3A_552 = arith.constant 1024 : i32
          %dma_wait3A_553 = tpu.memref_slice %arg15[%dma_wait3A_552] : memref<2048xi32, #tpu.memory_space<vmem>> -> memref<128xi32, #tpu.memory_space<vmem>>
          %dma_wait3A_554 = arith.constant 0 : i32
          %dma_wait3A_555 = tpu.memref_slice %arg42[%dma_wait3A_554] : memref<100352xf32, #tpu.memory_space<vmem_shared>> -> memref<100352xf32, #tpu.memory_space<vmem_shared>>
          tpu.wait_indirect_dma semaphore(%arg50 : memref<!tpu.dma_semaphore, #tpu.memory_space<semaphore_mem>>) src(%dma_wait3A_551 : memref<128xf32, #tpu.memory_space<vmem>>) dst(%dma_wait3A_555 : memref<100352xf32, #tpu.memory_space<vmem_shared>>)
        }
        %while3A_518 = arith.constant 1 : i32
        scf.for %while3A_519 = %while3A_516 to %while3A_512 step %while3A_518  : i32 {
          %dma_wait3A_520 = arith.constant 0 : i32
          %dma_wait3A_521 = tpu.memref_slice %arg31[%dma_wait3A_520] : memref<2048xf32, #tpu.memory_space<vmem>> -> memref<128xf32, #tpu.memory_space<vmem>>
          %dma_wait3A_522 = arith.constant 0 : i32
          %dma_wait3A_523 = tpu.memref_slice %arg15[%dma_wait3A_522] : memref<2048xi32, #tpu.memory_space<vmem>> -> memref<128xi32, #tpu.memory_space<vmem>>
          %dma_wait3A_524 = arith.constant 0 : i32
          %dma_wait3A_525 = tpu.memref_slice %arg40[%dma_wait3A_524] : memref<100352xf32, #tpu.memory_space<vmem_shared>> -> memref<100352xf32, #tpu.memory_space<vmem_shared>>
          tpu.wait_indirect_dma semaphore(%arg50 : memref<!tpu.dma_semaphore, #tpu.memory_space<semaphore_mem>>) src(%dma_wait3A_521 : memref<128xf32, #tpu.memory_space<vmem>>) dst(%dma_wait3A_525 : memref<100352xf32, #tpu.memory_space<vmem_shared>>)
          %dma_wait3A_526 = arith.constant 0 : i32
          %dma_wait3A_527 = tpu.memref_slice %arg33[%dma_wait3A_526] : memref<2048xf32, #tpu.memory_space<vmem>> -> memref<128xf32, #tpu.memory_space<vmem>>
          %dma_wait3A_528 = arith.constant 0 : i32
          %dma_wait3A_529 = tpu.memref_slice %arg15[%dma_wait3A_528] : memref<2048xi32, #tpu.memory_space<vmem>> -> memref<128xi32, #tpu.memory_space<vmem>>
          %dma_wait3A_530 = arith.constant 0 : i32
          %dma_wait3A_531 = tpu.memref_slice %arg41[%dma_wait3A_530] : memref<100352xf32, #tpu.memory_space<vmem_shared>> -> memref<100352xf32, #tpu.memory_space<vmem_shared>>
          tpu.wait_indirect_dma semaphore(%arg50 : memref<!tpu.dma_semaphore, #tpu.memory_space<semaphore_mem>>) src(%dma_wait3A_527 : memref<128xf32, #tpu.memory_space<vmem>>) dst(%dma_wait3A_531 : memref<100352xf32, #tpu.memory_space<vmem_shared>>)
          %dma_wait3A_532 = arith.constant 0 : i32
          %dma_wait3A_533 = tpu.memref_slice %arg35[%dma_wait3A_532] : memref<2048xf32, #tpu.memory_space<vmem>> -> memref<128xf32, #tpu.memory_space<vmem>>
          %dma_wait3A_534 = arith.constant 0 : i32
          %dma_wait3A_535 = tpu.memref_slice %arg15[%dma_wait3A_534] : memref<2048xi32, #tpu.memory_space<vmem>> -> memref<128xi32, #tpu.memory_space<vmem>>
          %dma_wait3A_536 = arith.constant 0 : i32
          %dma_wait3A_537 = tpu.memref_slice %arg42[%dma_wait3A_536] : memref<100352xf32, #tpu.memory_space<vmem_shared>> -> memref<100352xf32, #tpu.memory_space<vmem_shared>>
          tpu.wait_indirect_dma semaphore(%arg50 : memref<!tpu.dma_semaphore, #tpu.memory_space<semaphore_mem>>) src(%dma_wait3A_533 : memref<128xf32, #tpu.memory_space<vmem>>) dst(%dma_wait3A_537 : memref<100352xf32, #tpu.memory_space<vmem_shared>>)
          %dma_wait3A_538 = arith.constant 1024 : i32
          %dma_wait3A_539 = tpu.memref_slice %arg31[%dma_wait3A_538] : memref<2048xf32, #tpu.memory_space<vmem>> -> memref<128xf32, #tpu.memory_space<vmem>>
          %dma_wait3A_540 = arith.constant 1024 : i32
          %dma_wait3A_541 = tpu.memref_slice %arg15[%dma_wait3A_540] : memref<2048xi32, #tpu.memory_space<vmem>> -> memref<128xi32, #tpu.memory_space<vmem>>
          %dma_wait3A_542 = arith.constant 0 : i32
          %dma_wait3A_543 = tpu.memref_slice %arg40[%dma_wait3A_542] : memref<100352xf32, #tpu.memory_space<vmem_shared>> -> memref<100352xf32, #tpu.memory_space<vmem_shared>>
          tpu.wait_indirect_dma semaphore(%arg50 : memref<!tpu.dma_semaphore, #tpu.memory_space<semaphore_mem>>) src(%dma_wait3A_539 : memref<128xf32, #tpu.memory_space<vmem>>) dst(%dma_wait3A_543 : memref<100352xf32, #tpu.memory_space<vmem_shared>>)
          %dma_wait3A_544 = arith.constant 1024 : i32
          %dma_wait3A_545 = tpu.memref_slice %arg33[%dma_wait3A_544] : memref<2048xf32, #tpu.memory_space<vmem>> -> memref<128xf32, #tpu.memory_space<vmem>>
          %dma_wait3A_546 = arith.constant 1024 : i32
          %dma_wait3A_547 = tpu.memref_slice %arg15[%dma_wait3A_546] : memref<2048xi32, #tpu.memory_space<vmem>> -> memref<128xi32, #tpu.memory_space<vmem>>
          %dma_wait3A_548 = arith.constant 0 : i32
          %dma_wait3A_549 = tpu.memref_slice %arg41[%dma_wait3A_548] : memref<100352xf32, #tpu.memory_space<vmem_shared>> -> memref<100352xf32, #tpu.memory_space<vmem_shared>>
          tpu.wait_indirect_dma semaphore(%arg50 : memref<!tpu.dma_semaphore, #tpu.memory_space<semaphore_mem>>) src(%dma_wait3A_545 : memref<128xf32, #tpu.memory_space<vmem>>) dst(%dma_wait3A_549 : memref<100352xf32, #tpu.memory_space<vmem_shared>>)
          %dma_wait3A_550 = arith.constant 1024 : i32
          %dma_wait3A_551 = tpu.memref_slice %arg35[%dma_wait3A_550] : memref<2048xf32, #tpu.memory_space<vmem>> -> memref<128xf32, #tpu.memory_space<vmem>>
          %dma_wait3A_552 = arith.constant 1024 : i32
          %dma_wait3A_553 = tpu.memref_slice %arg15[%dma_wait3A_552] : memref<2048xi32, #tpu.memory_space<vmem>> -> memref<128xi32, #tpu.memory_space<vmem>>
          %dma_wait3A_554 = arith.constant 0 : i32
          %dma_wait3A_555 = tpu.memref_slice %arg42[%dma_wait3A_554] : memref<100352xf32, #tpu.memory_space<vmem_shared>> -> memref<100352xf32, #tpu.memory_space<vmem_shared>>
          tpu.wait_indirect_dma semaphore(%arg50 : memref<!tpu.dma_semaphore, #tpu.memory_space<semaphore_mem>>) src(%dma_wait3A_551 : memref<128xf32, #tpu.memory_space<vmem>>) dst(%dma_wait3A_555 : memref<100352xf32, #tpu.memory_space<vmem_shared>>)
        }
      } else {
      }
      %add3A_311 = arith.constant 2 : i32
      %add3A_312 = arith.addi %add3A_276, %add3A_311 : i32
      %mul3A_313 = arith.constant 1024 : i32
      %mul3A_314 = arith.muli %add3A_312, %mul3A_313 : i32
      %add3A_315 = arith.addi %mul3A_11, %mul3A_314 : i32
      %min3A_316 = arith.constant 3198976 : i32
      %min3A_317 = arith.minsi %add3A_315, %min3A_316 : i32
      %dma_start3A_318 = arith.constant 0 : i32
      %dma_start3A_319 = tpu.memref_slice %arg15[%dma_start3A_318] : memref<2048xi32, #tpu.memory_space<vmem>> -> memref<1024xi32, #tpu.memory_space<vmem>>
      %dma_start3A_320 = tpu.memref_slice %arg5[%min3A_317] : memref<3200000xi32, #tpu.memory_space<hbm>> -> memref<1024xi32, #tpu.memory_space<hbm>>
      %dma_start3A_321 = arith.constant 0 : i32
      %dma_start3A_322 = tpu.memref_slice %arg15[%dma_start3A_321] : memref<2048xi32, #tpu.memory_space<vmem>> -> memref<1024xi32, #tpu.memory_space<vmem>>
      %dma_start3A_323 = tpu.memref_slice %arg5[%min3A_317] : memref<3200000xi32, #tpu.memory_space<hbm>> -> memref<1024xi32, #tpu.memory_space<hbm>>
      tpu.enqueue_dma source(%dma_start3A_323 : memref<1024xi32, #tpu.memory_space<hbm>>) target(%dma_start3A_322 : memref<1024xi32, #tpu.memory_space<vmem>>) target_semaphore(%arg46 : memref<!tpu.dma_semaphore, #tpu.memory_space<semaphore_mem>>)
      %dma_start3A_324 = arith.constant 1024 : i32
      %dma_start3A_325 = tpu.memref_slice %arg15[%dma_start3A_324] : memref<2048xi32, #tpu.memory_space<vmem>> -> memref<1024xi32, #tpu.memory_space<vmem>>
      %dma_start3A_326 = tpu.memref_slice %arg6[%min3A_317] : memref<3200000xi32, #tpu.memory_space<hbm>> -> memref<1024xi32, #tpu.memory_space<hbm>>
      %dma_start3A_327 = arith.constant 1024 : i32
      %dma_start3A_328 = tpu.memref_slice %arg15[%dma_start3A_327] : memref<2048xi32, #tpu.memory_space<vmem>> -> memref<1024xi32, #tpu.memory_space<vmem>>
      %dma_start3A_329 = tpu.memref_slice %arg6[%min3A_317] : memref<3200000xi32, #tpu.memory_space<hbm>> -> memref<1024xi32, #tpu.memory_space<hbm>>
      tpu.enqueue_dma source(%dma_start3A_329 : memref<1024xi32, #tpu.memory_space<hbm>>) target(%dma_start3A_328 : memref<1024xi32, #tpu.memory_space<vmem>>) target_semaphore(%arg46 : memref<!tpu.dma_semaphore, #tpu.memory_space<semaphore_mem>>)
      %dma_start3A_330 = tpu.memref_slice %arg7[%min3A_317] : memref<3200000xf32, #tpu.memory_space<hbm>> -> memref<1024xf32, #tpu.memory_space<hbm>>
      %dma_start3A_331 = tpu.memref_slice %arg7[%min3A_317] : memref<3200000xf32, #tpu.memory_space<hbm>> -> memref<1024xf32, #tpu.memory_space<hbm>>
      tpu.enqueue_dma source(%dma_start3A_331 : memref<1024xf32, #tpu.memory_space<hbm>>) target(%arg19 : memref<1024xf32, #tpu.memory_space<vmem>>) target_semaphore(%arg46 : memref<!tpu.dma_semaphore, #tpu.memory_space<semaphore_mem>>)
      %dma_start3A_332 = tpu.memref_slice %arg8[%min3A_317] : memref<3200000xf32, #tpu.memory_space<hbm>> -> memref<1024xf32, #tpu.memory_space<hbm>>
      %dma_start3A_333 = tpu.memref_slice %arg8[%min3A_317] : memref<3200000xf32, #tpu.memory_space<hbm>> -> memref<1024xf32, #tpu.memory_space<hbm>>
      tpu.enqueue_dma source(%dma_start3A_333 : memref<1024xf32, #tpu.memory_space<hbm>>) target(%arg23 : memref<1024xf32, #tpu.memory_space<vmem>>) target_semaphore(%arg46 : memref<!tpu.dma_semaphore, #tpu.memory_space<semaphore_mem>>)
      %dma_wait3A_334 = arith.constant 0 : i32
      %dma_wait3A_335 = tpu.memref_slice %arg37[%dma_wait3A_334] : memref<100352xf32, #tpu.memory_space<vmem_shared>> -> memref<100352xf32, #tpu.memory_space<vmem_shared>>
      tpu.wait_indirect_dma semaphore(%arg48 : memref<!tpu.dma_semaphore, #tpu.memory_space<semaphore_mem>>) src(%dma_wait3A_335 : memref<100352xf32, #tpu.memory_space<vmem_shared>>) dst(%arg25 : memref<2048xf32, #tpu.memory_space<vmem>>)
      %dma_wait3A_336 = arith.constant 0 : i32
      %dma_wait3A_337 = tpu.memref_slice %arg38[%dma_wait3A_336] : memref<100352xf32, #tpu.memory_space<vmem_shared>> -> memref<100352xf32, #tpu.memory_space<vmem_shared>>
      tpu.wait_indirect_dma semaphore(%arg48 : memref<!tpu.dma_semaphore, #tpu.memory_space<semaphore_mem>>) src(%dma_wait3A_337 : memref<100352xf32, #tpu.memory_space<vmem_shared>>) dst(%arg27 : memref<2048xf32, #tpu.memory_space<vmem>>)
      %dma_wait3A_338 = arith.constant 0 : i32
      %dma_wait3A_339 = tpu.memref_slice %arg39[%dma_wait3A_338] : memref<100352xf32, #tpu.memory_space<vmem_shared>> -> memref<100352xf32, #tpu.memory_space<vmem_shared>>
      tpu.wait_indirect_dma semaphore(%arg48 : memref<!tpu.dma_semaphore, #tpu.memory_space<semaphore_mem>>) src(%dma_wait3A_339 : memref<100352xf32, #tpu.memory_space<vmem_shared>>) dst(%arg29 : memref<2048xf32, #tpu.memory_space<vmem>>)
      %lt3A_340 = arith.cmpi slt, %add3A_276, %select_n3A : i32
      %jit3A_341 = arith.constant 1.000000e+00 : f32
      %jit3A_342 = arith.constant 0.000000e+00 : f32
      %select_n3A_343 = arith.select %lt3A_340, %jit3A_341, %jit3A_342 : f32
      %add3A_344 = vector.broadcast %select_n3A_343 : f32 to vector<16xf32>
      %add3A_345 = arith.addf %broadcast_in_dim3A_3, %add3A_344 : vector<16xf32>
      %scan3A_346 = arith.constant 0 : i32
      %scan3A_347 = arith.constant 0 : i32
      %scan3A_348 = arith.constant 8 : i32
      %scan3A_349 = arith.addi %scan3A_347, %scan3A_348 : i32
      %scan3A_350 = arith.constant 1 : i32
      %scan3A_351:9 = scf.for %scan3A_509 = %scan3A_347 to %scan3A_349 step %scan3A_350 iter_args(%scan3A_510 = %scan3A_273#0, %scan3A_511 = %scan3A_273#1, %scan3A_512 = %scan3A_273#2, %scan3A_513 = %scan3A_273#3, %scan3A_514 = %scan3A_273#4, %scan3A_515 = %scan3A_273#5, %scan3A_516 = %scan3A_273#6, %scan3A_517 = %scan3A_273#7, %scan3A_518 = %scan3A_346) -> (vector<16xf32>, vector<16xf32>, vector<16xf32>, vector<16xf32>, vector<16xf32>, vector<16xf32>, vector<16xf32>, vector<16xf32>, i32)  : i32 {
        %broadcast_in_dim3A_519 = arith.constant 0.000000e+00 : f32
        %broadcast_in_dim3A_520 = vector.broadcast %broadcast_in_dim3A_519 : f32 to vector<16xf32>
        %scan3A_521 = arith.constant 0 : i32
        %scan3A_522 = arith.constant 8 : i32
        %scan3A_523 = arith.addi %scan3A_521, %scan3A_522 : i32
        %scan3A_524 = arith.constant 1 : i32
        %scan3A_525:9 = scf.for %scan3A_582 = %scan3A_521 to %scan3A_523 step %scan3A_524 iter_args(%scan3A_583 = %scan3A_510, %scan3A_584 = %scan3A_511, %scan3A_585 = %scan3A_512, %scan3A_586 = %scan3A_513, %scan3A_587 = %scan3A_514, %scan3A_588 = %scan3A_515, %scan3A_589 = %scan3A_516, %scan3A_590 = %scan3A_517, %scan3A_591 = %broadcast_in_dim3A_520) -> (vector<16xf32>, vector<16xf32>, vector<16xf32>, vector<16xf32>, vector<16xf32>, vector<16xf32>, vector<16xf32>, vector<16xf32>, vector<16xf32>)  : i32 {
          %mul3A_592 = arith.constant 8 : i32
          %mul3A_593 = arith.muli %scan3A_509, %mul3A_592 : i32
          %add3A_594 = arith.addi %mul3A_593, %scan3A_582 : i32
          %mul3A_595 = arith.constant 16 : i32
          %mul3A_596 = arith.muli %add3A_594, %mul3A_595 : i32
          %mul3A_597 = arith.constant 16 : i32
          %mul3A_598 = arith.muli %add3A_594, %mul3A_597 : i32
          %add3A_599 = arith.constant 1024 : i32
          %add3A_600 = arith.addi %add3A_599, %mul3A_598 : i32
          %get3A = arith.index_cast %mul3A_596 : i32 to index
          %get3A_601 = tpu.vector_load %arg25[%get3A] {strides = array<i32>} : memref<2048xf32, #tpu.memory_space<vmem>>, vector<16xf32>,
          %get3A_602 = vector.shape_cast %get3A_601 : vector<16xf32> to vector<16xf32>
          %get3A_603 = arith.index_cast %add3A_600 : i32 to index
          %get3A_604 = tpu.vector_load %arg25[%get3A_603] {strides = array<i32>} : memref<2048xf32, #tpu.memory_space<vmem>>, vector<16xf32>,
          %get3A_605 = vector.shape_cast %get3A_604 : vector<16xf32> to vector<16xf32>
          %sub3A = arith.subf %get3A_602, %get3A_605 : vector<16xf32>
          %mul3A_606 = arith.constant 2.500000e-02 : f32
          %mul3A_607 = vector.broadcast %mul3A_606 : f32 to vector<16xf32>
          %mul3A_608 = arith.mulf %sub3A, %mul3A_607 : vector<16xf32>
          %add3A_609 = arith.constant 0x4B400000 : f32
          %add3A_610 = vector.broadcast %add3A_609 : f32 to vector<16xf32>
          %add3A_611 = arith.addf %mul3A_608, %add3A_610 : vector<16xf32>
          %sub3A_612 = arith.constant 0x4B400000 : f32
          %sub3A_613 = vector.broadcast %sub3A_612 : f32 to vector<16xf32>
          %sub3A_614 = arith.subf %add3A_611, %sub3A_613 : vector<16xf32>
          %mul3A_615 = arith.constant 4.000000e+01 : f32
          %mul3A_616 = vector.broadcast %mul3A_615 : f32 to vector<16xf32>
          %mul3A_617 = arith.mulf %mul3A_616, %sub3A_614 : vector<16xf32>
          %sub3A_618 = arith.subf %sub3A, %mul3A_617 : vector<16xf32>
          %get3A_619 = arith.index_cast %mul3A_596 : i32 to index
          %get3A_620 = tpu.vector_load %arg27[%get3A_619] {strides = array<i32>} : memref<2048xf32, #tpu.memory_space<vmem>>, vector<16xf32>,
          %get3A_621 = vector.shape_cast %get3A_620 : vector<16xf32> to vector<16xf32>
          %get3A_622 = arith.index_cast %add3A_600 : i32 to index
          %get3A_623 = tpu.vector_load %arg27[%get3A_622] {strides = array<i32>} : memref<2048xf32, #tpu.memory_space<vmem>>, vector<16xf32>,
          %get3A_624 = vector.shape_cast %get3A_623 : vector<16xf32> to vector<16xf32>
          %sub3A_625 = arith.subf %get3A_621, %get3A_624 : vector<16xf32>
          %mul3A_626 = arith.constant 2.500000e-02 : f32
          %mul3A_627 = vector.broadcast %mul3A_626 : f32 to vector<16xf32>
          %mul3A_628 = arith.mulf %sub3A_625, %mul3A_627 : vector<16xf32>
          %add3A_629 = arith.constant 0x4B400000 : f32
          %add3A_630 = vector.broadcast %add3A_629 : f32 to vector<16xf32>
          %add3A_631 = arith.addf %mul3A_628, %add3A_630 : vector<16xf32>
          %sub3A_632 = arith.constant 0x4B400000 : f32
          %sub3A_633 = vector.broadcast %sub3A_632 : f32 to vector<16xf32>
          %sub3A_634 = arith.subf %add3A_631, %sub3A_633 : vector<16xf32>
          %mul3A_635 = arith.constant 4.000000e+01 : f32
          %mul3A_636 = vector.broadcast %mul3A_635 : f32 to vector<16xf32>
          %mul3A_637 = arith.mulf %mul3A_636, %sub3A_634 : vector<16xf32>
          %sub3A_638 = arith.subf %sub3A_625, %mul3A_637 : vector<16xf32>
          %get3A_639 = arith.index_cast %mul3A_596 : i32 to index
          %get3A_640 = tpu.vector_load %arg29[%get3A_639] {strides = array<i32>} : memref<2048xf32, #tpu.memory_space<vmem>>, vector<16xf32>,
          %get3A_641 = vector.shape_cast %get3A_640 : vector<16xf32> to vector<16xf32>
          %get3A_642 = arith.index_cast %add3A_600 : i32 to index
          %get3A_643 = tpu.vector_load %arg29[%get3A_642] {strides = array<i32>} : memref<2048xf32, #tpu.memory_space<vmem>>, vector<16xf32>,
          %get3A_644 = vector.shape_cast %get3A_643 : vector<16xf32> to vector<16xf32>
          %sub3A_645 = arith.subf %get3A_641, %get3A_644 : vector<16xf32>
          %mul3A_646 = arith.constant 2.500000e-02 : f32
          %mul3A_647 = vector.broadcast %mul3A_646 : f32 to vector<16xf32>
          %mul3A_648 = arith.mulf %sub3A_645, %mul3A_647 : vector<16xf32>
          %add3A_649 = arith.constant 0x4B400000 : f32
          %add3A_650 = vector.broadcast %add3A_649 : f32 to vector<16xf32>
          %add3A_651 = arith.addf %mul3A_648, %add3A_650 : vector<16xf32>
          %sub3A_652 = arith.constant 0x4B400000 : f32
          %sub3A_653 = vector.broadcast %sub3A_652 : f32 to vector<16xf32>
          %sub3A_654 = arith.subf %add3A_651, %sub3A_653 : vector<16xf32>
          %mul3A_655 = arith.constant 4.000000e+01 : f32
          %mul3A_656 = vector.broadcast %mul3A_655 : f32 to vector<16xf32>
          %mul3A_657 = arith.mulf %mul3A_656, %sub3A_654 : vector<16xf32>
          %sub3A_658 = arith.subf %sub3A_645, %mul3A_657 : vector<16xf32>
          %mul3A_659 = arith.mulf %sub3A_618, %sub3A_618 : vector<16xf32>
          %mul3A_660 = arith.mulf %sub3A_638, %sub3A_638 : vector<16xf32>
          %add3A_661 = arith.addf %mul3A_659, %mul3A_660 : vector<16xf32>
          %mul3A_662 = arith.mulf %sub3A_658, %sub3A_658 : vector<16xf32>
          %add3A_663 = arith.addf %add3A_661, %mul3A_662 : vector<16xf32>
          %max3A = arith.constant 1.000000e-24 : f32
          %max3A_664 = vector.broadcast %max3A : f32 to vector<16xf32>
          %max3A_665 = arith.maximumf %add3A_663, %max3A_664 : vector<16xf32>
          %div3A = arith.constant 1.000000e+00 : f32
          %div3A_666 = vector.broadcast %div3A : f32 to vector<16xf32>
          %div3A_667 = arith.divf %div3A_666, %max3A_665 : vector<16xf32>
          %get3A_668 = arith.index_cast %mul3A_596 : i32 to index
          %get3A_669 = tpu.vector_load %arg17[%get3A_668] {strides = array<i32>} : memref<1024xf32, #tpu.memory_space<vmem>>, vector<16xf32>,
          %get3A_670 = vector.shape_cast %get3A_669 : vector<16xf32> to vector<16xf32>
          %mul3A_671 = arith.mulf %get3A_670, %add3A_345 : vector<16xf32>
          %get3A_672 = arith.index_cast %mul3A_596 : i32 to index
          %get3A_673 = tpu.vector_load %arg21[%get3A_672] {strides = array<i32>} : memref<1024xf32, #tpu.memory_space<vmem>>, vector<16xf32>,
          %get3A_674 = vector.shape_cast %get3A_673 : vector<16xf32> to vector<16xf32>
          %mul3A_675 = arith.mulf %get3A_674, %add3A_345 : vector<16xf32>
          %mul3A_676 = arith.mulf %mul3A_675, %mul3A_675 : vector<16xf32>
          %mul3A_677 = arith.mulf %mul3A_676, %div3A_667 : vector<16xf32>
          %mul3A_678 = arith.mulf %mul3A_677, %mul3A_677 : vector<16xf32>
          %mul3A_679 = arith.mulf %mul3A_678, %mul3A_677 : vector<16xf32>
          %mul3A_680 = arith.mulf %mul3A_679, %mul3A_679 : vector<16xf32>
          %add3A_681 = arith.addf %mul3A_680, %mul3A_680 : vector<16xf32>
          %sub3A_682 = arith.subf %add3A_681, %mul3A_679 : vector<16xf32>
          %mul3A_683 = arith.constant 2.400000e+01 : f32
          %mul3A_684 = vector.broadcast %mul3A_683 : f32 to vector<16xf32>
          %mul3A_685 = arith.mulf %mul3A_684, %mul3A_671 : vector<16xf32>
          %mul3A_686 = arith.mulf %mul3A_685, %sub3A_682 : vector<16xf32>
          %mul3A_687 = arith.mulf %mul3A_686, %div3A_667 : vector<16xf32>
          %lt3A_688 = arith.constant 6.250000e+00 : f32
          %lt3A_689 = vector.broadcast %lt3A_688 : f32 to vector<16xf32>
          %lt3A_690 = arith.cmpf olt, %max3A_665, %lt3A_689 : vector<16xf32>
          %mul3A_691 = arith.constant 4.000000e+00 : f32
          %mul3A_692 = vector.broadcast %mul3A_691 : f32 to vector<16xf32>
          %mul3A_693 = arith.mulf %mul3A_692, %mul3A_671 : vector<16xf32>
          %sub3A_694 = arith.subf %mul3A_680, %mul3A_679 : vector<16xf32>
          %mul3A_695 = arith.mulf %mul3A_693, %sub3A_694 : vector<16xf32>
          %select_n3A_696 = arith.select %lt3A_690, %mul3A_695, %broadcast_in_dim3A_3 : vector<16xi1>, vector<16xf32>
          %add3A_697 = arith.addf %scan3A_583, %select_n3A_696 : vector<16xf32>
          %mul3A_698 = arith.mulf %mul3A_685, %sub3A_682 : vector<16xf32>
          %select_n3A_699 = arith.select %lt3A_690, %mul3A_698, %broadcast_in_dim3A_3 : vector<16xi1>, vector<16xf32>
          %add3A_700 = arith.addf %scan3A_584, %select_n3A_699 : vector<16xf32>
          %mul3A_701 = arith.mulf %mul3A_687, %sub3A_618 : vector<16xf32>
          %mul3A_702 = arith.mulf %mul3A_687, %sub3A_638 : vector<16xf32>
          %mul3A_703 = arith.mulf %mul3A_687, %sub3A_658 : vector<16xf32>
          %mul3A_704 = arith.mulf %mul3A_701, %sub3A_618 : vector<16xf32>
          %add3A_705 = arith.addf %scan3A_585, %mul3A_704 : vector<16xf32>
          %mul3A_706 = arith.mulf %mul3A_701, %sub3A_638 : vector<16xf32>
          %add3A_707 = arith.addf %scan3A_586, %mul3A_706 : vector<16xf32>
          %mul3A_708 = arith.mulf %mul3A_701, %sub3A_658 : vector<16xf32>
          %add3A_709 = arith.addf %scan3A_587, %mul3A_708 : vector<16xf32>
          %mul3A_710 = arith.mulf %mul3A_702, %sub3A_638 : vector<16xf32>
          %add3A_711 = arith.addf %scan3A_588, %mul3A_710 : vector<16xf32>
          %mul3A_712 = arith.mulf %mul3A_702, %sub3A_658 : vector<16xf32>
          %add3A_713 = arith.addf %scan3A_589, %mul3A_712 : vector<16xf32>
          %mul3A_714 = arith.mulf %mul3A_703, %sub3A_658 : vector<16xf32>
          %add3A_715 = arith.addf %scan3A_590, %mul3A_714 : vector<16xf32>
          %select_n3A_716 = arith.select %lt3A_690, %mul3A_701, %broadcast_in_dim3A_3 : vector<16xi1>, vector<16xf32>
          %select_n3A_717 = arith.select %lt3A_690, %mul3A_702, %broadcast_in_dim3A_3 : vector<16xi1>, vector<16xf32>
          %select_n3A_718 = arith.select %lt3A_690, %mul3A_703, %broadcast_in_dim3A_3 : vector<16xi1>, vector<16xf32>
          %jit3A_719 = arith.constant 1.000000e+00 : f32
          %broadcast_in_dim3A_720 = vector.broadcast %jit3A_719 : f32 to vector<16xf32>
          %select_n3A_721 = arith.select %lt3A_690, %broadcast_in_dim3A_720, %broadcast_in_dim3A_3 : vector<16xi1>, vector<16xf32>
          %add3A_722 = arith.addf %scan3A_591, %select_n3A_721 : vector<16xf32>
          %swap3A_723 = arith.index_cast %mul3A_596 : i32 to index
          %swap3A_724 = tpu.vector_load %arg31[%swap3A_723] {strides = array<i32>} : memref<2048xf32, #tpu.memory_space<vmem>>, vector<16xf32>,
          %swap3A_725 = vector.shape_cast %swap3A_724 : vector<16xf32> to vector<16xf32>
          %swap3A_726 = vector.shape_cast %select_n3A_716 : vector<16xf32> to vector<16xf32>
          tpu.vector_store %arg31[%swap3A_723], %swap3A_726 {strides = array<i32>} : memref<2048xf32, #tpu.memory_space<vmem>>, vector<16xf32>,
          %swap3A_727 = arith.index_cast %mul3A_596 : i32 to index
          %swap3A_728 = tpu.vector_load %arg33[%swap3A_727] {strides = array<i32>} : memref<2048xf32, #tpu.memory_space<vmem>>, vector<16xf32>,
          %swap3A_729 = vector.shape_cast %swap3A_728 : vector<16xf32> to vector<16xf32>
          %swap3A_730 = vector.shape_cast %select_n3A_717 : vector<16xf32> to vector<16xf32>
          tpu.vector_store %arg33[%swap3A_727], %swap3A_730 {strides = array<i32>} : memref<2048xf32, #tpu.memory_space<vmem>>, vector<16xf32>,
          %swap3A_731 = arith.index_cast %mul3A_596 : i32 to index
          %swap3A_732 = tpu.vector_load %arg35[%swap3A_731] {strides = array<i32>} : memref<2048xf32, #tpu.memory_space<vmem>>, vector<16xf32>,
          %swap3A_733 = vector.shape_cast %swap3A_732 : vector<16xf32> to vector<16xf32>
          %swap3A_734 = vector.shape_cast %select_n3A_718 : vector<16xf32> to vector<16xf32>
          tpu.vector_store %arg35[%swap3A_731], %swap3A_734 {strides = array<i32>} : memref<2048xf32, #tpu.memory_space<vmem>>, vector<16xf32>,
          %neg3A = arith.constant 0.000000e+00 : f32
          %neg3A_735 = vector.broadcast %neg3A : f32 to vector<16xf32>
          %neg3A_736 = arith.subf %neg3A_735, %select_n3A_716 : vector<16xf32>
          %swap3A_737 = arith.index_cast %add3A_600 : i32 to index
          %swap3A_738 = tpu.vector_load %arg31[%swap3A_737] {strides = array<i32>} : memref<2048xf32, #tpu.memory_space<vmem>>, vector<16xf32>,
          %swap3A_739 = vector.shape_cast %swap3A_738 : vector<16xf32> to vector<16xf32>
          %swap3A_740 = vector.shape_cast %neg3A_736 : vector<16xf32> to vector<16xf32>
          tpu.vector_store %arg31[%swap3A_737], %swap3A_740 {strides = array<i32>} : memref<2048xf32, #tpu.memory_space<vmem>>, vector<16xf32>,
          %neg3A_741 = arith.constant 0.000000e+00 : f32
          %neg3A_742 = vector.broadcast %neg3A_741 : f32 to vector<16xf32>
          %neg3A_743 = arith.subf %neg3A_742, %select_n3A_717 : vector<16xf32>
          %swap3A_744 = arith.index_cast %add3A_600 : i32 to index
          %swap3A_745 = tpu.vector_load %arg33[%swap3A_744] {strides = array<i32>} : memref<2048xf32, #tpu.memory_space<vmem>>, vector<16xf32>,
          %swap3A_746 = vector.shape_cast %swap3A_745 : vector<16xf32> to vector<16xf32>
          %swap3A_747 = vector.shape_cast %neg3A_743 : vector<16xf32> to vector<16xf32>
          tpu.vector_store %arg33[%swap3A_744], %swap3A_747 {strides = array<i32>} : memref<2048xf32, #tpu.memory_space<vmem>>, vector<16xf32>,
          %neg3A_748 = arith.constant 0.000000e+00 : f32
          %neg3A_749 = vector.broadcast %neg3A_748 : f32 to vector<16xf32>
          %neg3A_750 = arith.subf %neg3A_749, %select_n3A_718 : vector<16xf32>
          %swap3A_751 = arith.index_cast %add3A_600 : i32 to index
          %swap3A_752 = tpu.vector_load %arg35[%swap3A_751] {strides = array<i32>} : memref<2048xf32, #tpu.memory_space<vmem>>, vector<16xf32>,
          %swap3A_753 = vector.shape_cast %swap3A_752 : vector<16xf32> to vector<16xf32>
          %swap3A_754 = vector.shape_cast %neg3A_750 : vector<16xf32> to vector<16xf32>
          tpu.vector_store %arg35[%swap3A_751], %swap3A_754 {strides = array<i32>} : memref<2048xf32, #tpu.memory_space<vmem>>, vector<16xf32>,
          scf.yield %add3A_697, %add3A_700, %add3A_705, %add3A_707, %add3A_709, %add3A_711, %add3A_713, %add3A_715, %add3A_722 : vector<16xf32>, vector<16xf32>, vector<16xf32>, vector<16xf32>, vector<16xf32>, vector<16xf32>, vector<16xf32>, vector<16xf32>, vector<16xf32>
        }
        %scan3A_526 = arith.constant 8 : i32
        %slice3A = vector.extract_strided_slice %scan3A_525#8 {offsets = [0], sizes = [1], strides = [1]} : vector<16xf32> to vector<1xf32>
        %squeeze3A = vector.extract %slice3A[0] : f32 from vector<1xf32>
        %slice3A_527 = vector.extract_strided_slice %scan3A_525#8 {offsets = [1], sizes = [1], strides = [1]} : vector<16xf32> to vector<1xf32>
        %squeeze3A_528 = vector.extract %slice3A_527[0] : f32 from vector<1xf32>
        %add3A_529 = arith.addf %squeeze3A, %squeeze3A_528 : f32
        %slice3A_530 = vector.extract_strided_slice %scan3A_525#8 {offsets = [2], sizes = [1], strides = [1]} : vector<16xf32> to vector<1xf32>
        %squeeze3A_531 = vector.extract %slice3A_530[0] : f32 from vector<1xf32>
        %add3A_532 = arith.addf %add3A_529, %squeeze3A_531 : f32
        %slice3A_533 = vector.extract_strided_slice %scan3A_525#8 {offsets = [3], sizes = [1], strides = [1]} : vector<16xf32> to vector<1xf32>
        %squeeze3A_534 = vector.extract %slice3A_533[0] : f32 from vector<1xf32>
        %add3A_535 = arith.addf %add3A_532, %squeeze3A_534 : f32
        %slice3A_536 = vector.extract_strided_slice %scan3A_525#8 {offsets = [4], sizes = [1], strides = [1]} : vector<16xf32> to vector<1xf32>
        %squeeze3A_537 = vector.extract %slice3A_536[0] : f32 from vector<1xf32>
        %add3A_538 = arith.addf %add3A_535, %squeeze3A_537 : f32
        %slice3A_539 = vector.extract_strided_slice %scan3A_525#8 {offsets = [5], sizes = [1], strides = [1]} : vector<16xf32> to vector<1xf32>
        %squeeze3A_540 = vector.extract %slice3A_539[0] : f32 from vector<1xf32>
        %add3A_541 = arith.addf %add3A_538, %squeeze3A_540 : f32
        %slice3A_542 = vector.extract_strided_slice %scan3A_525#8 {offsets = [6], sizes = [1], strides = [1]} : vector<16xf32> to vector<1xf32>
        %squeeze3A_543 = vector.extract %slice3A_542[0] : f32 from vector<1xf32>
        %add3A_544 = arith.addf %add3A_541, %squeeze3A_543 : f32
        %slice3A_545 = vector.extract_strided_slice %scan3A_525#8 {offsets = [7], sizes = [1], strides = [1]} : vector<16xf32> to vector<1xf32>
        %squeeze3A_546 = vector.extract %slice3A_545[0] : f32 from vector<1xf32>
        %add3A_547 = arith.addf %add3A_544, %squeeze3A_546 : f32
        %slice3A_548 = vector.extract_strided_slice %scan3A_525#8 {offsets = [8], sizes = [1], strides = [1]} : vector<16xf32> to vector<1xf32>
        %squeeze3A_549 = vector.extract %slice3A_548[0] : f32 from vector<1xf32>
        %add3A_550 = arith.addf %add3A_547, %squeeze3A_549 : f32
        %slice3A_551 = vector.extract_strided_slice %scan3A_525#8 {offsets = [9], sizes = [1], strides = [1]} : vector<16xf32> to vector<1xf32>
        %squeeze3A_552 = vector.extract %slice3A_551[0] : f32 from vector<1xf32>
        %add3A_553 = arith.addf %add3A_550, %squeeze3A_552 : f32
        %slice3A_554 = vector.extract_strided_slice %scan3A_525#8 {offsets = [10], sizes = [1], strides = [1]} : vector<16xf32> to vector<1xf32>
        %squeeze3A_555 = vector.extract %slice3A_554[0] : f32 from vector<1xf32>
        %add3A_556 = arith.addf %add3A_553, %squeeze3A_555 : f32
        %slice3A_557 = vector.extract_strided_slice %scan3A_525#8 {offsets = [11], sizes = [1], strides = [1]} : vector<16xf32> to vector<1xf32>
        %squeeze3A_558 = vector.extract %slice3A_557[0] : f32 from vector<1xf32>
        %add3A_559 = arith.addf %add3A_556, %squeeze3A_558 : f32
        %slice3A_560 = vector.extract_strided_slice %scan3A_525#8 {offsets = [12], sizes = [1], strides = [1]} : vector<16xf32> to vector<1xf32>
        %squeeze3A_561 = vector.extract %slice3A_560[0] : f32 from vector<1xf32>
        %add3A_562 = arith.addf %add3A_559, %squeeze3A_561 : f32
        %slice3A_563 = vector.extract_strided_slice %scan3A_525#8 {offsets = [13], sizes = [1], strides = [1]} : vector<16xf32> to vector<1xf32>
        %squeeze3A_564 = vector.extract %slice3A_563[0] : f32 from vector<1xf32>
        %add3A_565 = arith.addf %add3A_562, %squeeze3A_564 : f32
        %slice3A_566 = vector.extract_strided_slice %scan3A_525#8 {offsets = [14], sizes = [1], strides = [1]} : vector<16xf32> to vector<1xf32>
        %squeeze3A_567 = vector.extract %slice3A_566[0] : f32 from vector<1xf32>
        %add3A_568 = arith.addf %add3A_565, %squeeze3A_567 : f32
        %slice3A_569 = vector.extract_strided_slice %scan3A_525#8 {offsets = [15], sizes = [1], strides = [1]} : vector<16xf32> to vector<1xf32>
        %squeeze3A_570 = vector.extract %slice3A_569[0] : f32 from vector<1xf32>
        %add3A_571 = arith.addf %add3A_568, %squeeze3A_570 : f32
        %gt3A = arith.constant 0.000000e+00 : f32
        %gt3A_572 = arith.cmpf ogt, %add3A_571, %gt3A : f32
        %convert_element_type3A_573 = arith.extui %gt3A_572 : i1 to i32
        %cond3A_574 = arith.constant 0 : i32
        %cond3A_575 = arith.cmpi ne, %convert_element_type3A_573, %cond3A_574 : i32
        scf.if %cond3A_575 {
          %mul3A_582 = arith.constant 128 : i32
          %mul3A_583 = arith.muli %scan3A_509, %mul3A_582 : i32
          %mul3A_584 = arith.constant 128 : i32
          %mul3A_585 = arith.muli %scan3A_509, %mul3A_584 : i32
          %add3A_586 = arith.constant 1024 : i32
          %add3A_587 = arith.addi %add3A_586, %mul3A_585 : i32
          %dma_start3A_588 = tpu.memref_slice %arg31[%mul3A_583] : memref<2048xf32, #tpu.memory_space<vmem>> -> memref<128xf32, #tpu.memory_space<vmem>>
          %dma_start3A_589 = tpu.memref_slice %arg13[%mul3A_583] : memref<2048xi32, #tpu.memory_space<vmem>> -> memref<128xi32, #tpu.memory_space<vmem>>
          %dma_start3A_590 = arith.constant 0 : i32
          %dma_start3A_591 = tpu.memref_slice %arg40[%dma_start3A_590] : memref<100352xf32, #tpu.memory_space<vmem_shared>> -> memref<100352xf32, #tpu.memory_space<vmem_shared>>
          tpu.enqueue_indirect_dma source(%dma_start3A_588 : memref<128xf32, #tpu.memory_space<vmem>>) target(%dma_start3A_591 : memref<100352xf32, #tpu.memory_space<vmem_shared>>) offsets(%dma_start3A_589 : memref<128xi32, #tpu.memory_space<vmem>>) semaphore(%arg50 : memref<!tpu.dma_semaphore, #tpu.memory_space<semaphore_mem>>) {add = true}
          %dma_start3A_592 = tpu.memref_slice %arg33[%mul3A_583] : memref<2048xf32, #tpu.memory_space<vmem>> -> memref<128xf32, #tpu.memory_space<vmem>>
          %dma_start3A_593 = tpu.memref_slice %arg13[%mul3A_583] : memref<2048xi32, #tpu.memory_space<vmem>> -> memref<128xi32, #tpu.memory_space<vmem>>
          %dma_start3A_594 = arith.constant 0 : i32
          %dma_start3A_595 = tpu.memref_slice %arg41[%dma_start3A_594] : memref<100352xf32, #tpu.memory_space<vmem_shared>> -> memref<100352xf32, #tpu.memory_space<vmem_shared>>
          tpu.enqueue_indirect_dma source(%dma_start3A_592 : memref<128xf32, #tpu.memory_space<vmem>>) target(%dma_start3A_595 : memref<100352xf32, #tpu.memory_space<vmem_shared>>) offsets(%dma_start3A_593 : memref<128xi32, #tpu.memory_space<vmem>>) semaphore(%arg50 : memref<!tpu.dma_semaphore, #tpu.memory_space<semaphore_mem>>) {add = true}
          %dma_start3A_596 = tpu.memref_slice %arg35[%mul3A_583] : memref<2048xf32, #tpu.memory_space<vmem>> -> memref<128xf32, #tpu.memory_space<vmem>>
          %dma_start3A_597 = tpu.memref_slice %arg13[%mul3A_583] : memref<2048xi32, #tpu.memory_space<vmem>> -> memref<128xi32, #tpu.memory_space<vmem>>
          %dma_start3A_598 = arith.constant 0 : i32
          %dma_start3A_599 = tpu.memref_slice %arg42[%dma_start3A_598] : memref<100352xf32, #tpu.memory_space<vmem_shared>> -> memref<100352xf32, #tpu.memory_space<vmem_shared>>
          tpu.enqueue_indirect_dma source(%dma_start3A_596 : memref<128xf32, #tpu.memory_space<vmem>>) target(%dma_start3A_599 : memref<100352xf32, #tpu.memory_space<vmem_shared>>) offsets(%dma_start3A_597 : memref<128xi32, #tpu.memory_space<vmem>>) semaphore(%arg50 : memref<!tpu.dma_semaphore, #tpu.memory_space<semaphore_mem>>) {add = true}
          %dma_start3A_600 = tpu.memref_slice %arg31[%add3A_587] : memref<2048xf32, #tpu.memory_space<vmem>> -> memref<128xf32, #tpu.memory_space<vmem>>
          %dma_start3A_601 = tpu.memref_slice %arg13[%add3A_587] : memref<2048xi32, #tpu.memory_space<vmem>> -> memref<128xi32, #tpu.memory_space<vmem>>
          %dma_start3A_602 = arith.constant 0 : i32
          %dma_start3A_603 = tpu.memref_slice %arg40[%dma_start3A_602] : memref<100352xf32, #tpu.memory_space<vmem_shared>> -> memref<100352xf32, #tpu.memory_space<vmem_shared>>
          tpu.enqueue_indirect_dma source(%dma_start3A_600 : memref<128xf32, #tpu.memory_space<vmem>>) target(%dma_start3A_603 : memref<100352xf32, #tpu.memory_space<vmem_shared>>) offsets(%dma_start3A_601 : memref<128xi32, #tpu.memory_space<vmem>>) semaphore(%arg50 : memref<!tpu.dma_semaphore, #tpu.memory_space<semaphore_mem>>) {add = true}
          %dma_start3A_604 = tpu.memref_slice %arg33[%add3A_587] : memref<2048xf32, #tpu.memory_space<vmem>> -> memref<128xf32, #tpu.memory_space<vmem>>
          %dma_start3A_605 = tpu.memref_slice %arg13[%add3A_587] : memref<2048xi32, #tpu.memory_space<vmem>> -> memref<128xi32, #tpu.memory_space<vmem>>
          %dma_start3A_606 = arith.constant 0 : i32
          %dma_start3A_607 = tpu.memref_slice %arg41[%dma_start3A_606] : memref<100352xf32, #tpu.memory_space<vmem_shared>> -> memref<100352xf32, #tpu.memory_space<vmem_shared>>
          tpu.enqueue_indirect_dma source(%dma_start3A_604 : memref<128xf32, #tpu.memory_space<vmem>>) target(%dma_start3A_607 : memref<100352xf32, #tpu.memory_space<vmem_shared>>) offsets(%dma_start3A_605 : memref<128xi32, #tpu.memory_space<vmem>>) semaphore(%arg50 : memref<!tpu.dma_semaphore, #tpu.memory_space<semaphore_mem>>) {add = true}
          %dma_start3A_608 = tpu.memref_slice %arg35[%add3A_587] : memref<2048xf32, #tpu.memory_space<vmem>> -> memref<128xf32, #tpu.memory_space<vmem>>
          %dma_start3A_609 = tpu.memref_slice %arg13[%add3A_587] : memref<2048xi32, #tpu.memory_space<vmem>> -> memref<128xi32, #tpu.memory_space<vmem>>
          %dma_start3A_610 = arith.constant 0 : i32
          %dma_start3A_611 = tpu.memref_slice %arg42[%dma_start3A_610] : memref<100352xf32, #tpu.memory_space<vmem_shared>> -> memref<100352xf32, #tpu.memory_space<vmem_shared>>
          tpu.enqueue_indirect_dma source(%dma_start3A_608 : memref<128xf32, #tpu.memory_space<vmem>>) target(%dma_start3A_611 : memref<100352xf32, #tpu.memory_space<vmem_shared>>) offsets(%dma_start3A_609 : memref<128xi32, #tpu.memory_space<vmem>>) semaphore(%arg50 : memref<!tpu.dma_semaphore, #tpu.memory_space<semaphore_mem>>) {add = true}
        } else {
        }
        %gt3A_576 = arith.constant 0.000000e+00 : f32
        %gt3A_577 = arith.cmpf ogt, %add3A_571, %gt3A_576 : f32
        %jit3A_578 = arith.constant 1 : i32
        %jit3A_579 = arith.constant 0 : i32
        %select_n3A_580 = arith.select %gt3A_577, %jit3A_578, %jit3A_579 : i32
        %add3A_581 = arith.addi %scan3A_518, %select_n3A_580 : i32
        scf.yield %scan3A_525#0, %scan3A_525#1, %scan3A_525#2, %scan3A_525#3, %scan3A_525#4, %scan3A_525#5, %scan3A_525#6, %scan3A_525#7, %add3A_581 : vector<16xf32>, vector<16xf32>, vector<16xf32>, vector<16xf32>, vector<16xf32>, vector<16xf32>, vector<16xf32>, vector<16xf32>, i32
      }
      %scan3A_352 = arith.constant 8 : i32
      %add3A_353 = arith.constant 2 : i32
      %add3A_354 = arith.addi %mul3A_201, %add3A_353 : i32
      %add3A_355 = arith.constant 1 : i32
      %add3A_356 = arith.addi %add3A_354, %add3A_355 : i32
      %mul3A_357 = arith.constant 1024 : i32
      %mul3A_358 = arith.muli %add3A_356, %mul3A_357 : i32
      %add3A_359 = arith.addi %mul3A_11, %mul3A_358 : i32
      %min3A_360 = arith.constant 3198976 : i32
      %min3A_361 = arith.minsi %add3A_359, %min3A_360 : i32
      %dma_wait3A_362 = arith.constant 0 : i32
      %dma_wait3A_363 = tpu.memref_slice %arg15[%dma_wait3A_362] : memref<2048xi32, #tpu.memory_space<vmem>> -> memref<1024xi32, #tpu.memory_space<vmem>>
      %dma_wait3A_364 = tpu.memref_slice %arg5[%min3A_361] : memref<3200000xi32, #tpu.memory_space<hbm>> -> memref<1024xi32, #tpu.memory_space<hbm>>
      %dma_wait3A_365 = arith.constant 0 : i32
      %dma_wait3A_366 = tpu.memref_slice %arg15[%dma_wait3A_365] : memref<2048xi32, #tpu.memory_space<vmem>> -> memref<1024xi32, #tpu.memory_space<vmem>>
      %dma_wait3A_367 = tpu.memref_slice %arg5[%min3A_361] : memref<3200000xi32, #tpu.memory_space<hbm>> -> memref<1024xi32, #tpu.memory_space<hbm>>
      tpu.wait_dma2 semaphore(%arg46 : memref<!tpu.dma_semaphore, #tpu.memory_space<semaphore_mem>>) src(%dma_wait3A_367 : memref<1024xi32, #tpu.memory_space<hbm>>) dst(%dma_wait3A_366 : memref<1024xi32, #tpu.memory_space<vmem>>)
      %dma_wait3A_368 = arith.constant 1024 : i32
      %dma_wait3A_369 = tpu.memref_slice %arg15[%dma_wait3A_368] : memref<2048xi32, #tpu.memory_space<vmem>> -> memref<1024xi32, #tpu.memory_space<vmem>>
      %dma_wait3A_370 = tpu.memref_slice %arg6[%min3A_361] : memref<3200000xi32, #tpu.memory_space<hbm>> -> memref<1024xi32, #tpu.memory_space<hbm>>
      %dma_wait3A_371 = arith.constant 1024 : i32
      %dma_wait3A_372 = tpu.memref_slice %arg15[%dma_wait3A_371] : memref<2048xi32, #tpu.memory_space<vmem>> -> memref<1024xi32, #tpu.memory_space<vmem>>
      %dma_wait3A_373 = tpu.memref_slice %arg6[%min3A_361] : memref<3200000xi32, #tpu.memory_space<hbm>> -> memref<1024xi32, #tpu.memory_space<hbm>>
      tpu.wait_dma2 semaphore(%arg46 : memref<!tpu.dma_semaphore, #tpu.memory_space<semaphore_mem>>) src(%dma_wait3A_373 : memref<1024xi32, #tpu.memory_space<hbm>>) dst(%dma_wait3A_372 : memref<1024xi32, #tpu.memory_space<vmem>>)
      %dma_wait3A_374 = tpu.memref_slice %arg7[%min3A_361] : memref<3200000xf32, #tpu.memory_space<hbm>> -> memref<1024xf32, #tpu.memory_space<hbm>>
      %dma_wait3A_375 = tpu.memref_slice %arg7[%min3A_361] : memref<3200000xf32, #tpu.memory_space<hbm>> -> memref<1024xf32, #tpu.memory_space<hbm>>
      tpu.wait_dma2 semaphore(%arg46 : memref<!tpu.dma_semaphore, #tpu.memory_space<semaphore_mem>>) src(%dma_wait3A_375 : memref<1024xf32, #tpu.memory_space<hbm>>) dst(%arg19 : memref<1024xf32, #tpu.memory_space<vmem>>)
      %dma_wait3A_376 = tpu.memref_slice %arg8[%min3A_361] : memref<3200000xf32, #tpu.memory_space<hbm>> -> memref<1024xf32, #tpu.memory_space<hbm>>
      %dma_wait3A_377 = tpu.memref_slice %arg8[%min3A_361] : memref<3200000xf32, #tpu.memory_space<hbm>> -> memref<1024xf32, #tpu.memory_space<hbm>>
      tpu.wait_dma2 semaphore(%arg46 : memref<!tpu.dma_semaphore, #tpu.memory_space<semaphore_mem>>) src(%dma_wait3A_377 : memref<1024xf32, #tpu.memory_space<hbm>>) dst(%arg23 : memref<1024xf32, #tpu.memory_space<vmem>>)
      %dma_start3A_378 = arith.constant 0 : i32
      %dma_start3A_379 = tpu.memref_slice %arg37[%dma_start3A_378] : memref<100352xf32, #tpu.memory_space<vmem_shared>> -> memref<100352xf32, #tpu.memory_space<vmem_shared>>
      tpu.enqueue_indirect_dma source(%dma_start3A_379 : memref<100352xf32, #tpu.memory_space<vmem_shared>>) target(%arg25 : memref<2048xf32, #tpu.memory_space<vmem>>) offsets(%arg15 : memref<2048xi32, #tpu.memory_space<vmem>>) semaphore(%arg48 : memref<!tpu.dma_semaphore, #tpu.memory_space<semaphore_mem>>)
      %dma_start3A_380 = arith.constant 0 : i32
      %dma_start3A_381 = tpu.memref_slice %arg38[%dma_start3A_380] : memref<100352xf32, #tpu.memory_space<vmem_shared>> -> memref<100352xf32, #tpu.memory_space<vmem_shared>>
      tpu.enqueue_indirect_dma source(%dma_start3A_381 : memref<100352xf32, #tpu.memory_space<vmem_shared>>) target(%arg27 : memref<2048xf32, #tpu.memory_space<vmem>>) offsets(%arg15 : memref<2048xi32, #tpu.memory_space<vmem>>) semaphore(%arg48 : memref<!tpu.dma_semaphore, #tpu.memory_space<semaphore_mem>>)
      %dma_start3A_382 = arith.constant 0 : i32
      %dma_start3A_383 = tpu.memref_slice %arg39[%dma_start3A_382] : memref<100352xf32, #tpu.memory_space<vmem_shared>> -> memref<100352xf32, #tpu.memory_space<vmem_shared>>
      tpu.enqueue_indirect_dma source(%dma_start3A_383 : memref<100352xf32, #tpu.memory_space<vmem_shared>>) target(%arg29 : memref<2048xf32, #tpu.memory_space<vmem>>) offsets(%arg15 : memref<2048xi32, #tpu.memory_space<vmem>>) semaphore(%arg48 : memref<!tpu.dma_semaphore, #tpu.memory_space<semaphore_mem>>)
      %ge3A_384 = arith.constant 2 : i32
      %ge3A_385 = arith.cmpi sge, %add3A_354, %ge3A_384 : i32
      %convert_element_type3A_386 = arith.extui %ge3A_385 : i1 to i32
      %cond3A_387 = arith.constant 0 : i32
      %cond3A_388 = arith.cmpi ne, %convert_element_type3A_386, %cond3A_387 : i32
      scf.if %cond3A_388 {
        %while3A_509 = arith.constant 0 : i32
        %while3A_510 = arith.constant 0 : i32
        %while3A_511 = arith.subi %scan3A_273#8, %while3A_510 : i32
        %while3A_512 = arith.addi %while3A_510, %while3A_511 : i32
        %while3A_513 = arith.constant 1 : i32
        %while3A_514 = arith.divsi %while3A_511, %while3A_513 : i32
        %while3A_515 = arith.muli %while3A_514, %while3A_513 : i32
        %while3A_516 = arith.addi %while3A_510, %while3A_515 : i32
        %while3A_517 = arith.constant 1 : i32
        scf.for %while3A_519 = %while3A_510 to %while3A_516 step %while3A_517  : i32 {
          %dma_wait3A_520 = arith.constant 0 : i32
          %dma_wait3A_521 = tpu.memref_slice %arg30[%dma_wait3A_520] : memref<2048xf32, #tpu.memory_space<vmem>> -> memref<128xf32, #tpu.memory_space<vmem>>
          %dma_wait3A_522 = arith.constant 0 : i32
          %dma_wait3A_523 = tpu.memref_slice %arg12[%dma_wait3A_522] : memref<2048xi32, #tpu.memory_space<vmem>> -> memref<128xi32, #tpu.memory_space<vmem>>
          %dma_wait3A_524 = arith.constant 0 : i32
          %dma_wait3A_525 = tpu.memref_slice %arg40[%dma_wait3A_524] : memref<100352xf32, #tpu.memory_space<vmem_shared>> -> memref<100352xf32, #tpu.memory_space<vmem_shared>>
          tpu.wait_indirect_dma semaphore(%arg49 : memref<!tpu.dma_semaphore, #tpu.memory_space<semaphore_mem>>) src(%dma_wait3A_521 : memref<128xf32, #tpu.memory_space<vmem>>) dst(%dma_wait3A_525 : memref<100352xf32, #tpu.memory_space<vmem_shared>>)
          %dma_wait3A_526 = arith.constant 0 : i32
          %dma_wait3A_527 = tpu.memref_slice %arg32[%dma_wait3A_526] : memref<2048xf32, #tpu.memory_space<vmem>> -> memref<128xf32, #tpu.memory_space<vmem>>
          %dma_wait3A_528 = arith.constant 0 : i32
          %dma_wait3A_529 = tpu.memref_slice %arg12[%dma_wait3A_528] : memref<2048xi32, #tpu.memory_space<vmem>> -> memref<128xi32, #tpu.memory_space<vmem>>
          %dma_wait3A_530 = arith.constant 0 : i32
          %dma_wait3A_531 = tpu.memref_slice %arg41[%dma_wait3A_530] : memref<100352xf32, #tpu.memory_space<vmem_shared>> -> memref<100352xf32, #tpu.memory_space<vmem_shared>>
          tpu.wait_indirect_dma semaphore(%arg49 : memref<!tpu.dma_semaphore, #tpu.memory_space<semaphore_mem>>) src(%dma_wait3A_527 : memref<128xf32, #tpu.memory_space<vmem>>) dst(%dma_wait3A_531 : memref<100352xf32, #tpu.memory_space<vmem_shared>>)
          %dma_wait3A_532 = arith.constant 0 : i32
          %dma_wait3A_533 = tpu.memref_slice %arg34[%dma_wait3A_532] : memref<2048xf32, #tpu.memory_space<vmem>> -> memref<128xf32, #tpu.memory_space<vmem>>
          %dma_wait3A_534 = arith.constant 0 : i32
          %dma_wait3A_535 = tpu.memref_slice %arg12[%dma_wait3A_534] : memref<2048xi32, #tpu.memory_space<vmem>> -> memref<128xi32, #tpu.memory_space<vmem>>
          %dma_wait3A_536 = arith.constant 0 : i32
          %dma_wait3A_537 = tpu.memref_slice %arg42[%dma_wait3A_536] : memref<100352xf32, #tpu.memory_space<vmem_shared>> -> memref<100352xf32, #tpu.memory_space<vmem_shared>>
          tpu.wait_indirect_dma semaphore(%arg49 : memref<!tpu.dma_semaphore, #tpu.memory_space<semaphore_mem>>) src(%dma_wait3A_533 : memref<128xf32, #tpu.memory_space<vmem>>) dst(%dma_wait3A_537 : memref<100352xf32, #tpu.memory_space<vmem_shared>>)
          %dma_wait3A_538 = arith.constant 1024 : i32
          %dma_wait3A_539 = tpu.memref_slice %arg30[%dma_wait3A_538] : memref<2048xf32, #tpu.memory_space<vmem>> -> memref<128xf32, #tpu.memory_space<vmem>>
          %dma_wait3A_540 = arith.constant 1024 : i32
          %dma_wait3A_541 = tpu.memref_slice %arg12[%dma_wait3A_540] : memref<2048xi32, #tpu.memory_space<vmem>> -> memref<128xi32, #tpu.memory_space<vmem>>
          %dma_wait3A_542 = arith.constant 0 : i32
          %dma_wait3A_543 = tpu.memref_slice %arg40[%dma_wait3A_542] : memref<100352xf32, #tpu.memory_space<vmem_shared>> -> memref<100352xf32, #tpu.memory_space<vmem_shared>>
          tpu.wait_indirect_dma semaphore(%arg49 : memref<!tpu.dma_semaphore, #tpu.memory_space<semaphore_mem>>) src(%dma_wait3A_539 : memref<128xf32, #tpu.memory_space<vmem>>) dst(%dma_wait3A_543 : memref<100352xf32, #tpu.memory_space<vmem_shared>>)
          %dma_wait3A_544 = arith.constant 1024 : i32
          %dma_wait3A_545 = tpu.memref_slice %arg32[%dma_wait3A_544] : memref<2048xf32, #tpu.memory_space<vmem>> -> memref<128xf32, #tpu.memory_space<vmem>>
          %dma_wait3A_546 = arith.constant 1024 : i32
          %dma_wait3A_547 = tpu.memref_slice %arg12[%dma_wait3A_546] : memref<2048xi32, #tpu.memory_space<vmem>> -> memref<128xi32, #tpu.memory_space<vmem>>
          %dma_wait3A_548 = arith.constant 0 : i32
          %dma_wait3A_549 = tpu.memref_slice %arg41[%dma_wait3A_548] : memref<100352xf32, #tpu.memory_space<vmem_shared>> -> memref<100352xf32, #tpu.memory_space<vmem_shared>>
          tpu.wait_indirect_dma semaphore(%arg49 : memref<!tpu.dma_semaphore, #tpu.memory_space<semaphore_mem>>) src(%dma_wait3A_545 : memref<128xf32, #tpu.memory_space<vmem>>) dst(%dma_wait3A_549 : memref<100352xf32, #tpu.memory_space<vmem_shared>>)
          %dma_wait3A_550 = arith.constant 1024 : i32
          %dma_wait3A_551 = tpu.memref_slice %arg34[%dma_wait3A_550] : memref<2048xf32, #tpu.memory_space<vmem>> -> memref<128xf32, #tpu.memory_space<vmem>>
          %dma_wait3A_552 = arith.constant 1024 : i32
          %dma_wait3A_553 = tpu.memref_slice %arg12[%dma_wait3A_552] : memref<2048xi32, #tpu.memory_space<vmem>> -> memref<128xi32, #tpu.memory_space<vmem>>
          %dma_wait3A_554 = arith.constant 0 : i32
          %dma_wait3A_555 = tpu.memref_slice %arg42[%dma_wait3A_554] : memref<100352xf32, #tpu.memory_space<vmem_shared>> -> memref<100352xf32, #tpu.memory_space<vmem_shared>>
          tpu.wait_indirect_dma semaphore(%arg49 : memref<!tpu.dma_semaphore, #tpu.memory_space<semaphore_mem>>) src(%dma_wait3A_551 : memref<128xf32, #tpu.memory_space<vmem>>) dst(%dma_wait3A_555 : memref<100352xf32, #tpu.memory_space<vmem_shared>>)
        }
        %while3A_518 = arith.constant 1 : i32
        scf.for %while3A_519 = %while3A_516 to %while3A_512 step %while3A_518  : i32 {
          %dma_wait3A_520 = arith.constant 0 : i32
          %dma_wait3A_521 = tpu.memref_slice %arg30[%dma_wait3A_520] : memref<2048xf32, #tpu.memory_space<vmem>> -> memref<128xf32, #tpu.memory_space<vmem>>
          %dma_wait3A_522 = arith.constant 0 : i32
          %dma_wait3A_523 = tpu.memref_slice %arg12[%dma_wait3A_522] : memref<2048xi32, #tpu.memory_space<vmem>> -> memref<128xi32, #tpu.memory_space<vmem>>
          %dma_wait3A_524 = arith.constant 0 : i32
          %dma_wait3A_525 = tpu.memref_slice %arg40[%dma_wait3A_524] : memref<100352xf32, #tpu.memory_space<vmem_shared>> -> memref<100352xf32, #tpu.memory_space<vmem_shared>>
          tpu.wait_indirect_dma semaphore(%arg49 : memref<!tpu.dma_semaphore, #tpu.memory_space<semaphore_mem>>) src(%dma_wait3A_521 : memref<128xf32, #tpu.memory_space<vmem>>) dst(%dma_wait3A_525 : memref<100352xf32, #tpu.memory_space<vmem_shared>>)
          %dma_wait3A_526 = arith.constant 0 : i32
          %dma_wait3A_527 = tpu.memref_slice %arg32[%dma_wait3A_526] : memref<2048xf32, #tpu.memory_space<vmem>> -> memref<128xf32, #tpu.memory_space<vmem>>
          %dma_wait3A_528 = arith.constant 0 : i32
          %dma_wait3A_529 = tpu.memref_slice %arg12[%dma_wait3A_528] : memref<2048xi32, #tpu.memory_space<vmem>> -> memref<128xi32, #tpu.memory_space<vmem>>
          %dma_wait3A_530 = arith.constant 0 : i32
          %dma_wait3A_531 = tpu.memref_slice %arg41[%dma_wait3A_530] : memref<100352xf32, #tpu.memory_space<vmem_shared>> -> memref<100352xf32, #tpu.memory_space<vmem_shared>>
          tpu.wait_indirect_dma semaphore(%arg49 : memref<!tpu.dma_semaphore, #tpu.memory_space<semaphore_mem>>) src(%dma_wait3A_527 : memref<128xf32, #tpu.memory_space<vmem>>) dst(%dma_wait3A_531 : memref<100352xf32, #tpu.memory_space<vmem_shared>>)
          %dma_wait3A_532 = arith.constant 0 : i32
          %dma_wait3A_533 = tpu.memref_slice %arg34[%dma_wait3A_532] : memref<2048xf32, #tpu.memory_space<vmem>> -> memref<128xf32, #tpu.memory_space<vmem>>
          %dma_wait3A_534 = arith.constant 0 : i32
          %dma_wait3A_535 = tpu.memref_slice %arg12[%dma_wait3A_534] : memref<2048xi32, #tpu.memory_space<vmem>> -> memref<128xi32, #tpu.memory_space<vmem>>
          %dma_wait3A_536 = arith.constant 0 : i32
          %dma_wait3A_537 = tpu.memref_slice %arg42[%dma_wait3A_536] : memref<100352xf32, #tpu.memory_space<vmem_shared>> -> memref<100352xf32, #tpu.memory_space<vmem_shared>>
          tpu.wait_indirect_dma semaphore(%arg49 : memref<!tpu.dma_semaphore, #tpu.memory_space<semaphore_mem>>) src(%dma_wait3A_533 : memref<128xf32, #tpu.memory_space<vmem>>) dst(%dma_wait3A_537 : memref<100352xf32, #tpu.memory_space<vmem_shared>>)
          %dma_wait3A_538 = arith.constant 1024 : i32
          %dma_wait3A_539 = tpu.memref_slice %arg30[%dma_wait3A_538] : memref<2048xf32, #tpu.memory_space<vmem>> -> memref<128xf32, #tpu.memory_space<vmem>>
          %dma_wait3A_540 = arith.constant 1024 : i32
          %dma_wait3A_541 = tpu.memref_slice %arg12[%dma_wait3A_540] : memref<2048xi32, #tpu.memory_space<vmem>> -> memref<128xi32, #tpu.memory_space<vmem>>
          %dma_wait3A_542 = arith.constant 0 : i32
          %dma_wait3A_543 = tpu.memref_slice %arg40[%dma_wait3A_542] : memref<100352xf32, #tpu.memory_space<vmem_shared>> -> memref<100352xf32, #tpu.memory_space<vmem_shared>>
          tpu.wait_indirect_dma semaphore(%arg49 : memref<!tpu.dma_semaphore, #tpu.memory_space<semaphore_mem>>) src(%dma_wait3A_539 : memref<128xf32, #tpu.memory_space<vmem>>) dst(%dma_wait3A_543 : memref<100352xf32, #tpu.memory_space<vmem_shared>>)
          %dma_wait3A_544 = arith.constant 1024 : i32
          %dma_wait3A_545 = tpu.memref_slice %arg32[%dma_wait3A_544] : memref<2048xf32, #tpu.memory_space<vmem>> -> memref<128xf32, #tpu.memory_space<vmem>>
          %dma_wait3A_546 = arith.constant 1024 : i32
          %dma_wait3A_547 = tpu.memref_slice %arg12[%dma_wait3A_546] : memref<2048xi32, #tpu.memory_space<vmem>> -> memref<128xi32, #tpu.memory_space<vmem>>
          %dma_wait3A_548 = arith.constant 0 : i32
          %dma_wait3A_549 = tpu.memref_slice %arg41[%dma_wait3A_548] : memref<100352xf32, #tpu.memory_space<vmem_shared>> -> memref<100352xf32, #tpu.memory_space<vmem_shared>>
          tpu.wait_indirect_dma semaphore(%arg49 : memref<!tpu.dma_semaphore, #tpu.memory_space<semaphore_mem>>) src(%dma_wait3A_545 : memref<128xf32, #tpu.memory_space<vmem>>) dst(%dma_wait3A_549 : memref<100352xf32, #tpu.memory_space<vmem_shared>>)
          %dma_wait3A_550 = arith.constant 1024 : i32
          %dma_wait3A_551 = tpu.memref_slice %arg34[%dma_wait3A_550] : memref<2048xf32, #tpu.memory_space<vmem>> -> memref<128xf32, #tpu.memory_space<vmem>>
          %dma_wait3A_552 = arith.constant 1024 : i32
          %dma_wait3A_553 = tpu.memref_slice %arg12[%dma_wait3A_552] : memref<2048xi32, #tpu.memory_space<vmem>> -> memref<128xi32, #tpu.memory_space<vmem>>
          %dma_wait3A_554 = arith.constant 0 : i32
          %dma_wait3A_555 = tpu.memref_slice %arg42[%dma_wait3A_554] : memref<100352xf32, #tpu.memory_space<vmem_shared>> -> memref<100352xf32, #tpu.memory_space<vmem_shared>>
          tpu.wait_indirect_dma semaphore(%arg49 : memref<!tpu.dma_semaphore, #tpu.memory_space<semaphore_mem>>) src(%dma_wait3A_551 : memref<128xf32, #tpu.memory_space<vmem>>) dst(%dma_wait3A_555 : memref<100352xf32, #tpu.memory_space<vmem_shared>>)
        }
      } else {
      }
      %add3A_389 = arith.constant 2 : i32
      %add3A_390 = arith.addi %add3A_354, %add3A_389 : i32
      %mul3A_391 = arith.constant 1024 : i32
      %mul3A_392 = arith.muli %add3A_390, %mul3A_391 : i32
      %add3A_393 = arith.addi %mul3A_11, %mul3A_392 : i32
      %min3A_394 = arith.constant 3198976 : i32
      %min3A_395 = arith.minsi %add3A_393, %min3A_394 : i32
      %dma_start3A_396 = arith.constant 0 : i32
      %dma_start3A_397 = tpu.memref_slice %arg12[%dma_start3A_396] : memref<2048xi32, #tpu.memory_space<vmem>> -> memref<1024xi32, #tpu.memory_space<vmem>>
      %dma_start3A_398 = tpu.memref_slice %arg5[%min3A_395] : memref<3200000xi32, #tpu.memory_space<hbm>> -> memref<1024xi32, #tpu.memory_space<hbm>>
      %dma_start3A_399 = arith.constant 0 : i32
      %dma_start3A_400 = tpu.memref_slice %arg12[%dma_start3A_399] : memref<2048xi32, #tpu.memory_space<vmem>> -> memref<1024xi32, #tpu.memory_space<vmem>>
      %dma_start3A_401 = tpu.memref_slice %arg5[%min3A_395] : memref<3200000xi32, #tpu.memory_space<hbm>> -> memref<1024xi32, #tpu.memory_space<hbm>>
      tpu.enqueue_dma source(%dma_start3A_401 : memref<1024xi32, #tpu.memory_space<hbm>>) target(%dma_start3A_400 : memref<1024xi32, #tpu.memory_space<vmem>>) target_semaphore(%arg43 : memref<!tpu.dma_semaphore, #tpu.memory_space<semaphore_mem>>)
      %dma_start3A_402 = arith.constant 1024 : i32
      %dma_start3A_403 = tpu.memref_slice %arg12[%dma_start3A_402] : memref<2048xi32, #tpu.memory_space<vmem>> -> memref<1024xi32, #tpu.memory_space<vmem>>
      %dma_start3A_404 = tpu.memref_slice %arg6[%min3A_395] : memref<3200000xi32, #tpu.memory_space<hbm>> -> memref<1024xi32, #tpu.memory_space<hbm>>
      %dma_start3A_405 = arith.constant 1024 : i32
      %dma_start3A_406 = tpu.memref_slice %arg12[%dma_start3A_405] : memref<2048xi32, #tpu.memory_space<vmem>> -> memref<1024xi32, #tpu.memory_space<vmem>>
      %dma_start3A_407 = tpu.memref_slice %arg6[%min3A_395] : memref<3200000xi32, #tpu.memory_space<hbm>> -> memref<1024xi32, #tpu.memory_space<hbm>>
      tpu.enqueue_dma source(%dma_start3A_407 : memref<1024xi32, #tpu.memory_space<hbm>>) target(%dma_start3A_406 : memref<1024xi32, #tpu.memory_space<vmem>>) target_semaphore(%arg43 : memref<!tpu.dma_semaphore, #tpu.memory_space<semaphore_mem>>)
      %dma_start3A_408 = tpu.memref_slice %arg7[%min3A_395] : memref<3200000xf32, #tpu.memory_space<hbm>> -> memref<1024xf32, #tpu.memory_space<hbm>>
      %dma_start3A_409 = tpu.memref_slice %arg7[%min3A_395] : memref<3200000xf32, #tpu.memory_space<hbm>> -> memref<1024xf32, #tpu.memory_space<hbm>>
      tpu.enqueue_dma source(%dma_start3A_409 : memref<1024xf32, #tpu.memory_space<hbm>>) target(%arg16 : memref<1024xf32, #tpu.memory_space<vmem>>) target_semaphore(%arg43 : memref<!tpu.dma_semaphore, #tpu.memory_space<semaphore_mem>>)
      %dma_start3A_410 = tpu.memref_slice %arg8[%min3A_395] : memref<3200000xf32, #tpu.memory_space<hbm>> -> memref<1024xf32, #tpu.memory_space<hbm>>
      %dma_start3A_411 = tpu.memref_slice %arg8[%min3A_395] : memref<3200000xf32, #tpu.memory_space<hbm>> -> memref<1024xf32, #tpu.memory_space<hbm>>
      tpu.enqueue_dma source(%dma_start3A_411 : memref<1024xf32, #tpu.memory_space<hbm>>) target(%arg20 : memref<1024xf32, #tpu.memory_space<vmem>>) target_semaphore(%arg43 : memref<!tpu.dma_semaphore, #tpu.memory_space<semaphore_mem>>)
      %dma_wait3A_412 = arith.constant 0 : i32
      %dma_wait3A_413 = tpu.memref_slice %arg37[%dma_wait3A_412] : memref<100352xf32, #tpu.memory_space<vmem_shared>> -> memref<100352xf32, #tpu.memory_space<vmem_shared>>
      tpu.wait_indirect_dma semaphore(%arg47 : memref<!tpu.dma_semaphore, #tpu.memory_space<semaphore_mem>>) src(%dma_wait3A_413 : memref<100352xf32, #tpu.memory_space<vmem_shared>>) dst(%arg24 : memref<2048xf32, #tpu.memory_space<vmem>>)
      %dma_wait3A_414 = arith.constant 0 : i32
      %dma_wait3A_415 = tpu.memref_slice %arg38[%dma_wait3A_414] : memref<100352xf32, #tpu.memory_space<vmem_shared>> -> memref<100352xf32, #tpu.memory_space<vmem_shared>>
      tpu.wait_indirect_dma semaphore(%arg47 : memref<!tpu.dma_semaphore, #tpu.memory_space<semaphore_mem>>) src(%dma_wait3A_415 : memref<100352xf32, #tpu.memory_space<vmem_shared>>) dst(%arg26 : memref<2048xf32, #tpu.memory_space<vmem>>)
      %dma_wait3A_416 = arith.constant 0 : i32
      %dma_wait3A_417 = tpu.memref_slice %arg39[%dma_wait3A_416] : memref<100352xf32, #tpu.memory_space<vmem_shared>> -> memref<100352xf32, #tpu.memory_space<vmem_shared>>
      tpu.wait_indirect_dma semaphore(%arg47 : memref<!tpu.dma_semaphore, #tpu.memory_space<semaphore_mem>>) src(%dma_wait3A_417 : memref<100352xf32, #tpu.memory_space<vmem_shared>>) dst(%arg28 : memref<2048xf32, #tpu.memory_space<vmem>>)
      %lt3A_418 = arith.cmpi slt, %add3A_354, %select_n3A : i32
      %jit3A_419 = arith.constant 1.000000e+00 : f32
      %jit3A_420 = arith.constant 0.000000e+00 : f32
      %select_n3A_421 = arith.select %lt3A_418, %jit3A_419, %jit3A_420 : f32
      %add3A_422 = vector.broadcast %select_n3A_421 : f32 to vector<16xf32>
      %add3A_423 = arith.addf %broadcast_in_dim3A_3, %add3A_422 : vector<16xf32>
      %scan3A_424 = arith.constant 0 : i32
      %scan3A_425 = arith.constant 0 : i32
      %scan3A_426 = arith.constant 8 : i32
      %scan3A_427 = arith.addi %scan3A_425, %scan3A_426 : i32
      %scan3A_428 = arith.constant 1 : i32
      %scan3A_429:9 = scf.for %scan3A_509 = %scan3A_425 to %scan3A_427 step %scan3A_428 iter_args(%scan3A_510 = %scan3A_351#0, %scan3A_511 = %scan3A_351#1, %scan3A_512 = %scan3A_351#2, %scan3A_513 = %scan3A_351#3, %scan3A_514 = %scan3A_351#4, %scan3A_515 = %scan3A_351#5, %scan3A_516 = %scan3A_351#6, %scan3A_517 = %scan3A_351#7, %scan3A_518 = %scan3A_424) -> (vector<16xf32>, vector<16xf32>, vector<16xf32>, vector<16xf32>, vector<16xf32>, vector<16xf32>, vector<16xf32>, vector<16xf32>, i32)  : i32 {
        %broadcast_in_dim3A_519 = arith.constant 0.000000e+00 : f32
        %broadcast_in_dim3A_520 = vector.broadcast %broadcast_in_dim3A_519 : f32 to vector<16xf32>
        %scan3A_521 = arith.constant 0 : i32
        %scan3A_522 = arith.constant 8 : i32
        %scan3A_523 = arith.addi %scan3A_521, %scan3A_522 : i32
        %scan3A_524 = arith.constant 1 : i32
        %scan3A_525:9 = scf.for %scan3A_582 = %scan3A_521 to %scan3A_523 step %scan3A_524 iter_args(%scan3A_583 = %scan3A_510, %scan3A_584 = %scan3A_511, %scan3A_585 = %scan3A_512, %scan3A_586 = %scan3A_513, %scan3A_587 = %scan3A_514, %scan3A_588 = %scan3A_515, %scan3A_589 = %scan3A_516, %scan3A_590 = %scan3A_517, %scan3A_591 = %broadcast_in_dim3A_520) -> (vector<16xf32>, vector<16xf32>, vector<16xf32>, vector<16xf32>, vector<16xf32>, vector<16xf32>, vector<16xf32>, vector<16xf32>, vector<16xf32>)  : i32 {
          %mul3A_592 = arith.constant 8 : i32
          %mul3A_593 = arith.muli %scan3A_509, %mul3A_592 : i32
          %add3A_594 = arith.addi %mul3A_593, %scan3A_582 : i32
          %mul3A_595 = arith.constant 16 : i32
          %mul3A_596 = arith.muli %add3A_594, %mul3A_595 : i32
          %mul3A_597 = arith.constant 16 : i32
          %mul3A_598 = arith.muli %add3A_594, %mul3A_597 : i32
          %add3A_599 = arith.constant 1024 : i32
          %add3A_600 = arith.addi %add3A_599, %mul3A_598 : i32
          %get3A = arith.index_cast %mul3A_596 : i32 to index
          %get3A_601 = tpu.vector_load %arg24[%get3A] {strides = array<i32>} : memref<2048xf32, #tpu.memory_space<vmem>>, vector<16xf32>,
          %get3A_602 = vector.shape_cast %get3A_601 : vector<16xf32> to vector<16xf32>
          %get3A_603 = arith.index_cast %add3A_600 : i32 to index
          %get3A_604 = tpu.vector_load %arg24[%get3A_603] {strides = array<i32>} : memref<2048xf32, #tpu.memory_space<vmem>>, vector<16xf32>,
          %get3A_605 = vector.shape_cast %get3A_604 : vector<16xf32> to vector<16xf32>
          %sub3A = arith.subf %get3A_602, %get3A_605 : vector<16xf32>
          %mul3A_606 = arith.constant 2.500000e-02 : f32
          %mul3A_607 = vector.broadcast %mul3A_606 : f32 to vector<16xf32>
          %mul3A_608 = arith.mulf %sub3A, %mul3A_607 : vector<16xf32>
          %add3A_609 = arith.constant 0x4B400000 : f32
          %add3A_610 = vector.broadcast %add3A_609 : f32 to vector<16xf32>
          %add3A_611 = arith.addf %mul3A_608, %add3A_610 : vector<16xf32>
          %sub3A_612 = arith.constant 0x4B400000 : f32
          %sub3A_613 = vector.broadcast %sub3A_612 : f32 to vector<16xf32>
          %sub3A_614 = arith.subf %add3A_611, %sub3A_613 : vector<16xf32>
          %mul3A_615 = arith.constant 4.000000e+01 : f32
          %mul3A_616 = vector.broadcast %mul3A_615 : f32 to vector<16xf32>
          %mul3A_617 = arith.mulf %mul3A_616, %sub3A_614 : vector<16xf32>
          %sub3A_618 = arith.subf %sub3A, %mul3A_617 : vector<16xf32>
          %get3A_619 = arith.index_cast %mul3A_596 : i32 to index
          %get3A_620 = tpu.vector_load %arg26[%get3A_619] {strides = array<i32>} : memref<2048xf32, #tpu.memory_space<vmem>>, vector<16xf32>,
          %get3A_621 = vector.shape_cast %get3A_620 : vector<16xf32> to vector<16xf32>
          %get3A_622 = arith.index_cast %add3A_600 : i32 to index
          %get3A_623 = tpu.vector_load %arg26[%get3A_622] {strides = array<i32>} : memref<2048xf32, #tpu.memory_space<vmem>>, vector<16xf32>,
          %get3A_624 = vector.shape_cast %get3A_623 : vector<16xf32> to vector<16xf32>
          %sub3A_625 = arith.subf %get3A_621, %get3A_624 : vector<16xf32>
          %mul3A_626 = arith.constant 2.500000e-02 : f32
          %mul3A_627 = vector.broadcast %mul3A_626 : f32 to vector<16xf32>
          %mul3A_628 = arith.mulf %sub3A_625, %mul3A_627 : vector<16xf32>
          %add3A_629 = arith.constant 0x4B400000 : f32
          %add3A_630 = vector.broadcast %add3A_629 : f32 to vector<16xf32>
          %add3A_631 = arith.addf %mul3A_628, %add3A_630 : vector<16xf32>
          %sub3A_632 = arith.constant 0x4B400000 : f32
          %sub3A_633 = vector.broadcast %sub3A_632 : f32 to vector<16xf32>
          %sub3A_634 = arith.subf %add3A_631, %sub3A_633 : vector<16xf32>
          %mul3A_635 = arith.constant 4.000000e+01 : f32
          %mul3A_636 = vector.broadcast %mul3A_635 : f32 to vector<16xf32>
          %mul3A_637 = arith.mulf %mul3A_636, %sub3A_634 : vector<16xf32>
          %sub3A_638 = arith.subf %sub3A_625, %mul3A_637 : vector<16xf32>
          %get3A_639 = arith.index_cast %mul3A_596 : i32 to index
          %get3A_640 = tpu.vector_load %arg28[%get3A_639] {strides = array<i32>} : memref<2048xf32, #tpu.memory_space<vmem>>, vector<16xf32>,
          %get3A_641 = vector.shape_cast %get3A_640 : vector<16xf32> to vector<16xf32>
          %get3A_642 = arith.index_cast %add3A_600 : i32 to index
          %get3A_643 = tpu.vector_load %arg28[%get3A_642] {strides = array<i32>} : memref<2048xf32, #tpu.memory_space<vmem>>, vector<16xf32>,
          %get3A_644 = vector.shape_cast %get3A_643 : vector<16xf32> to vector<16xf32>
          %sub3A_645 = arith.subf %get3A_641, %get3A_644 : vector<16xf32>
          %mul3A_646 = arith.constant 2.500000e-02 : f32
          %mul3A_647 = vector.broadcast %mul3A_646 : f32 to vector<16xf32>
          %mul3A_648 = arith.mulf %sub3A_645, %mul3A_647 : vector<16xf32>
          %add3A_649 = arith.constant 0x4B400000 : f32
          %add3A_650 = vector.broadcast %add3A_649 : f32 to vector<16xf32>
          %add3A_651 = arith.addf %mul3A_648, %add3A_650 : vector<16xf32>
          %sub3A_652 = arith.constant 0x4B400000 : f32
          %sub3A_653 = vector.broadcast %sub3A_652 : f32 to vector<16xf32>
          %sub3A_654 = arith.subf %add3A_651, %sub3A_653 : vector<16xf32>
          %mul3A_655 = arith.constant 4.000000e+01 : f32
          %mul3A_656 = vector.broadcast %mul3A_655 : f32 to vector<16xf32>
          %mul3A_657 = arith.mulf %mul3A_656, %sub3A_654 : vector<16xf32>
          %sub3A_658 = arith.subf %sub3A_645, %mul3A_657 : vector<16xf32>
          %mul3A_659 = arith.mulf %sub3A_618, %sub3A_618 : vector<16xf32>
          %mul3A_660 = arith.mulf %sub3A_638, %sub3A_638 : vector<16xf32>
          %add3A_661 = arith.addf %mul3A_659, %mul3A_660 : vector<16xf32>
          %mul3A_662 = arith.mulf %sub3A_658, %sub3A_658 : vector<16xf32>
          %add3A_663 = arith.addf %add3A_661, %mul3A_662 : vector<16xf32>
          %max3A = arith.constant 1.000000e-24 : f32
          %max3A_664 = vector.broadcast %max3A : f32 to vector<16xf32>
          %max3A_665 = arith.maximumf %add3A_663, %max3A_664 : vector<16xf32>
          %div3A = arith.constant 1.000000e+00 : f32
          %div3A_666 = vector.broadcast %div3A : f32 to vector<16xf32>
          %div3A_667 = arith.divf %div3A_666, %max3A_665 : vector<16xf32>
          %get3A_668 = arith.index_cast %mul3A_596 : i32 to index
          %get3A_669 = tpu.vector_load %arg18[%get3A_668] {strides = array<i32>} : memref<1024xf32, #tpu.memory_space<vmem>>, vector<16xf32>,
          %get3A_670 = vector.shape_cast %get3A_669 : vector<16xf32> to vector<16xf32>
          %mul3A_671 = arith.mulf %get3A_670, %add3A_423 : vector<16xf32>
          %get3A_672 = arith.index_cast %mul3A_596 : i32 to index
          %get3A_673 = tpu.vector_load %arg22[%get3A_672] {strides = array<i32>} : memref<1024xf32, #tpu.memory_space<vmem>>, vector<16xf32>,
          %get3A_674 = vector.shape_cast %get3A_673 : vector<16xf32> to vector<16xf32>
          %mul3A_675 = arith.mulf %get3A_674, %add3A_423 : vector<16xf32>
          %mul3A_676 = arith.mulf %mul3A_675, %mul3A_675 : vector<16xf32>
          %mul3A_677 = arith.mulf %mul3A_676, %div3A_667 : vector<16xf32>
          %mul3A_678 = arith.mulf %mul3A_677, %mul3A_677 : vector<16xf32>
          %mul3A_679 = arith.mulf %mul3A_678, %mul3A_677 : vector<16xf32>
          %mul3A_680 = arith.mulf %mul3A_679, %mul3A_679 : vector<16xf32>
          %add3A_681 = arith.addf %mul3A_680, %mul3A_680 : vector<16xf32>
          %sub3A_682 = arith.subf %add3A_681, %mul3A_679 : vector<16xf32>
          %mul3A_683 = arith.constant 2.400000e+01 : f32
          %mul3A_684 = vector.broadcast %mul3A_683 : f32 to vector<16xf32>
          %mul3A_685 = arith.mulf %mul3A_684, %mul3A_671 : vector<16xf32>
          %mul3A_686 = arith.mulf %mul3A_685, %sub3A_682 : vector<16xf32>
          %mul3A_687 = arith.mulf %mul3A_686, %div3A_667 : vector<16xf32>
          %lt3A_688 = arith.constant 6.250000e+00 : f32
          %lt3A_689 = vector.broadcast %lt3A_688 : f32 to vector<16xf32>
          %lt3A_690 = arith.cmpf olt, %max3A_665, %lt3A_689 : vector<16xf32>
          %mul3A_691 = arith.constant 4.000000e+00 : f32
          %mul3A_692 = vector.broadcast %mul3A_691 : f32 to vector<16xf32>
          %mul3A_693 = arith.mulf %mul3A_692, %mul3A_671 : vector<16xf32>
          %sub3A_694 = arith.subf %mul3A_680, %mul3A_679 : vector<16xf32>
          %mul3A_695 = arith.mulf %mul3A_693, %sub3A_694 : vector<16xf32>
          %select_n3A_696 = arith.select %lt3A_690, %mul3A_695, %broadcast_in_dim3A_3 : vector<16xi1>, vector<16xf32>
          %add3A_697 = arith.addf %scan3A_583, %select_n3A_696 : vector<16xf32>
          %mul3A_698 = arith.mulf %mul3A_685, %sub3A_682 : vector<16xf32>
          %select_n3A_699 = arith.select %lt3A_690, %mul3A_698, %broadcast_in_dim3A_3 : vector<16xi1>, vector<16xf32>
          %add3A_700 = arith.addf %scan3A_584, %select_n3A_699 : vector<16xf32>
          %mul3A_701 = arith.mulf %mul3A_687, %sub3A_618 : vector<16xf32>
          %mul3A_702 = arith.mulf %mul3A_687, %sub3A_638 : vector<16xf32>
          %mul3A_703 = arith.mulf %mul3A_687, %sub3A_658 : vector<16xf32>
          %mul3A_704 = arith.mulf %mul3A_701, %sub3A_618 : vector<16xf32>
          %add3A_705 = arith.addf %scan3A_585, %mul3A_704 : vector<16xf32>
          %mul3A_706 = arith.mulf %mul3A_701, %sub3A_638 : vector<16xf32>
          %add3A_707 = arith.addf %scan3A_586, %mul3A_706 : vector<16xf32>
          %mul3A_708 = arith.mulf %mul3A_701, %sub3A_658 : vector<16xf32>
          %add3A_709 = arith.addf %scan3A_587, %mul3A_708 : vector<16xf32>
          %mul3A_710 = arith.mulf %mul3A_702, %sub3A_638 : vector<16xf32>
          %add3A_711 = arith.addf %scan3A_588, %mul3A_710 : vector<16xf32>
          %mul3A_712 = arith.mulf %mul3A_702, %sub3A_658 : vector<16xf32>
          %add3A_713 = arith.addf %scan3A_589, %mul3A_712 : vector<16xf32>
          %mul3A_714 = arith.mulf %mul3A_703, %sub3A_658 : vector<16xf32>
          %add3A_715 = arith.addf %scan3A_590, %mul3A_714 : vector<16xf32>
          %select_n3A_716 = arith.select %lt3A_690, %mul3A_701, %broadcast_in_dim3A_3 : vector<16xi1>, vector<16xf32>
          %select_n3A_717 = arith.select %lt3A_690, %mul3A_702, %broadcast_in_dim3A_3 : vector<16xi1>, vector<16xf32>
          %select_n3A_718 = arith.select %lt3A_690, %mul3A_703, %broadcast_in_dim3A_3 : vector<16xi1>, vector<16xf32>
          %jit3A_719 = arith.constant 1.000000e+00 : f32
          %broadcast_in_dim3A_720 = vector.broadcast %jit3A_719 : f32 to vector<16xf32>
          %select_n3A_721 = arith.select %lt3A_690, %broadcast_in_dim3A_720, %broadcast_in_dim3A_3 : vector<16xi1>, vector<16xf32>
          %add3A_722 = arith.addf %scan3A_591, %select_n3A_721 : vector<16xf32>
          %swap3A_723 = arith.index_cast %mul3A_596 : i32 to index
          %swap3A_724 = tpu.vector_load %arg30[%swap3A_723] {strides = array<i32>} : memref<2048xf32, #tpu.memory_space<vmem>>, vector<16xf32>,
          %swap3A_725 = vector.shape_cast %swap3A_724 : vector<16xf32> to vector<16xf32>
          %swap3A_726 = vector.shape_cast %select_n3A_716 : vector<16xf32> to vector<16xf32>
          tpu.vector_store %arg30[%swap3A_723], %swap3A_726 {strides = array<i32>} : memref<2048xf32, #tpu.memory_space<vmem>>, vector<16xf32>,
          %swap3A_727 = arith.index_cast %mul3A_596 : i32 to index
          %swap3A_728 = tpu.vector_load %arg32[%swap3A_727] {strides = array<i32>} : memref<2048xf32, #tpu.memory_space<vmem>>, vector<16xf32>,
          %swap3A_729 = vector.shape_cast %swap3A_728 : vector<16xf32> to vector<16xf32>
          %swap3A_730 = vector.shape_cast %select_n3A_717 : vector<16xf32> to vector<16xf32>
          tpu.vector_store %arg32[%swap3A_727], %swap3A_730 {strides = array<i32>} : memref<2048xf32, #tpu.memory_space<vmem>>, vector<16xf32>,
          %swap3A_731 = arith.index_cast %mul3A_596 : i32 to index
          %swap3A_732 = tpu.vector_load %arg34[%swap3A_731] {strides = array<i32>} : memref<2048xf32, #tpu.memory_space<vmem>>, vector<16xf32>,
          %swap3A_733 = vector.shape_cast %swap3A_732 : vector<16xf32> to vector<16xf32>
          %swap3A_734 = vector.shape_cast %select_n3A_718 : vector<16xf32> to vector<16xf32>
          tpu.vector_store %arg34[%swap3A_731], %swap3A_734 {strides = array<i32>} : memref<2048xf32, #tpu.memory_space<vmem>>, vector<16xf32>,
          %neg3A = arith.constant 0.000000e+00 : f32
          %neg3A_735 = vector.broadcast %neg3A : f32 to vector<16xf32>
          %neg3A_736 = arith.subf %neg3A_735, %select_n3A_716 : vector<16xf32>
          %swap3A_737 = arith.index_cast %add3A_600 : i32 to index
          %swap3A_738 = tpu.vector_load %arg30[%swap3A_737] {strides = array<i32>} : memref<2048xf32, #tpu.memory_space<vmem>>, vector<16xf32>,
          %swap3A_739 = vector.shape_cast %swap3A_738 : vector<16xf32> to vector<16xf32>
          %swap3A_740 = vector.shape_cast %neg3A_736 : vector<16xf32> to vector<16xf32>
          tpu.vector_store %arg30[%swap3A_737], %swap3A_740 {strides = array<i32>} : memref<2048xf32, #tpu.memory_space<vmem>>, vector<16xf32>,
          %neg3A_741 = arith.constant 0.000000e+00 : f32
          %neg3A_742 = vector.broadcast %neg3A_741 : f32 to vector<16xf32>
          %neg3A_743 = arith.subf %neg3A_742, %select_n3A_717 : vector<16xf32>
          %swap3A_744 = arith.index_cast %add3A_600 : i32 to index
          %swap3A_745 = tpu.vector_load %arg32[%swap3A_744] {strides = array<i32>} : memref<2048xf32, #tpu.memory_space<vmem>>, vector<16xf32>,
          %swap3A_746 = vector.shape_cast %swap3A_745 : vector<16xf32> to vector<16xf32>
          %swap3A_747 = vector.shape_cast %neg3A_743 : vector<16xf32> to vector<16xf32>
          tpu.vector_store %arg32[%swap3A_744], %swap3A_747 {strides = array<i32>} : memref<2048xf32, #tpu.memory_space<vmem>>, vector<16xf32>,
          %neg3A_748 = arith.constant 0.000000e+00 : f32
          %neg3A_749 = vector.broadcast %neg3A_748 : f32 to vector<16xf32>
          %neg3A_750 = arith.subf %neg3A_749, %select_n3A_718 : vector<16xf32>
          %swap3A_751 = arith.index_cast %add3A_600 : i32 to index
          %swap3A_752 = tpu.vector_load %arg34[%swap3A_751] {strides = array<i32>} : memref<2048xf32, #tpu.memory_space<vmem>>, vector<16xf32>,
          %swap3A_753 = vector.shape_cast %swap3A_752 : vector<16xf32> to vector<16xf32>
          %swap3A_754 = vector.shape_cast %neg3A_750 : vector<16xf32> to vector<16xf32>
          tpu.vector_store %arg34[%swap3A_751], %swap3A_754 {strides = array<i32>} : memref<2048xf32, #tpu.memory_space<vmem>>, vector<16xf32>,
          scf.yield %add3A_697, %add3A_700, %add3A_705, %add3A_707, %add3A_709, %add3A_711, %add3A_713, %add3A_715, %add3A_722 : vector<16xf32>, vector<16xf32>, vector<16xf32>, vector<16xf32>, vector<16xf32>, vector<16xf32>, vector<16xf32>, vector<16xf32>, vector<16xf32>
        }
        %scan3A_526 = arith.constant 8 : i32
        %slice3A = vector.extract_strided_slice %scan3A_525#8 {offsets = [0], sizes = [1], strides = [1]} : vector<16xf32> to vector<1xf32>
        %squeeze3A = vector.extract %slice3A[0] : f32 from vector<1xf32>
        %slice3A_527 = vector.extract_strided_slice %scan3A_525#8 {offsets = [1], sizes = [1], strides = [1]} : vector<16xf32> to vector<1xf32>
        %squeeze3A_528 = vector.extract %slice3A_527[0] : f32 from vector<1xf32>
        %add3A_529 = arith.addf %squeeze3A, %squeeze3A_528 : f32
        %slice3A_530 = vector.extract_strided_slice %scan3A_525#8 {offsets = [2], sizes = [1], strides = [1]} : vector<16xf32> to vector<1xf32>
        %squeeze3A_531 = vector.extract %slice3A_530[0] : f32 from vector<1xf32>
        %add3A_532 = arith.addf %add3A_529, %squeeze3A_531 : f32
        %slice3A_533 = vector.extract_strided_slice %scan3A_525#8 {offsets = [3], sizes = [1], strides = [1]} : vector<16xf32> to vector<1xf32>
        %squeeze3A_534 = vector.extract %slice3A_533[0] : f32 from vector<1xf32>
        %add3A_535 = arith.addf %add3A_532, %squeeze3A_534 : f32
        %slice3A_536 = vector.extract_strided_slice %scan3A_525#8 {offsets = [4], sizes = [1], strides = [1]} : vector<16xf32> to vector<1xf32>
        %squeeze3A_537 = vector.extract %slice3A_536[0] : f32 from vector<1xf32>
        %add3A_538 = arith.addf %add3A_535, %squeeze3A_537 : f32
        %slice3A_539 = vector.extract_strided_slice %scan3A_525#8 {offsets = [5], sizes = [1], strides = [1]} : vector<16xf32> to vector<1xf32>
        %squeeze3A_540 = vector.extract %slice3A_539[0] : f32 from vector<1xf32>
        %add3A_541 = arith.addf %add3A_538, %squeeze3A_540 : f32
        %slice3A_542 = vector.extract_strided_slice %scan3A_525#8 {offsets = [6], sizes = [1], strides = [1]} : vector<16xf32> to vector<1xf32>
        %squeeze3A_543 = vector.extract %slice3A_542[0] : f32 from vector<1xf32>
        %add3A_544 = arith.addf %add3A_541, %squeeze3A_543 : f32
        %slice3A_545 = vector.extract_strided_slice %scan3A_525#8 {offsets = [7], sizes = [1], strides = [1]} : vector<16xf32> to vector<1xf32>
        %squeeze3A_546 = vector.extract %slice3A_545[0] : f32 from vector<1xf32>
        %add3A_547 = arith.addf %add3A_544, %squeeze3A_546 : f32
        %slice3A_548 = vector.extract_strided_slice %scan3A_525#8 {offsets = [8], sizes = [1], strides = [1]} : vector<16xf32> to vector<1xf32>
        %squeeze3A_549 = vector.extract %slice3A_548[0] : f32 from vector<1xf32>
        %add3A_550 = arith.addf %add3A_547, %squeeze3A_549 : f32
        %slice3A_551 = vector.extract_strided_slice %scan3A_525#8 {offsets = [9], sizes = [1], strides = [1]} : vector<16xf32> to vector<1xf32>
        %squeeze3A_552 = vector.extract %slice3A_551[0] : f32 from vector<1xf32>
        %add3A_553 = arith.addf %add3A_550, %squeeze3A_552 : f32
        %slice3A_554 = vector.extract_strided_slice %scan3A_525#8 {offsets = [10], sizes = [1], strides = [1]} : vector<16xf32> to vector<1xf32>
        %squeeze3A_555 = vector.extract %slice3A_554[0] : f32 from vector<1xf32>
        %add3A_556 = arith.addf %add3A_553, %squeeze3A_555 : f32
        %slice3A_557 = vector.extract_strided_slice %scan3A_525#8 {offsets = [11], sizes = [1], strides = [1]} : vector<16xf32> to vector<1xf32>
        %squeeze3A_558 = vector.extract %slice3A_557[0] : f32 from vector<1xf32>
        %add3A_559 = arith.addf %add3A_556, %squeeze3A_558 : f32
        %slice3A_560 = vector.extract_strided_slice %scan3A_525#8 {offsets = [12], sizes = [1], strides = [1]} : vector<16xf32> to vector<1xf32>
        %squeeze3A_561 = vector.extract %slice3A_560[0] : f32 from vector<1xf32>
        %add3A_562 = arith.addf %add3A_559, %squeeze3A_561 : f32
        %slice3A_563 = vector.extract_strided_slice %scan3A_525#8 {offsets = [13], sizes = [1], strides = [1]} : vector<16xf32> to vector<1xf32>
        %squeeze3A_564 = vector.extract %slice3A_563[0] : f32 from vector<1xf32>
        %add3A_565 = arith.addf %add3A_562, %squeeze3A_564 : f32
        %slice3A_566 = vector.extract_strided_slice %scan3A_525#8 {offsets = [14], sizes = [1], strides = [1]} : vector<16xf32> to vector<1xf32>
        %squeeze3A_567 = vector.extract %slice3A_566[0] : f32 from vector<1xf32>
        %add3A_568 = arith.addf %add3A_565, %squeeze3A_567 : f32
        %slice3A_569 = vector.extract_strided_slice %scan3A_525#8 {offsets = [15], sizes = [1], strides = [1]} : vector<16xf32> to vector<1xf32>
        %squeeze3A_570 = vector.extract %slice3A_569[0] : f32 from vector<1xf32>
        %add3A_571 = arith.addf %add3A_568, %squeeze3A_570 : f32
        %gt3A = arith.constant 0.000000e+00 : f32
        %gt3A_572 = arith.cmpf ogt, %add3A_571, %gt3A : f32
        %convert_element_type3A_573 = arith.extui %gt3A_572 : i1 to i32
        %cond3A_574 = arith.constant 0 : i32
        %cond3A_575 = arith.cmpi ne, %convert_element_type3A_573, %cond3A_574 : i32
        scf.if %cond3A_575 {
          %mul3A_582 = arith.constant 128 : i32
          %mul3A_583 = arith.muli %scan3A_509, %mul3A_582 : i32
          %mul3A_584 = arith.constant 128 : i32
          %mul3A_585 = arith.muli %scan3A_509, %mul3A_584 : i32
          %add3A_586 = arith.constant 1024 : i32
          %add3A_587 = arith.addi %add3A_586, %mul3A_585 : i32
          %dma_start3A_588 = tpu.memref_slice %arg30[%mul3A_583] : memref<2048xf32, #tpu.memory_space<vmem>> -> memref<128xf32, #tpu.memory_space<vmem>>
          %dma_start3A_589 = tpu.memref_slice %arg14[%mul3A_583] : memref<2048xi32, #tpu.memory_space<vmem>> -> memref<128xi32, #tpu.memory_space<vmem>>
          %dma_start3A_590 = arith.constant 0 : i32
          %dma_start3A_591 = tpu.memref_slice %arg40[%dma_start3A_590] : memref<100352xf32, #tpu.memory_space<vmem_shared>> -> memref<100352xf32, #tpu.memory_space<vmem_shared>>
          tpu.enqueue_indirect_dma source(%dma_start3A_588 : memref<128xf32, #tpu.memory_space<vmem>>) target(%dma_start3A_591 : memref<100352xf32, #tpu.memory_space<vmem_shared>>) offsets(%dma_start3A_589 : memref<128xi32, #tpu.memory_space<vmem>>) semaphore(%arg49 : memref<!tpu.dma_semaphore, #tpu.memory_space<semaphore_mem>>) {add = true}
          %dma_start3A_592 = tpu.memref_slice %arg32[%mul3A_583] : memref<2048xf32, #tpu.memory_space<vmem>> -> memref<128xf32, #tpu.memory_space<vmem>>
          %dma_start3A_593 = tpu.memref_slice %arg14[%mul3A_583] : memref<2048xi32, #tpu.memory_space<vmem>> -> memref<128xi32, #tpu.memory_space<vmem>>
          %dma_start3A_594 = arith.constant 0 : i32
          %dma_start3A_595 = tpu.memref_slice %arg41[%dma_start3A_594] : memref<100352xf32, #tpu.memory_space<vmem_shared>> -> memref<100352xf32, #tpu.memory_space<vmem_shared>>
          tpu.enqueue_indirect_dma source(%dma_start3A_592 : memref<128xf32, #tpu.memory_space<vmem>>) target(%dma_start3A_595 : memref<100352xf32, #tpu.memory_space<vmem_shared>>) offsets(%dma_start3A_593 : memref<128xi32, #tpu.memory_space<vmem>>) semaphore(%arg49 : memref<!tpu.dma_semaphore, #tpu.memory_space<semaphore_mem>>) {add = true}
          %dma_start3A_596 = tpu.memref_slice %arg34[%mul3A_583] : memref<2048xf32, #tpu.memory_space<vmem>> -> memref<128xf32, #tpu.memory_space<vmem>>
          %dma_start3A_597 = tpu.memref_slice %arg14[%mul3A_583] : memref<2048xi32, #tpu.memory_space<vmem>> -> memref<128xi32, #tpu.memory_space<vmem>>
          %dma_start3A_598 = arith.constant 0 : i32
          %dma_start3A_599 = tpu.memref_slice %arg42[%dma_start3A_598] : memref<100352xf32, #tpu.memory_space<vmem_shared>> -> memref<100352xf32, #tpu.memory_space<vmem_shared>>
          tpu.enqueue_indirect_dma source(%dma_start3A_596 : memref<128xf32, #tpu.memory_space<vmem>>) target(%dma_start3A_599 : memref<100352xf32, #tpu.memory_space<vmem_shared>>) offsets(%dma_start3A_597 : memref<128xi32, #tpu.memory_space<vmem>>) semaphore(%arg49 : memref<!tpu.dma_semaphore, #tpu.memory_space<semaphore_mem>>) {add = true}
          %dma_start3A_600 = tpu.memref_slice %arg30[%add3A_587] : memref<2048xf32, #tpu.memory_space<vmem>> -> memref<128xf32, #tpu.memory_space<vmem>>
          %dma_start3A_601 = tpu.memref_slice %arg14[%add3A_587] : memref<2048xi32, #tpu.memory_space<vmem>> -> memref<128xi32, #tpu.memory_space<vmem>>
          %dma_start3A_602 = arith.constant 0 : i32
          %dma_start3A_603 = tpu.memref_slice %arg40[%dma_start3A_602] : memref<100352xf32, #tpu.memory_space<vmem_shared>> -> memref<100352xf32, #tpu.memory_space<vmem_shared>>
          tpu.enqueue_indirect_dma source(%dma_start3A_600 : memref<128xf32, #tpu.memory_space<vmem>>) target(%dma_start3A_603 : memref<100352xf32, #tpu.memory_space<vmem_shared>>) offsets(%dma_start3A_601 : memref<128xi32, #tpu.memory_space<vmem>>) semaphore(%arg49 : memref<!tpu.dma_semaphore, #tpu.memory_space<semaphore_mem>>) {add = true}
          %dma_start3A_604 = tpu.memref_slice %arg32[%add3A_587] : memref<2048xf32, #tpu.memory_space<vmem>> -> memref<128xf32, #tpu.memory_space<vmem>>
          %dma_start3A_605 = tpu.memref_slice %arg14[%add3A_587] : memref<2048xi32, #tpu.memory_space<vmem>> -> memref<128xi32, #tpu.memory_space<vmem>>
          %dma_start3A_606 = arith.constant 0 : i32
          %dma_start3A_607 = tpu.memref_slice %arg41[%dma_start3A_606] : memref<100352xf32, #tpu.memory_space<vmem_shared>> -> memref<100352xf32, #tpu.memory_space<vmem_shared>>
          tpu.enqueue_indirect_dma source(%dma_start3A_604 : memref<128xf32, #tpu.memory_space<vmem>>) target(%dma_start3A_607 : memref<100352xf32, #tpu.memory_space<vmem_shared>>) offsets(%dma_start3A_605 : memref<128xi32, #tpu.memory_space<vmem>>) semaphore(%arg49 : memref<!tpu.dma_semaphore, #tpu.memory_space<semaphore_mem>>) {add = true}
          %dma_start3A_608 = tpu.memref_slice %arg34[%add3A_587] : memref<2048xf32, #tpu.memory_space<vmem>> -> memref<128xf32, #tpu.memory_space<vmem>>
          %dma_start3A_609 = tpu.memref_slice %arg14[%add3A_587] : memref<2048xi32, #tpu.memory_space<vmem>> -> memref<128xi32, #tpu.memory_space<vmem>>
          %dma_start3A_610 = arith.constant 0 : i32
          %dma_start3A_611 = tpu.memref_slice %arg42[%dma_start3A_610] : memref<100352xf32, #tpu.memory_space<vmem_shared>> -> memref<100352xf32, #tpu.memory_space<vmem_shared>>
          tpu.enqueue_indirect_dma source(%dma_start3A_608 : memref<128xf32, #tpu.memory_space<vmem>>) target(%dma_start3A_611 : memref<100352xf32, #tpu.memory_space<vmem_shared>>) offsets(%dma_start3A_609 : memref<128xi32, #tpu.memory_space<vmem>>) semaphore(%arg49 : memref<!tpu.dma_semaphore, #tpu.memory_space<semaphore_mem>>) {add = true}
        } else {
        }
        %gt3A_576 = arith.constant 0.000000e+00 : f32
        %gt3A_577 = arith.cmpf ogt, %add3A_571, %gt3A_576 : f32
        %jit3A_578 = arith.constant 1 : i32
        %jit3A_579 = arith.constant 0 : i32
        %select_n3A_580 = arith.select %gt3A_577, %jit3A_578, %jit3A_579 : i32
        %add3A_581 = arith.addi %scan3A_518, %select_n3A_580 : i32
        scf.yield %scan3A_525#0, %scan3A_525#1, %scan3A_525#2, %scan3A_525#3, %scan3A_525#4, %scan3A_525#5, %scan3A_525#6, %scan3A_525#7, %add3A_581 : vector<16xf32>, vector<16xf32>, vector<16xf32>, vector<16xf32>, vector<16xf32>, vector<16xf32>, vector<16xf32>, vector<16xf32>, i32
      }
      %scan3A_430 = arith.constant 8 : i32
      %add3A_431 = arith.constant 3 : i32
      %add3A_432 = arith.addi %mul3A_201, %add3A_431 : i32
      %add3A_433 = arith.constant 1 : i32
      %add3A_434 = arith.addi %add3A_432, %add3A_433 : i32
      %mul3A_435 = arith.constant 1024 : i32
      %mul3A_436 = arith.muli %add3A_434, %mul3A_435 : i32
      %add3A_437 = arith.addi %mul3A_11, %mul3A_436 : i32
      %min3A_438 = arith.constant 3198976 : i32
      %min3A_439 = arith.minsi %add3A_437, %min3A_438 : i32
      %dma_wait3A_440 = arith.constant 0 : i32
      %dma_wait3A_441 = tpu.memref_slice %arg12[%dma_wait3A_440] : memref<2048xi32, #tpu.memory_space<vmem>> -> memref<1024xi32, #tpu.memory_space<vmem>>
      %dma_wait3A_442 = tpu.memref_slice %arg5[%min3A_439] : memref<3200000xi32, #tpu.memory_space<hbm>> -> memref<1024xi32, #tpu.memory_space<hbm>>
      %dma_wait3A_443 = arith.constant 0 : i32
      %dma_wait3A_444 = tpu.memref_slice %arg12[%dma_wait3A_443] : memref<2048xi32, #tpu.memory_space<vmem>> -> memref<1024xi32, #tpu.memory_space<vmem>>
      %dma_wait3A_445 = tpu.memref_slice %arg5[%min3A_439] : memref<3200000xi32, #tpu.memory_space<hbm>> -> memref<1024xi32, #tpu.memory_space<hbm>>
      tpu.wait_dma2 semaphore(%arg43 : memref<!tpu.dma_semaphore, #tpu.memory_space<semaphore_mem>>) src(%dma_wait3A_445 : memref<1024xi32, #tpu.memory_space<hbm>>) dst(%dma_wait3A_444 : memref<1024xi32, #tpu.memory_space<vmem>>)
      %dma_wait3A_446 = arith.constant 1024 : i32
      %dma_wait3A_447 = tpu.memref_slice %arg12[%dma_wait3A_446] : memref<2048xi32, #tpu.memory_space<vmem>> -> memref<1024xi32, #tpu.memory_space<vmem>>
      %dma_wait3A_448 = tpu.memref_slice %arg6[%min3A_439] : memref<3200000xi32, #tpu.memory_space<hbm>> -> memref<1024xi32, #tpu.memory_space<hbm>>
      %dma_wait3A_449 = arith.constant 1024 : i32
      %dma_wait3A_450 = tpu.memref_slice %arg12[%dma_wait3A_449] : memref<2048xi32, #tpu.memory_space<vmem>> -> memref<1024xi32, #tpu.memory_space<vmem>>
      %dma_wait3A_451 = tpu.memref_slice %arg6[%min3A_439] : memref<3200000xi32, #tpu.memory_space<hbm>> -> memref<1024xi32, #tpu.memory_space<hbm>>
      tpu.wait_dma2 semaphore(%arg43 : memref<!tpu.dma_semaphore, #tpu.memory_space<semaphore_mem>>) src(%dma_wait3A_451 : memref<1024xi32, #tpu.memory_space<hbm>>) dst(%dma_wait3A_450 : memref<1024xi32, #tpu.memory_space<vmem>>)
      %dma_wait3A_452 = tpu.memref_slice %arg7[%min3A_439] : memref<3200000xf32, #tpu.memory_space<hbm>> -> memref<1024xf32, #tpu.memory_space<hbm>>
      %dma_wait3A_453 = tpu.memref_slice %arg7[%min3A_439] : memref<3200000xf32, #tpu.memory_space<hbm>> -> memref<1024xf32, #tpu.memory_space<hbm>>
      tpu.wait_dma2 semaphore(%arg43 : memref<!tpu.dma_semaphore, #tpu.memory_space<semaphore_mem>>) src(%dma_wait3A_453 : memref<1024xf32, #tpu.memory_space<hbm>>) dst(%arg16 : memref<1024xf32, #tpu.memory_space<vmem>>)
      %dma_wait3A_454 = tpu.memref_slice %arg8[%min3A_439] : memref<3200000xf32, #tpu.memory_space<hbm>> -> memref<1024xf32, #tpu.memory_space<hbm>>
      %dma_wait3A_455 = tpu.memref_slice %arg8[%min3A_439] : memref<3200000xf32, #tpu.memory_space<hbm>> -> memref<1024xf32, #tpu.memory_space<hbm>>
      tpu.wait_dma2 semaphore(%arg43 : memref<!tpu.dma_semaphore, #tpu.memory_space<semaphore_mem>>) src(%dma_wait3A_455 : memref<1024xf32, #tpu.memory_space<hbm>>) dst(%arg20 : memref<1024xf32, #tpu.memory_space<vmem>>)
      %dma_start3A_456 = arith.constant 0 : i32
      %dma_start3A_457 = tpu.memref_slice %arg37[%dma_start3A_456] : memref<100352xf32, #tpu.memory_space<vmem_shared>> -> memref<100352xf32, #tpu.memory_space<vmem_shared>>
      tpu.enqueue_indirect_dma source(%dma_start3A_457 : memref<100352xf32, #tpu.memory_space<vmem_shared>>) target(%arg24 : memref<2048xf32, #tpu.memory_space<vmem>>) offsets(%arg12 : memref<2048xi32, #tpu.memory_space<vmem>>) semaphore(%arg47 : memref<!tpu.dma_semaphore, #tpu.memory_space<semaphore_mem>>)
      %dma_start3A_458 = arith.constant 0 : i32
      %dma_start3A_459 = tpu.memref_slice %arg38[%dma_start3A_458] : memref<100352xf32, #tpu.memory_space<vmem_shared>> -> memref<100352xf32, #tpu.memory_space<vmem_shared>>
      tpu.enqueue_indirect_dma source(%dma_start3A_459 : memref<100352xf32, #tpu.memory_space<vmem_shared>>) target(%arg26 : memref<2048xf32, #tpu.memory_space<vmem>>) offsets(%arg12 : memref<2048xi32, #tpu.memory_space<vmem>>) semaphore(%arg47 : memref<!tpu.dma_semaphore, #tpu.memory_space<semaphore_mem>>)
      %dma_start3A_460 = arith.constant 0 : i32
      %dma_start3A_461 = tpu.memref_slice %arg39[%dma_start3A_460] : memref<100352xf32, #tpu.memory_space<vmem_shared>> -> memref<100352xf32, #tpu.memory_space<vmem_shared>>
      tpu.enqueue_indirect_dma source(%dma_start3A_461 : memref<100352xf32, #tpu.memory_space<vmem_shared>>) target(%arg28 : memref<2048xf32, #tpu.memory_space<vmem>>) offsets(%arg12 : memref<2048xi32, #tpu.memory_space<vmem>>) semaphore(%arg47 : memref<!tpu.dma_semaphore, #tpu.memory_space<semaphore_mem>>)
      %ge3A_462 = arith.constant 2 : i32
      %ge3A_463 = arith.cmpi sge, %add3A_432, %ge3A_462 : i32
      %convert_element_type3A_464 = arith.extui %ge3A_463 : i1 to i32
      %cond3A_465 = arith.constant 0 : i32
      %cond3A_466 = arith.cmpi ne, %convert_element_type3A_464, %cond3A_465 : i32
      scf.if %cond3A_466 {
        %while3A_509 = arith.constant 0 : i32
        %while3A_510 = arith.constant 0 : i32
        %while3A_511 = arith.subi %scan3A_351#8, %while3A_510 : i32
        %while3A_512 = arith.addi %while3A_510, %while3A_511 : i32
        %while3A_513 = arith.constant 1 : i32
        %while3A_514 = arith.divsi %while3A_511, %while3A_513 : i32
        %while3A_515 = arith.muli %while3A_514, %while3A_513 : i32
        %while3A_516 = arith.addi %while3A_510, %while3A_515 : i32
        %while3A_517 = arith.constant 1 : i32
        scf.for %while3A_519 = %while3A_510 to %while3A_516 step %while3A_517  : i32 {
          %dma_wait3A_520 = arith.constant 0 : i32
          %dma_wait3A_521 = tpu.memref_slice %arg31[%dma_wait3A_520] : memref<2048xf32, #tpu.memory_space<vmem>> -> memref<128xf32, #tpu.memory_space<vmem>>
          %dma_wait3A_522 = arith.constant 0 : i32
          %dma_wait3A_523 = tpu.memref_slice %arg13[%dma_wait3A_522] : memref<2048xi32, #tpu.memory_space<vmem>> -> memref<128xi32, #tpu.memory_space<vmem>>
          %dma_wait3A_524 = arith.constant 0 : i32
          %dma_wait3A_525 = tpu.memref_slice %arg40[%dma_wait3A_524] : memref<100352xf32, #tpu.memory_space<vmem_shared>> -> memref<100352xf32, #tpu.memory_space<vmem_shared>>
          tpu.wait_indirect_dma semaphore(%arg50 : memref<!tpu.dma_semaphore, #tpu.memory_space<semaphore_mem>>) src(%dma_wait3A_521 : memref<128xf32, #tpu.memory_space<vmem>>) dst(%dma_wait3A_525 : memref<100352xf32, #tpu.memory_space<vmem_shared>>)
          %dma_wait3A_526 = arith.constant 0 : i32
          %dma_wait3A_527 = tpu.memref_slice %arg33[%dma_wait3A_526] : memref<2048xf32, #tpu.memory_space<vmem>> -> memref<128xf32, #tpu.memory_space<vmem>>
          %dma_wait3A_528 = arith.constant 0 : i32
          %dma_wait3A_529 = tpu.memref_slice %arg13[%dma_wait3A_528] : memref<2048xi32, #tpu.memory_space<vmem>> -> memref<128xi32, #tpu.memory_space<vmem>>
          %dma_wait3A_530 = arith.constant 0 : i32
          %dma_wait3A_531 = tpu.memref_slice %arg41[%dma_wait3A_530] : memref<100352xf32, #tpu.memory_space<vmem_shared>> -> memref<100352xf32, #tpu.memory_space<vmem_shared>>
          tpu.wait_indirect_dma semaphore(%arg50 : memref<!tpu.dma_semaphore, #tpu.memory_space<semaphore_mem>>) src(%dma_wait3A_527 : memref<128xf32, #tpu.memory_space<vmem>>) dst(%dma_wait3A_531 : memref<100352xf32, #tpu.memory_space<vmem_shared>>)
          %dma_wait3A_532 = arith.constant 0 : i32
          %dma_wait3A_533 = tpu.memref_slice %arg35[%dma_wait3A_532] : memref<2048xf32, #tpu.memory_space<vmem>> -> memref<128xf32, #tpu.memory_space<vmem>>
          %dma_wait3A_534 = arith.constant 0 : i32
          %dma_wait3A_535 = tpu.memref_slice %arg13[%dma_wait3A_534] : memref<2048xi32, #tpu.memory_space<vmem>> -> memref<128xi32, #tpu.memory_space<vmem>>
          %dma_wait3A_536 = arith.constant 0 : i32
          %dma_wait3A_537 = tpu.memref_slice %arg42[%dma_wait3A_536] : memref<100352xf32, #tpu.memory_space<vmem_shared>> -> memref<100352xf32, #tpu.memory_space<vmem_shared>>
          tpu.wait_indirect_dma semaphore(%arg50 : memref<!tpu.dma_semaphore, #tpu.memory_space<semaphore_mem>>) src(%dma_wait3A_533 : memref<128xf32, #tpu.memory_space<vmem>>) dst(%dma_wait3A_537 : memref<100352xf32, #tpu.memory_space<vmem_shared>>)
          %dma_wait3A_538 = arith.constant 1024 : i32
          %dma_wait3A_539 = tpu.memref_slice %arg31[%dma_wait3A_538] : memref<2048xf32, #tpu.memory_space<vmem>> -> memref<128xf32, #tpu.memory_space<vmem>>
          %dma_wait3A_540 = arith.constant 1024 : i32
          %dma_wait3A_541 = tpu.memref_slice %arg13[%dma_wait3A_540] : memref<2048xi32, #tpu.memory_space<vmem>> -> memref<128xi32, #tpu.memory_space<vmem>>
          %dma_wait3A_542 = arith.constant 0 : i32
          %dma_wait3A_543 = tpu.memref_slice %arg40[%dma_wait3A_542] : memref<100352xf32, #tpu.memory_space<vmem_shared>> -> memref<100352xf32, #tpu.memory_space<vmem_shared>>
          tpu.wait_indirect_dma semaphore(%arg50 : memref<!tpu.dma_semaphore, #tpu.memory_space<semaphore_mem>>) src(%dma_wait3A_539 : memref<128xf32, #tpu.memory_space<vmem>>) dst(%dma_wait3A_543 : memref<100352xf32, #tpu.memory_space<vmem_shared>>)
          %dma_wait3A_544 = arith.constant 1024 : i32
          %dma_wait3A_545 = tpu.memref_slice %arg33[%dma_wait3A_544] : memref<2048xf32, #tpu.memory_space<vmem>> -> memref<128xf32, #tpu.memory_space<vmem>>
          %dma_wait3A_546 = arith.constant 1024 : i32
          %dma_wait3A_547 = tpu.memref_slice %arg13[%dma_wait3A_546] : memref<2048xi32, #tpu.memory_space<vmem>> -> memref<128xi32, #tpu.memory_space<vmem>>
          %dma_wait3A_548 = arith.constant 0 : i32
          %dma_wait3A_549 = tpu.memref_slice %arg41[%dma_wait3A_548] : memref<100352xf32, #tpu.memory_space<vmem_shared>> -> memref<100352xf32, #tpu.memory_space<vmem_shared>>
          tpu.wait_indirect_dma semaphore(%arg50 : memref<!tpu.dma_semaphore, #tpu.memory_space<semaphore_mem>>) src(%dma_wait3A_545 : memref<128xf32, #tpu.memory_space<vmem>>) dst(%dma_wait3A_549 : memref<100352xf32, #tpu.memory_space<vmem_shared>>)
          %dma_wait3A_550 = arith.constant 1024 : i32
          %dma_wait3A_551 = tpu.memref_slice %arg35[%dma_wait3A_550] : memref<2048xf32, #tpu.memory_space<vmem>> -> memref<128xf32, #tpu.memory_space<vmem>>
          %dma_wait3A_552 = arith.constant 1024 : i32
          %dma_wait3A_553 = tpu.memref_slice %arg13[%dma_wait3A_552] : memref<2048xi32, #tpu.memory_space<vmem>> -> memref<128xi32, #tpu.memory_space<vmem>>
          %dma_wait3A_554 = arith.constant 0 : i32
          %dma_wait3A_555 = tpu.memref_slice %arg42[%dma_wait3A_554] : memref<100352xf32, #tpu.memory_space<vmem_shared>> -> memref<100352xf32, #tpu.memory_space<vmem_shared>>
          tpu.wait_indirect_dma semaphore(%arg50 : memref<!tpu.dma_semaphore, #tpu.memory_space<semaphore_mem>>) src(%dma_wait3A_551 : memref<128xf32, #tpu.memory_space<vmem>>) dst(%dma_wait3A_555 : memref<100352xf32, #tpu.memory_space<vmem_shared>>)
        }
        %while3A_518 = arith.constant 1 : i32
        scf.for %while3A_519 = %while3A_516 to %while3A_512 step %while3A_518  : i32 {
          %dma_wait3A_520 = arith.constant 0 : i32
          %dma_wait3A_521 = tpu.memref_slice %arg31[%dma_wait3A_520] : memref<2048xf32, #tpu.memory_space<vmem>> -> memref<128xf32, #tpu.memory_space<vmem>>
          %dma_wait3A_522 = arith.constant 0 : i32
          %dma_wait3A_523 = tpu.memref_slice %arg13[%dma_wait3A_522] : memref<2048xi32, #tpu.memory_space<vmem>> -> memref<128xi32, #tpu.memory_space<vmem>>
          %dma_wait3A_524 = arith.constant 0 : i32
          %dma_wait3A_525 = tpu.memref_slice %arg40[%dma_wait3A_524] : memref<100352xf32, #tpu.memory_space<vmem_shared>> -> memref<100352xf32, #tpu.memory_space<vmem_shared>>
          tpu.wait_indirect_dma semaphore(%arg50 : memref<!tpu.dma_semaphore, #tpu.memory_space<semaphore_mem>>) src(%dma_wait3A_521 : memref<128xf32, #tpu.memory_space<vmem>>) dst(%dma_wait3A_525 : memref<100352xf32, #tpu.memory_space<vmem_shared>>)
          %dma_wait3A_526 = arith.constant 0 : i32
          %dma_wait3A_527 = tpu.memref_slice %arg33[%dma_wait3A_526] : memref<2048xf32, #tpu.memory_space<vmem>> -> memref<128xf32, #tpu.memory_space<vmem>>
          %dma_wait3A_528 = arith.constant 0 : i32
          %dma_wait3A_529 = tpu.memref_slice %arg13[%dma_wait3A_528] : memref<2048xi32, #tpu.memory_space<vmem>> -> memref<128xi32, #tpu.memory_space<vmem>>
          %dma_wait3A_530 = arith.constant 0 : i32
          %dma_wait3A_531 = tpu.memref_slice %arg41[%dma_wait3A_530] : memref<100352xf32, #tpu.memory_space<vmem_shared>> -> memref<100352xf32, #tpu.memory_space<vmem_shared>>
          tpu.wait_indirect_dma semaphore(%arg50 : memref<!tpu.dma_semaphore, #tpu.memory_space<semaphore_mem>>) src(%dma_wait3A_527 : memref<128xf32, #tpu.memory_space<vmem>>) dst(%dma_wait3A_531 : memref<100352xf32, #tpu.memory_space<vmem_shared>>)
          %dma_wait3A_532 = arith.constant 0 : i32
          %dma_wait3A_533 = tpu.memref_slice %arg35[%dma_wait3A_532] : memref<2048xf32, #tpu.memory_space<vmem>> -> memref<128xf32, #tpu.memory_space<vmem>>
          %dma_wait3A_534 = arith.constant 0 : i32
          %dma_wait3A_535 = tpu.memref_slice %arg13[%dma_wait3A_534] : memref<2048xi32, #tpu.memory_space<vmem>> -> memref<128xi32, #tpu.memory_space<vmem>>
          %dma_wait3A_536 = arith.constant 0 : i32
          %dma_wait3A_537 = tpu.memref_slice %arg42[%dma_wait3A_536] : memref<100352xf32, #tpu.memory_space<vmem_shared>> -> memref<100352xf32, #tpu.memory_space<vmem_shared>>
          tpu.wait_indirect_dma semaphore(%arg50 : memref<!tpu.dma_semaphore, #tpu.memory_space<semaphore_mem>>) src(%dma_wait3A_533 : memref<128xf32, #tpu.memory_space<vmem>>) dst(%dma_wait3A_537 : memref<100352xf32, #tpu.memory_space<vmem_shared>>)
          %dma_wait3A_538 = arith.constant 1024 : i32
          %dma_wait3A_539 = tpu.memref_slice %arg31[%dma_wait3A_538] : memref<2048xf32, #tpu.memory_space<vmem>> -> memref<128xf32, #tpu.memory_space<vmem>>
          %dma_wait3A_540 = arith.constant 1024 : i32
          %dma_wait3A_541 = tpu.memref_slice %arg13[%dma_wait3A_540] : memref<2048xi32, #tpu.memory_space<vmem>> -> memref<128xi32, #tpu.memory_space<vmem>>
          %dma_wait3A_542 = arith.constant 0 : i32
          %dma_wait3A_543 = tpu.memref_slice %arg40[%dma_wait3A_542] : memref<100352xf32, #tpu.memory_space<vmem_shared>> -> memref<100352xf32, #tpu.memory_space<vmem_shared>>
          tpu.wait_indirect_dma semaphore(%arg50 : memref<!tpu.dma_semaphore, #tpu.memory_space<semaphore_mem>>) src(%dma_wait3A_539 : memref<128xf32, #tpu.memory_space<vmem>>) dst(%dma_wait3A_543 : memref<100352xf32, #tpu.memory_space<vmem_shared>>)
          %dma_wait3A_544 = arith.constant 1024 : i32
          %dma_wait3A_545 = tpu.memref_slice %arg33[%dma_wait3A_544] : memref<2048xf32, #tpu.memory_space<vmem>> -> memref<128xf32, #tpu.memory_space<vmem>>
          %dma_wait3A_546 = arith.constant 1024 : i32
          %dma_wait3A_547 = tpu.memref_slice %arg13[%dma_wait3A_546] : memref<2048xi32, #tpu.memory_space<vmem>> -> memref<128xi32, #tpu.memory_space<vmem>>
          %dma_wait3A_548 = arith.constant 0 : i32
          %dma_wait3A_549 = tpu.memref_slice %arg41[%dma_wait3A_548] : memref<100352xf32, #tpu.memory_space<vmem_shared>> -> memref<100352xf32, #tpu.memory_space<vmem_shared>>
          tpu.wait_indirect_dma semaphore(%arg50 : memref<!tpu.dma_semaphore, #tpu.memory_space<semaphore_mem>>) src(%dma_wait3A_545 : memref<128xf32, #tpu.memory_space<vmem>>) dst(%dma_wait3A_549 : memref<100352xf32, #tpu.memory_space<vmem_shared>>)
          %dma_wait3A_550 = arith.constant 1024 : i32
          %dma_wait3A_551 = tpu.memref_slice %arg35[%dma_wait3A_550] : memref<2048xf32, #tpu.memory_space<vmem>> -> memref<128xf32, #tpu.memory_space<vmem>>
          %dma_wait3A_552 = arith.constant 1024 : i32
          %dma_wait3A_553 = tpu.memref_slice %arg13[%dma_wait3A_552] : memref<2048xi32, #tpu.memory_space<vmem>> -> memref<128xi32, #tpu.memory_space<vmem>>
          %dma_wait3A_554 = arith.constant 0 : i32
          %dma_wait3A_555 = tpu.memref_slice %arg42[%dma_wait3A_554] : memref<100352xf32, #tpu.memory_space<vmem_shared>> -> memref<100352xf32, #tpu.memory_space<vmem_shared>>
          tpu.wait_indirect_dma semaphore(%arg50 : memref<!tpu.dma_semaphore, #tpu.memory_space<semaphore_mem>>) src(%dma_wait3A_551 : memref<128xf32, #tpu.memory_space<vmem>>) dst(%dma_wait3A_555 : memref<100352xf32, #tpu.memory_space<vmem_shared>>)
        }
      } else {
      }
      %add3A_467 = arith.constant 2 : i32
      %add3A_468 = arith.addi %add3A_432, %add3A_467 : i32
      %mul3A_469 = arith.constant 1024 : i32
      %mul3A_470 = arith.muli %add3A_468, %mul3A_469 : i32
      %add3A_471 = arith.addi %mul3A_11, %mul3A_470 : i32
      %min3A_472 = arith.constant 3198976 : i32
      %min3A_473 = arith.minsi %add3A_471, %min3A_472 : i32
      %dma_start3A_474 = arith.constant 0 : i32
      %dma_start3A_475 = tpu.memref_slice %arg13[%dma_start3A_474] : memref<2048xi32, #tpu.memory_space<vmem>> -> memref<1024xi32, #tpu.memory_space<vmem>>
      %dma_start3A_476 = tpu.memref_slice %arg5[%min3A_473] : memref<3200000xi32, #tpu.memory_space<hbm>> -> memref<1024xi32, #tpu.memory_space<hbm>>
      %dma_start3A_477 = arith.constant 0 : i32
      %dma_start3A_478 = tpu.memref_slice %arg13[%dma_start3A_477] : memref<2048xi32, #tpu.memory_space<vmem>> -> memref<1024xi32, #tpu.memory_space<vmem>>
      %dma_start3A_479 = tpu.memref_slice %arg5[%min3A_473] : memref<3200000xi32, #tpu.memory_space<hbm>> -> memref<1024xi32, #tpu.memory_space<hbm>>
      tpu.enqueue_dma source(%dma_start3A_479 : memref<1024xi32, #tpu.memory_space<hbm>>) target(%dma_start3A_478 : memref<1024xi32, #tpu.memory_space<vmem>>) target_semaphore(%arg44 : memref<!tpu.dma_semaphore, #tpu.memory_space<semaphore_mem>>)
      %dma_start3A_480 = arith.constant 1024 : i32
      %dma_start3A_481 = tpu.memref_slice %arg13[%dma_start3A_480] : memref<2048xi32, #tpu.memory_space<vmem>> -> memref<1024xi32, #tpu.memory_space<vmem>>
      %dma_start3A_482 = tpu.memref_slice %arg6[%min3A_473] : memref<3200000xi32, #tpu.memory_space<hbm>> -> memref<1024xi32, #tpu.memory_space<hbm>>
      %dma_start3A_483 = arith.constant 1024 : i32
      %dma_start3A_484 = tpu.memref_slice %arg13[%dma_start3A_483] : memref<2048xi32, #tpu.memory_space<vmem>> -> memref<1024xi32, #tpu.memory_space<vmem>>
      %dma_start3A_485 = tpu.memref_slice %arg6[%min3A_473] : memref<3200000xi32, #tpu.memory_space<hbm>> -> memref<1024xi32, #tpu.memory_space<hbm>>
      tpu.enqueue_dma source(%dma_start3A_485 : memref<1024xi32, #tpu.memory_space<hbm>>) target(%dma_start3A_484 : memref<1024xi32, #tpu.memory_space<vmem>>) target_semaphore(%arg44 : memref<!tpu.dma_semaphore, #tpu.memory_space<semaphore_mem>>)
      %dma_start3A_486 = tpu.memref_slice %arg7[%min3A_473] : memref<3200000xf32, #tpu.memory_space<hbm>> -> memref<1024xf32, #tpu.memory_space<hbm>>
      %dma_start3A_487 = tpu.memref_slice %arg7[%min3A_473] : memref<3200000xf32, #tpu.memory_space<hbm>> -> memref<1024xf32, #tpu.memory_space<hbm>>
      tpu.enqueue_dma source(%dma_start3A_487 : memref<1024xf32, #tpu.memory_space<hbm>>) target(%arg17 : memref<1024xf32, #tpu.memory_space<vmem>>) target_semaphore(%arg44 : memref<!tpu.dma_semaphore, #tpu.memory_space<semaphore_mem>>)
      %dma_start3A_488 = tpu.memref_slice %arg8[%min3A_473] : memref<3200000xf32, #tpu.memory_space<hbm>> -> memref<1024xf32, #tpu.memory_space<hbm>>
      %dma_start3A_489 = tpu.memref_slice %arg8[%min3A_473] : memref<3200000xf32, #tpu.memory_space<hbm>> -> memref<1024xf32, #tpu.memory_space<hbm>>
      tpu.enqueue_dma source(%dma_start3A_489 : memref<1024xf32, #tpu.memory_space<hbm>>) target(%arg21 : memref<1024xf32, #tpu.memory_space<vmem>>) target_semaphore(%arg44 : memref<!tpu.dma_semaphore, #tpu.memory_space<semaphore_mem>>)
      %dma_wait3A_490 = arith.constant 0 : i32
      %dma_wait3A_491 = tpu.memref_slice %arg37[%dma_wait3A_490] : memref<100352xf32, #tpu.memory_space<vmem_shared>> -> memref<100352xf32, #tpu.memory_space<vmem_shared>>
      tpu.wait_indirect_dma semaphore(%arg48 : memref<!tpu.dma_semaphore, #tpu.memory_space<semaphore_mem>>) src(%dma_wait3A_491 : memref<100352xf32, #tpu.memory_space<vmem_shared>>) dst(%arg25 : memref<2048xf32, #tpu.memory_space<vmem>>)
      %dma_wait3A_492 = arith.constant 0 : i32
      %dma_wait3A_493 = tpu.memref_slice %arg38[%dma_wait3A_492] : memref<100352xf32, #tpu.memory_space<vmem_shared>> -> memref<100352xf32, #tpu.memory_space<vmem_shared>>
      tpu.wait_indirect_dma semaphore(%arg48 : memref<!tpu.dma_semaphore, #tpu.memory_space<semaphore_mem>>) src(%dma_wait3A_493 : memref<100352xf32, #tpu.memory_space<vmem_shared>>) dst(%arg27 : memref<2048xf32, #tpu.memory_space<vmem>>)
      %dma_wait3A_494 = arith.constant 0 : i32
      %dma_wait3A_495 = tpu.memref_slice %arg39[%dma_wait3A_494] : memref<100352xf32, #tpu.memory_space<vmem_shared>> -> memref<100352xf32, #tpu.memory_space<vmem_shared>>
      tpu.wait_indirect_dma semaphore(%arg48 : memref<!tpu.dma_semaphore, #tpu.memory_space<semaphore_mem>>) src(%dma_wait3A_495 : memref<100352xf32, #tpu.memory_space<vmem_shared>>) dst(%arg29 : memref<2048xf32, #tpu.memory_space<vmem>>)
      %lt3A_496 = arith.cmpi slt, %add3A_432, %select_n3A : i32
      %jit3A_497 = arith.constant 1.000000e+00 : f32
      %jit3A_498 = arith.constant 0.000000e+00 : f32
      %select_n3A_499 = arith.select %lt3A_496, %jit3A_497, %jit3A_498 : f32
      %add3A_500 = vector.broadcast %select_n3A_499 : f32 to vector<16xf32>
      %add3A_501 = arith.addf %broadcast_in_dim3A_3, %add3A_500 : vector<16xf32>
      %scan3A_502 = arith.constant 0 : i32
      %scan3A_503 = arith.constant 0 : i32
      %scan3A_504 = arith.constant 8 : i32
      %scan3A_505 = arith.addi %scan3A_503, %scan3A_504 : i32
      %scan3A_506 = arith.constant 1 : i32
      %scan3A_507:9 = scf.for %scan3A_509 = %scan3A_503 to %scan3A_505 step %scan3A_506 iter_args(%scan3A_510 = %scan3A_429#0, %scan3A_511 = %scan3A_429#1, %scan3A_512 = %scan3A_429#2, %scan3A_513 = %scan3A_429#3, %scan3A_514 = %scan3A_429#4, %scan3A_515 = %scan3A_429#5, %scan3A_516 = %scan3A_429#6, %scan3A_517 = %scan3A_429#7, %scan3A_518 = %scan3A_502) -> (vector<16xf32>, vector<16xf32>, vector<16xf32>, vector<16xf32>, vector<16xf32>, vector<16xf32>, vector<16xf32>, vector<16xf32>, i32)  : i32 {
        %broadcast_in_dim3A_519 = arith.constant 0.000000e+00 : f32
        %broadcast_in_dim3A_520 = vector.broadcast %broadcast_in_dim3A_519 : f32 to vector<16xf32>
        %scan3A_521 = arith.constant 0 : i32
        %scan3A_522 = arith.constant 8 : i32
        %scan3A_523 = arith.addi %scan3A_521, %scan3A_522 : i32
        %scan3A_524 = arith.constant 1 : i32
        %scan3A_525:9 = scf.for %scan3A_582 = %scan3A_521 to %scan3A_523 step %scan3A_524 iter_args(%scan3A_583 = %scan3A_510, %scan3A_584 = %scan3A_511, %scan3A_585 = %scan3A_512, %scan3A_586 = %scan3A_513, %scan3A_587 = %scan3A_514, %scan3A_588 = %scan3A_515, %scan3A_589 = %scan3A_516, %scan3A_590 = %scan3A_517, %scan3A_591 = %broadcast_in_dim3A_520) -> (vector<16xf32>, vector<16xf32>, vector<16xf32>, vector<16xf32>, vector<16xf32>, vector<16xf32>, vector<16xf32>, vector<16xf32>, vector<16xf32>)  : i32 {
          %mul3A_592 = arith.constant 8 : i32
          %mul3A_593 = arith.muli %scan3A_509, %mul3A_592 : i32
          %add3A_594 = arith.addi %mul3A_593, %scan3A_582 : i32
          %mul3A_595 = arith.constant 16 : i32
          %mul3A_596 = arith.muli %add3A_594, %mul3A_595 : i32
          %mul3A_597 = arith.constant 16 : i32
          %mul3A_598 = arith.muli %add3A_594, %mul3A_597 : i32
          %add3A_599 = arith.constant 1024 : i32
          %add3A_600 = arith.addi %add3A_599, %mul3A_598 : i32
          %get3A = arith.index_cast %mul3A_596 : i32 to index
          %get3A_601 = tpu.vector_load %arg25[%get3A] {strides = array<i32>} : memref<2048xf32, #tpu.memory_space<vmem>>, vector<16xf32>,
          %get3A_602 = vector.shape_cast %get3A_601 : vector<16xf32> to vector<16xf32>
          %get3A_603 = arith.index_cast %add3A_600 : i32 to index
          %get3A_604 = tpu.vector_load %arg25[%get3A_603] {strides = array<i32>} : memref<2048xf32, #tpu.memory_space<vmem>>, vector<16xf32>,
          %get3A_605 = vector.shape_cast %get3A_604 : vector<16xf32> to vector<16xf32>
          %sub3A = arith.subf %get3A_602, %get3A_605 : vector<16xf32>
          %mul3A_606 = arith.constant 2.500000e-02 : f32
          %mul3A_607 = vector.broadcast %mul3A_606 : f32 to vector<16xf32>
          %mul3A_608 = arith.mulf %sub3A, %mul3A_607 : vector<16xf32>
          %add3A_609 = arith.constant 0x4B400000 : f32
          %add3A_610 = vector.broadcast %add3A_609 : f32 to vector<16xf32>
          %add3A_611 = arith.addf %mul3A_608, %add3A_610 : vector<16xf32>
          %sub3A_612 = arith.constant 0x4B400000 : f32
          %sub3A_613 = vector.broadcast %sub3A_612 : f32 to vector<16xf32>
          %sub3A_614 = arith.subf %add3A_611, %sub3A_613 : vector<16xf32>
          %mul3A_615 = arith.constant 4.000000e+01 : f32
          %mul3A_616 = vector.broadcast %mul3A_615 : f32 to vector<16xf32>
          %mul3A_617 = arith.mulf %mul3A_616, %sub3A_614 : vector<16xf32>
          %sub3A_618 = arith.subf %sub3A, %mul3A_617 : vector<16xf32>
          %get3A_619 = arith.index_cast %mul3A_596 : i32 to index
          %get3A_620 = tpu.vector_load %arg27[%get3A_619] {strides = array<i32>} : memref<2048xf32, #tpu.memory_space<vmem>>, vector<16xf32>,
          %get3A_621 = vector.shape_cast %get3A_620 : vector<16xf32> to vector<16xf32>
          %get3A_622 = arith.index_cast %add3A_600 : i32 to index
          %get3A_623 = tpu.vector_load %arg27[%get3A_622] {strides = array<i32>} : memref<2048xf32, #tpu.memory_space<vmem>>, vector<16xf32>,
          %get3A_624 = vector.shape_cast %get3A_623 : vector<16xf32> to vector<16xf32>
          %sub3A_625 = arith.subf %get3A_621, %get3A_624 : vector<16xf32>
          %mul3A_626 = arith.constant 2.500000e-02 : f32
          %mul3A_627 = vector.broadcast %mul3A_626 : f32 to vector<16xf32>
          %mul3A_628 = arith.mulf %sub3A_625, %mul3A_627 : vector<16xf32>
          %add3A_629 = arith.constant 0x4B400000 : f32
          %add3A_630 = vector.broadcast %add3A_629 : f32 to vector<16xf32>
          %add3A_631 = arith.addf %mul3A_628, %add3A_630 : vector<16xf32>
          %sub3A_632 = arith.constant 0x4B400000 : f32
          %sub3A_633 = vector.broadcast %sub3A_632 : f32 to vector<16xf32>
          %sub3A_634 = arith.subf %add3A_631, %sub3A_633 : vector<16xf32>
          %mul3A_635 = arith.constant 4.000000e+01 : f32
          %mul3A_636 = vector.broadcast %mul3A_635 : f32 to vector<16xf32>
          %mul3A_637 = arith.mulf %mul3A_636, %sub3A_634 : vector<16xf32>
          %sub3A_638 = arith.subf %sub3A_625, %mul3A_637 : vector<16xf32>
          %get3A_639 = arith.index_cast %mul3A_596 : i32 to index
          %get3A_640 = tpu.vector_load %arg29[%get3A_639] {strides = array<i32>} : memref<2048xf32, #tpu.memory_space<vmem>>, vector<16xf32>,
          %get3A_641 = vector.shape_cast %get3A_640 : vector<16xf32> to vector<16xf32>
          %get3A_642 = arith.index_cast %add3A_600 : i32 to index
          %get3A_643 = tpu.vector_load %arg29[%get3A_642] {strides = array<i32>} : memref<2048xf32, #tpu.memory_space<vmem>>, vector<16xf32>,
          %get3A_644 = vector.shape_cast %get3A_643 : vector<16xf32> to vector<16xf32>
          %sub3A_645 = arith.subf %get3A_641, %get3A_644 : vector<16xf32>
          %mul3A_646 = arith.constant 2.500000e-02 : f32
          %mul3A_647 = vector.broadcast %mul3A_646 : f32 to vector<16xf32>
          %mul3A_648 = arith.mulf %sub3A_645, %mul3A_647 : vector<16xf32>
          %add3A_649 = arith.constant 0x4B400000 : f32
          %add3A_650 = vector.broadcast %add3A_649 : f32 to vector<16xf32>
          %add3A_651 = arith.addf %mul3A_648, %add3A_650 : vector<16xf32>
          %sub3A_652 = arith.constant 0x4B400000 : f32
          %sub3A_653 = vector.broadcast %sub3A_652 : f32 to vector<16xf32>
          %sub3A_654 = arith.subf %add3A_651, %sub3A_653 : vector<16xf32>
          %mul3A_655 = arith.constant 4.000000e+01 : f32
          %mul3A_656 = vector.broadcast %mul3A_655 : f32 to vector<16xf32>
          %mul3A_657 = arith.mulf %mul3A_656, %sub3A_654 : vector<16xf32>
          %sub3A_658 = arith.subf %sub3A_645, %mul3A_657 : vector<16xf32>
          %mul3A_659 = arith.mulf %sub3A_618, %sub3A_618 : vector<16xf32>
          %mul3A_660 = arith.mulf %sub3A_638, %sub3A_638 : vector<16xf32>
          %add3A_661 = arith.addf %mul3A_659, %mul3A_660 : vector<16xf32>
          %mul3A_662 = arith.mulf %sub3A_658, %sub3A_658 : vector<16xf32>
          %add3A_663 = arith.addf %add3A_661, %mul3A_662 : vector<16xf32>
          %max3A = arith.constant 1.000000e-24 : f32
          %max3A_664 = vector.broadcast %max3A : f32 to vector<16xf32>
          %max3A_665 = arith.maximumf %add3A_663, %max3A_664 : vector<16xf32>
          %div3A = arith.constant 1.000000e+00 : f32
          %div3A_666 = vector.broadcast %div3A : f32 to vector<16xf32>
          %div3A_667 = arith.divf %div3A_666, %max3A_665 : vector<16xf32>
          %get3A_668 = arith.index_cast %mul3A_596 : i32 to index
          %get3A_669 = tpu.vector_load %arg19[%get3A_668] {strides = array<i32>} : memref<1024xf32, #tpu.memory_space<vmem>>, vector<16xf32>,
          %get3A_670 = vector.shape_cast %get3A_669 : vector<16xf32> to vector<16xf32>
          %mul3A_671 = arith.mulf %get3A_670, %add3A_501 : vector<16xf32>
          %get3A_672 = arith.index_cast %mul3A_596 : i32 to index
          %get3A_673 = tpu.vector_load %arg23[%get3A_672] {strides = array<i32>} : memref<1024xf32, #tpu.memory_space<vmem>>, vector<16xf32>,
          %get3A_674 = vector.shape_cast %get3A_673 : vector<16xf32> to vector<16xf32>
          %mul3A_675 = arith.mulf %get3A_674, %add3A_501 : vector<16xf32>
          %mul3A_676 = arith.mulf %mul3A_675, %mul3A_675 : vector<16xf32>
          %mul3A_677 = arith.mulf %mul3A_676, %div3A_667 : vector<16xf32>
          %mul3A_678 = arith.mulf %mul3A_677, %mul3A_677 : vector<16xf32>
          %mul3A_679 = arith.mulf %mul3A_678, %mul3A_677 : vector<16xf32>
          %mul3A_680 = arith.mulf %mul3A_679, %mul3A_679 : vector<16xf32>
          %add3A_681 = arith.addf %mul3A_680, %mul3A_680 : vector<16xf32>
          %sub3A_682 = arith.subf %add3A_681, %mul3A_679 : vector<16xf32>
          %mul3A_683 = arith.constant 2.400000e+01 : f32
          %mul3A_684 = vector.broadcast %mul3A_683 : f32 to vector<16xf32>
          %mul3A_685 = arith.mulf %mul3A_684, %mul3A_671 : vector<16xf32>
          %mul3A_686 = arith.mulf %mul3A_685, %sub3A_682 : vector<16xf32>
          %mul3A_687 = arith.mulf %mul3A_686, %div3A_667 : vector<16xf32>
          %lt3A_688 = arith.constant 6.250000e+00 : f32
          %lt3A_689 = vector.broadcast %lt3A_688 : f32 to vector<16xf32>
          %lt3A_690 = arith.cmpf olt, %max3A_665, %lt3A_689 : vector<16xf32>
          %mul3A_691 = arith.constant 4.000000e+00 : f32
          %mul3A_692 = vector.broadcast %mul3A_691 : f32 to vector<16xf32>
          %mul3A_693 = arith.mulf %mul3A_692, %mul3A_671 : vector<16xf32>
          %sub3A_694 = arith.subf %mul3A_680, %mul3A_679 : vector<16xf32>
          %mul3A_695 = arith.mulf %mul3A_693, %sub3A_694 : vector<16xf32>
          %select_n3A_696 = arith.select %lt3A_690, %mul3A_695, %broadcast_in_dim3A_3 : vector<16xi1>, vector<16xf32>
          %add3A_697 = arith.addf %scan3A_583, %select_n3A_696 : vector<16xf32>
          %mul3A_698 = arith.mulf %mul3A_685, %sub3A_682 : vector<16xf32>
          %select_n3A_699 = arith.select %lt3A_690, %mul3A_698, %broadcast_in_dim3A_3 : vector<16xi1>, vector<16xf32>
          %add3A_700 = arith.addf %scan3A_584, %select_n3A_699 : vector<16xf32>
          %mul3A_701 = arith.mulf %mul3A_687, %sub3A_618 : vector<16xf32>
          %mul3A_702 = arith.mulf %mul3A_687, %sub3A_638 : vector<16xf32>
          %mul3A_703 = arith.mulf %mul3A_687, %sub3A_658 : vector<16xf32>
          %mul3A_704 = arith.mulf %mul3A_701, %sub3A_618 : vector<16xf32>
          %add3A_705 = arith.addf %scan3A_585, %mul3A_704 : vector<16xf32>
          %mul3A_706 = arith.mulf %mul3A_701, %sub3A_638 : vector<16xf32>
          %add3A_707 = arith.addf %scan3A_586, %mul3A_706 : vector<16xf32>
          %mul3A_708 = arith.mulf %mul3A_701, %sub3A_658 : vector<16xf32>
          %add3A_709 = arith.addf %scan3A_587, %mul3A_708 : vector<16xf32>
          %mul3A_710 = arith.mulf %mul3A_702, %sub3A_638 : vector<16xf32>
          %add3A_711 = arith.addf %scan3A_588, %mul3A_710 : vector<16xf32>
          %mul3A_712 = arith.mulf %mul3A_702, %sub3A_658 : vector<16xf32>
          %add3A_713 = arith.addf %scan3A_589, %mul3A_712 : vector<16xf32>
          %mul3A_714 = arith.mulf %mul3A_703, %sub3A_658 : vector<16xf32>
          %add3A_715 = arith.addf %scan3A_590, %mul3A_714 : vector<16xf32>
          %select_n3A_716 = arith.select %lt3A_690, %mul3A_701, %broadcast_in_dim3A_3 : vector<16xi1>, vector<16xf32>
          %select_n3A_717 = arith.select %lt3A_690, %mul3A_702, %broadcast_in_dim3A_3 : vector<16xi1>, vector<16xf32>
          %select_n3A_718 = arith.select %lt3A_690, %mul3A_703, %broadcast_in_dim3A_3 : vector<16xi1>, vector<16xf32>
          %jit3A_719 = arith.constant 1.000000e+00 : f32
          %broadcast_in_dim3A_720 = vector.broadcast %jit3A_719 : f32 to vector<16xf32>
          %select_n3A_721 = arith.select %lt3A_690, %broadcast_in_dim3A_720, %broadcast_in_dim3A_3 : vector<16xi1>, vector<16xf32>
          %add3A_722 = arith.addf %scan3A_591, %select_n3A_721 : vector<16xf32>
          %swap3A_723 = arith.index_cast %mul3A_596 : i32 to index
          %swap3A_724 = tpu.vector_load %arg31[%swap3A_723] {strides = array<i32>} : memref<2048xf32, #tpu.memory_space<vmem>>, vector<16xf32>,
          %swap3A_725 = vector.shape_cast %swap3A_724 : vector<16xf32> to vector<16xf32>
          %swap3A_726 = vector.shape_cast %select_n3A_716 : vector<16xf32> to vector<16xf32>
          tpu.vector_store %arg31[%swap3A_723], %swap3A_726 {strides = array<i32>} : memref<2048xf32, #tpu.memory_space<vmem>>, vector<16xf32>,
          %swap3A_727 = arith.index_cast %mul3A_596 : i32 to index
          %swap3A_728 = tpu.vector_load %arg33[%swap3A_727] {strides = array<i32>} : memref<2048xf32, #tpu.memory_space<vmem>>, vector<16xf32>,
          %swap3A_729 = vector.shape_cast %swap3A_728 : vector<16xf32> to vector<16xf32>
          %swap3A_730 = vector.shape_cast %select_n3A_717 : vector<16xf32> to vector<16xf32>
          tpu.vector_store %arg33[%swap3A_727], %swap3A_730 {strides = array<i32>} : memref<2048xf32, #tpu.memory_space<vmem>>, vector<16xf32>,
          %swap3A_731 = arith.index_cast %mul3A_596 : i32 to index
          %swap3A_732 = tpu.vector_load %arg35[%swap3A_731] {strides = array<i32>} : memref<2048xf32, #tpu.memory_space<vmem>>, vector<16xf32>,
          %swap3A_733 = vector.shape_cast %swap3A_732 : vector<16xf32> to vector<16xf32>
          %swap3A_734 = vector.shape_cast %select_n3A_718 : vector<16xf32> to vector<16xf32>
          tpu.vector_store %arg35[%swap3A_731], %swap3A_734 {strides = array<i32>} : memref<2048xf32, #tpu.memory_space<vmem>>, vector<16xf32>,
          %neg3A = arith.constant 0.000000e+00 : f32
          %neg3A_735 = vector.broadcast %neg3A : f32 to vector<16xf32>
          %neg3A_736 = arith.subf %neg3A_735, %select_n3A_716 : vector<16xf32>
          %swap3A_737 = arith.index_cast %add3A_600 : i32 to index
          %swap3A_738 = tpu.vector_load %arg31[%swap3A_737] {strides = array<i32>} : memref<2048xf32, #tpu.memory_space<vmem>>, vector<16xf32>,
          %swap3A_739 = vector.shape_cast %swap3A_738 : vector<16xf32> to vector<16xf32>
          %swap3A_740 = vector.shape_cast %neg3A_736 : vector<16xf32> to vector<16xf32>
          tpu.vector_store %arg31[%swap3A_737], %swap3A_740 {strides = array<i32>} : memref<2048xf32, #tpu.memory_space<vmem>>, vector<16xf32>,
          %neg3A_741 = arith.constant 0.000000e+00 : f32
          %neg3A_742 = vector.broadcast %neg3A_741 : f32 to vector<16xf32>
          %neg3A_743 = arith.subf %neg3A_742, %select_n3A_717 : vector<16xf32>
          %swap3A_744 = arith.index_cast %add3A_600 : i32 to index
          %swap3A_745 = tpu.vector_load %arg33[%swap3A_744] {strides = array<i32>} : memref<2048xf32, #tpu.memory_space<vmem>>, vector<16xf32>,
          %swap3A_746 = vector.shape_cast %swap3A_745 : vector<16xf32> to vector<16xf32>
          %swap3A_747 = vector.shape_cast %neg3A_743 : vector<16xf32> to vector<16xf32>
          tpu.vector_store %arg33[%swap3A_744], %swap3A_747 {strides = array<i32>} : memref<2048xf32, #tpu.memory_space<vmem>>, vector<16xf32>,
          %neg3A_748 = arith.constant 0.000000e+00 : f32
          %neg3A_749 = vector.broadcast %neg3A_748 : f32 to vector<16xf32>
          %neg3A_750 = arith.subf %neg3A_749, %select_n3A_718 : vector<16xf32>
          %swap3A_751 = arith.index_cast %add3A_600 : i32 to index
          %swap3A_752 = tpu.vector_load %arg35[%swap3A_751] {strides = array<i32>} : memref<2048xf32, #tpu.memory_space<vmem>>, vector<16xf32>,
          %swap3A_753 = vector.shape_cast %swap3A_752 : vector<16xf32> to vector<16xf32>
          %swap3A_754 = vector.shape_cast %neg3A_750 : vector<16xf32> to vector<16xf32>
          tpu.vector_store %arg35[%swap3A_751], %swap3A_754 {strides = array<i32>} : memref<2048xf32, #tpu.memory_space<vmem>>, vector<16xf32>,
          scf.yield %add3A_697, %add3A_700, %add3A_705, %add3A_707, %add3A_709, %add3A_711, %add3A_713, %add3A_715, %add3A_722 : vector<16xf32>, vector<16xf32>, vector<16xf32>, vector<16xf32>, vector<16xf32>, vector<16xf32>, vector<16xf32>, vector<16xf32>, vector<16xf32>
        }
        %scan3A_526 = arith.constant 8 : i32
        %slice3A = vector.extract_strided_slice %scan3A_525#8 {offsets = [0], sizes = [1], strides = [1]} : vector<16xf32> to vector<1xf32>
        %squeeze3A = vector.extract %slice3A[0] : f32 from vector<1xf32>
        %slice3A_527 = vector.extract_strided_slice %scan3A_525#8 {offsets = [1], sizes = [1], strides = [1]} : vector<16xf32> to vector<1xf32>
        %squeeze3A_528 = vector.extract %slice3A_527[0] : f32 from vector<1xf32>
        %add3A_529 = arith.addf %squeeze3A, %squeeze3A_528 : f32
        %slice3A_530 = vector.extract_strided_slice %scan3A_525#8 {offsets = [2], sizes = [1], strides = [1]} : vector<16xf32> to vector<1xf32>
        %squeeze3A_531 = vector.extract %slice3A_530[0] : f32 from vector<1xf32>
        %add3A_532 = arith.addf %add3A_529, %squeeze3A_531 : f32
        %slice3A_533 = vector.extract_strided_slice %scan3A_525#8 {offsets = [3], sizes = [1], strides = [1]} : vector<16xf32> to vector<1xf32>
        %squeeze3A_534 = vector.extract %slice3A_533[0] : f32 from vector<1xf32>
        %add3A_535 = arith.addf %add3A_532, %squeeze3A_534 : f32
        %slice3A_536 = vector.extract_strided_slice %scan3A_525#8 {offsets = [4], sizes = [1], strides = [1]} : vector<16xf32> to vector<1xf32>
        %squeeze3A_537 = vector.extract %slice3A_536[0] : f32 from vector<1xf32>
        %add3A_538 = arith.addf %add3A_535, %squeeze3A_537 : f32
        %slice3A_539 = vector.extract_strided_slice %scan3A_525#8 {offsets = [5], sizes = [1], strides = [1]} : vector<16xf32> to vector<1xf32>
        %squeeze3A_540 = vector.extract %slice3A_539[0] : f32 from vector<1xf32>
        %add3A_541 = arith.addf %add3A_538, %squeeze3A_540 : f32
        %slice3A_542 = vector.extract_strided_slice %scan3A_525#8 {offsets = [6], sizes = [1], strides = [1]} : vector<16xf32> to vector<1xf32>
        %squeeze3A_543 = vector.extract %slice3A_542[0] : f32 from vector<1xf32>
        %add3A_544 = arith.addf %add3A_541, %squeeze3A_543 : f32
        %slice3A_545 = vector.extract_strided_slice %scan3A_525#8 {offsets = [7], sizes = [1], strides = [1]} : vector<16xf32> to vector<1xf32>
        %squeeze3A_546 = vector.extract %slice3A_545[0] : f32 from vector<1xf32>
        %add3A_547 = arith.addf %add3A_544, %squeeze3A_546 : f32
        %slice3A_548 = vector.extract_strided_slice %scan3A_525#8 {offsets = [8], sizes = [1], strides = [1]} : vector<16xf32> to vector<1xf32>
        %squeeze3A_549 = vector.extract %slice3A_548[0] : f32 from vector<1xf32>
        %add3A_550 = arith.addf %add3A_547, %squeeze3A_549 : f32
        %slice3A_551 = vector.extract_strided_slice %scan3A_525#8 {offsets = [9], sizes = [1], strides = [1]} : vector<16xf32> to vector<1xf32>
        %squeeze3A_552 = vector.extract %slice3A_551[0] : f32 from vector<1xf32>
        %add3A_553 = arith.addf %add3A_550, %squeeze3A_552 : f32
        %slice3A_554 = vector.extract_strided_slice %scan3A_525#8 {offsets = [10], sizes = [1], strides = [1]} : vector<16xf32> to vector<1xf32>
        %squeeze3A_555 = vector.extract %slice3A_554[0] : f32 from vector<1xf32>
        %add3A_556 = arith.addf %add3A_553, %squeeze3A_555 : f32
        %slice3A_557 = vector.extract_strided_slice %scan3A_525#8 {offsets = [11], sizes = [1], strides = [1]} : vector<16xf32> to vector<1xf32>
        %squeeze3A_558 = vector.extract %slice3A_557[0] : f32 from vector<1xf32>
        %add3A_559 = arith.addf %add3A_556, %squeeze3A_558 : f32
        %slice3A_560 = vector.extract_strided_slice %scan3A_525#8 {offsets = [12], sizes = [1], strides = [1]} : vector<16xf32> to vector<1xf32>
        %squeeze3A_561 = vector.extract %slice3A_560[0] : f32 from vector<1xf32>
        %add3A_562 = arith.addf %add3A_559, %squeeze3A_561 : f32
        %slice3A_563 = vector.extract_strided_slice %scan3A_525#8 {offsets = [13], sizes = [1], strides = [1]} : vector<16xf32> to vector<1xf32>
        %squeeze3A_564 = vector.extract %slice3A_563[0] : f32 from vector<1xf32>
        %add3A_565 = arith.addf %add3A_562, %squeeze3A_564 : f32
        %slice3A_566 = vector.extract_strided_slice %scan3A_525#8 {offsets = [14], sizes = [1], strides = [1]} : vector<16xf32> to vector<1xf32>
        %squeeze3A_567 = vector.extract %slice3A_566[0] : f32 from vector<1xf32>
        %add3A_568 = arith.addf %add3A_565, %squeeze3A_567 : f32
        %slice3A_569 = vector.extract_strided_slice %scan3A_525#8 {offsets = [15], sizes = [1], strides = [1]} : vector<16xf32> to vector<1xf32>
        %squeeze3A_570 = vector.extract %slice3A_569[0] : f32 from vector<1xf32>
        %add3A_571 = arith.addf %add3A_568, %squeeze3A_570 : f32
        %gt3A = arith.constant 0.000000e+00 : f32
        %gt3A_572 = arith.cmpf ogt, %add3A_571, %gt3A : f32
        %convert_element_type3A_573 = arith.extui %gt3A_572 : i1 to i32
        %cond3A_574 = arith.constant 0 : i32
        %cond3A_575 = arith.cmpi ne, %convert_element_type3A_573, %cond3A_574 : i32
        scf.if %cond3A_575 {
          %mul3A_582 = arith.constant 128 : i32
          %mul3A_583 = arith.muli %scan3A_509, %mul3A_582 : i32
          %mul3A_584 = arith.constant 128 : i32
          %mul3A_585 = arith.muli %scan3A_509, %mul3A_584 : i32
          %add3A_586 = arith.constant 1024 : i32
          %add3A_587 = arith.addi %add3A_586, %mul3A_585 : i32
          %dma_start3A_588 = tpu.memref_slice %arg31[%mul3A_583] : memref<2048xf32, #tpu.memory_space<vmem>> -> memref<128xf32, #tpu.memory_space<vmem>>
          %dma_start3A_589 = tpu.memref_slice %arg15[%mul3A_583] : memref<2048xi32, #tpu.memory_space<vmem>> -> memref<128xi32, #tpu.memory_space<vmem>>
          %dma_start3A_590 = arith.constant 0 : i32
          %dma_start3A_591 = tpu.memref_slice %arg40[%dma_start3A_590] : memref<100352xf32, #tpu.memory_space<vmem_shared>> -> memref<100352xf32, #tpu.memory_space<vmem_shared>>
          tpu.enqueue_indirect_dma source(%dma_start3A_588 : memref<128xf32, #tpu.memory_space<vmem>>) target(%dma_start3A_591 : memref<100352xf32, #tpu.memory_space<vmem_shared>>) offsets(%dma_start3A_589 : memref<128xi32, #tpu.memory_space<vmem>>) semaphore(%arg50 : memref<!tpu.dma_semaphore, #tpu.memory_space<semaphore_mem>>) {add = true}
          %dma_start3A_592 = tpu.memref_slice %arg33[%mul3A_583] : memref<2048xf32, #tpu.memory_space<vmem>> -> memref<128xf32, #tpu.memory_space<vmem>>
          %dma_start3A_593 = tpu.memref_slice %arg15[%mul3A_583] : memref<2048xi32, #tpu.memory_space<vmem>> -> memref<128xi32, #tpu.memory_space<vmem>>
          %dma_start3A_594 = arith.constant 0 : i32
          %dma_start3A_595 = tpu.memref_slice %arg41[%dma_start3A_594] : memref<100352xf32, #tpu.memory_space<vmem_shared>> -> memref<100352xf32, #tpu.memory_space<vmem_shared>>
          tpu.enqueue_indirect_dma source(%dma_start3A_592 : memref<128xf32, #tpu.memory_space<vmem>>) target(%dma_start3A_595 : memref<100352xf32, #tpu.memory_space<vmem_shared>>) offsets(%dma_start3A_593 : memref<128xi32, #tpu.memory_space<vmem>>) semaphore(%arg50 : memref<!tpu.dma_semaphore, #tpu.memory_space<semaphore_mem>>) {add = true}
          %dma_start3A_596 = tpu.memref_slice %arg35[%mul3A_583] : memref<2048xf32, #tpu.memory_space<vmem>> -> memref<128xf32, #tpu.memory_space<vmem>>
          %dma_start3A_597 = tpu.memref_slice %arg15[%mul3A_583] : memref<2048xi32, #tpu.memory_space<vmem>> -> memref<128xi32, #tpu.memory_space<vmem>>
          %dma_start3A_598 = arith.constant 0 : i32
          %dma_start3A_599 = tpu.memref_slice %arg42[%dma_start3A_598] : memref<100352xf32, #tpu.memory_space<vmem_shared>> -> memref<100352xf32, #tpu.memory_space<vmem_shared>>
          tpu.enqueue_indirect_dma source(%dma_start3A_596 : memref<128xf32, #tpu.memory_space<vmem>>) target(%dma_start3A_599 : memref<100352xf32, #tpu.memory_space<vmem_shared>>) offsets(%dma_start3A_597 : memref<128xi32, #tpu.memory_space<vmem>>) semaphore(%arg50 : memref<!tpu.dma_semaphore, #tpu.memory_space<semaphore_mem>>) {add = true}
          %dma_start3A_600 = tpu.memref_slice %arg31[%add3A_587] : memref<2048xf32, #tpu.memory_space<vmem>> -> memref<128xf32, #tpu.memory_space<vmem>>
          %dma_start3A_601 = tpu.memref_slice %arg15[%add3A_587] : memref<2048xi32, #tpu.memory_space<vmem>> -> memref<128xi32, #tpu.memory_space<vmem>>
          %dma_start3A_602 = arith.constant 0 : i32
          %dma_start3A_603 = tpu.memref_slice %arg40[%dma_start3A_602] : memref<100352xf32, #tpu.memory_space<vmem_shared>> -> memref<100352xf32, #tpu.memory_space<vmem_shared>>
          tpu.enqueue_indirect_dma source(%dma_start3A_600 : memref<128xf32, #tpu.memory_space<vmem>>) target(%dma_start3A_603 : memref<100352xf32, #tpu.memory_space<vmem_shared>>) offsets(%dma_start3A_601 : memref<128xi32, #tpu.memory_space<vmem>>) semaphore(%arg50 : memref<!tpu.dma_semaphore, #tpu.memory_space<semaphore_mem>>) {add = true}
          %dma_start3A_604 = tpu.memref_slice %arg33[%add3A_587] : memref<2048xf32, #tpu.memory_space<vmem>> -> memref<128xf32, #tpu.memory_space<vmem>>
          %dma_start3A_605 = tpu.memref_slice %arg15[%add3A_587] : memref<2048xi32, #tpu.memory_space<vmem>> -> memref<128xi32, #tpu.memory_space<vmem>>
          %dma_start3A_606 = arith.constant 0 : i32
          %dma_start3A_607 = tpu.memref_slice %arg41[%dma_start3A_606] : memref<100352xf32, #tpu.memory_space<vmem_shared>> -> memref<100352xf32, #tpu.memory_space<vmem_shared>>
          tpu.enqueue_indirect_dma source(%dma_start3A_604 : memref<128xf32, #tpu.memory_space<vmem>>) target(%dma_start3A_607 : memref<100352xf32, #tpu.memory_space<vmem_shared>>) offsets(%dma_start3A_605 : memref<128xi32, #tpu.memory_space<vmem>>) semaphore(%arg50 : memref<!tpu.dma_semaphore, #tpu.memory_space<semaphore_mem>>) {add = true}
          %dma_start3A_608 = tpu.memref_slice %arg35[%add3A_587] : memref<2048xf32, #tpu.memory_space<vmem>> -> memref<128xf32, #tpu.memory_space<vmem>>
          %dma_start3A_609 = tpu.memref_slice %arg15[%add3A_587] : memref<2048xi32, #tpu.memory_space<vmem>> -> memref<128xi32, #tpu.memory_space<vmem>>
          %dma_start3A_610 = arith.constant 0 : i32
          %dma_start3A_611 = tpu.memref_slice %arg42[%dma_start3A_610] : memref<100352xf32, #tpu.memory_space<vmem_shared>> -> memref<100352xf32, #tpu.memory_space<vmem_shared>>
          tpu.enqueue_indirect_dma source(%dma_start3A_608 : memref<128xf32, #tpu.memory_space<vmem>>) target(%dma_start3A_611 : memref<100352xf32, #tpu.memory_space<vmem_shared>>) offsets(%dma_start3A_609 : memref<128xi32, #tpu.memory_space<vmem>>) semaphore(%arg50 : memref<!tpu.dma_semaphore, #tpu.memory_space<semaphore_mem>>) {add = true}
        } else {
        }
        %gt3A_576 = arith.constant 0.000000e+00 : f32
        %gt3A_577 = arith.cmpf ogt, %add3A_571, %gt3A_576 : f32
        %jit3A_578 = arith.constant 1 : i32
        %jit3A_579 = arith.constant 0 : i32
        %select_n3A_580 = arith.select %gt3A_577, %jit3A_578, %jit3A_579 : i32
        %add3A_581 = arith.addi %scan3A_518, %select_n3A_580 : i32
        scf.yield %scan3A_525#0, %scan3A_525#1, %scan3A_525#2, %scan3A_525#3, %scan3A_525#4, %scan3A_525#5, %scan3A_525#6, %scan3A_525#7, %add3A_581 : vector<16xf32>, vector<16xf32>, vector<16xf32>, vector<16xf32>, vector<16xf32>, vector<16xf32>, vector<16xf32>, vector<16xf32>, i32
      }
      %scan3A_508 = arith.constant 8 : i32
      scf.yield %scan3A_507#0, %scan3A_507#1, %scan3A_507#2, %scan3A_507#3, %scan3A_507#4, %scan3A_507#5, %scan3A_507#6, %scan3A_507#7, %scan3A_429#8, %scan3A_507#8 : vector<16xf32>, vector<16xf32>, vector<16xf32>, vector<16xf32>, vector<16xf32>, vector<16xf32>, vector<16xf32>, vector<16xf32>, i32, i32
    }
    %scan3A_98 = arith.constant 25 : i32
    %dma_wait3A_99 = arith.constant 0 : i32
    %dma_wait3A_100 = tpu.memref_slice %arg37[%dma_wait3A_99] : memref<100352xf32, #tpu.memory_space<vmem_shared>> -> memref<100352xf32, #tpu.memory_space<vmem_shared>>
    tpu.wait_indirect_dma semaphore(%arg47 : memref<!tpu.dma_semaphore, #tpu.memory_space<semaphore_mem>>) src(%dma_wait3A_100 : memref<100352xf32, #tpu.memory_space<vmem_shared>>) dst(%arg24 : memref<2048xf32, #tpu.memory_space<vmem>>)
    %dma_wait3A_101 = arith.constant 0 : i32
    %dma_wait3A_102 = tpu.memref_slice %arg38[%dma_wait3A_101] : memref<100352xf32, #tpu.memory_space<vmem_shared>> -> memref<100352xf32, #tpu.memory_space<vmem_shared>>
    tpu.wait_indirect_dma semaphore(%arg47 : memref<!tpu.dma_semaphore, #tpu.memory_space<semaphore_mem>>) src(%dma_wait3A_102 : memref<100352xf32, #tpu.memory_space<vmem_shared>>) dst(%arg26 : memref<2048xf32, #tpu.memory_space<vmem>>)
    %dma_wait3A_103 = arith.constant 0 : i32
    %dma_wait3A_104 = tpu.memref_slice %arg39[%dma_wait3A_103] : memref<100352xf32, #tpu.memory_space<vmem_shared>> -> memref<100352xf32, #tpu.memory_space<vmem_shared>>
    tpu.wait_indirect_dma semaphore(%arg47 : memref<!tpu.dma_semaphore, #tpu.memory_space<semaphore_mem>>) src(%dma_wait3A_104 : memref<100352xf32, #tpu.memory_space<vmem_shared>>) dst(%arg28 : memref<2048xf32, #tpu.memory_space<vmem>>)
    %add3A_105 = arith.constant 103424 : i32
    %add3A_106 = arith.addi %mul3A_11, %add3A_105 : i32
    %min3A_107 = arith.constant 3198976 : i32
    %min3A_108 = arith.minsi %add3A_106, %min3A_107 : i32
    %dma_wait3A_109 = arith.constant 0 : i32
    %dma_wait3A_110 = tpu.memref_slice %arg13[%dma_wait3A_109] : memref<2048xi32, #tpu.memory_space<vmem>> -> memref<1024xi32, #tpu.memory_space<vmem>>
    %dma_wait3A_111 = tpu.memref_slice %arg5[%min3A_108] : memref<3200000xi32, #tpu.memory_space<hbm>> -> memref<1024xi32, #tpu.memory_space<hbm>>
    %dma_wait3A_112 = arith.constant 0 : i32
    %dma_wait3A_113 = tpu.memref_slice %arg13[%dma_wait3A_112] : memref<2048xi32, #tpu.memory_space<vmem>> -> memref<1024xi32, #tpu.memory_space<vmem>>
    %dma_wait3A_114 = tpu.memref_slice %arg5[%min3A_108] : memref<3200000xi32, #tpu.memory_space<hbm>> -> memref<1024xi32, #tpu.memory_space<hbm>>
    tpu.wait_dma2 semaphore(%arg44 : memref<!tpu.dma_semaphore, #tpu.memory_space<semaphore_mem>>) src(%dma_wait3A_114 : memref<1024xi32, #tpu.memory_space<hbm>>) dst(%dma_wait3A_113 : memref<1024xi32, #tpu.memory_space<vmem>>)
    %dma_wait3A_115 = arith.constant 1024 : i32
    %dma_wait3A_116 = tpu.memref_slice %arg13[%dma_wait3A_115] : memref<2048xi32, #tpu.memory_space<vmem>> -> memref<1024xi32, #tpu.memory_space<vmem>>
    %dma_wait3A_117 = tpu.memref_slice %arg6[%min3A_108] : memref<3200000xi32, #tpu.memory_space<hbm>> -> memref<1024xi32, #tpu.memory_space<hbm>>
    %dma_wait3A_118 = arith.constant 1024 : i32
    %dma_wait3A_119 = tpu.memref_slice %arg13[%dma_wait3A_118] : memref<2048xi32, #tpu.memory_space<vmem>> -> memref<1024xi32, #tpu.memory_space<vmem>>
    %dma_wait3A_120 = tpu.memref_slice %arg6[%min3A_108] : memref<3200000xi32, #tpu.memory_space<hbm>> -> memref<1024xi32, #tpu.memory_space<hbm>>
    tpu.wait_dma2 semaphore(%arg44 : memref<!tpu.dma_semaphore, #tpu.memory_space<semaphore_mem>>) src(%dma_wait3A_120 : memref<1024xi32, #tpu.memory_space<hbm>>) dst(%dma_wait3A_119 : memref<1024xi32, #tpu.memory_space<vmem>>)
    %dma_wait3A_121 = tpu.memref_slice %arg7[%min3A_108] : memref<3200000xf32, #tpu.memory_space<hbm>> -> memref<1024xf32, #tpu.memory_space<hbm>>
    %dma_wait3A_122 = tpu.memref_slice %arg7[%min3A_108] : memref<3200000xf32, #tpu.memory_space<hbm>> -> memref<1024xf32, #tpu.memory_space<hbm>>
    tpu.wait_dma2 semaphore(%arg44 : memref<!tpu.dma_semaphore, #tpu.memory_space<semaphore_mem>>) src(%dma_wait3A_122 : memref<1024xf32, #tpu.memory_space<hbm>>) dst(%arg17 : memref<1024xf32, #tpu.memory_space<vmem>>)
    %dma_wait3A_123 = tpu.memref_slice %arg8[%min3A_108] : memref<3200000xf32, #tpu.memory_space<hbm>> -> memref<1024xf32, #tpu.memory_space<hbm>>
    %dma_wait3A_124 = tpu.memref_slice %arg8[%min3A_108] : memref<3200000xf32, #tpu.memory_space<hbm>> -> memref<1024xf32, #tpu.memory_space<hbm>>
    tpu.wait_dma2 semaphore(%arg44 : memref<!tpu.dma_semaphore, #tpu.memory_space<semaphore_mem>>) src(%dma_wait3A_124 : memref<1024xf32, #tpu.memory_space<hbm>>) dst(%arg21 : memref<1024xf32, #tpu.memory_space<vmem>>)
    %while3A = arith.constant 0 : i32
    %while3A_125 = arith.constant 0 : i32
    %while3A_126 = arith.subi %scan3A_97#8, %while3A_125 : i32
    %while3A_127 = arith.addi %while3A_125, %while3A_126 : i32
    %while3A_128 = arith.constant 1 : i32
    %while3A_129 = arith.divsi %while3A_126, %while3A_128 : i32
    %while3A_130 = arith.muli %while3A_129, %while3A_128 : i32
    %while3A_131 = arith.addi %while3A_125, %while3A_130 : i32
    %while3A_132 = arith.constant 1 : i32
    scf.for %while3A_189 = %while3A_125 to %while3A_131 step %while3A_132  : i32 {
      %dma_wait3A_190 = arith.constant 0 : i32
      %dma_wait3A_191 = tpu.memref_slice %arg30[%dma_wait3A_190] : memref<2048xf32, #tpu.memory_space<vmem>> -> memref<128xf32, #tpu.memory_space<vmem>>
      %dma_wait3A_192 = arith.constant 0 : i32
      %dma_wait3A_193 = tpu.memref_slice %arg14[%dma_wait3A_192] : memref<2048xi32, #tpu.memory_space<vmem>> -> memref<128xi32, #tpu.memory_space<vmem>>
      %dma_wait3A_194 = arith.constant 0 : i32
      %dma_wait3A_195 = tpu.memref_slice %arg40[%dma_wait3A_194] : memref<100352xf32, #tpu.memory_space<vmem_shared>> -> memref<100352xf32, #tpu.memory_space<vmem_shared>>
      tpu.wait_indirect_dma semaphore(%arg49 : memref<!tpu.dma_semaphore, #tpu.memory_space<semaphore_mem>>) src(%dma_wait3A_191 : memref<128xf32, #tpu.memory_space<vmem>>) dst(%dma_wait3A_195 : memref<100352xf32, #tpu.memory_space<vmem_shared>>)
      %dma_wait3A_196 = arith.constant 0 : i32
      %dma_wait3A_197 = tpu.memref_slice %arg32[%dma_wait3A_196] : memref<2048xf32, #tpu.memory_space<vmem>> -> memref<128xf32, #tpu.memory_space<vmem>>
      %dma_wait3A_198 = arith.constant 0 : i32
      %dma_wait3A_199 = tpu.memref_slice %arg14[%dma_wait3A_198] : memref<2048xi32, #tpu.memory_space<vmem>> -> memref<128xi32, #tpu.memory_space<vmem>>
      %dma_wait3A_200 = arith.constant 0 : i32
      %dma_wait3A_201 = tpu.memref_slice %arg41[%dma_wait3A_200] : memref<100352xf32, #tpu.memory_space<vmem_shared>> -> memref<100352xf32, #tpu.memory_space<vmem_shared>>
      tpu.wait_indirect_dma semaphore(%arg49 : memref<!tpu.dma_semaphore, #tpu.memory_space<semaphore_mem>>) src(%dma_wait3A_197 : memref<128xf32, #tpu.memory_space<vmem>>) dst(%dma_wait3A_201 : memref<100352xf32, #tpu.memory_space<vmem_shared>>)
      %dma_wait3A_202 = arith.constant 0 : i32
      %dma_wait3A_203 = tpu.memref_slice %arg34[%dma_wait3A_202] : memref<2048xf32, #tpu.memory_space<vmem>> -> memref<128xf32, #tpu.memory_space<vmem>>
      %dma_wait3A_204 = arith.constant 0 : i32
      %dma_wait3A_205 = tpu.memref_slice %arg14[%dma_wait3A_204] : memref<2048xi32, #tpu.memory_space<vmem>> -> memref<128xi32, #tpu.memory_space<vmem>>
      %dma_wait3A_206 = arith.constant 0 : i32
      %dma_wait3A_207 = tpu.memref_slice %arg42[%dma_wait3A_206] : memref<100352xf32, #tpu.memory_space<vmem_shared>> -> memref<100352xf32, #tpu.memory_space<vmem_shared>>
      tpu.wait_indirect_dma semaphore(%arg49 : memref<!tpu.dma_semaphore, #tpu.memory_space<semaphore_mem>>) src(%dma_wait3A_203 : memref<128xf32, #tpu.memory_space<vmem>>) dst(%dma_wait3A_207 : memref<100352xf32, #tpu.memory_space<vmem_shared>>)
      %dma_wait3A_208 = arith.constant 1024 : i32
      %dma_wait3A_209 = tpu.memref_slice %arg30[%dma_wait3A_208] : memref<2048xf32, #tpu.memory_space<vmem>> -> memref<128xf32, #tpu.memory_space<vmem>>
      %dma_wait3A_210 = arith.constant 1024 : i32
      %dma_wait3A_211 = tpu.memref_slice %arg14[%dma_wait3A_210] : memref<2048xi32, #tpu.memory_space<vmem>> -> memref<128xi32, #tpu.memory_space<vmem>>
      %dma_wait3A_212 = arith.constant 0 : i32
      %dma_wait3A_213 = tpu.memref_slice %arg40[%dma_wait3A_212] : memref<100352xf32, #tpu.memory_space<vmem_shared>> -> memref<100352xf32, #tpu.memory_space<vmem_shared>>
      tpu.wait_indirect_dma semaphore(%arg49 : memref<!tpu.dma_semaphore, #tpu.memory_space<semaphore_mem>>) src(%dma_wait3A_209 : memref<128xf32, #tpu.memory_space<vmem>>) dst(%dma_wait3A_213 : memref<100352xf32, #tpu.memory_space<vmem_shared>>)
      %dma_wait3A_214 = arith.constant 1024 : i32
      %dma_wait3A_215 = tpu.memref_slice %arg32[%dma_wait3A_214] : memref<2048xf32, #tpu.memory_space<vmem>> -> memref<128xf32, #tpu.memory_space<vmem>>
      %dma_wait3A_216 = arith.constant 1024 : i32
      %dma_wait3A_217 = tpu.memref_slice %arg14[%dma_wait3A_216] : memref<2048xi32, #tpu.memory_space<vmem>> -> memref<128xi32, #tpu.memory_space<vmem>>
      %dma_wait3A_218 = arith.constant 0 : i32
      %dma_wait3A_219 = tpu.memref_slice %arg41[%dma_wait3A_218] : memref<100352xf32, #tpu.memory_space<vmem_shared>> -> memref<100352xf32, #tpu.memory_space<vmem_shared>>
      tpu.wait_indirect_dma semaphore(%arg49 : memref<!tpu.dma_semaphore, #tpu.memory_space<semaphore_mem>>) src(%dma_wait3A_215 : memref<128xf32, #tpu.memory_space<vmem>>) dst(%dma_wait3A_219 : memref<100352xf32, #tpu.memory_space<vmem_shared>>)
      %dma_wait3A_220 = arith.constant 1024 : i32
      %dma_wait3A_221 = tpu.memref_slice %arg34[%dma_wait3A_220] : memref<2048xf32, #tpu.memory_space<vmem>> -> memref<128xf32, #tpu.memory_space<vmem>>
      %dma_wait3A_222 = arith.constant 1024 : i32
      %dma_wait3A_223 = tpu.memref_slice %arg14[%dma_wait3A_222] : memref<2048xi32, #tpu.memory_space<vmem>> -> memref<128xi32, #tpu.memory_space<vmem>>
      %dma_wait3A_224 = arith.constant 0 : i32
      %dma_wait3A_225 = tpu.memref_slice %arg42[%dma_wait3A_224] : memref<100352xf32, #tpu.memory_space<vmem_shared>> -> memref<100352xf32, #tpu.memory_space<vmem_shared>>
      tpu.wait_indirect_dma semaphore(%arg49 : memref<!tpu.dma_semaphore, #tpu.memory_space<semaphore_mem>>) src(%dma_wait3A_221 : memref<128xf32, #tpu.memory_space<vmem>>) dst(%dma_wait3A_225 : memref<100352xf32, #tpu.memory_space<vmem_shared>>)
    }
    %while3A_133 = arith.constant 1 : i32
    scf.for %while3A_189 = %while3A_131 to %while3A_127 step %while3A_133  : i32 {
      %dma_wait3A_190 = arith.constant 0 : i32
      %dma_wait3A_191 = tpu.memref_slice %arg30[%dma_wait3A_190] : memref<2048xf32, #tpu.memory_space<vmem>> -> memref<128xf32, #tpu.memory_space<vmem>>
      %dma_wait3A_192 = arith.constant 0 : i32
      %dma_wait3A_193 = tpu.memref_slice %arg14[%dma_wait3A_192] : memref<2048xi32, #tpu.memory_space<vmem>> -> memref<128xi32, #tpu.memory_space<vmem>>
      %dma_wait3A_194 = arith.constant 0 : i32
      %dma_wait3A_195 = tpu.memref_slice %arg40[%dma_wait3A_194] : memref<100352xf32, #tpu.memory_space<vmem_shared>> -> memref<100352xf32, #tpu.memory_space<vmem_shared>>
      tpu.wait_indirect_dma semaphore(%arg49 : memref<!tpu.dma_semaphore, #tpu.memory_space<semaphore_mem>>) src(%dma_wait3A_191 : memref<128xf32, #tpu.memory_space<vmem>>) dst(%dma_wait3A_195 : memref<100352xf32, #tpu.memory_space<vmem_shared>>)
      %dma_wait3A_196 = arith.constant 0 : i32
      %dma_wait3A_197 = tpu.memref_slice %arg32[%dma_wait3A_196] : memref<2048xf32, #tpu.memory_space<vmem>> -> memref<128xf32, #tpu.memory_space<vmem>>
      %dma_wait3A_198 = arith.constant 0 : i32
      %dma_wait3A_199 = tpu.memref_slice %arg14[%dma_wait3A_198] : memref<2048xi32, #tpu.memory_space<vmem>> -> memref<128xi32, #tpu.memory_space<vmem>>
      %dma_wait3A_200 = arith.constant 0 : i32
      %dma_wait3A_201 = tpu.memref_slice %arg41[%dma_wait3A_200] : memref<100352xf32, #tpu.memory_space<vmem_shared>> -> memref<100352xf32, #tpu.memory_space<vmem_shared>>
      tpu.wait_indirect_dma semaphore(%arg49 : memref<!tpu.dma_semaphore, #tpu.memory_space<semaphore_mem>>) src(%dma_wait3A_197 : memref<128xf32, #tpu.memory_space<vmem>>) dst(%dma_wait3A_201 : memref<100352xf32, #tpu.memory_space<vmem_shared>>)
      %dma_wait3A_202 = arith.constant 0 : i32
      %dma_wait3A_203 = tpu.memref_slice %arg34[%dma_wait3A_202] : memref<2048xf32, #tpu.memory_space<vmem>> -> memref<128xf32, #tpu.memory_space<vmem>>
      %dma_wait3A_204 = arith.constant 0 : i32
      %dma_wait3A_205 = tpu.memref_slice %arg14[%dma_wait3A_204] : memref<2048xi32, #tpu.memory_space<vmem>> -> memref<128xi32, #tpu.memory_space<vmem>>
      %dma_wait3A_206 = arith.constant 0 : i32
      %dma_wait3A_207 = tpu.memref_slice %arg42[%dma_wait3A_206] : memref<100352xf32, #tpu.memory_space<vmem_shared>> -> memref<100352xf32, #tpu.memory_space<vmem_shared>>
      tpu.wait_indirect_dma semaphore(%arg49 : memref<!tpu.dma_semaphore, #tpu.memory_space<semaphore_mem>>) src(%dma_wait3A_203 : memref<128xf32, #tpu.memory_space<vmem>>) dst(%dma_wait3A_207 : memref<100352xf32, #tpu.memory_space<vmem_shared>>)
      %dma_wait3A_208 = arith.constant 1024 : i32
      %dma_wait3A_209 = tpu.memref_slice %arg30[%dma_wait3A_208] : memref<2048xf32, #tpu.memory_space<vmem>> -> memref<128xf32, #tpu.memory_space<vmem>>
      %dma_wait3A_210 = arith.constant 1024 : i32
      %dma_wait3A_211 = tpu.memref_slice %arg14[%dma_wait3A_210] : memref<2048xi32, #tpu.memory_space<vmem>> -> memref<128xi32, #tpu.memory_space<vmem>>
      %dma_wait3A_212 = arith.constant 0 : i32
      %dma_wait3A_213 = tpu.memref_slice %arg40[%dma_wait3A_212] : memref<100352xf32, #tpu.memory_space<vmem_shared>> -> memref<100352xf32, #tpu.memory_space<vmem_shared>>
      tpu.wait_indirect_dma semaphore(%arg49 : memref<!tpu.dma_semaphore, #tpu.memory_space<semaphore_mem>>) src(%dma_wait3A_209 : memref<128xf32, #tpu.memory_space<vmem>>) dst(%dma_wait3A_213 : memref<100352xf32, #tpu.memory_space<vmem_shared>>)
      %dma_wait3A_214 = arith.constant 1024 : i32
      %dma_wait3A_215 = tpu.memref_slice %arg32[%dma_wait3A_214] : memref<2048xf32, #tpu.memory_space<vmem>> -> memref<128xf32, #tpu.memory_space<vmem>>
      %dma_wait3A_216 = arith.constant 1024 : i32
      %dma_wait3A_217 = tpu.memref_slice %arg14[%dma_wait3A_216] : memref<2048xi32, #tpu.memory_space<vmem>> -> memref<128xi32, #tpu.memory_space<vmem>>
      %dma_wait3A_218 = arith.constant 0 : i32
      %dma_wait3A_219 = tpu.memref_slice %arg41[%dma_wait3A_218] : memref<100352xf32, #tpu.memory_space<vmem_shared>> -> memref<100352xf32, #tpu.memory_space<vmem_shared>>
      tpu.wait_indirect_dma semaphore(%arg49 : memref<!tpu.dma_semaphore, #tpu.memory_space<semaphore_mem>>) src(%dma_wait3A_215 : memref<128xf32, #tpu.memory_space<vmem>>) dst(%dma_wait3A_219 : memref<100352xf32, #tpu.memory_space<vmem_shared>>)
      %dma_wait3A_220 = arith.constant 1024 : i32
      %dma_wait3A_221 = tpu.memref_slice %arg34[%dma_wait3A_220] : memref<2048xf32, #tpu.memory_space<vmem>> -> memref<128xf32, #tpu.memory_space<vmem>>
      %dma_wait3A_222 = arith.constant 1024 : i32
      %dma_wait3A_223 = tpu.memref_slice %arg14[%dma_wait3A_222] : memref<2048xi32, #tpu.memory_space<vmem>> -> memref<128xi32, #tpu.memory_space<vmem>>
      %dma_wait3A_224 = arith.constant 0 : i32
      %dma_wait3A_225 = tpu.memref_slice %arg42[%dma_wait3A_224] : memref<100352xf32, #tpu.memory_space<vmem_shared>> -> memref<100352xf32, #tpu.memory_space<vmem_shared>>
      tpu.wait_indirect_dma semaphore(%arg49 : memref<!tpu.dma_semaphore, #tpu.memory_space<semaphore_mem>>) src(%dma_wait3A_221 : memref<128xf32, #tpu.memory_space<vmem>>) dst(%dma_wait3A_225 : memref<100352xf32, #tpu.memory_space<vmem_shared>>)
    }
    %while3A_134 = arith.constant 0 : i32
    %while3A_135 = arith.constant 0 : i32
    %while3A_136 = arith.subi %scan3A_97#9, %while3A_135 : i32
    %while3A_137 = arith.addi %while3A_135, %while3A_136 : i32
    %while3A_138 = arith.constant 1 : i32
    %while3A_139 = arith.divsi %while3A_136, %while3A_138 : i32
    %while3A_140 = arith.muli %while3A_139, %while3A_138 : i32
    %while3A_141 = arith.addi %while3A_135, %while3A_140 : i32
    %while3A_142 = arith.constant 1 : i32
    scf.for %while3A_189 = %while3A_135 to %while3A_141 step %while3A_142  : i32 {
      %dma_wait3A_190 = arith.constant 0 : i32
      %dma_wait3A_191 = tpu.memref_slice %arg31[%dma_wait3A_190] : memref<2048xf32, #tpu.memory_space<vmem>> -> memref<128xf32, #tpu.memory_space<vmem>>
      %dma_wait3A_192 = arith.constant 0 : i32
      %dma_wait3A_193 = tpu.memref_slice %arg15[%dma_wait3A_192] : memref<2048xi32, #tpu.memory_space<vmem>> -> memref<128xi32, #tpu.memory_space<vmem>>
      %dma_wait3A_194 = arith.constant 0 : i32
      %dma_wait3A_195 = tpu.memref_slice %arg40[%dma_wait3A_194] : memref<100352xf32, #tpu.memory_space<vmem_shared>> -> memref<100352xf32, #tpu.memory_space<vmem_shared>>
      tpu.wait_indirect_dma semaphore(%arg50 : memref<!tpu.dma_semaphore, #tpu.memory_space<semaphore_mem>>) src(%dma_wait3A_191 : memref<128xf32, #tpu.memory_space<vmem>>) dst(%dma_wait3A_195 : memref<100352xf32, #tpu.memory_space<vmem_shared>>)
      %dma_wait3A_196 = arith.constant 0 : i32
      %dma_wait3A_197 = tpu.memref_slice %arg33[%dma_wait3A_196] : memref<2048xf32, #tpu.memory_space<vmem>> -> memref<128xf32, #tpu.memory_space<vmem>>
      %dma_wait3A_198 = arith.constant 0 : i32
      %dma_wait3A_199 = tpu.memref_slice %arg15[%dma_wait3A_198] : memref<2048xi32, #tpu.memory_space<vmem>> -> memref<128xi32, #tpu.memory_space<vmem>>
      %dma_wait3A_200 = arith.constant 0 : i32
      %dma_wait3A_201 = tpu.memref_slice %arg41[%dma_wait3A_200] : memref<100352xf32, #tpu.memory_space<vmem_shared>> -> memref<100352xf32, #tpu.memory_space<vmem_shared>>
      tpu.wait_indirect_dma semaphore(%arg50 : memref<!tpu.dma_semaphore, #tpu.memory_space<semaphore_mem>>) src(%dma_wait3A_197 : memref<128xf32, #tpu.memory_space<vmem>>) dst(%dma_wait3A_201 : memref<100352xf32, #tpu.memory_space<vmem_shared>>)
      %dma_wait3A_202 = arith.constant 0 : i32
      %dma_wait3A_203 = tpu.memref_slice %arg35[%dma_wait3A_202] : memref<2048xf32, #tpu.memory_space<vmem>> -> memref<128xf32, #tpu.memory_space<vmem>>
      %dma_wait3A_204 = arith.constant 0 : i32
      %dma_wait3A_205 = tpu.memref_slice %arg15[%dma_wait3A_204] : memref<2048xi32, #tpu.memory_space<vmem>> -> memref<128xi32, #tpu.memory_space<vmem>>
      %dma_wait3A_206 = arith.constant 0 : i32
      %dma_wait3A_207 = tpu.memref_slice %arg42[%dma_wait3A_206] : memref<100352xf32, #tpu.memory_space<vmem_shared>> -> memref<100352xf32, #tpu.memory_space<vmem_shared>>
      tpu.wait_indirect_dma semaphore(%arg50 : memref<!tpu.dma_semaphore, #tpu.memory_space<semaphore_mem>>) src(%dma_wait3A_203 : memref<128xf32, #tpu.memory_space<vmem>>) dst(%dma_wait3A_207 : memref<100352xf32, #tpu.memory_space<vmem_shared>>)
      %dma_wait3A_208 = arith.constant 1024 : i32
      %dma_wait3A_209 = tpu.memref_slice %arg31[%dma_wait3A_208] : memref<2048xf32, #tpu.memory_space<vmem>> -> memref<128xf32, #tpu.memory_space<vmem>>
      %dma_wait3A_210 = arith.constant 1024 : i32
      %dma_wait3A_211 = tpu.memref_slice %arg15[%dma_wait3A_210] : memref<2048xi32, #tpu.memory_space<vmem>> -> memref<128xi32, #tpu.memory_space<vmem>>
      %dma_wait3A_212 = arith.constant 0 : i32
      %dma_wait3A_213 = tpu.memref_slice %arg40[%dma_wait3A_212] : memref<100352xf32, #tpu.memory_space<vmem_shared>> -> memref<100352xf32, #tpu.memory_space<vmem_shared>>
      tpu.wait_indirect_dma semaphore(%arg50 : memref<!tpu.dma_semaphore, #tpu.memory_space<semaphore_mem>>) src(%dma_wait3A_209 : memref<128xf32, #tpu.memory_space<vmem>>) dst(%dma_wait3A_213 : memref<100352xf32, #tpu.memory_space<vmem_shared>>)
      %dma_wait3A_214 = arith.constant 1024 : i32
      %dma_wait3A_215 = tpu.memref_slice %arg33[%dma_wait3A_214] : memref<2048xf32, #tpu.memory_space<vmem>> -> memref<128xf32, #tpu.memory_space<vmem>>
      %dma_wait3A_216 = arith.constant 1024 : i32
      %dma_wait3A_217 = tpu.memref_slice %arg15[%dma_wait3A_216] : memref<2048xi32, #tpu.memory_space<vmem>> -> memref<128xi32, #tpu.memory_space<vmem>>
      %dma_wait3A_218 = arith.constant 0 : i32
      %dma_wait3A_219 = tpu.memref_slice %arg41[%dma_wait3A_218] : memref<100352xf32, #tpu.memory_space<vmem_shared>> -> memref<100352xf32, #tpu.memory_space<vmem_shared>>
      tpu.wait_indirect_dma semaphore(%arg50 : memref<!tpu.dma_semaphore, #tpu.memory_space<semaphore_mem>>) src(%dma_wait3A_215 : memref<128xf32, #tpu.memory_space<vmem>>) dst(%dma_wait3A_219 : memref<100352xf32, #tpu.memory_space<vmem_shared>>)
      %dma_wait3A_220 = arith.constant 1024 : i32
      %dma_wait3A_221 = tpu.memref_slice %arg35[%dma_wait3A_220] : memref<2048xf32, #tpu.memory_space<vmem>> -> memref<128xf32, #tpu.memory_space<vmem>>
      %dma_wait3A_222 = arith.constant 1024 : i32
      %dma_wait3A_223 = tpu.memref_slice %arg15[%dma_wait3A_222] : memref<2048xi32, #tpu.memory_space<vmem>> -> memref<128xi32, #tpu.memory_space<vmem>>
      %dma_wait3A_224 = arith.constant 0 : i32
      %dma_wait3A_225 = tpu.memref_slice %arg42[%dma_wait3A_224] : memref<100352xf32, #tpu.memory_space<vmem_shared>> -> memref<100352xf32, #tpu.memory_space<vmem_shared>>
      tpu.wait_indirect_dma semaphore(%arg50 : memref<!tpu.dma_semaphore, #tpu.memory_space<semaphore_mem>>) src(%dma_wait3A_221 : memref<128xf32, #tpu.memory_space<vmem>>) dst(%dma_wait3A_225 : memref<100352xf32, #tpu.memory_space<vmem_shared>>)
    }
    %while3A_143 = arith.constant 1 : i32
    scf.for %while3A_189 = %while3A_141 to %while3A_137 step %while3A_143  : i32 {
      %dma_wait3A_190 = arith.constant 0 : i32
      %dma_wait3A_191 = tpu.memref_slice %arg31[%dma_wait3A_190] : memref<2048xf32, #tpu.memory_space<vmem>> -> memref<128xf32, #tpu.memory_space<vmem>>
      %dma_wait3A_192 = arith.constant 0 : i32
      %dma_wait3A_193 = tpu.memref_slice %arg15[%dma_wait3A_192] : memref<2048xi32, #tpu.memory_space<vmem>> -> memref<128xi32, #tpu.memory_space<vmem>>
      %dma_wait3A_194 = arith.constant 0 : i32
      %dma_wait3A_195 = tpu.memref_slice %arg40[%dma_wait3A_194] : memref<100352xf32, #tpu.memory_space<vmem_shared>> -> memref<100352xf32, #tpu.memory_space<vmem_shared>>
      tpu.wait_indirect_dma semaphore(%arg50 : memref<!tpu.dma_semaphore, #tpu.memory_space<semaphore_mem>>) src(%dma_wait3A_191 : memref<128xf32, #tpu.memory_space<vmem>>) dst(%dma_wait3A_195 : memref<100352xf32, #tpu.memory_space<vmem_shared>>)
      %dma_wait3A_196 = arith.constant 0 : i32
      %dma_wait3A_197 = tpu.memref_slice %arg33[%dma_wait3A_196] : memref<2048xf32, #tpu.memory_space<vmem>> -> memref<128xf32, #tpu.memory_space<vmem>>
      %dma_wait3A_198 = arith.constant 0 : i32
      %dma_wait3A_199 = tpu.memref_slice %arg15[%dma_wait3A_198] : memref<2048xi32, #tpu.memory_space<vmem>> -> memref<128xi32, #tpu.memory_space<vmem>>
      %dma_wait3A_200 = arith.constant 0 : i32
      %dma_wait3A_201 = tpu.memref_slice %arg41[%dma_wait3A_200] : memref<100352xf32, #tpu.memory_space<vmem_shared>> -> memref<100352xf32, #tpu.memory_space<vmem_shared>>
      tpu.wait_indirect_dma semaphore(%arg50 : memref<!tpu.dma_semaphore, #tpu.memory_space<semaphore_mem>>) src(%dma_wait3A_197 : memref<128xf32, #tpu.memory_space<vmem>>) dst(%dma_wait3A_201 : memref<100352xf32, #tpu.memory_space<vmem_shared>>)
      %dma_wait3A_202 = arith.constant 0 : i32
      %dma_wait3A_203 = tpu.memref_slice %arg35[%dma_wait3A_202] : memref<2048xf32, #tpu.memory_space<vmem>> -> memref<128xf32, #tpu.memory_space<vmem>>
      %dma_wait3A_204 = arith.constant 0 : i32
      %dma_wait3A_205 = tpu.memref_slice %arg15[%dma_wait3A_204] : memref<2048xi32, #tpu.memory_space<vmem>> -> memref<128xi32, #tpu.memory_space<vmem>>
      %dma_wait3A_206 = arith.constant 0 : i32
      %dma_wait3A_207 = tpu.memref_slice %arg42[%dma_wait3A_206] : memref<100352xf32, #tpu.memory_space<vmem_shared>> -> memref<100352xf32, #tpu.memory_space<vmem_shared>>
      tpu.wait_indirect_dma semaphore(%arg50 : memref<!tpu.dma_semaphore, #tpu.memory_space<semaphore_mem>>) src(%dma_wait3A_203 : memref<128xf32, #tpu.memory_space<vmem>>) dst(%dma_wait3A_207 : memref<100352xf32, #tpu.memory_space<vmem_shared>>)
      %dma_wait3A_208 = arith.constant 1024 : i32
      %dma_wait3A_209 = tpu.memref_slice %arg31[%dma_wait3A_208] : memref<2048xf32, #tpu.memory_space<vmem>> -> memref<128xf32, #tpu.memory_space<vmem>>
      %dma_wait3A_210 = arith.constant 1024 : i32
      %dma_wait3A_211 = tpu.memref_slice %arg15[%dma_wait3A_210] : memref<2048xi32, #tpu.memory_space<vmem>> -> memref<128xi32, #tpu.memory_space<vmem>>
      %dma_wait3A_212 = arith.constant 0 : i32
      %dma_wait3A_213 = tpu.memref_slice %arg40[%dma_wait3A_212] : memref<100352xf32, #tpu.memory_space<vmem_shared>> -> memref<100352xf32, #tpu.memory_space<vmem_shared>>
      tpu.wait_indirect_dma semaphore(%arg50 : memref<!tpu.dma_semaphore, #tpu.memory_space<semaphore_mem>>) src(%dma_wait3A_209 : memref<128xf32, #tpu.memory_space<vmem>>) dst(%dma_wait3A_213 : memref<100352xf32, #tpu.memory_space<vmem_shared>>)
      %dma_wait3A_214 = arith.constant 1024 : i32
      %dma_wait3A_215 = tpu.memref_slice %arg33[%dma_wait3A_214] : memref<2048xf32, #tpu.memory_space<vmem>> -> memref<128xf32, #tpu.memory_space<vmem>>
      %dma_wait3A_216 = arith.constant 1024 : i32
      %dma_wait3A_217 = tpu.memref_slice %arg15[%dma_wait3A_216] : memref<2048xi32, #tpu.memory_space<vmem>> -> memref<128xi32, #tpu.memory_space<vmem>>
      %dma_wait3A_218 = arith.constant 0 : i32
      %dma_wait3A_219 = tpu.memref_slice %arg41[%dma_wait3A_218] : memref<100352xf32, #tpu.memory_space<vmem_shared>> -> memref<100352xf32, #tpu.memory_space<vmem_shared>>
      tpu.wait_indirect_dma semaphore(%arg50 : memref<!tpu.dma_semaphore, #tpu.memory_space<semaphore_mem>>) src(%dma_wait3A_215 : memref<128xf32, #tpu.memory_space<vmem>>) dst(%dma_wait3A_219 : memref<100352xf32, #tpu.memory_space<vmem_shared>>)
      %dma_wait3A_220 = arith.constant 1024 : i32
      %dma_wait3A_221 = tpu.memref_slice %arg35[%dma_wait3A_220] : memref<2048xf32, #tpu.memory_space<vmem>> -> memref<128xf32, #tpu.memory_space<vmem>>
      %dma_wait3A_222 = arith.constant 1024 : i32
      %dma_wait3A_223 = tpu.memref_slice %arg15[%dma_wait3A_222] : memref<2048xi32, #tpu.memory_space<vmem>> -> memref<128xi32, #tpu.memory_space<vmem>>
      %dma_wait3A_224 = arith.constant 0 : i32
      %dma_wait3A_225 = tpu.memref_slice %arg42[%dma_wait3A_224] : memref<100352xf32, #tpu.memory_space<vmem_shared>> -> memref<100352xf32, #tpu.memory_space<vmem_shared>>
      tpu.wait_indirect_dma semaphore(%arg50 : memref<!tpu.dma_semaphore, #tpu.memory_space<semaphore_mem>>) src(%dma_wait3A_221 : memref<128xf32, #tpu.memory_space<vmem>>) dst(%dma_wait3A_225 : memref<100352xf32, #tpu.memory_space<vmem_shared>>)
    }
    %barrier3A_144 = arith.constant 0 : index
    tpu.barrier barrier_id(%barrier3A_144)
    %mul3A_145 = arith.constant 3 : i32
    %mul3A_146 = arith.muli %arg0, %mul3A_145 : i32
    %mul3A_147 = arith.constant 100352 : i32
    %mul3A_148 = arith.muli %mul3A_146, %mul3A_147 : i32
    %mul3A_149 = arith.constant 6272 : i32
    %mul3A_150 = arith.muli %arg1, %mul3A_149 : i32
    %add3A_151 = arith.addi %mul3A_148, %mul3A_150 : i32
    "tpu.region"() ({
      %run_scoped3A = tpu.sem_alloc : memref<!tpu.dma_semaphore, #tpu.memory_space<semaphore_mem>>
      %dma_start3A_189 = tpu.memref_slice %arg10[%add3A_151] : memref<602112xf32, #tpu.memory_space<hbm>> -> memref<6272xf32, #tpu.memory_space<hbm>>
      %dma_start3A_190 = tpu.memref_slice %arg40[%mul3A_2] : memref<100352xf32, #tpu.memory_space<vmem_shared>> -> memref<6272xf32, #tpu.memory_space<vmem_shared>>
      tpu.enqueue_dma source(%dma_start3A_190 : memref<6272xf32, #tpu.memory_space<vmem_shared>>) target(%dma_start3A_189 : memref<6272xf32, #tpu.memory_space<hbm>>) target_semaphore(%run_scoped3A : memref<!tpu.dma_semaphore, #tpu.memory_space<semaphore_mem>>)
      %dma_wait3A_191 = tpu.memref_slice %arg10[%add3A_151] : memref<602112xf32, #tpu.memory_space<hbm>> -> memref<6272xf32, #tpu.memory_space<hbm>>
      %dma_wait3A_192 = tpu.memref_slice %arg40[%mul3A_2] : memref<100352xf32, #tpu.memory_space<vmem_shared>> -> memref<6272xf32, #tpu.memory_space<vmem_shared>>
      tpu.wait_dma2 semaphore(%run_scoped3A : memref<!tpu.dma_semaphore, #tpu.memory_space<semaphore_mem>>) src(%dma_wait3A_192 : memref<6272xf32, #tpu.memory_space<vmem_shared>>) dst(%dma_wait3A_191 : memref<6272xf32, #tpu.memory_space<hbm>>)
      tpu.yield
    }) : () -> ()
    %add3A_152 = arith.constant 100352 : i32
    %add3A_153 = arith.addi %add3A_151, %add3A_152 : i32
    "tpu.region"() ({
      %run_scoped3A = tpu.sem_alloc : memref<!tpu.dma_semaphore, #tpu.memory_space<semaphore_mem>>
      %dma_start3A_189 = tpu.memref_slice %arg10[%add3A_153] : memref<602112xf32, #tpu.memory_space<hbm>> -> memref<6272xf32, #tpu.memory_space<hbm>>
      %dma_start3A_190 = tpu.memref_slice %arg41[%mul3A_2] : memref<100352xf32, #tpu.memory_space<vmem_shared>> -> memref<6272xf32, #tpu.memory_space<vmem_shared>>
      tpu.enqueue_dma source(%dma_start3A_190 : memref<6272xf32, #tpu.memory_space<vmem_shared>>) target(%dma_start3A_189 : memref<6272xf32, #tpu.memory_space<hbm>>) target_semaphore(%run_scoped3A : memref<!tpu.dma_semaphore, #tpu.memory_space<semaphore_mem>>)
      %dma_wait3A_191 = tpu.memref_slice %arg10[%add3A_153] : memref<602112xf32, #tpu.memory_space<hbm>> -> memref<6272xf32, #tpu.memory_space<hbm>>
      %dma_wait3A_192 = tpu.memref_slice %arg41[%mul3A_2] : memref<100352xf32, #tpu.memory_space<vmem_shared>> -> memref<6272xf32, #tpu.memory_space<vmem_shared>>
      tpu.wait_dma2 semaphore(%run_scoped3A : memref<!tpu.dma_semaphore, #tpu.memory_space<semaphore_mem>>) src(%dma_wait3A_192 : memref<6272xf32, #tpu.memory_space<vmem_shared>>) dst(%dma_wait3A_191 : memref<6272xf32, #tpu.memory_space<hbm>>)
      tpu.yield
    }) : () -> ()
    %add3A_154 = arith.constant 200704 : i32
    %add3A_155 = arith.addi %add3A_151, %add3A_154 : i32
    "tpu.region"() ({
      %run_scoped3A = tpu.sem_alloc : memref<!tpu.dma_semaphore, #tpu.memory_space<semaphore_mem>>
      %dma_start3A_189 = tpu.memref_slice %arg10[%add3A_155] : memref<602112xf32, #tpu.memory_space<hbm>> -> memref<6272xf32, #tpu.memory_space<hbm>>
      %dma_start3A_190 = tpu.memref_slice %arg42[%mul3A_2] : memref<100352xf32, #tpu.memory_space<vmem_shared>> -> memref<6272xf32, #tpu.memory_space<vmem_shared>>
      tpu.enqueue_dma source(%dma_start3A_190 : memref<6272xf32, #tpu.memory_space<vmem_shared>>) target(%dma_start3A_189 : memref<6272xf32, #tpu.memory_space<hbm>>) target_semaphore(%run_scoped3A : memref<!tpu.dma_semaphore, #tpu.memory_space<semaphore_mem>>)
      %dma_wait3A_191 = tpu.memref_slice %arg10[%add3A_155] : memref<602112xf32, #tpu.memory_space<hbm>> -> memref<6272xf32, #tpu.memory_space<hbm>>
      %dma_wait3A_192 = tpu.memref_slice %arg42[%mul3A_2] : memref<100352xf32, #tpu.memory_space<vmem_shared>> -> memref<6272xf32, #tpu.memory_space<vmem_shared>>
      tpu.wait_dma2 semaphore(%run_scoped3A : memref<!tpu.dma_semaphore, #tpu.memory_space<semaphore_mem>>) src(%dma_wait3A_192 : memref<6272xf32, #tpu.memory_space<vmem_shared>>) dst(%dma_wait3A_191 : memref<6272xf32, #tpu.memory_space<hbm>>)
      tpu.yield
    }) : () -> ()
    %swap3A = arith.constant 0 : index
    %swap3A_156 = tpu.vector_load %arg36[%swap3A] {strides = array<i32>} : memref<128xf32, #tpu.memory_space<vmem>>, vector<16xf32>,
    %swap3A_157 = vector.shape_cast %swap3A_156 : vector<16xf32> to vector<16xf32>
    %swap3A_158 = vector.shape_cast %scan3A_97#0 : vector<16xf32> to vector<16xf32>
    tpu.vector_store %arg36[%swap3A], %swap3A_158 {strides = array<i32>} : memref<128xf32, #tpu.memory_space<vmem>>, vector<16xf32>,
    %swap3A_159 = arith.constant 16 : index
    %swap3A_160 = tpu.vector_load %arg36[%swap3A_159] {strides = array<i32>} : memref<128xf32, #tpu.memory_space<vmem>>, vector<16xf32>,
    %swap3A_161 = vector.shape_cast %swap3A_160 : vector<16xf32> to vector<16xf32>
    %swap3A_162 = vector.shape_cast %scan3A_97#1 : vector<16xf32> to vector<16xf32>
    tpu.vector_store %arg36[%swap3A_159], %swap3A_162 {strides = array<i32>} : memref<128xf32, #tpu.memory_space<vmem>>, vector<16xf32>,
    %swap3A_163 = arith.constant 32 : index
    %swap3A_164 = tpu.vector_load %arg36[%swap3A_163] {strides = array<i32>} : memref<128xf32, #tpu.memory_space<vmem>>, vector<16xf32>,
    %swap3A_165 = vector.shape_cast %swap3A_164 : vector<16xf32> to vector<16xf32>
    %swap3A_166 = vector.shape_cast %scan3A_97#2 : vector<16xf32> to vector<16xf32>
    tpu.vector_store %arg36[%swap3A_163], %swap3A_166 {strides = array<i32>} : memref<128xf32, #tpu.memory_space<vmem>>, vector<16xf32>,
    %swap3A_167 = arith.constant 48 : index
    %swap3A_168 = tpu.vector_load %arg36[%swap3A_167] {strides = array<i32>} : memref<128xf32, #tpu.memory_space<vmem>>, vector<16xf32>,
    %swap3A_169 = vector.shape_cast %swap3A_168 : vector<16xf32> to vector<16xf32>
    %swap3A_170 = vector.shape_cast %scan3A_97#3 : vector<16xf32> to vector<16xf32>
    tpu.vector_store %arg36[%swap3A_167], %swap3A_170 {strides = array<i32>} : memref<128xf32, #tpu.memory_space<vmem>>, vector<16xf32>,
    %swap3A_171 = arith.constant 64 : index
    %swap3A_172 = tpu.vector_load %arg36[%swap3A_171] {strides = array<i32>} : memref<128xf32, #tpu.memory_space<vmem>>, vector<16xf32>,
    %swap3A_173 = vector.shape_cast %swap3A_172 : vector<16xf32> to vector<16xf32>
    %swap3A_174 = vector.shape_cast %scan3A_97#4 : vector<16xf32> to vector<16xf32>
    tpu.vector_store %arg36[%swap3A_171], %swap3A_174 {strides = array<i32>} : memref<128xf32, #tpu.memory_space<vmem>>, vector<16xf32>,
    %swap3A_175 = arith.constant 80 : index
    %swap3A_176 = tpu.vector_load %arg36[%swap3A_175] {strides = array<i32>} : memref<128xf32, #tpu.memory_space<vmem>>, vector<16xf32>,
    %swap3A_177 = vector.shape_cast %swap3A_176 : vector<16xf32> to vector<16xf32>
    %swap3A_178 = vector.shape_cast %scan3A_97#5 : vector<16xf32> to vector<16xf32>
    tpu.vector_store %arg36[%swap3A_175], %swap3A_178 {strides = array<i32>} : memref<128xf32, #tpu.memory_space<vmem>>, vector<16xf32>,
    %swap3A_179 = arith.constant 96 : index
    %swap3A_180 = tpu.vector_load %arg36[%swap3A_179] {strides = array<i32>} : memref<128xf32, #tpu.memory_space<vmem>>, vector<16xf32>,
    %swap3A_181 = vector.shape_cast %swap3A_180 : vector<16xf32> to vector<16xf32>
    %swap3A_182 = vector.shape_cast %scan3A_97#6 : vector<16xf32> to vector<16xf32>
    tpu.vector_store %arg36[%swap3A_179], %swap3A_182 {strides = array<i32>} : memref<128xf32, #tpu.memory_space<vmem>>, vector<16xf32>,
    %swap3A_183 = arith.constant 112 : index
    %swap3A_184 = tpu.vector_load %arg36[%swap3A_183] {strides = array<i32>} : memref<128xf32, #tpu.memory_space<vmem>>, vector<16xf32>,
    %swap3A_185 = vector.shape_cast %swap3A_184 : vector<16xf32> to vector<16xf32>
    %swap3A_186 = vector.shape_cast %scan3A_97#7 : vector<16xf32> to vector<16xf32>
    tpu.vector_store %arg36[%swap3A_183], %swap3A_186 {strides = array<i32>} : memref<128xf32, #tpu.memory_space<vmem>>, vector<16xf32>,
    %mul3A_187 = arith.constant 128 : i32
    %mul3A_188 = arith.muli %add3A, %mul3A_187 : i32
    "tpu.region"() ({
      %run_scoped3A = tpu.sem_alloc : memref<!tpu.dma_semaphore, #tpu.memory_space<semaphore_mem>>
      %dma_start3A_189 = tpu.memref_slice %arg11[%mul3A_188] : memref<4096xf32, #tpu.memory_space<hbm>> -> memref<128xf32, #tpu.memory_space<hbm>>
      %dma_start3A_190 = tpu.memref_slice %arg11[%mul3A_188] : memref<4096xf32, #tpu.memory_space<hbm>> -> memref<128xf32, #tpu.memory_space<hbm>>
      tpu.enqueue_dma source(%arg36 : memref<128xf32, #tpu.memory_space<vmem>>) target(%dma_start3A_190 : memref<128xf32, #tpu.memory_space<hbm>>) target_semaphore(%run_scoped3A : memref<!tpu.dma_semaphore, #tpu.memory_space<semaphore_mem>>)
      %dma_wait3A_191 = tpu.memref_slice %arg11[%mul3A_188] : memref<4096xf32, #tpu.memory_space<hbm>> -> memref<128xf32, #tpu.memory_space<hbm>>
      %dma_wait3A_192 = tpu.memref_slice %arg11[%mul3A_188] : memref<4096xf32, #tpu.memory_space<hbm>> -> memref<128xf32, #tpu.memory_space<hbm>>
      tpu.wait_dma2 semaphore(%run_scoped3A : memref<!tpu.dma_semaphore, #tpu.memory_space<semaphore_mem>>) src(%arg36 : memref<128xf32, #tpu.memory_space<vmem>>) dst(%dma_wait3A_192 : memref<128xf32, #tpu.memory_space<hbm>>)
      tpu.yield
    }) : () -> ()
    return
  }
}

</mosaic_0001>

<sc_bundles>
// kernel: kernel.3.cloned.1.call-start
scs
__scs_entry_jumppad:
0x0: {  	(pc) =	sbr.rel $0x88, $3  }
0x1: {  	(tag) =	ssettag $0x0;
	lr =	simm.s32 $0x1  }
0x2: {  	[smem:$0x3F9D] =	sst lr;
	_ =	strace $0xD0000000  }
0x3: {  	_ = 	snop  }
0x4: {  	_ = 	snop  }
0x5: {  	_ = 	snop  }
0x6: {  	_ = 	snop  }
0x7: {  	_ = 	snop  }
__scs_overlays_trampoline_lowered:
0x8: {  	[smem:$0x3FAC] =	sst s0  }
0x9: {  	[smem:$0x3FAD] =	sst s1  }
0xa: {  	[smem:$0x3FAE] =	sst s2  }
0xb: {  	[smem:$0x3FAF] =	sst s3  }
0xc: {  	[smem:$0x3FB0] =	sst s4  }
0xd: {  	[smem:$0x3FB1] =	sst s5  }
0xe: {  	[smem:$0x3FB2] =	sst s6  }
0xf: {  	[smem:$0x3FB3] =	sst s7  }
0x10: {  	[smem:$0x3FB4] =	sst s8  }
0x11: {  	[smem:$0x3FB5] =	sst s9;
	s0 =	simm.s32 @!p0 $0x0  }
0x12: {  	s1 =	sld [smem:$0x3F9B];
	s0 =	simm.s32 @p0 $0x1  }
0x13: {  	[smem:$0x3FB6] =	sst s0;
	s0 =	simm.s32 @!p1 $0x0  }
0x14: {  	s2 =	sld [smem:$0x3F9A];
	s0 =	simm.s32 @p1 $0x1  }
0x15: {  	[smem:$0x3FB7] =	sst s0;
	s0 =	simm.s32 @!p2 $0x0  }
0x16: {  	s3 =	sld [smem:$0x3FDB];
	s0 =	simm.s32 @p2 $0x1  }
0x17: {  	s4 =	simm.s32 $0x1BF5;
	[smem:$0x3FB9] =	sst s0  }
0x18: {  	s0 =	sld [smem:$0x3F9C];
	_ =	swait.ge [sflag:s4], $0x0  }
0x19: {  	s7 =	sld [smem:$0x3F9D]  }
0x1a: {  	s8 =	sadd.s32 $0xFFFFE003, lr  }
0x1b: {  	s9 =	sadd.s32 $0xFFFFFEF7, lr;
	s5 =	simm.s32 $0xFFFFFFFF;
	p2 =	slt.u32 s8, $0xFFFFF086  }
0x1c: {  	p1 =	slt.u32 s9, $0xF7A;
	s5 =	simm.s32 @!p2 $0x0  }
0x1d: {  	s5 =	simm.s32 @p1 $0x1;
	p0 =	seq.s32 s7, s2  }
0x1e: {  	s7 =	smul.u32 @!p0 $0xF7A, s2;
	p2 =	seq.s32 @!p0 s5, $0x0  }
0x1f: {  	s9 =	smul.u32 $0xF7A, s1;
	s8 =	simm.s32 @!p0 $0x1BF5;
	p2 =	por !p2, p0  }
0x20: {  	[sflag:s8] =	ssyncset.s32 @!p0 $0xFFFFF086;
	s6 =	sadd.s32 @!p0 s3, s7;
	s7 =	simm.s32 @!p0 $0x108  }
0x21: {  	s3 =	sadd.s32 s3, s9;
	s6 =	sadd.s32 @!p0 $0x88, s6;
	s7 =	simm.s32 @p2 $0x1082  }
0x22: {  	[simem:s7], [sflag:s8] =	dma.local @!p0 [hbm:s6], $0xF7A  }
0x23: {  	s9 =	sor.u32 $0xD0000000, s2;
	s6 =	simm.s32 $0x108;
	_ =	swait.ge @!p0 [sflag:s8], $0x0  }
0x24: {  	s3 =	sadd.s32 $0x88, s3;
	s6 =	simm.s32 @!p1 $0x1082;
	[sflag:s4] =	ssyncset.s32 $0xFFFFF086  }
0x25: {  	[simem:s6], [sflag:s4] =	dma.local [hbm:s3], $0xF7A  }
0x26: {  	[smem:$0x3F9D] =	sst s1;
	(tag) =	ssettag s2;
	_ =	strace s9  }
0x27: {  	s1 =	sld [smem:$0x3FAD]  }
0x28: {  	s2 =	sld [smem:$0x3FAE]  }
0x29: {  	s4 =	sld [smem:$0x3FB0]  }
0x2a: {  	p0 =	seq.s32 s5, $0x0;
	s5 =	sld [smem:$0x3FB1]  }
0x2b: {  	s6 =	sld [smem:$0x3FB2]  }
0x2c: {  	s7 =	sld [smem:$0x3FB3]  }
0x2d: {  	s3 =	simm.s32 $0x108;
	s8 =	sld [smem:$0x3FB4]  }
0x2e: {  	s3 =	simm.s32 @!p0 $0x1082;
	s9 =	sld [smem:$0x3FB5]  }
0x2f: {  	lr =	sadd.s32 s0, s3;
	s0 =	sld [smem:$0x3FAC]  }
0x30: {  	s3 =	sld [smem:$0x3FAF]  }
0x31: {  	[smem:$0x3FB8] =	sst s10  }
0x32: {  	s10 =	sld [smem:$0x3FB6];
	_ =	sdelay $0x3  }
0x33: {  	p0 =	seq.s32 s10, $0x1;
	s10 =	sld [smem:$0x3FB8];
	_ =	sdelay $0x3  }
0x34: {  	[smem:$0x3FB8] =	sst s10  }
0x35: {  	s10 =	sld [smem:$0x3FB7];
	_ =	sdelay $0x3  }
0x36: {  	p1 =	seq.s32 s10, $0x1;
	s10 =	sld [smem:$0x3FB8];
	_ =	sdelay $0x3  }
0x37: {  	[smem:$0x3FB8] =	sst s10  }
0x38: {  	s10 =	sld [smem:$0x3FB9]  }
0x39: {  	_ = 	snop;
	(pc) =	sbr.ind lr, $3  }
0x3a: {  	_ = 	snop  }
0x3b: {  	_ = 	snop  }
0x3c: {  	p2 =	seq.s32 s10, $0x1;
	s10 =	sld [smem:$0x3FB8]  }
0x3d: {  	_ =	shalt  }
0x3e: {  	_ =	shalt  }
0x3f: {  	_ =	shalt  }
0x40: {  	_ =	shalt  }
0x41: {  	_ =	shalt  }
0x42: {  	_ =	shalt  }
0x43: {  	_ =	shalt  }
0x44: {  	_ =	shalt  }
0x45: {  	_ =	shalt  }
0x46: {  	_ =	shalt  }
0x47: {  	_ =	shalt  }
0x48: {  	_ =	shalt  }
0x49: {  	_ =	shalt  }
0x4a: {  	_ =	shalt  }
0x4b: {  	_ =	shalt  }
0x4c: {  	_ =	shalt  }
0x4d: {  	_ =	shalt  }
0x4e: {  	_ =	shalt  }
0x4f: {  	_ =	shalt  }
0x50: {  	_ =	shalt  }
0x51: {  	_ =	shalt  }
0x52: {  	_ =	shalt  }
0x53: {  	_ =	shalt  }
0x54: {  	_ =	shalt  }
0x55: {  	_ =	shalt  }
0x56: {  	_ =	shalt  }
0x57: {  	_ =	shalt  }
0x58: {  	_ =	shalt  }
0x59: {  	_ =	shalt  }
0x5a: {  	_ =	shalt  }
0x5b: {  	_ =	shalt  }
0x5c: {  	_ =	shalt  }
0x5d: {  	_ =	shalt  }
0x5e: {  	_ =	shalt  }
0x5f: {  	_ =	shalt  }
0x60: {  	_ =	shalt  }
0x61: {  	_ =	shalt  }
0x62: {  	_ =	shalt  }
0x63: {  	_ =	shalt  }
0x64: {  	_ =	shalt  }
0x65: {  	_ =	shalt  }
0x66: {  	_ =	shalt  }
0x67: {  	_ =	shalt  }
0x68: {  	_ =	shalt  }
0x69: {  	_ =	shalt  }
0x6a: {  	_ =	shalt  }
0x6b: {  	_ =	shalt  }
0x6c: {  	_ =	shalt  }
0x6d: {  	_ =	shalt  }
0x6e: {  	_ =	shalt  }
0x6f: {  	_ =	shalt  }
0x70: {  	_ =	shalt  }
0x71: {  	_ =	shalt  }
0x72: {  	_ =	shalt  }
0x73: {  	_ =	shalt  }
0x74: {  	_ =	shalt  }
0x75: {  	_ =	shalt  }
0x76: {  	_ =	shalt  }
0x77: {  	_ =	shalt  }
0x78: {  	_ =	shalt  }
0x79: {  	_ =	shalt  }
0x7a: {  	_ =	shalt  }
0x7b: {  	_ =	shalt  }
0x7c: {  	_ =	shalt  }
0x7d: {  	_ =	shalt  }
0x7e: {  	_ =	shalt  }
0x7f: {  	_ =	shalt  }
0x80: {  	_ =	shalt  }
0x81: {  	_ =	shalt  }
0x82: {  	_ =	shalt  }
0x83: {  	_ =	shalt  }
0x84: {  	_ =	shalt  }
0x85: {  	_ =	shalt  }
0x86: {  	_ =	shalt  }
0x87: {  	_ =	shalt  }
.Lfunc_end0:
.L_simem_size_0:
called_computation_lowered:
.L_overlay_start_0:
0x88: {  	s2 =	sld [smem:$0x3FD9]  }
0x89: {  	s3 =	sld [smem:$0x3FFE];
	_ =	sdelay $0x1  }
0x8a: {  	s1 =	srdreg.scid  }
0x8b: {  	s0 =	sand.u32 $0x1, s1  }
0x8c: {  	s14 =	sshll.u32 s0, $0xA;
	s2 =	sadd.s32 s3, s2  }
0x8d: {  	s2 =	sadd.s32 s2, s14  }
0x8e: {  	[smem:$0x3FC4] =	sst s2  }
0x8f: {  	_ = 	snop  }
0x90: {  	s2 =	sld [smem:$0x3FD0];
	_ =	sdelay $0x1  }
0x91: {  	s15 =	sld [smem:$0x3FC7]  }
0x92: {  	s5 =	simm.s32 $0xA;
	s6 =	simm.s32 $0x10;
	s4 =	sld [smem:$0x3FC6]  }
0x93: {  	[smem:s6], [sflag:s5] =	dma.local [hbm:s2], $0x1  }
0x94: {  	_ =	swait.eq [sflag:s5], $0x1  }
0x95: {  	[sflag:s5] =	ssyncset.done $0x0  }
0x96: {  	[sflag:s5] =	ssyncadd.s32 $0xFFFFFFFF  }
0x97: {  	s16 =	sld [smem:$0x11];
	(tm) =	ssettm $0x1  }
0x98: {  	s17 =	sld [smem:$0x3FFB];
	_ =	sdelay $0x3  }
0x99: {  	_ =	strace s17  }
0x9a: {  	s5 =	sld [smem:$0x3FFC];
	_ =	sdelay $0x3  }
0x9b: {  	_ =	strace s5  }
0x9c: {  	s5 =	sld [smem:$0x3FFD];
	_ =	sdelay $0x3  }
0x9d: {  	_ =	strace s5  }
0x9e: {  	_ =	strace $0x8FFFFFFF  }
0x9f: {  	s18 =	sld [smem:$0x3FDB];
	_ =	sdelay $0x1  }
0xa0: {  	s19 =	simm.s32 $_scs_section_size  }
0xa1: {  	s7 =	simm.s32 $_size__tile_overlayer_lowered;
	s8 =	simm.s32 $_tile_overlayer_lowered  }
0xa2: {  	s22 =	simm.s32 $0x1BFF;
	s21 =	sshll.u32 s8, $0x1;
	s5 =	sadd.s32 s19, s18  }
0xa3: {  	s9 =	simm.s32 $0x0;
	s20 =	sshll.u32 s7, $0x1;
	s7 =	sadd.s32 s21, s5  }
0xa4: {  	[timem:s9], [sflag:s22] =	dma.local [hbm:s7], s20  }
0xa5: {  	_ =	swait.ge [sflag:s22], s20  }
0xa6: {  	s6 =	ssub.s32 $0x0, s20;
	[sflag:s22] =	ssyncset.done $0x0  }
0xa7: {  	[sflag:s22] =	ssyncadd.s32 s6;
	_ =	sdelay $0x1  }
0xa8: {  	s23 =	simm.s32 $0x1B8B  }
0xa9: {  	_ =	swait.ge [sflag:s23], $0x1  }
0xaa: {  	[sflag:s23] =	ssyncset.done $0x0  }
0xab: {  	s25 =	simm.s32 $0x1B8E;
	s24 =	sld [smem:$0x3FFE];
	[sflag:s23] =	ssyncadd.s32 $0xFFFFFFFF  }
0xac: {  	s26 =	simm.s32 $execute0_lowered;
	[smem:$0x3FD2] =	sst s25  }
0xad: {  	s7 =	sshll.u32 s26, $0x1;
	_ =	strace $0x80000046;
	[dreg:$0x1] =	wrdreg $0xFFFFFFFF  }
0xae: {  	s28 =	simm.s32 $_size_execute0_lowered;
	s5 =	sadd.s32 s5, s7;
	[dreg:$0x0] =	wrdreg $0x0  }
0xaf: {  	s7 =	sshll.u32 s28, $0x1;
	[dreg:$0x2] =	wrdreg s5  }
0xb0: {  	[dreg:$0x3] =	wrdreg s7  }
0xb1: {  	[dreg:$0x4] =	wrdreg $0xC0  }
0xb2: {  	_ =	task [dreg:s9], $0x5FFFF  }
0xb3: {  	[dreg:$0x1] =	wrdreg $0xFFFFFFFF  }
0xb4: {  	[dreg:$0x0] =	wrdreg $0x60  }
0xb5: {  	[dreg:$0x2] =	wrdreg s16  }
0xb6: {  	[dreg:$0x3] =	wrdreg s24  }
0xb7: {  	[dreg:$0x4] =	wrdreg s15  }
0xb8: {  	[dreg:$0x5] =	wrdreg s4  }
0xb9: {  	[dreg:$0x6] =	wrdreg $0xA0800  }
0xba: {  	[dreg:$0x7] =	wrdreg $0xB9000  }
0xbb: {  	[dreg:$0x8] =	wrdreg $0xD1800  }
0xbc: {  	[dreg:$0x9] =	wrdreg $0xEA000  }
0xbd: {  	[dreg:$0xa] =	wrdreg $0x102800  }
0xbe: {  	[dreg:$0xb] =	wrdreg $0x11B000  }
0xbf: {  	[dreg:$0xc] =	wrdreg $0x9  }
0xc0: {  	_ =	task.clear_ibuf [dreg:s9], $0xDFFFF;
	_ =	strace $0x90000046  }
0xc1: {  	s29 =	simm.s32 $0x9;
	_ =	strace $0x80000048  }
0xc2: {  	_ =	swait.ge [sflag:s29], $0x1  }
0xc3: {  	[sflag:s29] =	ssyncadd.s32 $0xFFFFFFFF  }
0xc4: {  	_ =	strace $0x90000048  }
0xc5: {  	_ =	sfence  }
0xc6: {  	s30 =	sld [smem:$0x0];
	_ =	sdelay $0x2  }
0xc7: {  	s31 =	sshll.u32 s1, $0xD;
	s1 =	sshrl.u32 s1, $0x2  }
0xc8: {  	s3 =	sand.u32 $0x4000, s31;
	s1 =	sadd.s32 s1, s30  }
0xc9: {  	s0 =	sor.u32 s3, s0;
	s1 =	sshll.u32 s1, $0x11  }
0xca: {  	s0 =	sor.u32 s1, s0  }
0xcb: {  	s0 =	sadd.s32 $0x8F2B, s0  }
0xcc: {  	[sflag:s0] =	ssyncadd.remote.s32 $0x1  }
0xcd: {  	_ =	sfence.sel $0xFFFF  }
0xce: {  	[dreg:$0x0] =	wrdreg $0xFFFFFFFF;
	(pc) =	sbr.abs _section_cstart, $3  }
0xcf: {  	[dreg:$0x1] =	wrdreg $0xFFFFFFFF  }
0xd0: {  	_ =	task.clear_ibuf [dreg:s9], $0x2FFFF;
	_ =	strace $0x9FFFFFFF  }
0xd1: {  	(tm) =	ssettm $0x7FFFFFFF  }
tec
execute0_lowered:
.L_overlay_start_1:
0x0: {  	(tag) =	ssettag $0x1  }
0x1: {  	s0 =	rddreg [dreg:$0x0]  }
0x2: {  	s1 =	rddreg [dreg:$0x1]  }
0x3: {  	s29 =	rddreg [dreg:$0x2]  }
0x4: {  	s13 =	rddreg [dreg:$0x3]  }
0x5: {  	s12 =	rddreg [dreg:$0x4]  }
0x6: {  	s14 =	rddreg [dreg:$0x5]  }
0x7: {  	s15 =	rddreg [dreg:$0x6]  }
0x8: {  	s6 =	rddreg [dreg:$0x7]  }
0x9: {  	s8 =	rddreg [dreg:$0x8]  }
0xa: {  	s9 =	rddreg [dreg:$0x9]  }
0xb: {  	s2 =	srdreg.scid;
	s11 =	stileid.u32;
	s17 =	simm.s32 $0x0  }
0xc: {  	s2 =	sand.u32 $0x1, s2;
	s3 =	smul.u32 $0x1880, s11;
	[smem:$0x7FF] =	sst s17  }
0xd: {  	s31 =	sadd.s32 $0x68000, s1;
	s5 =	sshll.u32 s11, $0x1;
	s16 =	sadd.s32 $0x6400, s1  }
0xe: {  	s11 =	sshll.u32 s11, $0x6;
	s4 =	smul.u32 $0x49800, s2;
	_ =	strace $0x80000047  }
0xf: {  	s5 =	sor.u32 s2, s5;
	s2 =	ssub.s32 $0x2, s2;
	s11 =	sor.u32 $0x1C09, s11  }
0x10: {  	[dreg:$0xb] =	wrdreg s16;
	s7 =	sshll.u32 s5, $0x4;
	s10 =	sshrl.u32 s2, $0x1  }
0x11: {  	s21 =	sshrl.u32 s3, $0x3;
	s12 =	sadd.s32 s3, s12;
	s22 =	smul.u32 $0x61, s5  }
0x12: {  	p0 =	slt.u32 s5, $0x15;
	s23 =	sadd.s32 s3, s6;
	[dreg:$0xd] =	wrdreg s11  }
0x13: {  	s24 =	sadd.s32 s3, s8;
	s25 =	sadd.s32 s3, s9;
	[dreg:$0xf] =	wrdreg s23  }
0x14: {  	s2 =	ssub.s32 s2, s10;
	s0 =	sadd.s32 s0, s21;
	[dreg:$0x11] =	wrdreg s24  }
0x15: {  	s10 =	sadd.s32 s3, s15;
	[dreg:$0x12] =	wrdreg s25;
	s15 =	simm.s32 $0x62  }
0x16: {  	[dreg:$0xc] =	wrdreg s0;
	s0 =	sadd.s32 s3, s14;
	s14 =	sadd.s32 s1, s21  }
0x17: {  	s5 =	smin.u32 s5, $0x15;
	s15 =	simm.s32 @!p0 $0x61;
	[dreg:$0xe] =	wrdreg s14  }
0x18: {  	s4 =	sadd.s32 s3, s4;
	s19 =	sadd.s32 s5, s22;
	[dreg:$0x13] =	wrdreg s15  }
0x19: {  	s26 =	sshll.u32 s19, $0x7;
	s0 =	sshrl.u32 s0, $0x3;
	[dreg:$0x10] =	wrdreg s19  }
0x1a: {  	s7 =	sadd.s32 s7, s1;
	s18 =	sadd.s32 s31, s26;
	[smem:$0x7F9] =	sst s0  }
0x1b: {  	s4 =	sshrl.u32 s4, $0x3;
	s21 =	sadd.s32 s16, s26;
	[dreg:$0x14] =	wrdreg s18  }
0x1c: {  	s4 =	sadd.s32 s4, s1;
	s22 =	sadd.s32 s29, s26;
	[dreg:$0x15] =	wrdreg s21  }
0x1d: {  	s1 =	sshll.u32 s19, $0xA;
	s3 =	sadd.s32 s13, s26;
	[dreg:$0x16] =	wrdreg s22  }
0x1e: {  	s20 =	sshrl.u32 s1, $0x3;
	[dreg:$0x17] =	wrdreg s3;
	s18 =	sadd.s32 $0xD3200, s4  }
0x1f: {  	s5 =	sadd.s32 $0x80, s20;
	s20 =	sadd.s32 $0xCCE00, s7;
	[smem:$0x7F5] =	sst s18  }
0x20: {  	s21 =	smax.u32 s2, $0x1;
	[smem:$0x7F6] =	sst s20  }
0x21: {  	s22 =	sshrl.u32 s12, $0x3;
	[smem:$0x7F7] =	sst s21  }
0x22: {  	s23 =	sadd.s32 s31, s5;
	[smem:$0x7F8] =	sst s22  }
0x23: {  	s24 =	sadd.s32 s16, s5;
	[dreg:$0x18] =	wrdreg s23  }
0x24: {  	s25 =	sadd.s32 s29, s5;
	[dreg:$0x19] =	wrdreg s24  }
0x25: {  	s26 =	sadd.s32 s13, s5;
	[dreg:$0x1a] =	wrdreg s25  }
0x26: {  	s5 =	sadd.s32 $0x1000, s1;
	[dreg:$0x1b] =	wrdreg s26  }
0x27: {  	s28 =	simm.s32 $0x7;
	s1 =	sadd.s32 $0x1400, s1;
	[dreg:$0x1c] =	wrdreg s5  }
0x28: {  	s30 =	simm.s32 $0x6;
	s13 =	sadd.s32 $0xCD000, s4;
	[dreg:$0x1d] =	wrdreg s1  }
0x29: {  	s3 =	simm.s32 $0x9;
	s16 =	sadd.s32 $0xD0100, s4;
	[dreg:$0x1e] =	wrdreg s13  }
.Ltmp0:
0x2a: {  	[dreg:$0x1f] =	wrdreg s16;
	s23 =	sshrl.u32 s10, $0x3;
	(pc) =	sbr.rel .LBB2_1-.Ltmp0, $4  }
0x2b: {  	s7 =	simm.s32 $0x800;
	s24 =	sadd.s32 $0x3200, s14;
	[smem:$0x7FA] =	sst s23  }
0x2c: {  	s2 =	simm.s32 $0x5;
	s25 =	sadd.s32 $0xC9C00, s14;
	[smem:$0x7FB] =	sst s24  }
0x2d: {  	s4 =	simm.s32 $0x0;
	s26 =	sadd.s32 $0xFFFFFFFF, s15;
	[smem:$0x7FC] =	sst s25  }
0x2e: {  	v0 =	vimm.f32 $0.0e+00;
	s15 =	simm.s32 $0x2;
	s16 =	simm.s32 $0x8;
	[smem:$0x7FD] =	sst s26  }
.LBB2_42:
0x2f: {  	[sflag:s16] =	ssyncadd.s32 $0xFFFFFF80;
	s4 =	sld [smem:$0x7F1]  }
.LBB2_43:
0x30: {  	[bflag:$0x0] =	sbarrier.arrive $0xFFFF  }
0x31: {  	s1 =	sld [smem:$0x7F2];
	_ =	sdelay $0x1  }
0x32: {  	s0 =	rddreg [dreg:$0x1e]  }
0x33: {  	[hbm:s0], [sflag:s11] =	dma.local [spmem:s1], $0x310  }
0x34: {  	_ =	swait.ge [sflag:s3], $0x310  }
0x35: {  	s21 =	sld [smem:$0x7F3]  }
0x36: {  	[sflag:s3] =	ssyncset.done $0x0  }
0x37: {  	s20 =	rddreg [dreg:$0x1f];
	[sflag:s3] =	ssyncadd.s32 $0xFFFFFCF0  }
0x38: {  	[hbm:s20], [sflag:s11] =	dma.local [spmem:s21], $0x310  }
0x39: {  	_ =	swait.ge [sflag:s3], $0x310  }
0x3a: {  	s22 =	sld [smem:$0x7F5]  }
0x3b: {  	s23 =	sld [smem:$0x7F4]  }
0x3c: {  	[sflag:s3] =	ssyncset.done $0x0  }
0x3d: {  	[sflag:s3] =	ssyncadd.s32 $0xFFFFFCF0  }
0x3e: {  	[hbm:s22], [sflag:s11] =	dma.local [spmem:s23], $0x310  }
0x3f: {  	_ =	swait.ge [sflag:s3], $0x310  }
0x40: {  	[sflag:s3] =	ssyncset.done $0x0  }
0x41: {  	[sflag:s3] =	ssyncadd.s32 $0xFFFFFCF0  }
0x42: {  	[tilespmem:$0xA000] =	vst v8  }
0x43: {  	[tilespmem:$0xA010] =	vst v7  }
0x44: {  	[tilespmem:$0xA020] =	vst v6  }
0x45: {  	[tilespmem:$0xA030] =	vst v5  }
0x46: {  	[tilespmem:$0xA040] =	vst v4  }
0x47: {  	s24 =	sld [smem:$0x7F6];
	[tilespmem:$0xA050] =	vst v3  }
0x48: {  	[tilespmem:$0xA060] =	vst v2  }
0x49: {  	s25 =	simm.s32 $0xA000;
	[tilespmem:$0xA070] =	vst v1  }
0x4a: {  	[hbm4b:s24+s17] =	stream.linear.scatter [tilespmem:s25], [sflag:$0x9], $0x80, $0x38;
	[tilespmem:$0x13380] =	vst v63  }
0x4b: {  	_ =	swait.ge [sflag:s3], $0x80  }
0x4c: {  	s26 =	sld [smem:$0x7F7];
	_ =	sdelay $0x1  }
0x4d: {  	s4 =	sadd.s32 $0x1, s4  }
0x4e: {  	p0 =	sne.s32 s4, s26  }
.Ltmp1:
0x4f: {  	_ = 	snop;
	(pc) =	sbr.rel @!p0 .LBB2_44-.Ltmp1, $3  }
0x50: {  	_ =	sdelay $0x1  }
0x51: {  	[sflag:s3] =	ssyncset.done $0x0  }
0x52: {  	[sflag:s3] =	ssyncadd.s32 $0xFFFFFF80  }
.LBB2_1:
0x53: {  	s1 =	sld [smem:$0x7F8]  }
0x54: {  	[smem:$0x7F1] =	sst s4  }
0x55: {  	s0 =	rddreg [dreg:$0xc]  }
0x56: {  	[spmem:s1], [sflag:s11] =	dma.local [hbm:s0], $0x310  }
0x57: {  	_ =	swait.ge [sflag:s3], $0x310  }
0x58: {  	s12 =	sld [smem:$0x7F9]  }
0x59: {  	s13 =	sld [smem:$0x7FB]  }
0x5a: {  	[sflag:s3] =	ssyncset.done $0x0  }
0x5b: {  	[sflag:s3] =	ssyncadd.s32 $0xFFFFFCF0  }
0x5c: {  	[spmem:s12], [sflag:s11] =	dma.local [hbm:s13], $0x310  }
0x5d: {  	_ =	swait.ge [sflag:s3], $0x310  }
0x5e: {  	s18 =	sld [smem:$0x7FA]  }
0x5f: {  	[sflag:s3] =	ssyncset.done $0x0  }
0x60: {  	s14 =	rddreg [dreg:$0xe];
	[sflag:s3] =	ssyncadd.s32 $0xFFFFFCF0  }
0x61: {  	[spmem:s18], [sflag:s11] =	dma.local [hbm:s14], $0x310  }
0x62: {  	_ =	swait.ge [sflag:s3], $0x310  }
0x63: {  	s20 =	rddreg [dreg:$0xf]  }
0x64: {  	s21 =	sld [smem:$0x7FC]  }
0x65: {  	[sflag:s3] =	ssyncset.done $0x0;
	s0 =	sshrl.u32 s20, $0x3  }
0x66: {  	[sflag:s3] =	ssyncadd.s32 $0xFFFFFCF0;
	[smem:$0x7F2] =	sst s0  }
0x67: {  	[spmem:s0], [sflag:s11] =	dma.local [hbm:s21], $0x310  }
0x68: {  	_ =	swait.ge [sflag:s3], $0x310  }
0x69: {  	s22 =	rddreg [dreg:$0x11]  }
0x6a: {  	[sflag:s3] =	ssyncset.done $0x0;
	s0 =	sshrl.u32 s22, $0x3  }
0x6b: {  	[sflag:s3] =	ssyncadd.s32 $0xFFFFFCF0;
	[smem:$0x7F3] =	sst s0  }
0x6c: {  	[spmem:s0], [sflag:s11] =	dma.local [hbm:s21], $0x310  }
0x6d: {  	_ =	swait.ge [sflag:s3], $0x310  }
0x6e: {  	s23 =	rddreg [dreg:$0x12]  }
0x6f: {  	[sflag:s3] =	ssyncset.done $0x0;
	s0 =	sshrl.u32 s23, $0x3  }
0x70: {  	[sflag:s3] =	ssyncadd.s32 $0xFFFFFCF0;
	[smem:$0x7F4] =	sst s0  }
0x71: {  	[spmem:s0], [sflag:s11] =	dma.local [hbm:s21], $0x310  }
0x72: {  	_ =	swait.ge [sflag:s3], $0x310  }
0x73: {  	[sflag:s3] =	ssyncset.done $0x0  }
0x74: {  	[sflag:s3] =	ssyncadd.s32 $0xFFFFFCF0  }
0x75: {  	[bflag:$0x0] =	sbarrier.arrive $0xFFFF  }
0x76: {  	s24 =	rddreg [dreg:$0x14]  }
0x77: {  	[tilespmem:s17], [sflag:$0x1] =	stream.linear.gather [hbm4b:s24+s17], $0x400, $0x38;
	[tilespmem:$0x13380] =	vst v63  }
0x78: {  	s26 =	simm.s32 $0x400;
	s25 =	rddreg [dreg:$0x15]  }
0x79: {  	[tilespmem:s26], [sflag:$0x1] =	stream.linear.gather [hbm4b:s25+s17], $0x400, $0x38;
	[tilespmem:$0x13380] =	vst v63  }
0x7a: {  	s3 =	simm.s32 $0x2000;
	s1 =	rddreg [dreg:$0x16]  }
0x7b: {  	[tilespmem:s3], [sflag:$0x1] =	stream.linear.gather [hbm4b:s1+s17], $0x400, $0x38;
	[tilespmem:$0x13380] =	vst v63  }
0x7c: {  	s5 =	simm.s32 $0x3000;
	s4 =	rddreg [dreg:$0x17]  }
0x7d: {  	[tilespmem:s5], [sflag:$0x1] =	stream.linear.gather [hbm4b:s4+s17], $0x400, $0x38;
	[tilespmem:$0x13380] =	vst v63  }
0x7e: {  	s10 =	rddreg [dreg:$0x18]  }
0x7f: {  	[tilespmem:s7], [sflag:$0x2] =	stream.linear.gather [hbm4b:s10+s17], $0x400, $0x38;
	[tilespmem:$0x13380] =	vst v63  }
0x80: {  	s12 =	simm.s32 $0xC00;
	s11 =	rddreg [dreg:$0x19]  }
0x81: {  	[tilespmem:s12], [sflag:$0x2] =	stream.linear.gather [hbm4b:s11+s17], $0x400, $0x38;
	[tilespmem:$0x13380] =	vst v63  }
0x82: {  	s14 =	simm.s32 $0x2400;
	s13 =	rddreg [dreg:$0x1a]  }
0x83: {  	[tilespmem:s14], [sflag:$0x2] =	stream.linear.gather [hbm4b:s13+s17], $0x400, $0x38;
	[tilespmem:$0x13380] =	vst v63  }
0x84: {  	s20 =	simm.s32 $0x3400;
	s21 =	simm.s32 $0x1;
	s18 =	rddreg [dreg:$0x1b]  }
0x85: {  	[tilespmem:s20], [sflag:$0x2] =	stream.linear.gather [hbm4b:s18+s17], $0x400, $0x38;
	[tilespmem:$0x13380] =	vst v63  }
0x86: {  	_ =	swait.ge [sflag:s21], $0x400  }
0x87: {  	[sflag:s21] =	ssyncset.done $0x0  }
0x88: {  	[sflag:s21] =	ssyncadd.s32 $0xFFFFFC00  }
0x89: {  	_ =	swait.ge [sflag:s21], $0x400  }
0x8a: {  	[sflag:s21] =	ssyncset.done $0x0  }
0x8b: {  	[sflag:s21] =	ssyncadd.s32 $0xFFFFFC00  }
0x8c: {  	_ =	swait.ge [sflag:s21], $0x400  }
0x8d: {  	[sflag:s21] =	ssyncset.done $0x0  }
0x8e: {  	[sflag:s21] =	ssyncadd.s32 $0xFFFFFC00  }
0x8f: {  	_ =	swait.ge [sflag:s21], $0x400  }
0x90: {  	[sflag:s21] =	ssyncset.done $0x0  }
0x91: {  	[sflag:s21] =	ssyncadd.s32 $0xFFFFFC00  }
0x92: {  	s22 =	simm.s32 $0x4000;
	s0 =	rddreg [dreg:$0x4]  }
0x93: {  	[tilespmem:s22], [sflag:$0x5] =	stream.indirect.gather [spmem:s0], $0x1, s17, s7, $0xb8;
	[tilespmem:$0x13380] =	vst v63  }
0x94: {  	s24 =	simm.s32 $0x5000;
	s23 =	rddreg [dreg:$0x5]  }
0x95: {  	[tilespmem:s24], [sflag:$0x5] =	stream.indirect.gather [spmem:s23], $0x1, s17, s7, $0xb8;
	[tilespmem:$0x13380] =	vst v63  }
0x96: {  	v1 =	vimm.f32 $0.0e+00;
	v2 =	vimm.f32 $0.0e+00;
	s26 =	simm.s32 $0x6000;
	s25 =	rddreg [dreg:$0x6]  }
0x97: {  	v3 =	vimm.f32 $0.0e+00;
	v4 =	vimm.f32 $0.0e+00;
	v5 =	vimm.f32 $0.0e+00;
	[tilespmem:s26], [sflag:$0x5] =	stream.indirect.gather [spmem:s25], $0x1, s17, s7, $0xb8;
	[tilespmem:$0x13380] =	vst v63  }
0x98: {  	v6 =	vimm.f32 $0.0e+00;
	v7 =	vimm.f32 $0.0e+00;
	v8 =	vimm.f32 $0.0e+00;
	s21 =	simm.s32 $0x0;
	s26 =	simm.s32 $0x0;
	s25 =	simm.s32 $0x0  }
.LBB2_2:
0x99: {  	_ =	swait.ge [sflag:s15], $0x400  }
0x9a: {  	[sflag:s15] =	ssyncset.done $0x0  }
0x9b: {  	[sflag:s15] =	ssyncadd.s32 $0xFFFFFC00  }
0x9c: {  	_ =	swait.ge [sflag:s15], $0x400  }
0x9d: {  	[sflag:s15] =	ssyncset.done $0x0  }
0x9e: {  	[sflag:s15] =	ssyncadd.s32 $0xFFFFFC00  }
0x9f: {  	_ =	swait.ge [sflag:s15], $0x400  }
0xa0: {  	[sflag:s15] =	ssyncset.done $0x0  }
0xa1: {  	[sflag:s15] =	ssyncadd.s32 $0xFFFFFC00  }
0xa2: {  	_ =	swait.ge [sflag:s15], $0x400  }
0xa3: {  	p0 =	seq.s32 s25, $0x0;
	[sflag:s15] =	ssyncset.done $0x0  }
0xa4: {  	p1 =	slt.s32 @!p0 s26, $0x1;
	[sflag:s15] =	ssyncadd.s32 $0xFFFFFC00  }
0xa5: {  	s1 =	simm.s32 $0x4800;
	p1 =	por p0, p1;
	s0 =	rddreg [dreg:$0x4]  }
0xa6: {  	[tilespmem:s1], [sflag:$0x6] =	stream.indirect.gather [spmem:s0], $0x1, s7, s7, $0xb8;
	[tilespmem:$0x13380] =	vst v63  }
.Ltmp2:
0xa7: {  	_ = 	snop;
	(pc) =	sbr.rel @p1 .LBB2_6-.Ltmp2, $4  }
0xa8: {  	s22 =	simm.s32 $0x5800;
	s20 =	rddreg [dreg:$0x5]  }
0xa9: {  	[tilespmem:s22], [sflag:$0x6] =	stream.indirect.gather [spmem:s20], $0x1, s7, s7, $0xb8;
	[tilespmem:$0x13380] =	vst v63  }
0xaa: {  	s24 =	simm.s32 $0x6800;
	s23 =	rddreg [dreg:$0x6]  }
0xab: {  	[tilespmem:s24], [sflag:$0x6] =	stream.indirect.gather [spmem:s23], $0x1, s7, s7, $0xb8;
	[tilespmem:$0x13380] =	vst v63  }
0xac: {  	_ =	swait.ge [sflag:s28], $0x80  }
0xad: {  	[sflag:s28] =	ssyncset.done $0x0  }
0xae: {  	[sflag:s28] =	ssyncadd.s32 $0xFFFFFF80  }
0xaf: {  	_ =	swait.ge [sflag:s28], $0x80  }
0xb0: {  	[sflag:s28] =	ssyncset.done $0x0  }
0xb1: {  	[sflag:s28] =	ssyncadd.s32 $0xFFFFFF80  }
0xb2: {  	_ =	swait.ge [sflag:s28], $0x80  }
0xb3: {  	[sflag:s28] =	ssyncset.done $0x0  }
0xb4: {  	[sflag:s28] =	ssyncadd.s32 $0xFFFFFF80  }
0xb5: {  	_ =	swait.ge [sflag:s28], $0x80  }
0xb6: {  	[sflag:s28] =	ssyncset.done $0x0  }
0xb7: {  	p1 =	sne.s32 s26, $0x1;
	[sflag:s28] =	ssyncadd.s32 $0xFFFFFF80  }
.Ltmp3:
0xb8: {  	_ =	swait.ge [sflag:s28], $0x80;
	(pc) =	sbr.rel @!p1 .LBB2_5-.Ltmp3, $4  }
0xb9: {  	[sflag:s28] =	ssyncset.done $0x0  }
0xba: {  	[sflag:s28] =	ssyncadd.s32 $0xFFFFFF80  }
0xbb: {  	_ =	swait.ge [sflag:s28], $0x80  }
0xbc: {  	s0 =	sadd.s32 $0xFFFFFFFF, s26;
	[sflag:s28] =	ssyncset.done $0x0  }
.LBB2_4:
0xbd: {  	p1 =	sne.s32 s0, $0x1;
	s0 =	sadd.s32 $0xFFFFFFFF, s0;
	[sflag:s28] =	ssyncadd.s32 $0xFFFFFF80  }
0xbe: {  	_ =	swait.ge [sflag:s28], $0x80  }
0xbf: {  	[sflag:s28] =	ssyncset.done $0x0  }
0xc0: {  	[sflag:s28] =	ssyncadd.s32 $0xFFFFFF80  }
0xc1: {  	_ =	swait.ge [sflag:s28], $0x80  }
0xc2: {  	[sflag:s28] =	ssyncset.done $0x0  }
0xc3: {  	[sflag:s28] =	ssyncadd.s32 $0xFFFFFF80  }
0xc4: {  	_ =	swait.ge [sflag:s28], $0x80  }
0xc5: {  	[sflag:s28] =	ssyncset.done $0x0  }
0xc6: {  	[sflag:s28] =	ssyncadd.s32 $0xFFFFFF80  }
0xc7: {  	_ =	swait.ge [sflag:s28], $0x80  }
0xc8: {  	[sflag:s28] =	ssyncset.done $0x0  }
0xc9: {  	[sflag:s28] =	ssyncadd.s32 $0xFFFFFF80  }
.Ltmp4:
0xca: {  	_ =	swait.ge [sflag:s28], $0x80;
	(pc) =	sbr.rel @p1 .LBB2_4-.Ltmp4, $4  }
0xcb: {  	[sflag:s28] =	ssyncset.done $0x0  }
0xcc: {  	[sflag:s28] =	ssyncadd.s32 $0xFFFFFF80  }
0xcd: {  	_ =	swait.ge [sflag:s28], $0x80  }
0xce: {  	[sflag:s28] =	ssyncset.done $0x0  }
.LBB2_5:
0xcf: {  	[sflag:s28] =	ssyncadd.s32 $0xFFFFFF80  }
.LBB2_6:
0xd0: {  	s0 =	sshll.u32 s25, $0x2  }
0xd1: {  	s24 =	sor.u32 $0x2, s0  }
0xd2: {  	s1 =	sadd.s32 s19, s24  }
0xd3: {  	s1 =	sshll.u32 s1, $0xA  }
0xd4: {  	s1 =	smin.u32 s1, $0x30D000  }
0xd5: {  	s26 =	simm.s32 $0x0;
	s1 =	sshrl.u32 s1, $0x3  }
0xd6: {  	s4 =	simm.s32 $0x1000;
	s13 =	rddreg [dreg:$0xb];
	s3 =	sadd.s32 s31, s1  }
0xd7: {  	[tilespmem:s4], [sflag:$0x3] =	stream.linear.gather [hbm4b:s3+s26], $0x400, $0x38;
	[tilespmem:$0x13380] =	vst v63  }
0xd8: {  	s14 =	simm.s32 $0x1400;
	s3 =	sadd.s32 s13, s1  }
0xd9: {  	[tilespmem:s14], [sflag:$0x3] =	stream.linear.gather [hbm4b:s3+s26], $0x400, $0x38;
	[tilespmem:$0x13380] =	vst v63  }
0xda: {  	s18 =	simm.s32 $0x2800;
	s20 =	rddreg [dreg:$0x3];
	s17 =	sadd.s32 s29, s1  }
0xdb: {  	[tilespmem:s18], [sflag:$0x3] =	stream.linear.gather [hbm4b:s17+s26], $0x400, $0x38;
	[tilespmem:$0x13380] =	vst v63  }
0xdc: {  	s22 =	simm.s32 $0x3800;
	s1 =	sadd.s32 s20, s1  }
0xdd: {  	[tilespmem:s22], [sflag:$0x3] =	stream.linear.gather [hbm4b:s1+s26], $0x400, $0x38;
	[tilespmem:$0x13380] =	vst v63  }
0xde: {  	_ =	swait.ge [sflag:s2], $0x800  }
0xdf: {  	[sflag:s2] =	ssyncset.done $0x0  }
0xe0: {  	[sflag:s2] =	ssyncadd.s32 $0xFFFFF800  }
0xe1: {  	_ =	swait.ge [sflag:s2], $0x800  }
0xe2: {  	[sflag:s2] =	ssyncset.done $0x0  }
0xe3: {  	s10 =	simm.f32 $1.000000000e+00;
	[sflag:s2] =	ssyncadd.s32 $0xFFFFF800  }
0xe4: {  	s5 =	simm.s32 $0x3000;
	s11 =	simm.s32 $0x0;
	_ =	swait.ge [sflag:s2], $0x800  }
0xe5: {  	s4 =	simm.s32 $0x7000;
	s20 =	simm.s32 $0x4000;
	s23 =	rddreg [dreg:$0x13]  }
0xe6: {  	s3 =	simm.s32 $0x8000;
	s14 =	simm.s32 $0x2000;
	p1 =	slt.u32 s0, s23  }
0xe7: {  	s17 =	simm.s32 $0x6000;
	[sflag:s2] =	ssyncset.done $0x0;
	s10 =	simm.s32 @!p1 $0x0  }
0xe8: {  	s18 =	simm.s32 $0x5000;
	s1 =	simm.s32 $0x9400;
	[sflag:s2] =	ssyncadd.s32 $0xFFFFF800;
	v9 =	vmov s10  }
.LBB2_7:
0xe9: {  	v16 =	vmov s18;
	_ =	sdelay $0x1  }
0xea: {  	v17 =	vmov s20;
	_ =	sdelay $0x1  }
0xeb: {  	s23 =	simm.s32 $0x0;
	v18 =	vmov s17  }
0xec: {  	v10 =	vld.idx.msk [tilespmem:v16+s23+$0x400 ss:$0x1], $0xffff  }
0xed: {  	v11 =	vld.idx.msk [tilespmem:v16+s23+$0x0 ss:$0x1], $0xffff  }
0xee: {  	v20 =	vld.idx.msk [tilespmem:v17+s23+$0x0 ss:$0x1], $0xffff  }
0xef: {  	v23 =	vld.idx.msk [tilespmem:v17+s23+$0x400 ss:$0x1], $0xffff  }
0xf0: {  	v21 =	vld.idx.msk [tilespmem:v18+s23+$0x400 ss:$0x1], $0xffff  }
0xf1: {  	v22 =	vld.idx.msk [tilespmem:v18+s23+$0x0 ss:$0x1], $0xffff;
	_ =	sdelay $0x1  }
0xf2: {  	v15 =	vimm.f32 $0.0e+00;
	v13 =	vmov s14;
	v19 =	vsub.f32 v11, v10  }
0xf3: {  	v14 =	vmov s5;
	v12 =	vmov s1;
	v20 =	vsub.f32 v20, v23  }
0xf4: {  	s22 =	smov.u32 s26;
	s10 =	sshll.u32 s11, $0x7;
	s12 =	simm.s32 $0x40;
	v11 =	vmov s4;
	v10 =	vmov s3;
	v23 =	vmul.f32 $2.500000040e-02, v19  }
.LBB2_8:
0xf5: {  	p1 =	sne.s32 s12, $0x1C0;
	v24 =	vmul.f32 $2.500000040e-02, v20;
	v21 =	vsub.f32 v22, v21;
	s13 =	smov.u32 s12;
	s12 =	sadd.s32 $0x40, s12  }
0xf6: {  	v22 =	vadd.f32 $1.258291200e+07, v23  }
0xf7: {  	v23 =	vadd.f32 $1.258291200e+07, v24;
	v24 =	vmul.f32 $2.500000040e-02, v21  }
0xf8: {  	s26 =	sshra.s32 s13, $0x2;
	v22 =	vadd.f32 $-1.258291200e+07, v22  }
0xf9: {  	v23 =	vadd.f32 $-1.258291200e+07, v23;
	v24 =	vadd.f32 $1.258291200e+07, v24  }
0xfa: {  	v22 =	vmul.f32 $4.000000000e+01, v22  }
0xfb: {  	v23 =	vmul.f32 $4.000000000e+01, v23;
	v24 =	vadd.f32 $-1.258291200e+07, v24  }
0xfc: {  	v19 =	vsub.f32 v19, v22  }
0xfd: {  	v20 =	vsub.f32 v20, v23;
	v22 =	vmul.f32 $4.000000000e+01, v24;
	_ =	sdelay $0x1  }
0xfe: {  	v23 =	vmul.f32 v19, v19;
	v21 =	vsub.f32 v21, v22;
	v22 =	vmul.f32 v20, v20;
	_ =	sdelay $0x1  }
0xff: {  	v22 =	vadd.f32 v23, v22;
	v23 =	vmul.f32 v21, v21;
	_ =	sdelay $0x1  }
0x100: {  	v22 =	vadd.f32 v23, v22;
	_ =	sdelay $0x1  }
0x101: {  	v22 =	vmax.f32 v22, $1.000000020e-24  }
0x102: {  	v23 =	vld.idx.msk [tilespmem:v14+s23+$0x0 ss:$0x1], $0xffff;
	vm0 =	vlt.f32 v22, $6.250000000e+00;
	(erf) = vrcp.f32 v22  }
0x103: {  	v22 =	vsel vm0, $0x3F800000, v0  }
0x104: {  	v15 =	vadd.f32 v22, v15;
	_ =	sdelay $0x3  }
0x105: {  	v22 =	vmul.f32 v23, v9;
	_ =	sdelay $0x1  }
0x106: {  	v22 =	vmul.f32 v22, v22  }
0x107: {  	v23 =	vpop (erf)  }
0x108: {  	v24 =	vld.idx.msk [tilespmem:v13+s23+$0x0 ss:$0x1], $0xffff;
	v22 =	vmul.f32 v23, v22;
	_ =	sdelay $0x1  }
0x109: {  	v25 =	vmul.f32 v22, v22;
	_ =	sdelay $0x1  }
0x10a: {  	v22 =	vmul.f32 v25, v22;
	_ =	sdelay $0x1  }
0x10b: {  	v24 =	vmul.f32 v24, v9;
	v25 =	vmul.f32 v22, v22;
	_ =	sdelay $0x1  }
0x10c: {  	v27 =	vmul.f32 $4.000000000e+00, v24;
	v26 =	vadd.f32 v25, v25;
	v25 =	vsub.f32 v25, v22;
	_ =	sdelay $0x1  }
0x10d: {  	v24 =	vmul.f32 $2.400000000e+01, v24;
	v22 =	vsub.f32 v26, v22;
	v25 =	vmul.f32 v25, v27;
	_ =	sdelay $0x1  }
0x10e: {  	v22 =	vmul.f32 v22, v24;
	v24 =	vnsel vm0, $0x0, v25  }
0x10f: {  	v8 =	vadd.f32 v24, v8  }
0x110: {  	v23 =	vmul.f32 v22, v23;
	v22 =	vnsel vm0, $0x0, v22  }
0x111: {  	v7 =	vadd.f32 v22, v7  }
0x112: {  	v22 =	vmul.f32 v23, v20;
	v24 =	vmul.f32 v23, v19  }
0x113: {  	v23 =	vmul.f32 v23, v21  }
0x114: {  	v20 =	vmul.f32 v22, v20;
	v25 =	vmul.f32 v22, v19;
	v26 =	vnsel vm0, $0x0, v22  }
0x115: {  	v22 =	vmul.f32 v22, v21;
	v19 =	vmul.f32 v24, v19;
	v27 =	vnsel vm0, $0x0, v24;
	[tilespmem:v11+s23+$0x0 ss:$0x1] =	vst.idx.msk $0xffff, v26  }
0x116: {  	v24 =	vmul.f32 v24, v21;
	v28 =	vnsel vm0, $0x0, v23;
	v26 =	vsub.f32 $0.0e+00, v26;
	[tilespmem:v10+s23+$0x0 ss:$0x1] =	vst.idx.msk $0xffff, v27  }
0x117: {  	v21 =	vmul.f32 v23, v21;
	v4 =	vadd.f32 v22, v4;
	v22 =	vsub.f32 $0.0e+00, v27;
	[tilespmem:v12+s23+$0xFFFFFC00 ss:$0x1] =	vst.idx.msk $0xffff, v28  }
0x118: {  	v23 =	vsub.f32 $0.0e+00, v28;
	v2 =	vadd.f32 v24, v2;
	[tilespmem:v11+s23+$0x400 ss:$0x1] =	vst.idx.msk $0xffff, v26  }
0x119: {  	v6 =	vadd.f32 v20, v6;
	v1 =	vadd.f32 v21, v1;
	[tilespmem:v10+s23+$0x400 ss:$0x1] =	vst.idx.msk $0xffff, v22  }
0x11a: {  	v5 =	vadd.f32 v25, v5;
	v3 =	vadd.f32 v19, v3;
	[tilespmem:v12+s23+$0x0 ss:$0x1] =	vst.idx.msk $0xffff, v23;
	s23 =	smov.u32 s26  }
0x11b: {  	v19 =	vld.idx.msk [tilespmem:v16+s23+$0x400 ss:$0x1], $0xffff  }
0x11c: {  	v20 =	vld.idx.msk [tilespmem:v17+s23+$0x0 ss:$0x1], $0xffff  }
0x11d: {  	v23 =	vld.idx.msk [tilespmem:v16+s23+$0x0 ss:$0x1], $0xffff  }
0x11e: {  	v24 =	vld.idx.msk [tilespmem:v17+s23+$0x400 ss:$0x1], $0xffff  }
0x11f: {  	v21 =	vld.idx.msk [tilespmem:v18+s23+$0x400 ss:$0x1], $0xffff  }
0x120: {  	v22 =	vld.idx.msk [tilespmem:v18+s23+$0x0 ss:$0x1], $0xffff  }
.Ltmp5:
0x121: {  	(pc) =	sbr.rel @p1 .LBB2_8-.Ltmp5, $4  }
0x122: {  	_ = 	snop  }
0x123: {  	v19 =	vsub.f32 v23, v19  }
0x124: {  	v20 =	vsub.f32 v20, v24  }
0x125: {  	v23 =	vmul.f32 $2.500000040e-02, v19  }
0x126: {  	v16 =	vmul.f32 $2.500000040e-02, v20;
	v17 =	vsub.f32 v22, v21  }
0x127: {  	v18 =	vadd.f32 $1.258291200e+07, v23  }
0x128: {  	v16 =	vadd.f32 $1.258291200e+07, v16;
	v21 =	vmul.f32 $2.500000040e-02, v17  }
0x129: {  	v18 =	vadd.f32 $-1.258291200e+07, v18  }
0x12a: {  	v16 =	vadd.f32 $-1.258291200e+07, v16;
	v21 =	vadd.f32 $1.258291200e+07, v21;
	_ =	sdelay $0x1  }
0x12b: {  	v18 =	vmul.f32 $4.000000000e+01, v18;
	v16 =	vmul.f32 $4.000000000e+01, v16;
	v21 =	vadd.f32 $-1.258291200e+07, v21;
	_ =	sdelay $0x1  }
0x12c: {  	v18 =	vsub.f32 v19, v18;
	v16 =	vsub.f32 v20, v16;
	v48 =	vmul.f32 $4.000000000e+01, v21;
	_ =	sdelay $0x1  }
0x12d: {  	v50 =	vmul.f32 v18, v18;
	v17 =	vsub.f32 v17, v48;
	v49 =	vmul.f32 v16, v16;
	_ =	sdelay $0x1  }
0x12e: {  	v19 =	vadd.f32 v50, v49;
	v51 =	vmul.f32 v17, v17;
	_ =	sdelay $0x1  }
0x12f: {  	v19 =	vadd.f32 v51, v19;
	_ =	sdelay $0x1  }
0x130: {  	v19 =	vmax.f32 v19, $1.000000020e-24  }
0x131: {  	vm0 =	vlt.f32 v19, $6.250000000e+00  }
0x132: {  	v52 =	vsel vm0, $0x3F800000, v0  }
0x133: {  	v15 =	vadd.f32 v52, v15;
	_ =	sdelay $0x1  }
0x134: {  	(v2sf) =	vpush v15, $0x0  }
0x135: {  	(v2sf) =	vpush v15, $0x1;
	_ =	sdelay $0x1  }
0x136: {  	(v2sf) =	vpush v15, $0x2;
	_ =	sdelay $0x1  }
0x137: {  	(v2sf) =	vpush v15, $0x3;
	_ =	sdelay $0x1  }
0x138: {  	(v2sf) =	vpush v15, $0x4;
	_ =	sdelay $0x1  }
0x139: {  	(v2sf) =	vpush v15, $0x5;
	_ =	sdelay $0x1  }
0x13a: {  	(v2sf) =	vpush v15, $0x6;
	_ =	sdelay $0x1  }
0x13b: {  	(v2sf) =	vpush v15, $0x7;
	_ =	sdelay $0x1  }
0x13c: {  	(erf) = vrcp.f32 v19;
	s12 =	spop (v2sf);
	(v2sf) =	vpush v15, $0x8  }
0x13d: {  	v14 =	vld.idx.msk [tilespmem:v14+s23+$0x0 ss:$0x1], $0xffff;
	s13 =	spop (v2sf)  }
0x13e: {  	(v2sf) =	vpush v15, $0x9;
	s12 =	sadd.f32 s13, s12  }
0x13f: {  	s26 =	spop (v2sf)  }
0x140: {  	(v2sf) =	vpush v15, $0xA;
	s12 =	sadd.f32 s12, s26  }
0x141: {  	s26 =	spop (v2sf)  }
0x142: {  	v14 =	vmul.f32 v14, v9;
	(v2sf) =	vpush v15, $0xB;
	s12 =	sadd.f32 s12, s26  }
0x143: {  	s26 =	spop (v2sf)  }
0x144: {  	v14 =	vmul.f32 v14, v14;
	(v2sf) =	vpush v15, $0xC;
	s12 =	sadd.f32 s12, s26  }
0x145: {  	v19 =	vpop (erf);
	s26 =	spop (v2sf)  }
0x146: {  	v14 =	vmul.f32 v19, v14;
	(v2sf) =	vpush v15, $0xD;
	s12 =	sadd.f32 s12, s26  }
0x147: {  	s26 =	spop (v2sf)  }
0x148: {  	v53 =	vmul.f32 v14, v14;
	(v2sf) =	vpush v15, $0xE;
	s12 =	sadd.f32 s12, s26  }
0x149: {  	v13 =	vld.idx.msk [tilespmem:v13+s23+$0x0 ss:$0x1], $0xffff;
	s26 =	spop (v2sf)  }
0x14a: {  	v14 =	vmul.f32 v53, v14;
	(v2sf) =	vpush v15, $0xF;
	s12 =	sadd.f32 s12, s26  }
0x14b: {  	s26 =	spop (v2sf)  }
0x14c: {  	v54 =	vmul.f32 v14, v14;
	s12 =	sadd.f32 s12, s26  }
0x14d: {  	s26 =	spop (v2sf)  }
0x14e: {  	v13 =	vmul.f32 v13, v9;
	v55 =	vadd.f32 v54, v54;
	s12 =	sadd.f32 s12, s26  }
0x14f: {  	s26 =	spop (v2sf)  }
0x150: {  	v56 =	vmul.f32 $2.400000000e+01, v13;
	v20 =	vsub.f32 v55, v14;
	s12 =	sadd.f32 s12, s26  }
0x151: {  	s26 =	spop (v2sf)  }
0x152: {  	v20 =	vmul.f32 v20, v56;
	s12 =	sadd.f32 s12, s26  }
0x153: {  	s26 =	spop (v2sf)  }
0x154: {  	v19 =	vmul.f32 v20, v19;
	s12 =	sadd.f32 s12, s26  }
0x155: {  	s26 =	spop (v2sf)  }
0x156: {  	v57 =	vmul.f32 v19, v16;
	s12 =	sadd.f32 s12, s26  }
0x157: {  	v58 =	vmul.f32 v19, v18;
	s26 =	spop (v2sf)  }
0x158: {  	v19 =	vmul.f32 v19, v17;
	v59 =	vnsel vm0, $0x0, v57;
	s12 =	sadd.f32 s12, s26  }
0x159: {  	v24 =	vnsel vm0, $0x0, v58;
	[tilespmem:v11+s23+$0x0 ss:$0x1] =	vst.idx.msk $0xffff, v59;
	s26 =	spop (v2sf)  }
0x15a: {  	v25 =	vnsel vm0, $0x0, v19;
	v23 =	vsub.f32 $0.0e+00, v59;
	[tilespmem:v10+s23+$0x0 ss:$0x1] =	vst.idx.msk $0xffff, v24;
	s12 =	sadd.f32 s12, s26  }
0x15b: {  	v24 =	vsub.f32 $0.0e+00, v24;
	[tilespmem:v12+s23+$0xFFFFFC00 ss:$0x1] =	vst.idx.msk $0xffff, v25  }
0x15c: {  	[tilespmem:v11+s23+$0x400 ss:$0x1] =	vst.idx.msk $0xffff, v23;
	v11 =	vsub.f32 $0.0e+00, v25;
	p1 =	sgt.f32 s12, $0.0e+00  }
0x15d: {  	[tilespmem:v10+s23+$0x400 ss:$0x1] =	vst.idx.msk $0xffff, v24  }
0x15e: {  	[tilespmem:v12+s23+$0x0 ss:$0x1] =	vst.idx.msk $0xffff, v11;
	s12 =	sadd.s32 @p1 $0x7000, s10;
	s13 =	simm.s32 @p1 $0x80  }
0x15f: {  	[spmem:s6] =	stream.indirect.scatter.add.f32 @p1 [tilespmem:s12], [sflag:$0x7], $0x1, s10, s13, $0xb8;
	[tilespmem:$0x13380] =	vst v63  }
0x160: {  	s12 =	sadd.s32 @p1 $0x8000, s10  }
0x161: {  	[spmem:s8] =	stream.indirect.scatter.add.f32 @p1 [tilespmem:s12], [sflag:$0x7], $0x1, s10, s13, $0xb8;
	[tilespmem:$0x13380] =	vst v63  }
0x162: {  	s12 =	sadd.s32 @p1 $0x9000, s10  }
0x163: {  	[spmem:s9] =	stream.indirect.scatter.add.f32 @p1 [tilespmem:s12], [sflag:$0x7], $0x1, s10, s13, $0xb8;
	[tilespmem:$0x13380] =	vst v63  }
0x164: {  	s23 =	sadd.s32 @p1 $0x7400, s10;
	s12 =	sor.u32 @p1 $0x400, s10  }
0x165: {  	[spmem:s6] =	stream.indirect.scatter.add.f32 @p1 [tilespmem:s23], [sflag:$0x7], $0x1, s12, s13, $0xb8;
	[tilespmem:$0x13380] =	vst v63  }
0x166: {  	s23 =	sadd.s32 @p1 $0x8400, s10  }
0x167: {  	[spmem:s8] =	stream.indirect.scatter.add.f32 @p1 [tilespmem:s23], [sflag:$0x7], $0x1, s12, s13, $0xb8;
	[tilespmem:$0x13380] =	vst v63  }
0x168: {  	s10 =	sadd.s32 @p1 $0x9400, s10  }
0x169: {  	v10 =	vmul.f32 $4.000000000e+00, v13;
	v11 =	vsub.f32 v54, v14;
	[spmem:s9] =	stream.indirect.scatter.add.f32 @p1 [tilespmem:s10], [sflag:$0x7], $0x1, s12, s13, $0xb8;
	[tilespmem:$0x13380] =	vst v63  }
0x16a: {  	s11 =	sadd.s32 $0x1, s11;
	v60 =	vmul.f32 v57, v17;
	v61 =	vmul.f32 v58, v17;
	s10 =	simm.s32 $0x1  }
0x16b: {  	v62 =	vmul.f32 v19, v17;
	v10 =	vmul.f32 v11, v10;
	s10 =	simm.s32 @!p1 $0x0;
	p1 =	sne.s32 s11, $0x8  }
.Ltmp6:
0x16c: {  	v63 =	vmul.f32 v58, v18;
	v4 =	vadd.f32 v60, v4;
	v11 =	vnsel vm0, $0x0, v20;
	(pc) =	sbr.rel @p1 .LBB2_7-.Ltmp6, $4  }
0x16d: {  	v2 =	vadd.f32 v61, v2;
	v7 =	vadd.f32 v11, v7;
	v10 =	vnsel vm0, $0x0, v10  }
0x16e: {  	s1 =	sadd.s32 $0x80, s1;
	s3 =	sadd.s32 $0x80, s3;
	s4 =	sadd.s32 $0x80, s4;
	v11 =	vmul.f32 v57, v18;
	v8 =	vadd.f32 v10, v8;
	v10 =	vmul.f32 v57, v16  }
0x16f: {  	s5 =	sadd.s32 $0x80, s5;
	s14 =	sadd.s32 $0x80, s14;
	s17 =	sadd.s32 $0x80, s17;
	v1 =	vadd.f32 v62, v1;
	v3 =	vadd.f32 v63, v3  }
0x170: {  	s18 =	sadd.s32 $0x80, s18;
	s20 =	sadd.s32 $0x80, s20;
	v5 =	vadd.f32 v11, v5;
	v6 =	vadd.f32 v10, v6;
	s26 =	sadd.s32 s10, s22  }
0x171: {  	s1 =	simm.s32 $0x3  }
0x172: {  	_ =	swait.ge [sflag:s1], $0x400  }
0x173: {  	[sflag:s1] =	ssyncset.done $0x0  }
0x174: {  	[sflag:s1] =	ssyncadd.s32 $0xFFFFFC00  }
0x175: {  	_ =	swait.ge [sflag:s1], $0x400  }
0x176: {  	[sflag:s1] =	ssyncset.done $0x0  }
0x177: {  	[sflag:s1] =	ssyncadd.s32 $0xFFFFFC00  }
0x178: {  	_ =	swait.ge [sflag:s1], $0x400  }
0x179: {  	[sflag:s1] =	ssyncset.done $0x0  }
0x17a: {  	[sflag:s1] =	ssyncadd.s32 $0xFFFFFC00  }
0x17b: {  	_ =	swait.ge [sflag:s1], $0x400  }
0x17c: {  	[sflag:s1] =	ssyncset.done $0x0  }
0x17d: {  	s3 =	simm.s32 $0x4000;
	p1 =	slt.s32 @!p0 s21, $0x1;
	[sflag:s1] =	ssyncadd.s32 $0xFFFFFC00  }
0x17e: {  	s4 =	simm.s32 $0x1000;
	p0 =	por p0, p1;
	s1 =	rddreg [dreg:$0x4]  }
0x17f: {  	[tilespmem:s3], [sflag:$0x5] =	stream.indirect.gather [spmem:s1], $0x1, s4, s7, $0xb8;
	[tilespmem:$0x13380] =	vst v63  }
.Ltmp7:
0x180: {  	_ = 	snop;
	(pc) =	sbr.rel @p0 .LBB2_14-.Ltmp7, $4  }
0x181: {  	s18 =	simm.s32 $0x5000;
	s17 =	rddreg [dreg:$0x5]  }
0x182: {  	[tilespmem:s18], [sflag:$0x5] =	stream.indirect.gather [spmem:s17], $0x1, s4, s7, $0xb8;
	[tilespmem:$0x13380] =	vst v63  }
0x183: {  	s23 =	simm.s32 $0x6000;
	s20 =	rddreg [dreg:$0x6]  }
0x184: {  	[tilespmem:s23], [sflag:$0x5] =	stream.indirect.gather [spmem:s20], $0x1, s4, s7, $0xb8;
	[tilespmem:$0x13380] =	vst v63  }
0x185: {  	_ =	swait.ge [sflag:s16], $0x80  }
0x186: {  	[sflag:s16] =	ssyncset.done $0x0  }
0x187: {  	[sflag:s16] =	ssyncadd.s32 $0xFFFFFF80  }
0x188: {  	_ =	swait.ge [sflag:s16], $0x80  }
0x189: {  	[sflag:s16] =	ssyncset.done $0x0  }
0x18a: {  	[sflag:s16] =	ssyncadd.s32 $0xFFFFFF80  }
0x18b: {  	_ =	swait.ge [sflag:s16], $0x80  }
0x18c: {  	[sflag:s16] =	ssyncset.done $0x0  }
0x18d: {  	[sflag:s16] =	ssyncadd.s32 $0xFFFFFF80  }
0x18e: {  	_ =	swait.ge [sflag:s16], $0x80  }
0x18f: {  	[sflag:s16] =	ssyncset.done $0x0  }
0x190: {  	p0 =	sne.s32 s21, $0x1;
	[sflag:s16] =	ssyncadd.s32 $0xFFFFFF80  }
.Ltmp8:
0x191: {  	_ =	swait.ge [sflag:s16], $0x80;
	(pc) =	sbr.rel @!p0 .LBB2_13-.Ltmp8, $4  }
0x192: {  	[sflag:s16] =	ssyncset.done $0x0  }
0x193: {  	[sflag:s16] =	ssyncadd.s32 $0xFFFFFF80  }
0x194: {  	_ =	swait.ge [sflag:s16], $0x80  }
0x195: {  	s1 =	sadd.s32 $0xFFFFFFFF, s21;
	[sflag:s16] =	ssyncset.done $0x0  }
.LBB2_12:
0x196: {  	p0 =	sne.s32 s1, $0x1;
	s1 =	sadd.s32 $0xFFFFFFFF, s1;
	[sflag:s16] =	ssyncadd.s32 $0xFFFFFF80  }
0x197: {  	_ =	swait.ge [sflag:s16], $0x80  }
0x198: {  	[sflag:s16] =	ssyncset.done $0x0  }
0x199: {  	[sflag:s16] =	ssyncadd.s32 $0xFFFFFF80  }
0x19a: {  	_ =	swait.ge [sflag:s16], $0x80  }
0x19b: {  	[sflag:s16] =	ssyncset.done $0x0  }
0x19c: {  	[sflag:s16] =	ssyncadd.s32 $0xFFFFFF80  }
0x19d: {  	_ =	swait.ge [sflag:s16], $0x80  }
0x19e: {  	[sflag:s16] =	ssyncset.done $0x0  }
0x19f: {  	[sflag:s16] =	ssyncadd.s32 $0xFFFFFF80  }
0x1a0: {  	_ =	swait.ge [sflag:s16], $0x80  }
0x1a1: {  	[sflag:s16] =	ssyncset.done $0x0  }
0x1a2: {  	[sflag:s16] =	ssyncadd.s32 $0xFFFFFF80  }
.Ltmp9:
0x1a3: {  	_ =	swait.ge [sflag:s16], $0x80;
	(pc) =	sbr.rel @p0 .LBB2_12-.Ltmp9, $4  }
0x1a4: {  	[sflag:s16] =	ssyncset.done $0x0  }
0x1a5: {  	[sflag:s16] =	ssyncadd.s32 $0xFFFFFF80  }
0x1a6: {  	_ =	swait.ge [sflag:s16], $0x80  }
0x1a7: {  	[sflag:s16] =	ssyncset.done $0x0  }
.LBB2_13:
0x1a8: {  	[sflag:s16] =	ssyncadd.s32 $0xFFFFFF80  }
.LBB2_14:
0x1a9: {  	s14 =	sor.u32 $0x3, s0  }
0x1aa: {  	s1 =	sadd.s32 s19, s14  }
0x1ab: {  	s1 =	sshll.u32 s1, $0xA  }
0x1ac: {  	s1 =	smin.u32 s1, $0x30D000  }
0x1ad: {  	s21 =	simm.s32 $0x0;
	s1 =	sshrl.u32 s1, $0x3  }
0x1ae: {  	s4 =	simm.s32 $0x1800;
	s11 =	rddreg [dreg:$0xb];
	s3 =	sadd.s32 s31, s1  }
0x1af: {  	[tilespmem:s4], [sflag:$0x4] =	stream.linear.gather [hbm4b:s3+s21], $0x400, $0x38;
	[tilespmem:$0x13380] =	vst v63  }
0x1b0: {  	s12 =	simm.s32 $0x1C00;
	s3 =	sadd.s32 s11, s1  }
0x1b1: {  	[tilespmem:s12], [sflag:$0x4] =	stream.linear.gather [hbm4b:s3+s21], $0x400, $0x38;
	[tilespmem:$0x13380] =	vst v63  }
0x1b2: {  	s17 =	simm.s32 $0x2C00;
	s18 =	rddreg [dreg:$0x3];
	s13 =	sadd.s32 s29, s1  }
0x1b3: {  	[tilespmem:s17], [sflag:$0x4] =	stream.linear.gather [hbm4b:s13+s21], $0x400, $0x38;
	[tilespmem:$0x13380] =	vst v63  }
0x1b4: {  	s20 =	simm.s32 $0x3C00;
	s1 =	sadd.s32 s18, s1  }
0x1b5: {  	[tilespmem:s20], [sflag:$0x4] =	stream.linear.gather [hbm4b:s1+s21], $0x400, $0x38;
	[tilespmem:$0x13380] =	vst v63  }
0x1b6: {  	_ =	swait.ge [sflag:s30], $0x800  }
0x1b7: {  	[sflag:s30] =	ssyncset.done $0x0  }
0x1b8: {  	[sflag:s30] =	ssyncadd.s32 $0xFFFFF800  }
0x1b9: {  	_ =	swait.ge [sflag:s30], $0x800  }
0x1ba: {  	[sflag:s30] =	ssyncset.done $0x0  }
0x1bb: {  	[sflag:s30] =	ssyncadd.s32 $0xFFFFF800  }
0x1bc: {  	_ =	swait.ge [sflag:s30], $0x800  }
0x1bd: {  	s5 =	simm.s32 $0x3400;
	s23 =	sld [smem:$0x7FD]  }
0x1be: {  	s19 =	smov.u32 s31;
	s31 =	smov.u32 s29;
	s29 =	simm.s32 $0x6800  }
0x1bf: {  	s4 =	simm.s32 $0x7800;
	s18 =	simm.s32 $0x5800;
	s11 =	simm.s32 $0x0  }
0x1c0: {  	s3 =	simm.s32 $0x8800;
	p0 =	slt.u32 s0, s23;
	s0 =	simm.f32 $1.000000000e+00  }
0x1c1: {  	s17 =	simm.s32 $0x2400;
	[sflag:s30] =	ssyncset.done $0x0;
	s0 =	simm.s32 @!p0 $0x0  }
0x1c2: {  	s1 =	simm.s32 $0x9C00;
	s20 =	simm.s32 $0x4800;
	[sflag:s30] =	ssyncadd.s32 $0xFFFFF800;
	v9 =	vmov s0  }
.LBB2_15:
0x1c3: {  	v16 =	vmov s18;
	_ =	sdelay $0x1  }
0x1c4: {  	v17 =	vmov s20;
	_ =	sdelay $0x1  }
0x1c5: {  	s12 =	simm.s32 $0x0;
	v18 =	vmov s29  }
0x1c6: {  	v10 =	vld.idx.msk [tilespmem:v16+s12+$0x400 ss:$0x1], $0xffff  }
0x1c7: {  	v11 =	vld.idx.msk [tilespmem:v16+s12+$0x0 ss:$0x1], $0xffff  }
0x1c8: {  	v20 =	vld.idx.msk [tilespmem:v17+s12+$0x0 ss:$0x1], $0xffff  }
0x1c9: {  	v23 =	vld.idx.msk [tilespmem:v17+s12+$0x400 ss:$0x1], $0xffff  }
0x1ca: {  	v21 =	vld.idx.msk [tilespmem:v18+s12+$0x400 ss:$0x1], $0xffff  }
0x1cb: {  	v22 =	vld.idx.msk [tilespmem:v18+s12+$0x0 ss:$0x1], $0xffff;
	_ =	sdelay $0x1  }
0x1cc: {  	v15 =	vimm.f32 $0.0e+00;
	v13 =	vmov s17;
	v19 =	vsub.f32 v11, v10  }
0x1cd: {  	v14 =	vmov s5;
	v12 =	vmov s1;
	v20 =	vsub.f32 v20, v23  }
0x1ce: {  	s23 =	smov.u32 s21;
	s0 =	sshll.u32 s11, $0x7;
	s21 =	simm.s32 $0x40;
	v11 =	vmov s4;
	v10 =	vmov s3;
	v23 =	vmul.f32 $2.500000040e-02, v19  }
.LBB2_16:
0x1cf: {  	p0 =	sne.s32 s21, $0x1C0;
	v24 =	vmul.f32 $2.500000040e-02, v20;
	v21 =	vsub.f32 v22, v21;
	s13 =	smov.u32 s21;
	s21 =	sadd.s32 $0x40, s21  }
0x1d0: {  	v22 =	vadd.f32 $1.258291200e+07, v23  }
0x1d1: {  	v23 =	vadd.f32 $1.258291200e+07, v24;
	v24 =	vmul.f32 $2.500000040e-02, v21  }
0x1d2: {  	s13 =	sshra.s32 s13, $0x2;
	v22 =	vadd.f32 $-1.258291200e+07, v22  }
0x1d3: {  	v23 =	vadd.f32 $-1.258291200e+07, v23;
	v24 =	vadd.f32 $1.258291200e+07, v24  }
0x1d4: {  	v22 =	vmul.f32 $4.000000000e+01, v22  }
0x1d5: {  	v23 =	vmul.f32 $4.000000000e+01, v23;
	v24 =	vadd.f32 $-1.258291200e+07, v24  }
0x1d6: {  	v19 =	vsub.f32 v19, v22  }
0x1d7: {  	v20 =	vsub.f32 v20, v23;
	v22 =	vmul.f32 $4.000000000e+01, v24;
	_ =	sdelay $0x1  }
0x1d8: {  	v23 =	vmul.f32 v19, v19;
	v21 =	vsub.f32 v21, v22;
	v22 =	vmul.f32 v20, v20;
	_ =	sdelay $0x1  }
0x1d9: {  	v22 =	vadd.f32 v23, v22;
	v23 =	vmul.f32 v21, v21;
	_ =	sdelay $0x1  }
0x1da: {  	v22 =	vadd.f32 v23, v22;
	_ =	sdelay $0x1  }
0x1db: {  	v22 =	vmax.f32 v22, $1.000000020e-24  }
0x1dc: {  	v23 =	vld.idx.msk [tilespmem:v14+s12+$0x0 ss:$0x1], $0xffff;
	vm0 =	vlt.f32 v22, $6.250000000e+00;
	(erf) = vrcp.f32 v22  }
0x1dd: {  	v22 =	vsel vm0, $0x3F800000, v0  }
0x1de: {  	v15 =	vadd.f32 v22, v15;
	_ =	sdelay $0x3  }
0x1df: {  	v22 =	vmul.f32 v23, v9;
	_ =	sdelay $0x1  }
0x1e0: {  	v22 =	vmul.f32 v22, v22  }
0x1e1: {  	v23 =	vpop (erf)  }
0x1e2: {  	v24 =	vld.idx.msk [tilespmem:v13+s12+$0x0 ss:$0x1], $0xffff;
	v22 =	vmul.f32 v23, v22;
	_ =	sdelay $0x1  }
0x1e3: {  	v25 =	vmul.f32 v22, v22;
	_ =	sdelay $0x1  }
0x1e4: {  	v22 =	vmul.f32 v25, v22;
	_ =	sdelay $0x1  }
0x1e5: {  	v24 =	vmul.f32 v24, v9;
	v25 =	vmul.f32 v22, v22;
	_ =	sdelay $0x1  }
0x1e6: {  	v27 =	vmul.f32 $4.000000000e+00, v24;
	v26 =	vadd.f32 v25, v25;
	v25 =	vsub.f32 v25, v22;
	_ =	sdelay $0x1  }
0x1e7: {  	v24 =	vmul.f32 $2.400000000e+01, v24;
	v22 =	vsub.f32 v26, v22;
	v25 =	vmul.f32 v25, v27;
	_ =	sdelay $0x1  }
0x1e8: {  	v22 =	vmul.f32 v22, v24;
	v24 =	vnsel vm0, $0x0, v25  }
0x1e9: {  	v8 =	vadd.f32 v24, v8  }
0x1ea: {  	v23 =	vmul.f32 v22, v23;
	v22 =	vnsel vm0, $0x0, v22  }
0x1eb: {  	v7 =	vadd.f32 v22, v7  }
0x1ec: {  	v22 =	vmul.f32 v23, v20;
	v24 =	vmul.f32 v23, v19  }
0x1ed: {  	v23 =	vmul.f32 v23, v21  }
0x1ee: {  	v20 =	vmul.f32 v22, v20;
	v25 =	vmul.f32 v22, v19;
	v26 =	vnsel vm0, $0x0, v22  }
0x1ef: {  	v22 =	vmul.f32 v22, v21;
	v19 =	vmul.f32 v24, v19;
	v27 =	vnsel vm0, $0x0, v24;
	[tilespmem:v11+s12+$0x0 ss:$0x1] =	vst.idx.msk $0xffff, v26  }
0x1f0: {  	v24 =	vmul.f32 v24, v21;
	v28 =	vnsel vm0, $0x0, v23;
	v26 =	vsub.f32 $0.0e+00, v26;
	[tilespmem:v10+s12+$0x0 ss:$0x1] =	vst.idx.msk $0xffff, v27  }
0x1f1: {  	v21 =	vmul.f32 v23, v21;
	v4 =	vadd.f32 v22, v4;
	v22 =	vsub.f32 $0.0e+00, v27;
	[tilespmem:v12+s12+$0xFFFFFC00 ss:$0x1] =	vst.idx.msk $0xffff, v28  }
0x1f2: {  	v23 =	vsub.f32 $0.0e+00, v28;
	v2 =	vadd.f32 v24, v2;
	[tilespmem:v11+s12+$0x400 ss:$0x1] =	vst.idx.msk $0xffff, v26  }
0x1f3: {  	v6 =	vadd.f32 v20, v6;
	v1 =	vadd.f32 v21, v1;
	[tilespmem:v10+s12+$0x400 ss:$0x1] =	vst.idx.msk $0xffff, v22  }
0x1f4: {  	v5 =	vadd.f32 v25, v5;
	v3 =	vadd.f32 v19, v3;
	[tilespmem:v12+s12+$0x0 ss:$0x1] =	vst.idx.msk $0xffff, v23;
	s12 =	smov.u32 s13  }
0x1f5: {  	v19 =	vld.idx.msk [tilespmem:v16+s12+$0x400 ss:$0x1], $0xffff  }
0x1f6: {  	v20 =	vld.idx.msk [tilespmem:v17+s12+$0x0 ss:$0x1], $0xffff  }
0x1f7: {  	v23 =	vld.idx.msk [tilespmem:v16+s12+$0x0 ss:$0x1], $0xffff  }
0x1f8: {  	v24 =	vld.idx.msk [tilespmem:v17+s12+$0x400 ss:$0x1], $0xffff  }
0x1f9: {  	v21 =	vld.idx.msk [tilespmem:v18+s12+$0x400 ss:$0x1], $0xffff  }
0x1fa: {  	v22 =	vld.idx.msk [tilespmem:v18+s12+$0x0 ss:$0x1], $0xffff  }
.Ltmp10:
0x1fb: {  	(pc) =	sbr.rel @p0 .LBB2_16-.Ltmp10, $4  }
0x1fc: {  	_ = 	snop  }
0x1fd: {  	v19 =	vsub.f32 v23, v19  }
0x1fe: {  	v20 =	vsub.f32 v20, v24  }
0x1ff: {  	v23 =	vmul.f32 $2.500000040e-02, v19  }
0x200: {  	v16 =	vmul.f32 $2.500000040e-02, v20;
	v17 =	vsub.f32 v22, v21  }
0x201: {  	v18 =	vadd.f32 $1.258291200e+07, v23  }
0x202: {  	v16 =	vadd.f32 $1.258291200e+07, v16;
	v21 =	vmul.f32 $2.500000040e-02, v17  }
0x203: {  	v18 =	vadd.f32 $-1.258291200e+07, v18  }
0x204: {  	v16 =	vadd.f32 $-1.258291200e+07, v16;
	v21 =	vadd.f32 $1.258291200e+07, v21;
	_ =	sdelay $0x1  }
0x205: {  	v18 =	vmul.f32 $4.000000000e+01, v18;
	v16 =	vmul.f32 $4.000000000e+01, v16;
	v21 =	vadd.f32 $-1.258291200e+07, v21;
	_ =	sdelay $0x1  }
0x206: {  	v18 =	vsub.f32 v19, v18;
	v16 =	vsub.f32 v20, v16;
	v48 =	vmul.f32 $4.000000000e+01, v21;
	_ =	sdelay $0x1  }
0x207: {  	v50 =	vmul.f32 v18, v18;
	v17 =	vsub.f32 v17, v48;
	v49 =	vmul.f32 v16, v16;
	_ =	sdelay $0x1  }
0x208: {  	v19 =	vadd.f32 v50, v49;
	v51 =	vmul.f32 v17, v17;
	_ =	sdelay $0x1  }
0x209: {  	v19 =	vadd.f32 v51, v19;
	_ =	sdelay $0x1  }
0x20a: {  	v19 =	vmax.f32 v19, $1.000000020e-24  }
0x20b: {  	vm0 =	vlt.f32 v19, $6.250000000e+00  }
0x20c: {  	v52 =	vsel vm0, $0x3F800000, v0  }
0x20d: {  	v15 =	vadd.f32 v52, v15;
	_ =	sdelay $0x1  }
0x20e: {  	(v2sf) =	vpush v15, $0x0  }
0x20f: {  	(v2sf) =	vpush v15, $0x1;
	_ =	sdelay $0x1  }
0x210: {  	(v2sf) =	vpush v15, $0x2;
	_ =	sdelay $0x1  }
0x211: {  	(v2sf) =	vpush v15, $0x3;
	_ =	sdelay $0x1  }
0x212: {  	(v2sf) =	vpush v15, $0x4;
	_ =	sdelay $0x1  }
0x213: {  	(v2sf) =	vpush v15, $0x5;
	_ =	sdelay $0x1  }
0x214: {  	(v2sf) =	vpush v15, $0x6;
	_ =	sdelay $0x1  }
0x215: {  	(v2sf) =	vpush v15, $0x7;
	_ =	sdelay $0x1  }
0x216: {  	(erf) = vrcp.f32 v19;
	s13 =	spop (v2sf);
	(v2sf) =	vpush v15, $0x8  }
0x217: {  	v14 =	vld.idx.msk [tilespmem:v14+s12+$0x0 ss:$0x1], $0xffff;
	s21 =	spop (v2sf)  }
0x218: {  	(v2sf) =	vpush v15, $0x9;
	s13 =	sadd.f32 s21, s13  }
0x219: {  	s21 =	spop (v2sf)  }
0x21a: {  	(v2sf) =	vpush v15, $0xA;
	s13 =	sadd.f32 s13, s21  }
0x21b: {  	s21 =	spop (v2sf)  }
0x21c: {  	v14 =	vmul.f32 v14, v9;
	(v2sf) =	vpush v15, $0xB;
	s13 =	sadd.f32 s13, s21  }
0x21d: {  	s21 =	spop (v2sf)  }
0x21e: {  	v14 =	vmul.f32 v14, v14;
	(v2sf) =	vpush v15, $0xC;
	s13 =	sadd.f32 s13, s21  }
0x21f: {  	v19 =	vpop (erf);
	s21 =	spop (v2sf)  }
0x220: {  	v14 =	vmul.f32 v19, v14;
	(v2sf) =	vpush v15, $0xD;
	s13 =	sadd.f32 s13, s21  }
0x221: {  	s21 =	spop (v2sf)  }
0x222: {  	v53 =	vmul.f32 v14, v14;
	(v2sf) =	vpush v15, $0xE;
	s13 =	sadd.f32 s13, s21  }
0x223: {  	v13 =	vld.idx.msk [tilespmem:v13+s12+$0x0 ss:$0x1], $0xffff;
	s21 =	spop (v2sf)  }
0x224: {  	v14 =	vmul.f32 v53, v14;
	(v2sf) =	vpush v15, $0xF;
	s13 =	sadd.f32 s13, s21  }
0x225: {  	s21 =	spop (v2sf)  }
0x226: {  	v54 =	vmul.f32 v14, v14;
	s13 =	sadd.f32 s13, s21  }
0x227: {  	s21 =	spop (v2sf)  }
0x228: {  	v13 =	vmul.f32 v13, v9;
	v55 =	vadd.f32 v54, v54;
	s13 =	sadd.f32 s13, s21  }
0x229: {  	s21 =	spop (v2sf)  }
0x22a: {  	v56 =	vmul.f32 $2.400000000e+01, v13;
	v20 =	vsub.f32 v55, v14;
	s13 =	sadd.f32 s13, s21  }
0x22b: {  	s21 =	spop (v2sf)  }
0x22c: {  	v20 =	vmul.f32 v20, v56;
	s13 =	sadd.f32 s13, s21  }
0x22d: {  	s21 =	spop (v2sf)  }
0x22e: {  	v19 =	vmul.f32 v20, v19;
	s13 =	sadd.f32 s13, s21  }
0x22f: {  	s21 =	spop (v2sf)  }
0x230: {  	v57 =	vmul.f32 v19, v16;
	s13 =	sadd.f32 s13, s21  }
0x231: {  	v58 =	vmul.f32 v19, v18;
	s21 =	spop (v2sf)  }
0x232: {  	v19 =	vmul.f32 v19, v17;
	v59 =	vnsel vm0, $0x0, v57;
	s13 =	sadd.f32 s13, s21  }
0x233: {  	v24 =	vnsel vm0, $0x0, v58;
	[tilespmem:v11+s12+$0x0 ss:$0x1] =	vst.idx.msk $0xffff, v59;
	s21 =	spop (v2sf)  }
0x234: {  	v25 =	vnsel vm0, $0x0, v19;
	v23 =	vsub.f32 $0.0e+00, v59;
	[tilespmem:v10+s12+$0x0 ss:$0x1] =	vst.idx.msk $0xffff, v24;
	s13 =	sadd.f32 s13, s21  }
0x235: {  	v24 =	vsub.f32 $0.0e+00, v24;
	[tilespmem:v12+s12+$0xFFFFFC00 ss:$0x1] =	vst.idx.msk $0xffff, v25  }
0x236: {  	[tilespmem:v11+s12+$0x400 ss:$0x1] =	vst.idx.msk $0xffff, v23;
	v11 =	vsub.f32 $0.0e+00, v25;
	p0 =	sgt.f32 s13, $0.0e+00  }
0x237: {  	[tilespmem:v10+s12+$0x400 ss:$0x1] =	vst.idx.msk $0xffff, v24  }
0x238: {  	[tilespmem:v12+s12+$0x0 ss:$0x1] =	vst.idx.msk $0xffff, v11;
	s12 =	sadd.s32 @p0 $0x7800, s0;
	s13 =	sadd.s32 @p0 $0x800, s0;
	s21 =	simm.s32 @p0 $0x80  }
0x239: {  	[spmem:s6] =	stream.indirect.scatter.add.f32 @p0 [tilespmem:s12], [sflag:$0x8], $0x1, s13, s21, $0xb8;
	[tilespmem:$0x13380] =	vst v63  }
0x23a: {  	s12 =	sadd.s32 @p0 $0x8800, s0  }
0x23b: {  	[spmem:s8] =	stream.indirect.scatter.add.f32 @p0 [tilespmem:s12], [sflag:$0x8], $0x1, s13, s21, $0xb8;
	[tilespmem:$0x13380] =	vst v63  }
0x23c: {  	s12 =	sadd.s32 @p0 $0x9800, s0  }
0x23d: {  	[spmem:s9] =	stream.indirect.scatter.add.f32 @p0 [tilespmem:s12], [sflag:$0x8], $0x1, s13, s21, $0xb8;
	[tilespmem:$0x13380] =	vst v63  }
0x23e: {  	s12 =	sadd.s32 @p0 $0x7C00, s0;
	s13 =	sadd.s32 @p0 $0xC00, s0  }
0x23f: {  	[spmem:s6] =	stream.indirect.scatter.add.f32 @p0 [tilespmem:s12], [sflag:$0x8], $0x1, s13, s21, $0xb8;
	[tilespmem:$0x13380] =	vst v63  }
0x240: {  	s12 =	sadd.s32 @p0 $0x8C00, s0  }
0x241: {  	[spmem:s8] =	stream.indirect.scatter.add.f32 @p0 [tilespmem:s12], [sflag:$0x8], $0x1, s13, s21, $0xb8;
	[tilespmem:$0x13380] =	vst v63  }
0x242: {  	s0 =	sadd.s32 @p0 $0x9C00, s0  }
0x243: {  	v10 =	vmul.f32 $4.000000000e+00, v13;
	v11 =	vsub.f32 v54, v14;
	[spmem:s9] =	stream.indirect.scatter.add.f32 @p0 [tilespmem:s0], [sflag:$0x8], $0x1, s13, s21, $0xb8;
	[tilespmem:$0x13380] =	vst v63  }
0x244: {  	s11 =	sadd.s32 $0x1, s11;
	v60 =	vmul.f32 v57, v17;
	v61 =	vmul.f32 v58, v17;
	s0 =	simm.s32 $0x1  }
0x245: {  	v62 =	vmul.f32 v19, v17;
	v10 =	vmul.f32 v11, v10;
	s0 =	simm.s32 @!p0 $0x0;
	p0 =	sne.s32 s11, $0x8  }
.Ltmp11:
0x246: {  	v63 =	vmul.f32 v58, v18;
	v4 =	vadd.f32 v60, v4;
	v11 =	vnsel vm0, $0x0, v20;
	(pc) =	sbr.rel @p0 .LBB2_15-.Ltmp11, $4  }
0x247: {  	v2 =	vadd.f32 v61, v2;
	v7 =	vadd.f32 v11, v7;
	v10 =	vnsel vm0, $0x0, v10  }
0x248: {  	s1 =	sadd.s32 $0x80, s1;
	s3 =	sadd.s32 $0x80, s3;
	s4 =	sadd.s32 $0x80, s4;
	v11 =	vmul.f32 v57, v18;
	v8 =	vadd.f32 v10, v8;
	v10 =	vmul.f32 v57, v16  }
0x249: {  	s5 =	sadd.s32 $0x80, s5;
	s17 =	sadd.s32 $0x80, s17;
	s29 =	sadd.s32 $0x80, s29;
	v1 =	vadd.f32 v62, v1;
	v3 =	vadd.f32 v63, v3  }
0x24a: {  	s18 =	sadd.s32 $0x80, s18;
	s20 =	sadd.s32 $0x80, s20;
	v5 =	vadd.f32 v11, v5;
	v6 =	vadd.f32 v10, v6;
	s21 =	sadd.s32 s0, s23  }
0x24b: {  	s1 =	simm.s32 $0x4  }
0x24c: {  	_ =	swait.ge [sflag:s1], $0x400  }
0x24d: {  	[sflag:s1] =	ssyncset.done $0x0  }
0x24e: {  	[sflag:s1] =	ssyncadd.s32 $0xFFFFFC00  }
0x24f: {  	_ =	swait.ge [sflag:s1], $0x400  }
0x250: {  	[sflag:s1] =	ssyncset.done $0x0  }
0x251: {  	[sflag:s1] =	ssyncadd.s32 $0xFFFFFC00  }
0x252: {  	_ =	swait.ge [sflag:s1], $0x400  }
0x253: {  	[sflag:s1] =	ssyncset.done $0x0  }
0x254: {  	[sflag:s1] =	ssyncadd.s32 $0xFFFFFC00  }
0x255: {  	_ =	swait.ge [sflag:s1], $0x400  }
0x256: {  	[sflag:s1] =	ssyncset.done $0x0  }
0x257: {  	s3 =	simm.s32 $0x4800;
	[sflag:s1] =	ssyncadd.s32 $0xFFFFFC00  }
0x258: {  	s4 =	simm.s32 $0x1800;
	p0 =	slt.s32 s26, $0x1;
	s1 =	rddreg [dreg:$0x4]  }
0x259: {  	[tilespmem:s3], [sflag:$0x6] =	stream.indirect.gather [spmem:s1], $0x1, s4, s7, $0xb8;
	[tilespmem:$0x13380] =	vst v63  }
.Ltmp12:
0x25a: {  	s18 =	simm.s32 $0x5800;
	s17 =	rddreg [dreg:$0x5];
	(pc) =	sbr.rel @p0 .LBB2_22-.Ltmp12, $4  }
0x25b: {  	[tilespmem:s18], [sflag:$0x6] =	stream.indirect.gather [spmem:s17], $0x1, s4, s7, $0xb8;
	[tilespmem:$0x13380] =	vst v63  }
0x25c: {  	s29 =	simm.s32 $0x6800;
	s20 =	rddreg [dreg:$0x6]  }
0x25d: {  	[tilespmem:s29], [sflag:$0x6] =	stream.indirect.gather [spmem:s20], $0x1, s4, s7, $0xb8;
	[tilespmem:$0x13380] =	vst v63  }
0x25e: {  	s4 =	smov.u32 s31  }
0x25f: {  	_ =	swait.ge [sflag:s28], $0x80  }
0x260: {  	[sflag:s28] =	ssyncset.done $0x0  }
0x261: {  	[sflag:s28] =	ssyncadd.s32 $0xFFFFFF80  }
0x262: {  	_ =	swait.ge [sflag:s28], $0x80  }
0x263: {  	[sflag:s28] =	ssyncset.done $0x0  }
0x264: {  	[sflag:s28] =	ssyncadd.s32 $0xFFFFFF80  }
0x265: {  	_ =	swait.ge [sflag:s28], $0x80  }
0x266: {  	[sflag:s28] =	ssyncset.done $0x0  }
0x267: {  	[sflag:s28] =	ssyncadd.s32 $0xFFFFFF80  }
0x268: {  	_ =	swait.ge [sflag:s28], $0x80  }
0x269: {  	s1 =	sadd.s32 s10, s22;
	[sflag:s28] =	ssyncset.done $0x0  }
0x26a: {  	p0 =	sne.s32 s1, $0x1;
	[sflag:s28] =	ssyncadd.s32 $0xFFFFFF80  }
.Ltmp13:
0x26b: {  	_ =	swait.ge [sflag:s28], $0x80;
	(pc) =	sbr.rel @!p0 .LBB2_21-.Ltmp13, $4  }
0x26c: {  	[sflag:s28] =	ssyncset.done $0x0  }
0x26d: {  	[sflag:s28] =	ssyncadd.s32 $0xFFFFFF80  }
0x26e: {  	_ =	swait.ge [sflag:s28], $0x80  }
0x26f: {  	s1 =	sadd.s32 $0xFFFFFFFF, s1;
	[sflag:s28] =	ssyncset.done $0x0  }
.LBB2_20:
0x270: {  	p0 =	sne.s32 s1, $0x1;
	s1 =	sadd.s32 $0xFFFFFFFF, s1;
	[sflag:s28] =	ssyncadd.s32 $0xFFFFFF80  }
0x271: {  	_ =	swait.ge [sflag:s28], $0x80  }
0x272: {  	[sflag:s28] =	ssyncset.done $0x0  }
0x273: {  	[sflag:s28] =	ssyncadd.s32 $0xFFFFFF80  }
0x274: {  	_ =	swait.ge [sflag:s28], $0x80  }
0x275: {  	[sflag:s28] =	ssyncset.done $0x0  }
0x276: {  	[sflag:s28] =	ssyncadd.s32 $0xFFFFFF80  }
0x277: {  	_ =	swait.ge [sflag:s28], $0x80  }
0x278: {  	[sflag:s28] =	ssyncset.done $0x0  }
0x279: {  	[sflag:s28] =	ssyncadd.s32 $0xFFFFFF80  }
0x27a: {  	_ =	swait.ge [sflag:s28], $0x80  }
0x27b: {  	[sflag:s28] =	ssyncset.done $0x0  }
0x27c: {  	[sflag:s28] =	ssyncadd.s32 $0xFFFFFF80  }
.Ltmp14:
0x27d: {  	_ =	swait.ge [sflag:s28], $0x80;
	(pc) =	sbr.rel @p0 .LBB2_20-.Ltmp14, $4  }
0x27e: {  	[sflag:s28] =	ssyncset.done $0x0  }
0x27f: {  	[sflag:s28] =	ssyncadd.s32 $0xFFFFFF80  }
0x280: {  	_ =	swait.ge [sflag:s28], $0x80  }
0x281: {  	[sflag:s28] =	ssyncset.done $0x0  }
.LBB2_21:
0x282: {  	[sflag:s28] =	ssyncadd.s32 $0xFFFFFF80  }
.LBB2_22:
0x283: {  	s22 =	sshll.u32 s25, $0xC;
	s1 =	rddreg [dreg:$0x1c]  }
0x284: {  	s1 =	sadd.s32 s22, s1  }
0x285: {  	s1 =	smin.u32 s1, $0x30D000  }
0x286: {  	s1 =	sshrl.u32 s1, $0x3  }
0x287: {  	s26 =	simm.s32 $0x0;
	s11 =	rddreg [dreg:$0xb];
	s3 =	sadd.s32 s19, s1  }
0x288: {  	[tilespmem:s26], [sflag:$0x1] =	stream.linear.gather [hbm4b:s3+s26], $0x400, $0x38;
	[tilespmem:$0x13380] =	vst v63  }
0x289: {  	s5 =	simm.s32 $0x400;
	s3 =	sadd.s32 s11, s1  }
0x28a: {  	[tilespmem:s5], [sflag:$0x1] =	stream.linear.gather [hbm4b:s3+s26], $0x400, $0x38;
	[tilespmem:$0x13380] =	vst v63  }
0x28b: {  	s13 =	simm.s32 $0x2000;
	s17 =	rddreg [dreg:$0x3];
	s12 =	sadd.s32 s4, s1  }
0x28c: {  	[tilespmem:s13], [sflag:$0x1] =	stream.linear.gather [hbm4b:s12+s26], $0x400, $0x38;
	[tilespmem:$0x13380] =	vst v63  }
0x28d: {  	s18 =	simm.s32 $0x3000;
	s1 =	sadd.s32 s17, s1  }
0x28e: {  	[tilespmem:s18], [sflag:$0x1] =	stream.linear.gather [hbm4b:s1+s26], $0x400, $0x38;
	[tilespmem:$0x13380] =	vst v63  }
0x28f: {  	_ =	swait.ge [sflag:s2], $0x800  }
0x290: {  	[sflag:s2] =	ssyncset.done $0x0  }
0x291: {  	[sflag:s2] =	ssyncadd.s32 $0xFFFFF800  }
0x292: {  	_ =	swait.ge [sflag:s2], $0x800  }
0x293: {  	[sflag:s2] =	ssyncset.done $0x0  }
0x294: {  	s10 =	simm.f32 $1.000000000e+00;
	[sflag:s2] =	ssyncadd.s32 $0xFFFFF800  }
0x295: {  	s29 =	simm.s32 $0x6000;
	s4 =	simm.s32 $0x7000;
	_ =	swait.ge [sflag:s2], $0x800  }
0x296: {  	s17 =	simm.s32 $0x2800;
	s11 =	simm.s32 $0x0;
	s20 =	rddreg [dreg:$0x13]  }
0x297: {  	s3 =	simm.s32 $0x8000;
	s5 =	simm.s32 $0x3800;
	p0 =	slt.u32 s24, s20  }
0x298: {  	s1 =	simm.s32 $0x9400;
	[sflag:s2] =	ssyncset.done $0x0;
	s10 =	simm.s32 @!p0 $0x0  }
0x299: {  	s18 =	simm.s32 $0x5000;
	[sflag:s2] =	ssyncadd.s32 $0xFFFFF800;
	s20 =	simm.s32 $0x4000;
	v9 =	vmov s10  }
.LBB2_23:
0x29a: {  	v16 =	vmov s18;
	_ =	sdelay $0x1  }
0x29b: {  	v17 =	vmov s20;
	_ =	sdelay $0x1  }
0x29c: {  	s12 =	simm.s32 $0x0;
	v18 =	vmov s29  }
0x29d: {  	v10 =	vld.idx.msk [tilespmem:v16+s12+$0x400 ss:$0x1], $0xffff  }
0x29e: {  	v11 =	vld.idx.msk [tilespmem:v16+s12+$0x0 ss:$0x1], $0xffff  }
0x29f: {  	v20 =	vld.idx.msk [tilespmem:v17+s12+$0x0 ss:$0x1], $0xffff  }
0x2a0: {  	v23 =	vld.idx.msk [tilespmem:v17+s12+$0x400 ss:$0x1], $0xffff  }
0x2a1: {  	v21 =	vld.idx.msk [tilespmem:v18+s12+$0x400 ss:$0x1], $0xffff  }
0x2a2: {  	v22 =	vld.idx.msk [tilespmem:v18+s12+$0x0 ss:$0x1], $0xffff;
	_ =	sdelay $0x1  }
0x2a3: {  	v15 =	vimm.f32 $0.0e+00;
	v13 =	vmov s17;
	v19 =	vsub.f32 v11, v10  }
0x2a4: {  	v14 =	vmov s5;
	v12 =	vmov s1;
	v20 =	vsub.f32 v20, v23  }
0x2a5: {  	s24 =	smov.u32 s26;
	s10 =	sshll.u32 s11, $0x7;
	s26 =	simm.s32 $0x40;
	v11 =	vmov s4;
	v10 =	vmov s3;
	v23 =	vmul.f32 $2.500000040e-02, v19  }
.LBB2_24:
0x2a6: {  	p0 =	sne.s32 s26, $0x1C0;
	v24 =	vmul.f32 $2.500000040e-02, v20;
	v21 =	vsub.f32 v22, v21;
	s13 =	smov.u32 s26;
	s26 =	sadd.s32 $0x40, s26  }
0x2a7: {  	v22 =	vadd.f32 $1.258291200e+07, v23  }
0x2a8: {  	v23 =	vadd.f32 $1.258291200e+07, v24;
	v24 =	vmul.f32 $2.500000040e-02, v21  }
0x2a9: {  	s13 =	sshra.s32 s13, $0x2;
	v22 =	vadd.f32 $-1.258291200e+07, v22  }
0x2aa: {  	v23 =	vadd.f32 $-1.258291200e+07, v23;
	v24 =	vadd.f32 $1.258291200e+07, v24  }
0x2ab: {  	v22 =	vmul.f32 $4.000000000e+01, v22  }
0x2ac: {  	v23 =	vmul.f32 $4.000000000e+01, v23;
	v24 =	vadd.f32 $-1.258291200e+07, v24  }
0x2ad: {  	v19 =	vsub.f32 v19, v22  }
0x2ae: {  	v20 =	vsub.f32 v20, v23;
	v22 =	vmul.f32 $4.000000000e+01, v24;
	_ =	sdelay $0x1  }
0x2af: {  	v23 =	vmul.f32 v19, v19;
	v21 =	vsub.f32 v21, v22;
	v22 =	vmul.f32 v20, v20;
	_ =	sdelay $0x1  }
0x2b0: {  	v22 =	vadd.f32 v23, v22;
	v23 =	vmul.f32 v21, v21;
	_ =	sdelay $0x1  }
0x2b1: {  	v22 =	vadd.f32 v23, v22;
	_ =	sdelay $0x1  }
0x2b2: {  	v22 =	vmax.f32 v22, $1.000000020e-24  }
0x2b3: {  	v23 =	vld.idx.msk [tilespmem:v14+s12+$0x0 ss:$0x1], $0xffff;
	vm0 =	vlt.f32 v22, $6.250000000e+00;
	(erf) = vrcp.f32 v22  }
0x2b4: {  	v22 =	vsel vm0, $0x3F800000, v0  }
0x2b5: {  	v15 =	vadd.f32 v22, v15;
	_ =	sdelay $0x3  }
0x2b6: {  	v22 =	vmul.f32 v23, v9;
	_ =	sdelay $0x1  }
0x2b7: {  	v22 =	vmul.f32 v22, v22  }
0x2b8: {  	v23 =	vpop (erf)  }
0x2b9: {  	v24 =	vld.idx.msk [tilespmem:v13+s12+$0x0 ss:$0x1], $0xffff;
	v22 =	vmul.f32 v23, v22;
	_ =	sdelay $0x1  }
0x2ba: {  	v25 =	vmul.f32 v22, v22;
	_ =	sdelay $0x1  }
0x2bb: {  	v22 =	vmul.f32 v25, v22;
	_ =	sdelay $0x1  }
0x2bc: {  	v24 =	vmul.f32 v24, v9;
	v25 =	vmul.f32 v22, v22;
	_ =	sdelay $0x1  }
0x2bd: {  	v27 =	vmul.f32 $4.000000000e+00, v24;
	v26 =	vadd.f32 v25, v25;
	v25 =	vsub.f32 v25, v22;
	_ =	sdelay $0x1  }
0x2be: {  	v24 =	vmul.f32 $2.400000000e+01, v24;
	v22 =	vsub.f32 v26, v22;
	v25 =	vmul.f32 v25, v27;
	_ =	sdelay $0x1  }
0x2bf: {  	v22 =	vmul.f32 v22, v24;
	v24 =	vnsel vm0, $0x0, v25  }
0x2c0: {  	v8 =	vadd.f32 v24, v8  }
0x2c1: {  	v23 =	vmul.f32 v22, v23;
	v22 =	vnsel vm0, $0x0, v22  }
0x2c2: {  	v7 =	vadd.f32 v22, v7  }
0x2c3: {  	v22 =	vmul.f32 v23, v20;
	v24 =	vmul.f32 v23, v19  }
0x2c4: {  	v23 =	vmul.f32 v23, v21  }
0x2c5: {  	v20 =	vmul.f32 v22, v20;
	v25 =	vmul.f32 v22, v19;
	v26 =	vnsel vm0, $0x0, v22  }
0x2c6: {  	v22 =	vmul.f32 v22, v21;
	v19 =	vmul.f32 v24, v19;
	v27 =	vnsel vm0, $0x0, v24;
	[tilespmem:v11+s12+$0x0 ss:$0x1] =	vst.idx.msk $0xffff, v26  }
0x2c7: {  	v24 =	vmul.f32 v24, v21;
	v28 =	vnsel vm0, $0x0, v23;
	v26 =	vsub.f32 $0.0e+00, v26;
	[tilespmem:v10+s12+$0x0 ss:$0x1] =	vst.idx.msk $0xffff, v27  }
0x2c8: {  	v21 =	vmul.f32 v23, v21;
	v4 =	vadd.f32 v22, v4;
	v22 =	vsub.f32 $0.0e+00, v27;
	[tilespmem:v12+s12+$0xFFFFFC00 ss:$0x1] =	vst.idx.msk $0xffff, v28  }
0x2c9: {  	v23 =	vsub.f32 $0.0e+00, v28;
	v2 =	vadd.f32 v24, v2;
	[tilespmem:v11+s12+$0x400 ss:$0x1] =	vst.idx.msk $0xffff, v26  }
0x2ca: {  	v6 =	vadd.f32 v20, v6;
	v1 =	vadd.f32 v21, v1;
	[tilespmem:v10+s12+$0x400 ss:$0x1] =	vst.idx.msk $0xffff, v22  }
0x2cb: {  	v5 =	vadd.f32 v25, v5;
	v3 =	vadd.f32 v19, v3;
	[tilespmem:v12+s12+$0x0 ss:$0x1] =	vst.idx.msk $0xffff, v23;
	s12 =	smov.u32 s13  }
0x2cc: {  	v19 =	vld.idx.msk [tilespmem:v16+s12+$0x400 ss:$0x1], $0xffff  }
0x2cd: {  	v20 =	vld.idx.msk [tilespmem:v17+s12+$0x0 ss:$0x1], $0xffff  }
0x2ce: {  	v23 =	vld.idx.msk [tilespmem:v16+s12+$0x0 ss:$0x1], $0xffff  }
0x2cf: {  	v24 =	vld.idx.msk [tilespmem:v17+s12+$0x400 ss:$0x1], $0xffff  }
0x2d0: {  	v21 =	vld.idx.msk [tilespmem:v18+s12+$0x400 ss:$0x1], $0xffff  }
0x2d1: {  	v22 =	vld.idx.msk [tilespmem:v18+s12+$0x0 ss:$0x1], $0xffff  }
.Ltmp15:
0x2d2: {  	(pc) =	sbr.rel @p0 .LBB2_24-.Ltmp15, $4  }
0x2d3: {  	_ = 	snop  }
0x2d4: {  	v19 =	vsub.f32 v23, v19  }
0x2d5: {  	v20 =	vsub.f32 v20, v24  }
0x2d6: {  	v23 =	vmul.f32 $2.500000040e-02, v19  }
0x2d7: {  	v16 =	vmul.f32 $2.500000040e-02, v20;
	v17 =	vsub.f32 v22, v21  }
0x2d8: {  	v18 =	vadd.f32 $1.258291200e+07, v23  }
0x2d9: {  	v16 =	vadd.f32 $1.258291200e+07, v16;
	v21 =	vmul.f32 $2.500000040e-02, v17  }
0x2da: {  	v18 =	vadd.f32 $-1.258291200e+07, v18  }
0x2db: {  	v16 =	vadd.f32 $-1.258291200e+07, v16;
	v21 =	vadd.f32 $1.258291200e+07, v21;
	_ =	sdelay $0x1  }
0x2dc: {  	v18 =	vmul.f32 $4.000000000e+01, v18;
	v16 =	vmul.f32 $4.000000000e+01, v16;
	v21 =	vadd.f32 $-1.258291200e+07, v21;
	_ =	sdelay $0x1  }
0x2dd: {  	v18 =	vsub.f32 v19, v18;
	v16 =	vsub.f32 v20, v16;
	v48 =	vmul.f32 $4.000000000e+01, v21;
	_ =	sdelay $0x1  }
0x2de: {  	v50 =	vmul.f32 v18, v18;
	v17 =	vsub.f32 v17, v48;
	v49 =	vmul.f32 v16, v16;
	_ =	sdelay $0x1  }
0x2df: {  	v19 =	vadd.f32 v50, v49;
	v51 =	vmul.f32 v17, v17;
	_ =	sdelay $0x1  }
0x2e0: {  	v19 =	vadd.f32 v51, v19;
	_ =	sdelay $0x1  }
0x2e1: {  	v19 =	vmax.f32 v19, $1.000000020e-24  }
0x2e2: {  	vm0 =	vlt.f32 v19, $6.250000000e+00  }
0x2e3: {  	v52 =	vsel vm0, $0x3F800000, v0  }
0x2e4: {  	v15 =	vadd.f32 v52, v15;
	_ =	sdelay $0x1  }
0x2e5: {  	(v2sf) =	vpush v15, $0x0  }
0x2e6: {  	(v2sf) =	vpush v15, $0x1;
	_ =	sdelay $0x1  }
0x2e7: {  	(v2sf) =	vpush v15, $0x2;
	_ =	sdelay $0x1  }
0x2e8: {  	(v2sf) =	vpush v15, $0x3;
	_ =	sdelay $0x1  }
0x2e9: {  	(v2sf) =	vpush v15, $0x4;
	_ =	sdelay $0x1  }
0x2ea: {  	(v2sf) =	vpush v15, $0x5;
	_ =	sdelay $0x1  }
0x2eb: {  	(v2sf) =	vpush v15, $0x6;
	_ =	sdelay $0x1  }
0x2ec: {  	(v2sf) =	vpush v15, $0x7;
	_ =	sdelay $0x1  }
0x2ed: {  	(erf) = vrcp.f32 v19;
	s13 =	spop (v2sf);
	(v2sf) =	vpush v15, $0x8  }
0x2ee: {  	v14 =	vld.idx.msk [tilespmem:v14+s12+$0x0 ss:$0x1], $0xffff;
	s26 =	spop (v2sf)  }
0x2ef: {  	(v2sf) =	vpush v15, $0x9;
	s13 =	sadd.f32 s26, s13  }
0x2f0: {  	s26 =	spop (v2sf)  }
0x2f1: {  	(v2sf) =	vpush v15, $0xA;
	s13 =	sadd.f32 s13, s26  }
0x2f2: {  	s26 =	spop (v2sf)  }
0x2f3: {  	v14 =	vmul.f32 v14, v9;
	(v2sf) =	vpush v15, $0xB;
	s13 =	sadd.f32 s13, s26  }
0x2f4: {  	s26 =	spop (v2sf)  }
0x2f5: {  	v14 =	vmul.f32 v14, v14;
	(v2sf) =	vpush v15, $0xC;
	s13 =	sadd.f32 s13, s26  }
0x2f6: {  	v19 =	vpop (erf);
	s26 =	spop (v2sf)  }
0x2f7: {  	v14 =	vmul.f32 v19, v14;
	(v2sf) =	vpush v15, $0xD;
	s13 =	sadd.f32 s13, s26  }
0x2f8: {  	s26 =	spop (v2sf)  }
0x2f9: {  	v53 =	vmul.f32 v14, v14;
	(v2sf) =	vpush v15, $0xE;
	s13 =	sadd.f32 s13, s26  }
0x2fa: {  	v13 =	vld.idx.msk [tilespmem:v13+s12+$0x0 ss:$0x1], $0xffff;
	s26 =	spop (v2sf)  }
0x2fb: {  	v14 =	vmul.f32 v53, v14;
	(v2sf) =	vpush v15, $0xF;
	s13 =	sadd.f32 s13, s26  }
0x2fc: {  	s26 =	spop (v2sf)  }
0x2fd: {  	v54 =	vmul.f32 v14, v14;
	s13 =	sadd.f32 s13, s26  }
0x2fe: {  	s26 =	spop (v2sf)  }
0x2ff: {  	v13 =	vmul.f32 v13, v9;
	v55 =	vadd.f32 v54, v54;
	s13 =	sadd.f32 s13, s26  }
0x300: {  	s26 =	spop (v2sf)  }
0x301: {  	v56 =	vmul.f32 $2.400000000e+01, v13;
	v20 =	vsub.f32 v55, v14;
	s13 =	sadd.f32 s13, s26  }
0x302: {  	s26 =	spop (v2sf)  }
0x303: {  	v20 =	vmul.f32 v20, v56;
	s13 =	sadd.f32 s13, s26  }
0x304: {  	s26 =	spop (v2sf)  }
0x305: {  	v19 =	vmul.f32 v20, v19;
	s13 =	sadd.f32 s13, s26  }
0x306: {  	s26 =	spop (v2sf)  }
0x307: {  	v57 =	vmul.f32 v19, v16;
	s13 =	sadd.f32 s13, s26  }
0x308: {  	v58 =	vmul.f32 v19, v18;
	s26 =	spop (v2sf)  }
0x309: {  	v19 =	vmul.f32 v19, v17;
	v59 =	vnsel vm0, $0x0, v57;
	s13 =	sadd.f32 s13, s26  }
0x30a: {  	v24 =	vnsel vm0, $0x0, v58;
	[tilespmem:v11+s12+$0x0 ss:$0x1] =	vst.idx.msk $0xffff, v59;
	s26 =	spop (v2sf)  }
0x30b: {  	v25 =	vnsel vm0, $0x0, v19;
	v23 =	vsub.f32 $0.0e+00, v59;
	[tilespmem:v10+s12+$0x0 ss:$0x1] =	vst.idx.msk $0xffff, v24;
	s13 =	sadd.f32 s13, s26  }
0x30c: {  	v24 =	vsub.f32 $0.0e+00, v24;
	[tilespmem:v12+s12+$0xFFFFFC00 ss:$0x1] =	vst.idx.msk $0xffff, v25  }
0x30d: {  	[tilespmem:v11+s12+$0x400 ss:$0x1] =	vst.idx.msk $0xffff, v23;
	v11 =	vsub.f32 $0.0e+00, v25;
	p0 =	sgt.f32 s13, $0.0e+00  }
0x30e: {  	[tilespmem:v10+s12+$0x400 ss:$0x1] =	vst.idx.msk $0xffff, v24  }
0x30f: {  	[tilespmem:v12+s12+$0x0 ss:$0x1] =	vst.idx.msk $0xffff, v11;
	s12 =	sadd.s32 @p0 $0x7000, s10;
	s13 =	sadd.s32 @p0 $0x1000, s10;
	s26 =	simm.s32 @p0 $0x80  }
0x310: {  	[spmem:s6] =	stream.indirect.scatter.add.f32 @p0 [tilespmem:s12], [sflag:$0x7], $0x1, s13, s26, $0xb8;
	[tilespmem:$0x13380] =	vst v63  }
0x311: {  	s12 =	sadd.s32 @p0 $0x8000, s10  }
0x312: {  	[spmem:s8] =	stream.indirect.scatter.add.f32 @p0 [tilespmem:s12], [sflag:$0x7], $0x1, s13, s26, $0xb8;
	[tilespmem:$0x13380] =	vst v63  }
0x313: {  	s12 =	sadd.s32 @p0 $0x9000, s10  }
0x314: {  	[spmem:s9] =	stream.indirect.scatter.add.f32 @p0 [tilespmem:s12], [sflag:$0x7], $0x1, s13, s26, $0xb8;
	[tilespmem:$0x13380] =	vst v63  }
0x315: {  	s12 =	sadd.s32 @p0 $0x7400, s10;
	s13 =	sadd.s32 @p0 $0x1400, s10  }
0x316: {  	[spmem:s6] =	stream.indirect.scatter.add.f32 @p0 [tilespmem:s12], [sflag:$0x7], $0x1, s13, s26, $0xb8;
	[tilespmem:$0x13380] =	vst v63  }
0x317: {  	s12 =	sadd.s32 @p0 $0x8400, s10  }
0x318: {  	[spmem:s8] =	stream.indirect.scatter.add.f32 @p0 [tilespmem:s12], [sflag:$0x7], $0x1, s13, s26, $0xb8;
	[tilespmem:$0x13380] =	vst v63  }
0x319: {  	s10 =	sadd.s32 @p0 $0x9400, s10  }
0x31a: {  	v10 =	vmul.f32 $4.000000000e+00, v13;
	v11 =	vsub.f32 v54, v14;
	[spmem:s9] =	stream.indirect.scatter.add.f32 @p0 [tilespmem:s10], [sflag:$0x7], $0x1, s13, s26, $0xb8;
	[tilespmem:$0x13380] =	vst v63  }
0x31b: {  	s11 =	sadd.s32 $0x1, s11;
	v60 =	vmul.f32 v57, v17;
	v61 =	vmul.f32 v58, v17;
	s10 =	simm.s32 $0x1  }
0x31c: {  	v62 =	vmul.f32 v19, v17;
	v10 =	vmul.f32 v11, v10;
	s10 =	simm.s32 @!p0 $0x0;
	p0 =	sne.s32 s11, $0x8  }
.Ltmp16:
0x31d: {  	v63 =	vmul.f32 v58, v18;
	v4 =	vadd.f32 v60, v4;
	v11 =	vnsel vm0, $0x0, v20;
	(pc) =	sbr.rel @p0 .LBB2_23-.Ltmp16, $4  }
0x31e: {  	v2 =	vadd.f32 v61, v2;
	v7 =	vadd.f32 v11, v7;
	v10 =	vnsel vm0, $0x0, v10  }
0x31f: {  	s1 =	sadd.s32 $0x80, s1;
	s3 =	sadd.s32 $0x80, s3;
	s4 =	sadd.s32 $0x80, s4;
	v11 =	vmul.f32 v57, v18;
	v8 =	vadd.f32 v10, v8;
	v10 =	vmul.f32 v57, v16  }
0x320: {  	s5 =	sadd.s32 $0x80, s5;
	s17 =	sadd.s32 $0x80, s17;
	s29 =	sadd.s32 $0x80, s29;
	v1 =	vadd.f32 v62, v1;
	v3 =	vadd.f32 v63, v3  }
0x321: {  	s18 =	sadd.s32 $0x80, s18;
	s20 =	sadd.s32 $0x80, s20;
	v5 =	vadd.f32 v11, v5;
	v6 =	vadd.f32 v10, v6;
	s26 =	sadd.s32 s10, s24  }
0x322: {  	s1 =	simm.s32 $0x1  }
0x323: {  	_ =	swait.ge [sflag:s1], $0x400  }
0x324: {  	[sflag:s1] =	ssyncset.done $0x0  }
0x325: {  	[sflag:s1] =	ssyncadd.s32 $0xFFFFFC00  }
0x326: {  	_ =	swait.ge [sflag:s1], $0x400  }
0x327: {  	[sflag:s1] =	ssyncset.done $0x0  }
0x328: {  	[sflag:s1] =	ssyncadd.s32 $0xFFFFFC00  }
0x329: {  	_ =	swait.ge [sflag:s1], $0x400  }
0x32a: {  	[sflag:s1] =	ssyncset.done $0x0  }
0x32b: {  	[sflag:s1] =	ssyncadd.s32 $0xFFFFFC00  }
0x32c: {  	_ =	swait.ge [sflag:s1], $0x400  }
0x32d: {  	[sflag:s1] =	ssyncset.done $0x0  }
0x32e: {  	s3 =	simm.s32 $0x0;
	s4 =	simm.s32 $0x4000;
	[sflag:s1] =	ssyncadd.s32 $0xFFFFFC00  }
0x32f: {  	p0 =	slt.s32 s21, $0x1;
	s29 =	smov.u32 s31;
	s1 =	rddreg [dreg:$0x4]  }
0x330: {  	[tilespmem:s4], [sflag:$0x5] =	stream.indirect.gather [spmem:s1], $0x1, s3, s7, $0xb8;
	[tilespmem:$0x13380] =	vst v63  }
.Ltmp17:
0x331: {  	s31 =	smov.u32 s19;
	s19 =	rddreg [dreg:$0x10];
	(pc) =	sbr.rel @p0 .LBB2_30-.Ltmp17, $4  }
0x332: {  	s17 =	simm.s32 $0x5000;
	s13 =	rddreg [dreg:$0x5]  }
0x333: {  	[tilespmem:s17], [sflag:$0x5] =	stream.indirect.gather [spmem:s13], $0x1, s3, s7, $0xb8;
	[tilespmem:$0x13380] =	vst v63  }
0x334: {  	s20 =	simm.s32 $0x6000;
	s18 =	rddreg [dreg:$0x6]  }
0x335: {  	[tilespmem:s20], [sflag:$0x5] =	stream.indirect.gather [spmem:s18], $0x1, s3, s7, $0xb8;
	[tilespmem:$0x13380] =	vst v63  }
0x336: {  	_ =	swait.ge [sflag:s16], $0x80  }
0x337: {  	[sflag:s16] =	ssyncset.done $0x0  }
0x338: {  	[sflag:s16] =	ssyncadd.s32 $0xFFFFFF80  }
0x339: {  	_ =	swait.ge [sflag:s16], $0x80  }
0x33a: {  	[sflag:s16] =	ssyncset.done $0x0  }
0x33b: {  	[sflag:s16] =	ssyncadd.s32 $0xFFFFFF80  }
0x33c: {  	_ =	swait.ge [sflag:s16], $0x80  }
0x33d: {  	[sflag:s16] =	ssyncset.done $0x0  }
0x33e: {  	[sflag:s16] =	ssyncadd.s32 $0xFFFFFF80  }
0x33f: {  	_ =	swait.ge [sflag:s16], $0x80  }
0x340: {  	s0 =	sadd.s32 s0, s23;
	[sflag:s16] =	ssyncset.done $0x0  }
0x341: {  	p0 =	sne.s32 s0, $0x1;
	[sflag:s16] =	ssyncadd.s32 $0xFFFFFF80  }
.Ltmp18:
0x342: {  	_ =	swait.ge [sflag:s16], $0x80;
	(pc) =	sbr.rel @!p0 .LBB2_29-.Ltmp18, $4  }
0x343: {  	[sflag:s16] =	ssyncset.done $0x0  }
0x344: {  	[sflag:s16] =	ssyncadd.s32 $0xFFFFFF80  }
0x345: {  	_ =	swait.ge [sflag:s16], $0x80  }
0x346: {  	s0 =	sadd.s32 $0xFFFFFFFF, s0;
	[sflag:s16] =	ssyncset.done $0x0  }
.LBB2_28:
0x347: {  	p0 =	sne.s32 s0, $0x1;
	s0 =	sadd.s32 $0xFFFFFFFF, s0;
	[sflag:s16] =	ssyncadd.s32 $0xFFFFFF80  }
0x348: {  	_ =	swait.ge [sflag:s16], $0x80  }
0x349: {  	[sflag:s16] =	ssyncset.done $0x0  }
0x34a: {  	[sflag:s16] =	ssyncadd.s32 $0xFFFFFF80  }
0x34b: {  	_ =	swait.ge [sflag:s16], $0x80  }
0x34c: {  	[sflag:s16] =	ssyncset.done $0x0  }
0x34d: {  	[sflag:s16] =	ssyncadd.s32 $0xFFFFFF80  }
0x34e: {  	_ =	swait.ge [sflag:s16], $0x80  }
0x34f: {  	[sflag:s16] =	ssyncset.done $0x0  }
0x350: {  	[sflag:s16] =	ssyncadd.s32 $0xFFFFFF80  }
0x351: {  	_ =	swait.ge [sflag:s16], $0x80  }
0x352: {  	[sflag:s16] =	ssyncset.done $0x0  }
0x353: {  	[sflag:s16] =	ssyncadd.s32 $0xFFFFFF80  }
.Ltmp19:
0x354: {  	_ =	swait.ge [sflag:s16], $0x80;
	(pc) =	sbr.rel @p0 .LBB2_28-.Ltmp19, $4  }
0x355: {  	[sflag:s16] =	ssyncset.done $0x0  }
0x356: {  	[sflag:s16] =	ssyncadd.s32 $0xFFFFFF80  }
0x357: {  	_ =	swait.ge [sflag:s16], $0x80  }
0x358: {  	[sflag:s16] =	ssyncset.done $0x0  }
.LBB2_29:
0x359: {  	[sflag:s16] =	ssyncadd.s32 $0xFFFFFF80  }
.LBB2_30:
0x35a: {  	s0 =	rddreg [dreg:$0x1d]  }
0x35b: {  	s0 =	sadd.s32 s22, s0  }
0x35c: {  	s0 =	smin.u32 s0, $0x30D000  }
0x35d: {  	s0 =	sshrl.u32 s0, $0x3  }
0x35e: {  	s21 =	simm.s32 $0x0;
	s13 =	rddreg [dreg:$0xb];
	s1 =	sadd.s32 s31, s0  }
0x35f: {  	[tilespmem:s7], [sflag:$0x2] =	stream.linear.gather [hbm4b:s1+s21], $0x400, $0x38;
	[tilespmem:$0x13380] =	vst v63  }
0x360: {  	s3 =	simm.s32 $0xC00;
	s1 =	sadd.s32 s13, s0  }
0x361: {  	[tilespmem:s3], [sflag:$0x2] =	stream.linear.gather [hbm4b:s1+s21], $0x400, $0x38;
	[tilespmem:$0x13380] =	vst v63  }
0x362: {  	s18 =	simm.s32 $0x2400;
	s20 =	rddreg [dreg:$0x3];
	s17 =	sadd.s32 s29, s0  }
0x363: {  	[tilespmem:s18], [sflag:$0x2] =	stream.linear.gather [hbm4b:s17+s21], $0x400, $0x38;
	[tilespmem:$0x13380] =	vst v63  }
0x364: {  	s22 =	simm.s32 $0x3400;
	s0 =	sadd.s32 s20, s0  }
0x365: {  	[tilespmem:s22], [sflag:$0x2] =	stream.linear.gather [hbm4b:s0+s21], $0x400, $0x38;
	[tilespmem:$0x13380] =	vst v63  }
0x366: {  	_ =	swait.ge [sflag:s30], $0x800  }
0x367: {  	[sflag:s30] =	ssyncset.done $0x0  }
0x368: {  	[sflag:s30] =	ssyncadd.s32 $0xFFFFF800  }
0x369: {  	_ =	swait.ge [sflag:s30], $0x800  }
0x36a: {  	[sflag:s30] =	ssyncset.done $0x0  }
0x36b: {  	s4 =	simm.s32 $0x7800;
	[sflag:s30] =	ssyncadd.s32 $0xFFFFF800  }
0x36c: {  	s5 =	simm.s32 $0x3C00;
	s11 =	simm.s32 $0x0;
	_ =	swait.ge [sflag:s30], $0x800  }
0x36d: {  	s20 =	simm.s32 $0x4800;
	s1 =	simm.s32 $0x9C00;
	s23 =	rddreg [dreg:$0x13]  }
0x36e: {  	s3 =	simm.s32 $0x8800;
	s0 =	simm.f32 $1.000000000e+00;
	p0 =	slt.u32 s14, s23  }
0x36f: {  	s17 =	simm.s32 $0x6800;
	[sflag:s30] =	ssyncset.done $0x0;
	s0 =	simm.s32 @!p0 $0x0  }
0x370: {  	s18 =	simm.s32 $0x5800;
	[sflag:s30] =	ssyncadd.s32 $0xFFFFF800;
	s14 =	simm.s32 $0x2C00;
	v9 =	vmov s0  }
.LBB2_31:
0x371: {  	v16 =	vmov s18;
	_ =	sdelay $0x1  }
0x372: {  	v17 =	vmov s20;
	_ =	sdelay $0x1  }
0x373: {  	s12 =	simm.s32 $0x0;
	v18 =	vmov s17  }
0x374: {  	v10 =	vld.idx.msk [tilespmem:v16+s12+$0x400 ss:$0x1], $0xffff  }
0x375: {  	v11 =	vld.idx.msk [tilespmem:v16+s12+$0x0 ss:$0x1], $0xffff  }
0x376: {  	v20 =	vld.idx.msk [tilespmem:v17+s12+$0x0 ss:$0x1], $0xffff  }
0x377: {  	v23 =	vld.idx.msk [tilespmem:v17+s12+$0x400 ss:$0x1], $0xffff  }
0x378: {  	v21 =	vld.idx.msk [tilespmem:v18+s12+$0x400 ss:$0x1], $0xffff  }
0x379: {  	v22 =	vld.idx.msk [tilespmem:v18+s12+$0x0 ss:$0x1], $0xffff;
	_ =	sdelay $0x1  }
0x37a: {  	v15 =	vimm.f32 $0.0e+00;
	v13 =	vmov s14;
	v19 =	vsub.f32 v11, v10  }
0x37b: {  	v14 =	vmov s5;
	v12 =	vmov s1;
	v20 =	vsub.f32 v20, v23  }
0x37c: {  	s0 =	smov.u32 s21;
	s21 =	sshll.u32 s11, $0x7;
	s22 =	simm.s32 $0x40;
	v11 =	vmov s4;
	v10 =	vmov s3;
	v23 =	vmul.f32 $2.500000040e-02, v19  }
.LBB2_32:
0x37d: {  	p0 =	sne.s32 s22, $0x1C0;
	v24 =	vmul.f32 $2.500000040e-02, v20;
	v21 =	vsub.f32 v22, v21;
	s13 =	smov.u32 s22;
	s22 =	sadd.s32 $0x40, s22  }
0x37e: {  	v22 =	vadd.f32 $1.258291200e+07, v23  }
0x37f: {  	v23 =	vadd.f32 $1.258291200e+07, v24;
	v24 =	vmul.f32 $2.500000040e-02, v21  }
0x380: {  	s13 =	sshra.s32 s13, $0x2;
	v22 =	vadd.f32 $-1.258291200e+07, v22  }
0x381: {  	v23 =	vadd.f32 $-1.258291200e+07, v23;
	v24 =	vadd.f32 $1.258291200e+07, v24  }
0x382: {  	v22 =	vmul.f32 $4.000000000e+01, v22  }
0x383: {  	v23 =	vmul.f32 $4.000000000e+01, v23;
	v24 =	vadd.f32 $-1.258291200e+07, v24  }
0x384: {  	v19 =	vsub.f32 v19, v22  }
0x385: {  	v20 =	vsub.f32 v20, v23;
	v22 =	vmul.f32 $4.000000000e+01, v24;
	_ =	sdelay $0x1  }
0x386: {  	v23 =	vmul.f32 v19, v19;
	v21 =	vsub.f32 v21, v22;
	v22 =	vmul.f32 v20, v20;
	_ =	sdelay $0x1  }
0x387: {  	v22 =	vadd.f32 v23, v22;
	v23 =	vmul.f32 v21, v21;
	_ =	sdelay $0x1  }
0x388: {  	v22 =	vadd.f32 v23, v22;
	_ =	sdelay $0x1  }
0x389: {  	v22 =	vmax.f32 v22, $1.000000020e-24  }
0x38a: {  	v23 =	vld.idx.msk [tilespmem:v14+s12+$0x0 ss:$0x1], $0xffff;
	vm0 =	vlt.f32 v22, $6.250000000e+00;
	(erf) = vrcp.f32 v22  }
0x38b: {  	v22 =	vsel vm0, $0x3F800000, v0  }
0x38c: {  	v15 =	vadd.f32 v22, v15;
	_ =	sdelay $0x3  }
0x38d: {  	v22 =	vmul.f32 v23, v9;
	_ =	sdelay $0x1  }
0x38e: {  	v22 =	vmul.f32 v22, v22  }
0x38f: {  	v23 =	vpop (erf)  }
0x390: {  	v24 =	vld.idx.msk [tilespmem:v13+s12+$0x0 ss:$0x1], $0xffff;
	v22 =	vmul.f32 v23, v22;
	_ =	sdelay $0x1  }
0x391: {  	v25 =	vmul.f32 v22, v22;
	_ =	sdelay $0x1  }
0x392: {  	v22 =	vmul.f32 v25, v22;
	_ =	sdelay $0x1  }
0x393: {  	v24 =	vmul.f32 v24, v9;
	v25 =	vmul.f32 v22, v22;
	_ =	sdelay $0x1  }
0x394: {  	v27 =	vmul.f32 $4.000000000e+00, v24;
	v26 =	vadd.f32 v25, v25;
	v25 =	vsub.f32 v25, v22;
	_ =	sdelay $0x1  }
0x395: {  	v24 =	vmul.f32 $2.400000000e+01, v24;
	v22 =	vsub.f32 v26, v22;
	v25 =	vmul.f32 v25, v27;
	_ =	sdelay $0x1  }
0x396: {  	v22 =	vmul.f32 v22, v24;
	v24 =	vnsel vm0, $0x0, v25  }
0x397: {  	v8 =	vadd.f32 v24, v8  }
0x398: {  	v23 =	vmul.f32 v22, v23;
	v22 =	vnsel vm0, $0x0, v22  }
0x399: {  	v7 =	vadd.f32 v22, v7  }
0x39a: {  	v22 =	vmul.f32 v23, v20;
	v24 =	vmul.f32 v23, v19  }
0x39b: {  	v23 =	vmul.f32 v23, v21  }
0x39c: {  	v20 =	vmul.f32 v22, v20;
	v25 =	vmul.f32 v22, v19;
	v26 =	vnsel vm0, $0x0, v22  }
0x39d: {  	v22 =	vmul.f32 v22, v21;
	v19 =	vmul.f32 v24, v19;
	v27 =	vnsel vm0, $0x0, v24;
	[tilespmem:v11+s12+$0x0 ss:$0x1] =	vst.idx.msk $0xffff, v26  }
0x39e: {  	v24 =	vmul.f32 v24, v21;
	v28 =	vnsel vm0, $0x0, v23;
	v26 =	vsub.f32 $0.0e+00, v26;
	[tilespmem:v10+s12+$0x0 ss:$0x1] =	vst.idx.msk $0xffff, v27  }
0x39f: {  	v21 =	vmul.f32 v23, v21;
	v4 =	vadd.f32 v22, v4;
	v22 =	vsub.f32 $0.0e+00, v27;
	[tilespmem:v12+s12+$0xFFFFFC00 ss:$0x1] =	vst.idx.msk $0xffff, v28  }
0x3a0: {  	v23 =	vsub.f32 $0.0e+00, v28;
	v2 =	vadd.f32 v24, v2;
	[tilespmem:v11+s12+$0x400 ss:$0x1] =	vst.idx.msk $0xffff, v26  }
0x3a1: {  	v6 =	vadd.f32 v20, v6;
	v1 =	vadd.f32 v21, v1;
	[tilespmem:v10+s12+$0x400 ss:$0x1] =	vst.idx.msk $0xffff, v22  }
0x3a2: {  	v5 =	vadd.f32 v25, v5;
	v3 =	vadd.f32 v19, v3;
	[tilespmem:v12+s12+$0x0 ss:$0x1] =	vst.idx.msk $0xffff, v23;
	s12 =	smov.u32 s13  }
0x3a3: {  	v19 =	vld.idx.msk [tilespmem:v16+s12+$0x400 ss:$0x1], $0xffff  }
0x3a4: {  	v20 =	vld.idx.msk [tilespmem:v17+s12+$0x0 ss:$0x1], $0xffff  }
0x3a5: {  	v23 =	vld.idx.msk [tilespmem:v16+s12+$0x0 ss:$0x1], $0xffff  }
0x3a6: {  	v24 =	vld.idx.msk [tilespmem:v17+s12+$0x400 ss:$0x1], $0xffff  }
0x3a7: {  	v21 =	vld.idx.msk [tilespmem:v18+s12+$0x400 ss:$0x1], $0xffff  }
0x3a8: {  	v22 =	vld.idx.msk [tilespmem:v18+s12+$0x0 ss:$0x1], $0xffff  }
.Ltmp20:
0x3a9: {  	(pc) =	sbr.rel @p0 .LBB2_32-.Ltmp20, $4  }
0x3aa: {  	_ = 	snop  }
0x3ab: {  	v19 =	vsub.f32 v23, v19  }
0x3ac: {  	v20 =	vsub.f32 v20, v24  }
0x3ad: {  	v23 =	vmul.f32 $2.500000040e-02, v19  }
0x3ae: {  	v16 =	vmul.f32 $2.500000040e-02, v20;
	v17 =	vsub.f32 v22, v21  }
0x3af: {  	v18 =	vadd.f32 $1.258291200e+07, v23  }
0x3b0: {  	v16 =	vadd.f32 $1.258291200e+07, v16;
	v21 =	vmul.f32 $2.500000040e-02, v17  }
0x3b1: {  	v18 =	vadd.f32 $-1.258291200e+07, v18  }
0x3b2: {  	v16 =	vadd.f32 $-1.258291200e+07, v16;
	v21 =	vadd.f32 $1.258291200e+07, v21;
	_ =	sdelay $0x1  }
0x3b3: {  	v18 =	vmul.f32 $4.000000000e+01, v18;
	v16 =	vmul.f32 $4.000000000e+01, v16;
	v21 =	vadd.f32 $-1.258291200e+07, v21;
	_ =	sdelay $0x1  }
0x3b4: {  	v18 =	vsub.f32 v19, v18;
	v16 =	vsub.f32 v20, v16;
	v48 =	vmul.f32 $4.000000000e+01, v21;
	_ =	sdelay $0x1  }
0x3b5: {  	v50 =	vmul.f32 v18, v18;
	v17 =	vsub.f32 v17, v48;
	v49 =	vmul.f32 v16, v16;
	_ =	sdelay $0x1  }
0x3b6: {  	v19 =	vadd.f32 v50, v49;
	v51 =	vmul.f32 v17, v17;
	_ =	sdelay $0x1  }
0x3b7: {  	v19 =	vadd.f32 v51, v19;
	_ =	sdelay $0x1  }
0x3b8: {  	v19 =	vmax.f32 v19, $1.000000020e-24  }
0x3b9: {  	vm0 =	vlt.f32 v19, $6.250000000e+00  }
0x3ba: {  	v52 =	vsel vm0, $0x3F800000, v0  }
0x3bb: {  	v15 =	vadd.f32 v52, v15;
	_ =	sdelay $0x1  }
0x3bc: {  	(v2sf) =	vpush v15, $0x0  }
0x3bd: {  	(v2sf) =	vpush v15, $0x1;
	_ =	sdelay $0x1  }
0x3be: {  	(v2sf) =	vpush v15, $0x2;
	_ =	sdelay $0x1  }
0x3bf: {  	(v2sf) =	vpush v15, $0x3;
	_ =	sdelay $0x1  }
0x3c0: {  	(v2sf) =	vpush v15, $0x4;
	_ =	sdelay $0x1  }
0x3c1: {  	(v2sf) =	vpush v15, $0x5;
	_ =	sdelay $0x1  }
0x3c2: {  	(v2sf) =	vpush v15, $0x6;
	_ =	sdelay $0x1  }
0x3c3: {  	(v2sf) =	vpush v15, $0x7;
	_ =	sdelay $0x1  }
0x3c4: {  	(erf) = vrcp.f32 v19;
	s13 =	spop (v2sf);
	(v2sf) =	vpush v15, $0x8  }
0x3c5: {  	v14 =	vld.idx.msk [tilespmem:v14+s12+$0x0 ss:$0x1], $0xffff;
	s22 =	spop (v2sf)  }
0x3c6: {  	(v2sf) =	vpush v15, $0x9;
	s13 =	sadd.f32 s22, s13  }
0x3c7: {  	s23 =	spop (v2sf)  }
0x3c8: {  	(v2sf) =	vpush v15, $0xA;
	s13 =	sadd.f32 s13, s23  }
0x3c9: {  	s23 =	spop (v2sf)  }
0x3ca: {  	v14 =	vmul.f32 v14, v9;
	(v2sf) =	vpush v15, $0xB;
	s13 =	sadd.f32 s13, s23  }
0x3cb: {  	s23 =	spop (v2sf)  }
0x3cc: {  	v14 =	vmul.f32 v14, v14;
	(v2sf) =	vpush v15, $0xC;
	s13 =	sadd.f32 s13, s23  }
0x3cd: {  	v19 =	vpop (erf);
	s23 =	spop (v2sf)  }
0x3ce: {  	v14 =	vmul.f32 v19, v14;
	(v2sf) =	vpush v15, $0xD;
	s13 =	sadd.f32 s13, s23  }
0x3cf: {  	s23 =	spop (v2sf)  }
0x3d0: {  	v53 =	vmul.f32 v14, v14;
	(v2sf) =	vpush v15, $0xE;
	s13 =	sadd.f32 s13, s23  }
0x3d1: {  	v13 =	vld.idx.msk [tilespmem:v13+s12+$0x0 ss:$0x1], $0xffff;
	s23 =	spop (v2sf)  }
0x3d2: {  	v14 =	vmul.f32 v53, v14;
	(v2sf) =	vpush v15, $0xF;
	s13 =	sadd.f32 s13, s23  }
0x3d3: {  	s23 =	spop (v2sf)  }
0x3d4: {  	v54 =	vmul.f32 v14, v14;
	s13 =	sadd.f32 s13, s23  }
0x3d5: {  	s23 =	spop (v2sf)  }
0x3d6: {  	v13 =	vmul.f32 v13, v9;
	v55 =	vadd.f32 v54, v54;
	s13 =	sadd.f32 s13, s23  }
0x3d7: {  	s23 =	spop (v2sf)  }
0x3d8: {  	v56 =	vmul.f32 $2.400000000e+01, v13;
	v20 =	vsub.f32 v55, v14;
	s13 =	sadd.f32 s13, s23  }
0x3d9: {  	s23 =	spop (v2sf)  }
0x3da: {  	v20 =	vmul.f32 v20, v56;
	s13 =	sadd.f32 s13, s23  }
0x3db: {  	s23 =	spop (v2sf)  }
0x3dc: {  	v19 =	vmul.f32 v20, v19;
	s13 =	sadd.f32 s13, s23  }
0x3dd: {  	s23 =	spop (v2sf)  }
0x3de: {  	v57 =	vmul.f32 v19, v16;
	s13 =	sadd.f32 s13, s23  }
0x3df: {  	v58 =	vmul.f32 v19, v18;
	s23 =	spop (v2sf)  }
0x3e0: {  	v19 =	vmul.f32 v19, v17;
	v59 =	vnsel vm0, $0x0, v57;
	s13 =	sadd.f32 s13, s23  }
0x3e1: {  	v24 =	vnsel vm0, $0x0, v58;
	[tilespmem:v11+s12+$0x0 ss:$0x1] =	vst.idx.msk $0xffff, v59;
	s23 =	spop (v2sf)  }
0x3e2: {  	v25 =	vnsel vm0, $0x0, v19;
	v23 =	vsub.f32 $0.0e+00, v59;
	[tilespmem:v10+s12+$0x0 ss:$0x1] =	vst.idx.msk $0xffff, v24;
	s13 =	sadd.f32 s13, s23  }
0x3e3: {  	v24 =	vsub.f32 $0.0e+00, v24;
	[tilespmem:v12+s12+$0xFFFFFC00 ss:$0x1] =	vst.idx.msk $0xffff, v25  }
0x3e4: {  	[tilespmem:v11+s12+$0x400 ss:$0x1] =	vst.idx.msk $0xffff, v23;
	v11 =	vsub.f32 $0.0e+00, v25;
	p0 =	sgt.f32 s13, $0.0e+00  }
0x3e5: {  	[tilespmem:v10+s12+$0x400 ss:$0x1] =	vst.idx.msk $0xffff, v24  }
0x3e6: {  	[tilespmem:v12+s12+$0x0 ss:$0x1] =	vst.idx.msk $0xffff, v11;
	s12 =	sadd.s32 @p0 $0x7800, s21;
	s13 =	sadd.s32 @p0 $0x1800, s21;
	s22 =	simm.s32 @p0 $0x80  }
0x3e7: {  	[spmem:s6] =	stream.indirect.scatter.add.f32 @p0 [tilespmem:s12], [sflag:$0x8], $0x1, s13, s22, $0xb8;
	[tilespmem:$0x13380] =	vst v63  }
0x3e8: {  	s12 =	sadd.s32 @p0 $0x8800, s21  }
0x3e9: {  	[spmem:s8] =	stream.indirect.scatter.add.f32 @p0 [tilespmem:s12], [sflag:$0x8], $0x1, s13, s22, $0xb8;
	[tilespmem:$0x13380] =	vst v63  }
0x3ea: {  	s12 =	sadd.s32 @p0 $0x9800, s21  }
0x3eb: {  	[spmem:s9] =	stream.indirect.scatter.add.f32 @p0 [tilespmem:s12], [sflag:$0x8], $0x1, s13, s22, $0xb8;
	[tilespmem:$0x13380] =	vst v63  }
0x3ec: {  	s12 =	sadd.s32 @p0 $0x7C00, s21;
	s13 =	sadd.s32 @p0 $0x1C00, s21  }
0x3ed: {  	[spmem:s6] =	stream.indirect.scatter.add.f32 @p0 [tilespmem:s12], [sflag:$0x8], $0x1, s13, s22, $0xb8;
	[tilespmem:$0x13380] =	vst v63  }
0x3ee: {  	s12 =	sadd.s32 @p0 $0x8C00, s21  }
0x3ef: {  	[spmem:s8] =	stream.indirect.scatter.add.f32 @p0 [tilespmem:s12], [sflag:$0x8], $0x1, s13, s22, $0xb8;
	[tilespmem:$0x13380] =	vst v63  }
0x3f0: {  	s12 =	sadd.s32 @p0 $0x9C00, s21  }
0x3f1: {  	v10 =	vmul.f32 $4.000000000e+00, v13;
	v11 =	vsub.f32 v54, v14;
	[spmem:s9] =	stream.indirect.scatter.add.f32 @p0 [tilespmem:s12], [sflag:$0x8], $0x1, s13, s22, $0xb8;
	[tilespmem:$0x13380] =	vst v63  }
0x3f2: {  	s11 =	sadd.s32 $0x1, s11;
	v60 =	vmul.f32 v57, v17;
	v61 =	vmul.f32 v58, v17;
	s12 =	simm.s32 $0x1  }
0x3f3: {  	v62 =	vmul.f32 v19, v17;
	v10 =	vmul.f32 v11, v10;
	s12 =	simm.s32 @!p0 $0x0;
	p0 =	sne.s32 s11, $0x8  }
.Ltmp21:
0x3f4: {  	v63 =	vmul.f32 v58, v18;
	v4 =	vadd.f32 v60, v4;
	v11 =	vnsel vm0, $0x0, v20;
	(pc) =	sbr.rel @p0 .LBB2_31-.Ltmp21, $4  }
0x3f5: {  	v2 =	vadd.f32 v61, v2;
	v7 =	vadd.f32 v11, v7;
	v10 =	vnsel vm0, $0x0, v10  }
0x3f6: {  	s1 =	sadd.s32 $0x80, s1;
	s3 =	sadd.s32 $0x80, s3;
	s4 =	sadd.s32 $0x80, s4;
	v11 =	vmul.f32 v57, v18;
	v8 =	vadd.f32 v10, v8;
	v10 =	vmul.f32 v57, v16  }
0x3f7: {  	s5 =	sadd.s32 $0x80, s5;
	s14 =	sadd.s32 $0x80, s14;
	s17 =	sadd.s32 $0x80, s17;
	v1 =	vadd.f32 v62, v1;
	v3 =	vadd.f32 v63, v3  }
0x3f8: {  	s18 =	sadd.s32 $0x80, s18;
	s20 =	sadd.s32 $0x80, s20;
	v5 =	vadd.f32 v11, v5;
	v6 =	vadd.f32 v10, v6;
	s21 =	sadd.s32 s12, s0  }
0x3f9: {  	s25 =	sadd.s32 $0x1, s25  }
0x3fa: {  	p0 =	sne.s32 s25, $0x19  }
.Ltmp22:
0x3fb: {  	_ = 	snop;
	(pc) =	sbr.rel @p0 .LBB2_2-.Ltmp22, $1  }
0x3fc: {  	_ =	sdelay $0x3  }
0x3fd: {  	_ =	swait.ge [sflag:s2], $0x800  }
0x3fe: {  	[sflag:s2] =	ssyncset.done $0x0  }
0x3ff: {  	[sflag:s2] =	ssyncadd.s32 $0xFFFFF800  }
0x400: {  	_ =	swait.ge [sflag:s2], $0x800  }
0x401: {  	[sflag:s2] =	ssyncset.done $0x0  }
0x402: {  	[sflag:s2] =	ssyncadd.s32 $0xFFFFF800  }
0x403: {  	_ =	swait.ge [sflag:s2], $0x800  }
0x404: {  	[sflag:s2] =	ssyncset.done $0x0  }
0x405: {  	[sflag:s2] =	ssyncadd.s32 $0xFFFFF800  }
0x406: {  	_ =	swait.ge [sflag:s15], $0x400  }
0x407: {  	[sflag:s15] =	ssyncset.done $0x0  }
0x408: {  	[sflag:s15] =	ssyncadd.s32 $0xFFFFFC00  }
0x409: {  	_ =	swait.ge [sflag:s15], $0x400  }
0x40a: {  	[sflag:s15] =	ssyncset.done $0x0  }
0x40b: {  	[sflag:s15] =	ssyncadd.s32 $0xFFFFFC00  }
0x40c: {  	p0 =	slt.s32 s26, $0x1;
	_ =	swait.ge [sflag:s15], $0x400  }
.Ltmp23:
0x40d: {  	[sflag:s15] =	ssyncset.done $0x0;
	(pc) =	sbr.rel @p0 .LBB2_39-.Ltmp23, $4  }
0x40e: {  	[sflag:s15] =	ssyncadd.s32 $0xFFFFFC00  }
0x40f: {  	_ =	swait.ge [sflag:s15], $0x400  }
0x410: {  	[sflag:s15] =	ssyncset.done $0x0  }
0x411: {  	[sflag:s15] =	ssyncadd.s32 $0xFFFFFC00  }
0x412: {  	_ =	swait.ge [sflag:s28], $0x80  }
0x413: {  	[sflag:s28] =	ssyncset.done $0x0  }
0x414: {  	[sflag:s28] =	ssyncadd.s32 $0xFFFFFF80  }
0x415: {  	_ =	swait.ge [sflag:s28], $0x80  }
0x416: {  	[sflag:s28] =	ssyncset.done $0x0  }
0x417: {  	[sflag:s28] =	ssyncadd.s32 $0xFFFFFF80  }
0x418: {  	_ =	swait.ge [sflag:s28], $0x80  }
0x419: {  	[sflag:s28] =	ssyncset.done $0x0  }
0x41a: {  	[sflag:s28] =	ssyncadd.s32 $0xFFFFFF80  }
0x41b: {  	_ =	swait.ge [sflag:s28], $0x80  }
0x41c: {  	s1 =	sadd.s32 s10, s24;
	[sflag:s28] =	ssyncset.done $0x0  }
0x41d: {  	p0 =	seq.s32 s1, $0x1;
	[sflag:s28] =	ssyncadd.s32 $0xFFFFFF80  }
.Ltmp24:
0x41e: {  	_ =	swait.ge [sflag:s28], $0x80;
	(pc) =	sbr.rel @p0 .LBB2_38-.Ltmp24, $4  }
0x41f: {  	[sflag:s28] =	ssyncset.done $0x0  }
0x420: {  	[sflag:s28] =	ssyncadd.s32 $0xFFFFFF80  }
0x421: {  	_ =	swait.ge [sflag:s28], $0x80  }
0x422: {  	s1 =	sadd.s32 $0xFFFFFFFF, s1;
	[sflag:s28] =	ssyncset.done $0x0  }
.LBB2_37:
0x423: {  	p0 =	seq.s32 s1, $0x1;
	s1 =	sadd.s32 $0xFFFFFFFF, s1;
	[sflag:s28] =	ssyncadd.s32 $0xFFFFFF80  }
0x424: {  	_ =	swait.ge [sflag:s28], $0x80  }
0x425: {  	[sflag:s28] =	ssyncset.done $0x0  }
0x426: {  	[sflag:s28] =	ssyncadd.s32 $0xFFFFFF80  }
0x427: {  	_ =	swait.ge [sflag:s28], $0x80  }
0x428: {  	[sflag:s28] =	ssyncset.done $0x0  }
0x429: {  	[sflag:s28] =	ssyncadd.s32 $0xFFFFFF80  }
0x42a: {  	_ =	swait.ge [sflag:s28], $0x80  }
0x42b: {  	[sflag:s28] =	ssyncset.done $0x0  }
0x42c: {  	[sflag:s28] =	ssyncadd.s32 $0xFFFFFF80  }
0x42d: {  	_ =	swait.ge [sflag:s28], $0x80  }
0x42e: {  	[sflag:s28] =	ssyncset.done $0x0  }
0x42f: {  	[sflag:s28] =	ssyncadd.s32 $0xFFFFFF80  }
.Ltmp25:
0x430: {  	_ =	swait.ge [sflag:s28], $0x80;
	(pc) =	sbr.rel @!p0 .LBB2_37-.Ltmp25, $4  }
0x431: {  	[sflag:s28] =	ssyncset.done $0x0  }
0x432: {  	[sflag:s28] =	ssyncadd.s32 $0xFFFFFF80  }
0x433: {  	_ =	swait.ge [sflag:s28], $0x80  }
0x434: {  	[sflag:s28] =	ssyncset.done $0x0  }
.LBB2_38:
0x435: {  	[sflag:s28] =	ssyncadd.s32 $0xFFFFFF80  }
.LBB2_39:
0x436: {  	p0 =	slt.s32 s21, $0x1  }
.Ltmp26:
0x437: {  	_ = 	snop;
	(pc) =	sbr.rel @p0 .LBB2_43-.Ltmp26, $3  }
0x438: {  	_ =	sdelay $0x1  }
0x439: {  	s11 =	rddreg [dreg:$0xd]  }
0x43a: {  	s17 =	simm.s32 $0x0;
	s3 =	simm.s32 $0x9;
	s4 =	sld [smem:$0x7F1]  }
0x43b: {  	_ =	swait.ge [sflag:s16], $0x80  }
0x43c: {  	[sflag:s16] =	ssyncset.done $0x0  }
0x43d: {  	[sflag:s16] =	ssyncadd.s32 $0xFFFFFF80  }
0x43e: {  	_ =	swait.ge [sflag:s16], $0x80  }
0x43f: {  	[sflag:s16] =	ssyncset.done $0x0  }
0x440: {  	[sflag:s16] =	ssyncadd.s32 $0xFFFFFF80  }
0x441: {  	_ =	swait.ge [sflag:s16], $0x80  }
0x442: {  	[sflag:s16] =	ssyncset.done $0x0  }
0x443: {  	[sflag:s16] =	ssyncadd.s32 $0xFFFFFF80  }
0x444: {  	_ =	swait.ge [sflag:s16], $0x80  }
0x445: {  	s0 =	sadd.s32 s12, s0;
	[sflag:s16] =	ssyncset.done $0x0  }
0x446: {  	p0 =	sne.s32 s0, $0x1;
	[sflag:s16] =	ssyncadd.s32 $0xFFFFFF80  }
.Ltmp27:
0x447: {  	_ =	swait.ge [sflag:s16], $0x80;
	(pc) =	sbr.rel @!p0 .LBB2_42-.Ltmp27, $4  }
0x448: {  	[sflag:s16] =	ssyncset.done $0x0  }
0x449: {  	[sflag:s16] =	ssyncadd.s32 $0xFFFFFF80  }
0x44a: {  	_ =	swait.ge [sflag:s16], $0x80  }
0x44b: {  	s0 =	sadd.s32 $0xFFFFFFFF, s0;
	[sflag:s16] =	ssyncset.done $0x0  }
.LBB2_41:
0x44c: {  	p0 =	sne.s32 s0, $0x1;
	s0 =	sadd.s32 $0xFFFFFFFF, s0;
	[sflag:s16] =	ssyncadd.s32 $0xFFFFFF80  }
0x44d: {  	_ =	swait.ge [sflag:s16], $0x80  }
0x44e: {  	[sflag:s16] =	ssyncset.done $0x0  }
0x44f: {  	[sflag:s16] =	ssyncadd.s32 $0xFFFFFF80  }
0x450: {  	_ =	swait.ge [sflag:s16], $0x80  }
0x451: {  	[sflag:s16] =	ssyncset.done $0x0  }
0x452: {  	[sflag:s16] =	ssyncadd.s32 $0xFFFFFF80  }
0x453: {  	_ =	swait.ge [sflag:s16], $0x80  }
0x454: {  	[sflag:s16] =	ssyncset.done $0x0  }
0x455: {  	[sflag:s16] =	ssyncadd.s32 $0xFFFFFF80  }
0x456: {  	_ =	swait.ge [sflag:s16], $0x80  }
0x457: {  	[sflag:s16] =	ssyncset.done $0x0  }
0x458: {  	[sflag:s16] =	ssyncadd.s32 $0xFFFFFF80  }
.Ltmp28:
0x459: {  	_ =	swait.ge [sflag:s16], $0x80;
	(pc) =	sbr.rel @p0 .LBB2_41-.Ltmp28, $4  }
0x45a: {  	[sflag:s16] =	ssyncset.done $0x0  }
0x45b: {  	[sflag:s16] =	ssyncadd.s32 $0xFFFFFF80  }
0x45c: {  	_ =	swait.ge [sflag:s16], $0x80  }
0x45d: {  	[sflag:s16] =	ssyncset.done $0x0  }
.Ltmp29:
0x45e: {  	_ = 	snop;
	(pc) =	sbr.rel .LBB2_42-.Ltmp29, $1  }
0x45f: {  	_ =	sdelay $0x3  }
.LBB2_44:
0x460: {  	_ =	sfence.sel $0x180000  }
0x461: {  	[bflag:$0x0] =	sbarrier.arrive $0xFFFF  }
0x462: {  	_ =	strace $0x90000047  }
0x463: {  	s0 =	stileid.u32;
	[bflag:$0x2] =	sbarrier.arrive $0xFFFF  }
0x464: {  	p0 =	sne.s32 s0, $0x0;
	s0 =	rddreg [dreg:$0xa]  }
0x465: {  	s0 =	sadd.s32 @!p0 $0x100000, s0  }
0x466: {  	[sflag:s0] =	ssyncadd.tile.s32 @!p0 $0x1;
	_ =	shalt  }
.Lfunc_end2:
_tile_overlayer_lowered:
.L_overlay_start_2:
0x467: {  	(tag) =	ssettag $0x2  }
0x468: {  	s0 =	rddreg [dreg:$0x0];
	s2 =	stileid.u32  }
0x469: {  	s1 =	rddreg [dreg:$0x1];
	p0 =	sne.s32 s2, $0x0  }
0x46a: {  	s3 =	rddreg [dreg:$0x2];
	[bflag:$0x3] =	sbarrier.arrive $0xFFFF;
	s2 =	simm.s32 @!p0 $0x1C09  }
0x46b: {  	[timem:s3], [sflag:s2] =	dma.local @!p0 [hbm:s0], s1  }
0x46c: {  	s0 =	simm.s32 @!p0 $0x9  }
0x46d: {  	_ =	swait.ge @!p0 [sflag:s0], s1  }
0x46e: {  	s1 =	ssub.s32 @!p0 $0x0, s1;
	[sflag:s0] =	ssyncset.done @!p0 $0x0  }
0x46f: {  	[sflag:s0] =	ssyncadd.s32 @!p0 s1  }
0x470: {  	[bflag:$0x3] =	sbarrier.arrive $0xFFFF  }
0x471: {  	_ =	shalt  }

</sc_bundles>
